<compile_context>
chip_gen: v7x
topology: tpu7x:2x2x1
jax: 0.10.2.dev20260603
libtpu: 0.0.44.dev20260713+nightly
codegen_flags: <defaults>
</compile_context>

<pallas_src>
import functools

import jax
import jax.numpy as jnp
from jax import lax
from jax.experimental import pallas as pl
from jax.experimental.pallas import tpu as pltpu
from jax.experimental.pallas import tpu_sc as plsc

NC = 2
NS = 16
LANES = 16
NW = NC * NS

D_DIM = 1000
CHUNK_ROWS = 2
NBUF = 2


def _build_counts_kernel(B, H):
    rows_per_w = B // NW
    n_chunks = rows_per_w // CHUNK_ROWS
    n_full = H // LANES
    tail = H - n_full * LANES
    n_vecs = n_full + (1 if tail else 0)
    zero_offs = [i * LANES for i in range(D_DIM // LANES)]
    if D_DIM % LANES:
        zero_offs.append(D_DIM - LANES)
    mesh = plsc.VectorSubcoreMesh(
        core_axis_name="c", subcore_axis_name="s",
        num_cores=NC, num_subcores=NS)

    @functools.partial(
        pl.kernel,
        out_type=jax.ShapeDtypeStruct((B, D_DIM), jnp.float32),
        mesh=mesh,
        scratch_types=[
            pltpu.VMEM((rows_per_w, H), jnp.int32),
            pltpu.VMEM((CHUNK_ROWS, D_DIM), jnp.float32),
            pltpu.VMEM((CHUNK_ROWS, D_DIM), jnp.float32),
            pltpu.SemaphoreType.DMA,
            pltpu.SemaphoreType.DMA,
        ],
        compiler_params=pltpu.CompilerParams(
            needs_layout_passes=False, use_tc_tiling_on_sc=True),
    )
    def build_counts(s_hbm, c_hbm, s_v, hist0, hist1, sem0, sem1):
        wid = lax.axis_index("s") * NC + lax.axis_index("c")
        base = wid * rows_per_w
        pltpu.sync_copy(s_hbm.at[pl.ds(base, rows_per_w)], s_v)
        sems = [sem0, sem1]
        hists = [hist0, hist1]

        zeros16 = jnp.zeros((LANES,), jnp.float32)
        ones16 = jnp.ones((LANES,), jnp.float32)
        tail_mask = lax.iota(jnp.int32, LANES) >= (LANES - tail)

        def ship(k, buf):
            pltpu.async_copy(
                hists[buf],
                c_hbm.at[pl.ds(base + k * CHUNK_ROWS, CHUNK_ROWS)],
                sems[buf])

        def loop_body(k2, _):
            @pl.when(k2 > 0)
            def _wait():
                for buf in range(NBUF):
                    k = k2 * NBUF + buf
                    pltpu.make_async_copy(
                        hists[buf],
                        c_hbm.at[pl.ds(base + (k - NBUF) * CHUNK_ROWS,
                                       CHUNK_ROWS)],
                        sems[buf]).wait()
            for r in range(CHUNK_ROWS):
                for off in zero_offs:
                    for buf in range(NBUF):
                        hists[buf][r, pl.ds(off, LANES)] = zeros16
            for r in range(CHUNK_ROWS):
                idxs = []
                for buf in range(NBUF):
                    row = (k2 * NBUF + buf) * CHUNK_ROWS + r
                    for j in range(n_vecs):
                        col = j * LANES if j < n_full else H - LANES
                        idxs.append(
                            (buf, j >= n_full,
                             s_v[row, pl.ds(col, LANES)]))
                row_splat = jnp.full((LANES,), r, jnp.int32)
                for buf, is_tail, idx in idxs:
                    plsc.addupdate_scatter(
                        hists[buf], [row_splat, idx], ones16,
                        mask=tail_mask if is_tail else None)
            for buf in range(NBUF):
                ship(k2 * NBUF + buf, buf)
            return 0

        lax.fori_loop(0, n_chunks // NBUF, loop_body, 0)
        for buf in range(NBUF):
            k = n_chunks - NBUF + buf
            pltpu.make_async_copy(
                hists[buf],
                c_hbm.at[pl.ds(base + k * CHUNK_ROWS, CHUNK_ROWS)],
                sems[buf]).wait()

    return build_counts


def _tc_body(hist_len, c_ref, a_ref, mu_ref, o_ref):
    c = c_ref[...]
    p = jnp.dot(c, a_ref[...], preferred_element_type=jnp.float32)
    v = jnp.sum(p * p, axis=1, keepdims=True)
    m = jnp.dot(c, mu_ref[...].reshape(-1, 1),
                preferred_element_type=jnp.float32)
    res = jax.nn.sigmoid(m * lax.rsqrt(hist_len + v))
    o_ref[...] = jnp.squeeze(res, -1)


def _half(S, mu, A, H, D):
    b = S.shape[0]
    counts = _build_counts_kernel(b, H)(S)
    blk = 512
    return pl.pallas_call(
        functools.partial(_tc_body, float(H)),
        grid=(b // blk,),
        in_specs=[
            pl.BlockSpec((blk, D_DIM), lambda i: (i, 0)),
            pl.BlockSpec((D, D), lambda i: (0, 0)),
            pl.BlockSpec((D,), lambda i: (0,)),
        ],
        out_specs=pl.BlockSpec((blk,), lambda i: (i,)),
        out_shape=jax.ShapeDtypeStruct((b,), jnp.float32),
    )(counts, A, mu)


def kernel(S, mu, A):
    B, H = S.shape
    D = A.shape[1]
    s32 = S.astype(jnp.int32)
    o0 = _half(s32[:B // 2], mu, A, H, D)
    o1 = _half(s32[B // 2:], mu, A, H, D)
    return jnp.concatenate([o0, o1])

# --- scband reference (transcript-rebuilt; emitter-appended) ---
"""Pipeline reference for scband-logistic-regression-model-30691836297849 (READ-ONLY COPY).

The authoritative reference and input builder live on the scoring server;
editing this copy changes nothing except your own understanding.
"""

import jax, jax.numpy as jnp
import numpy as np

INPUT_DIM = 1000
MU_DIM = 1000
BATCH = 4096
HIST = 200


def setup_inputs(seed: int = 0) -> dict:
    key = jax.random.key(seed)
    k1, k2 = jax.random.split(key)
    S = jax.random.randint(k1, (BATCH, HIST), 0, MU_DIM, dtype=jnp.int64 if jax.config.jax_enable_x64 else jnp.int32)
    mu = jax.random.normal(k2, (MU_DIM,), dtype=jnp.float32)
    # A initialized to identity as in the torch module's __init__
    A = jnp.eye(INPUT_DIM, dtype=jnp.float32)
    return {"S": S, "mu": mu, "A": A}


def reference(S, mu, A):
    # M = mu[S].sum(dim=1) -> [B]
    M = jnp.take(mu, S, axis=0).sum(axis=1)
    # V = A[S].sum(dim=1).pow(2).sum(dim=1) -> [B]
    gathered = jnp.take(A, S, axis=0)          # [B, L, input_dim]
    summed = gathered.sum(axis=1)              # [B, input_dim]
    V = jnp.square(summed).sum(axis=1)         # [B]
    L = S.shape[1]
    return jax.nn.sigmoid(M / jnp.sqrt(jnp.asarray(L, dtype=V.dtype) + V))

if __name__ == "__main__":
    import jax
    _d = setup_inputs()
    print(jax.jit(kernel)(*tuple(_d.values())))

</pallas_src>

<mosaic_0001>
#map = affine_map<(d0, d1) -> (0, 0)>
module attributes {stable_mosaic.version = 14 : i64} {
  func.func @build_counts(%arg0: i32, %arg1: i32, %arg2: memref<2048x200xi32, #tpu.memory_space<hbm>>, %arg3: memref<2048x1000xf32, #tpu.memory_space<hbm>>, %arg4: memref<64x200xi32, #tpu.memory_space<vmem>>, %arg5: memref<2x1000xf32, #tpu.memory_space<vmem>>, %arg6: memref<2x1000xf32, #tpu.memory_space<vmem>>, %arg7: memref<!tpu.dma_semaphore, #tpu.memory_space<semaphore_mem>>, %arg8: memref<!tpu.dma_semaphore, #tpu.memory_space<semaphore_mem>>) attributes {dimension_semantics = [#tpu.dimension_semantics<core_parallel>, #tpu.dimension_semantics<subcore_parallel>], iteration_bounds = array<i64: 2, 16>, scalar_prefetch = 0 : i64, scratch_operands = 5 : i64, tpu.core_type = #tpu.core_type<sc_vector_subcore>, window_params = [{transform_indices = #map}, {transform_indices = #map}]} {
    %mul3A = arith.constant 2 : i32
    %mul3A_0 = arith.muli %arg1, %mul3A : i32
    %add3A = arith.addi %mul3A_0, %arg0 : i32
    %mul3A_1 = arith.constant 64 : i32
    %mul3A_2 = arith.muli %add3A, %mul3A_1 : i32
    "tpu.region"() ({
      %run_scoped3A = tpu.sem_alloc : memref<!tpu.dma_semaphore, #tpu.memory_space<semaphore_mem>>
      %dma_start3A = arith.constant 0 : i32
      %dma_start3A_25 = tpu.memref_slice %arg2[%mul3A_2, %dma_start3A] : memref<2048x200xi32, #tpu.memory_space<hbm>> -> memref<64x200xi32, #tpu.memory_space<hbm>>
      %dma_start3A_26 = arith.constant 0 : i32
      %dma_start3A_27 = tpu.memref_slice %arg2[%mul3A_2, %dma_start3A_26] : memref<2048x200xi32, #tpu.memory_space<hbm>> -> memref<64x200xi32, #tpu.memory_space<hbm>>
      tpu.enqueue_dma source(%dma_start3A_27 : memref<64x200xi32, #tpu.memory_space<hbm>>) target(%arg4 : memref<64x200xi32, #tpu.memory_space<vmem>>) target_semaphore(%run_scoped3A : memref<!tpu.dma_semaphore, #tpu.memory_space<semaphore_mem>>)
      %dma_wait3A_28 = arith.constant 0 : i32
      %dma_wait3A_29 = tpu.memref_slice %arg2[%mul3A_2, %dma_wait3A_28] : memref<2048x200xi32, #tpu.memory_space<hbm>> -> memref<64x200xi32, #tpu.memory_space<hbm>>
      %dma_wait3A_30 = arith.constant 0 : i32
      %dma_wait3A_31 = tpu.memref_slice %arg2[%mul3A_2, %dma_wait3A_30] : memref<2048x200xi32, #tpu.memory_space<hbm>> -> memref<64x200xi32, #tpu.memory_space<hbm>>
      tpu.wait_dma2 semaphore(%run_scoped3A : memref<!tpu.dma_semaphore, #tpu.memory_space<semaphore_mem>>) src(%dma_wait3A_31 : memref<64x200xi32, #tpu.memory_space<hbm>>) dst(%arg4 : memref<64x200xi32, #tpu.memory_space<vmem>>)
      tpu.yield
    }) : () -> ()
    %broadcast_in_dim3A = arith.constant 0.000000e+00 : f32
    %broadcast_in_dim3A_3 = vector.broadcast %broadcast_in_dim3A : f32 to vector<16xf32>
    %broadcast_in_dim3A_4 = arith.constant 1.000000e+00 : f32
    %broadcast_in_dim3A_5 = vector.broadcast %broadcast_in_dim3A_4 : f32 to vector<16xf32>
    %iota3A = tpu.iota {dimensions = array<i32: 0>} : vector<16xi32>
    %ge3A = arith.constant 8 : i32
    %ge3A_6 = vector.broadcast %ge3A : i32 to vector<16xi32>
    %ge3A_7 = arith.cmpi sge, %iota3A, %ge3A_6 : vector<16xi32>
    %scan3A = arith.constant 0 : i32
    %scan3A_8 = arith.constant 0 : i32
    %scan3A_9 = arith.constant 16 : i32
    %scan3A_10 = arith.addi %scan3A_8, %scan3A_9 : i32
    %scan3A_11 = arith.constant 1 : i32
    %scan3A_12 = scf.for %scan3A_25 = %scan3A_8 to %scan3A_10 step %scan3A_11 iter_args(%scan3A_26 = %scan3A) -> (i32)  : i32 {
      %gt3A = arith.constant 0 : i32
      %gt3A_27 = arith.cmpi sgt, %scan3A_25, %gt3A : i32
      %convert_element_type3A = arith.extui %gt3A_27 : i1 to i32
      %cond3A = arith.constant 0 : i32
      %cond3A_28 = arith.cmpi ne, %convert_element_type3A, %cond3A : i32
      scf.if %cond3A_28 {
        %mul3A_1249 = arith.constant 2 : i32
        %mul3A_1250 = arith.muli %scan3A_25, %mul3A_1249 : i32
        %add3A_1251 = arith.constant 0 : i32
        %add3A_1252 = arith.addi %mul3A_1250, %add3A_1251 : i32
        %sub3A = arith.constant 2 : i32
        %sub3A_1253 = arith.subi %add3A_1252, %sub3A : i32
        %mul3A_1254 = arith.constant 2 : i32
        %mul3A_1255 = arith.muli %sub3A_1253, %mul3A_1254 : i32
        %add3A_1256 = arith.addi %mul3A_2, %mul3A_1255 : i32
        %dma_wait3A_1257 = arith.constant 0 : i32
        %dma_wait3A_1258 = tpu.memref_slice %arg3[%add3A_1256, %dma_wait3A_1257] : memref<2048x1000xf32, #tpu.memory_space<hbm>> -> memref<2x1000xf32, #tpu.memory_space<hbm>>
        %dma_wait3A_1259 = arith.constant 0 : i32
        %dma_wait3A_1260 = tpu.memref_slice %arg3[%add3A_1256, %dma_wait3A_1259] : memref<2048x1000xf32, #tpu.memory_space<hbm>> -> memref<2x1000xf32, #tpu.memory_space<hbm>>
        tpu.wait_dma2 semaphore(%arg7 : memref<!tpu.dma_semaphore, #tpu.memory_space<semaphore_mem>>) src(%arg5 : memref<2x1000xf32, #tpu.memory_space<vmem>>) dst(%dma_wait3A_1260 : memref<2x1000xf32, #tpu.memory_space<hbm>>)
        %mul3A_1261 = arith.constant 2 : i32
        %mul3A_1262 = arith.muli %scan3A_25, %mul3A_1261 : i32
        %add3A_1263 = arith.constant 1 : i32
        %add3A_1264 = arith.addi %mul3A_1262, %add3A_1263 : i32
        %sub3A_1265 = arith.constant 2 : i32
        %sub3A_1266 = arith.subi %add3A_1264, %sub3A_1265 : i32
        %mul3A_1267 = arith.constant 2 : i32
        %mul3A_1268 = arith.muli %sub3A_1266, %mul3A_1267 : i32
        %add3A_1269 = arith.addi %mul3A_2, %mul3A_1268 : i32
        %dma_wait3A_1270 = arith.constant 0 : i32
        %dma_wait3A_1271 = tpu.memref_slice %arg3[%add3A_1269, %dma_wait3A_1270] : memref<2048x1000xf32, #tpu.memory_space<hbm>> -> memref<2x1000xf32, #tpu.memory_space<hbm>>
        %dma_wait3A_1272 = arith.constant 0 : i32
        %dma_wait3A_1273 = tpu.memref_slice %arg3[%add3A_1269, %dma_wait3A_1272] : memref<2048x1000xf32, #tpu.memory_space<hbm>> -> memref<2x1000xf32, #tpu.memory_space<hbm>>
        tpu.wait_dma2 semaphore(%arg8 : memref<!tpu.dma_semaphore, #tpu.memory_space<semaphore_mem>>) src(%arg6 : memref<2x1000xf32, #tpu.memory_space<vmem>>) dst(%dma_wait3A_1273 : memref<2x1000xf32, #tpu.memory_space<hbm>>)
      } else {
      }
      %swap3A = arith.constant 0 : i32
      %swap3A_29 = arith.index_cast %swap3A : i32 to index
      %swap3A_30 = arith.constant 0 : index
      %swap3A_31 = tpu.vector_load %arg5[%swap3A_29, %swap3A_30] {strides = array<i32>} : memref<2x1000xf32, #tpu.memory_space<vmem>>, vector<16xf32>,
      tpu.vector_store %arg5[%swap3A_29, %swap3A_30], %broadcast_in_dim3A_3 {strides = array<i32>} : memref<2x1000xf32, #tpu.memory_space<vmem>>, vector<16xf32>,
      %swap3A_32 = arith.constant 0 : i32
      %swap3A_33 = arith.index_cast %swap3A_32 : i32 to index
      %swap3A_34 = arith.constant 0 : index
      %swap3A_35 = tpu.vector_load %arg6[%swap3A_33, %swap3A_34] {strides = array<i32>} : memref<2x1000xf32, #tpu.memory_space<vmem>>, vector<16xf32>,
      tpu.vector_store %arg6[%swap3A_33, %swap3A_34], %broadcast_in_dim3A_3 {strides = array<i32>} : memref<2x1000xf32, #tpu.memory_space<vmem>>, vector<16xf32>,
      %swap3A_36 = arith.constant 0 : i32
      %swap3A_37 = arith.index_cast %swap3A_36 : i32 to index
      %swap3A_38 = arith.constant 16 : index
      %swap3A_39 = tpu.vector_load %arg5[%swap3A_37, %swap3A_38] {strides = array<i32>} : memref<2x1000xf32, #tpu.memory_space<vmem>>, vector<16xf32>,
      tpu.vector_store %arg5[%swap3A_37, %swap3A_38], %broadcast_in_dim3A_3 {strides = array<i32>} : memref<2x1000xf32, #tpu.memory_space<vmem>>, vector<16xf32>,
      %swap3A_40 = arith.constant 0 : i32
      %swap3A_41 = arith.index_cast %swap3A_40 : i32 to index
      %swap3A_42 = arith.constant 16 : index
      %swap3A_43 = tpu.vector_load %arg6[%swap3A_41, %swap3A_42] {strides = array<i32>} : memref<2x1000xf32, #tpu.memory_space<vmem>>, vector<16xf32>,
      tpu.vector_store %arg6[%swap3A_41, %swap3A_42], %broadcast_in_dim3A_3 {strides = array<i32>} : memref<2x1000xf32, #tpu.memory_space<vmem>>, vector<16xf32>,
      %swap3A_44 = arith.constant 0 : i32
      %swap3A_45 = arith.index_cast %swap3A_44 : i32 to index
      %swap3A_46 = arith.constant 32 : index
      %swap3A_47 = tpu.vector_load %arg5[%swap3A_45, %swap3A_46] {strides = array<i32>} : memref<2x1000xf32, #tpu.memory_space<vmem>>, vector<16xf32>,
      tpu.vector_store %arg5[%swap3A_45, %swap3A_46], %broadcast_in_dim3A_3 {strides = array<i32>} : memref<2x1000xf32, #tpu.memory_space<vmem>>, vector<16xf32>,
      %swap3A_48 = arith.constant 0 : i32
      %swap3A_49 = arith.index_cast %swap3A_48 : i32 to index
      %swap3A_50 = arith.constant 32 : index
      %swap3A_51 = tpu.vector_load %arg6[%swap3A_49, %swap3A_50] {strides = array<i32>} : memref<2x1000xf32, #tpu.memory_space<vmem>>, vector<16xf32>,
      tpu.vector_store %arg6[%swap3A_49, %swap3A_50], %broadcast_in_dim3A_3 {strides = array<i32>} : memref<2x1000xf32, #tpu.memory_space<vmem>>, vector<16xf32>,
      %swap3A_52 = arith.constant 0 : i32
      %swap3A_53 = arith.index_cast %swap3A_52 : i32 to index
      %swap3A_54 = arith.constant 48 : index
      %swap3A_55 = tpu.vector_load %arg5[%swap3A_53, %swap3A_54] {strides = array<i32>} : memref<2x1000xf32, #tpu.memory_space<vmem>>, vector<16xf32>,
      tpu.vector_store %arg5[%swap3A_53, %swap3A_54], %broadcast_in_dim3A_3 {strides = array<i32>} : memref<2x1000xf32, #tpu.memory_space<vmem>>, vector<16xf32>,
      %swap3A_56 = arith.constant 0 : i32
      %swap3A_57 = arith.index_cast %swap3A_56 : i32 to index
      %swap3A_58 = arith.constant 48 : index
      %swap3A_59 = tpu.vector_load %arg6[%swap3A_57, %swap3A_58] {strides = array<i32>} : memref<2x1000xf32, #tpu.memory_space<vmem>>, vector<16xf32>,
      tpu.vector_store %arg6[%swap3A_57, %swap3A_58], %broadcast_in_dim3A_3 {strides = array<i32>} : memref<2x1000xf32, #tpu.memory_space<vmem>>, vector<16xf32>,
      %swap3A_60 = arith.constant 0 : i32
      %swap3A_61 = arith.index_cast %swap3A_60 : i32 to index
      %swap3A_62 = arith.constant 64 : index
      %swap3A_63 = tpu.vector_load %arg5[%swap3A_61, %swap3A_62] {strides = array<i32>} : memref<2x1000xf32, #tpu.memory_space<vmem>>, vector<16xf32>,
      tpu.vector_store %arg5[%swap3A_61, %swap3A_62], %broadcast_in_dim3A_3 {strides = array<i32>} : memref<2x1000xf32, #tpu.memory_space<vmem>>, vector<16xf32>,
      %swap3A_64 = arith.constant 0 : i32
      %swap3A_65 = arith.index_cast %swap3A_64 : i32 to index
      %swap3A_66 = arith.constant 64 : index
      %swap3A_67 = tpu.vector_load %arg6[%swap3A_65, %swap3A_66] {strides = array<i32>} : memref<2x1000xf32, #tpu.memory_space<vmem>>, vector<16xf32>,
      tpu.vector_store %arg6[%swap3A_65, %swap3A_66], %broadcast_in_dim3A_3 {strides = array<i32>} : memref<2x1000xf32, #tpu.memory_space<vmem>>, vector<16xf32>,
      %swap3A_68 = arith.constant 0 : i32
      %swap3A_69 = arith.index_cast %swap3A_68 : i32 to index
      %swap3A_70 = arith.constant 80 : index
      %swap3A_71 = tpu.vector_load %arg5[%swap3A_69, %swap3A_70] {strides = array<i32>} : memref<2x1000xf32, #tpu.memory_space<vmem>>, vector<16xf32>,
      tpu.vector_store %arg5[%swap3A_69, %swap3A_70], %broadcast_in_dim3A_3 {strides = array<i32>} : memref<2x1000xf32, #tpu.memory_space<vmem>>, vector<16xf32>,
      %swap3A_72 = arith.constant 0 : i32
      %swap3A_73 = arith.index_cast %swap3A_72 : i32 to index
      %swap3A_74 = arith.constant 80 : index
      %swap3A_75 = tpu.vector_load %arg6[%swap3A_73, %swap3A_74] {strides = array<i32>} : memref<2x1000xf32, #tpu.memory_space<vmem>>, vector<16xf32>,
      tpu.vector_store %arg6[%swap3A_73, %swap3A_74], %broadcast_in_dim3A_3 {strides = array<i32>} : memref<2x1000xf32, #tpu.memory_space<vmem>>, vector<16xf32>,
      %swap3A_76 = arith.constant 0 : i32
      %swap3A_77 = arith.index_cast %swap3A_76 : i32 to index
      %swap3A_78 = arith.constant 96 : index
      %swap3A_79 = tpu.vector_load %arg5[%swap3A_77, %swap3A_78] {strides = array<i32>} : memref<2x1000xf32, #tpu.memory_space<vmem>>, vector<16xf32>,
      tpu.vector_store %arg5[%swap3A_77, %swap3A_78], %broadcast_in_dim3A_3 {strides = array<i32>} : memref<2x1000xf32, #tpu.memory_space<vmem>>, vector<16xf32>,
      %swap3A_80 = arith.constant 0 : i32
      %swap3A_81 = arith.index_cast %swap3A_80 : i32 to index
      %swap3A_82 = arith.constant 96 : index
      %swap3A_83 = tpu.vector_load %arg6[%swap3A_81, %swap3A_82] {strides = array<i32>} : memref<2x1000xf32, #tpu.memory_space<vmem>>, vector<16xf32>,
      tpu.vector_store %arg6[%swap3A_81, %swap3A_82], %broadcast_in_dim3A_3 {strides = array<i32>} : memref<2x1000xf32, #tpu.memory_space<vmem>>, vector<16xf32>,
      %swap3A_84 = arith.constant 0 : i32
      %swap3A_85 = arith.index_cast %swap3A_84 : i32 to index
      %swap3A_86 = arith.constant 112 : index
      %swap3A_87 = tpu.vector_load %arg5[%swap3A_85, %swap3A_86] {strides = array<i32>} : memref<2x1000xf32, #tpu.memory_space<vmem>>, vector<16xf32>,
      tpu.vector_store %arg5[%swap3A_85, %swap3A_86], %broadcast_in_dim3A_3 {strides = array<i32>} : memref<2x1000xf32, #tpu.memory_space<vmem>>, vector<16xf32>,
      %swap3A_88 = arith.constant 0 : i32
      %swap3A_89 = arith.index_cast %swap3A_88 : i32 to index
      %swap3A_90 = arith.constant 112 : index
      %swap3A_91 = tpu.vector_load %arg6[%swap3A_89, %swap3A_90] {strides = array<i32>} : memref<2x1000xf32, #tpu.memory_space<vmem>>, vector<16xf32>,
      tpu.vector_store %arg6[%swap3A_89, %swap3A_90], %broadcast_in_dim3A_3 {strides = array<i32>} : memref<2x1000xf32, #tpu.memory_space<vmem>>, vector<16xf32>,
      %swap3A_92 = arith.constant 0 : i32
      %swap3A_93 = arith.index_cast %swap3A_92 : i32 to index
      %swap3A_94 = arith.constant 128 : index
      %swap3A_95 = tpu.vector_load %arg5[%swap3A_93, %swap3A_94] {strides = array<i32>} : memref<2x1000xf32, #tpu.memory_space<vmem>>, vector<16xf32>,
      tpu.vector_store %arg5[%swap3A_93, %swap3A_94], %broadcast_in_dim3A_3 {strides = array<i32>} : memref<2x1000xf32, #tpu.memory_space<vmem>>, vector<16xf32>,
      %swap3A_96 = arith.constant 0 : i32
      %swap3A_97 = arith.index_cast %swap3A_96 : i32 to index
      %swap3A_98 = arith.constant 128 : index
      %swap3A_99 = tpu.vector_load %arg6[%swap3A_97, %swap3A_98] {strides = array<i32>} : memref<2x1000xf32, #tpu.memory_space<vmem>>, vector<16xf32>,
      tpu.vector_store %arg6[%swap3A_97, %swap3A_98], %broadcast_in_dim3A_3 {strides = array<i32>} : memref<2x1000xf32, #tpu.memory_space<vmem>>, vector<16xf32>,
      %swap3A_100 = arith.constant 0 : i32
      %swap3A_101 = arith.index_cast %swap3A_100 : i32 to index
      %swap3A_102 = arith.constant 144 : index
      %swap3A_103 = tpu.vector_load %arg5[%swap3A_101, %swap3A_102] {strides = array<i32>} : memref<2x1000xf32, #tpu.memory_space<vmem>>, vector<16xf32>,
      tpu.vector_store %arg5[%swap3A_101, %swap3A_102], %broadcast_in_dim3A_3 {strides = array<i32>} : memref<2x1000xf32, #tpu.memory_space<vmem>>, vector<16xf32>,
      %swap3A_104 = arith.constant 0 : i32
      %swap3A_105 = arith.index_cast %swap3A_104 : i32 to index
      %swap3A_106 = arith.constant 144 : index
      %swap3A_107 = tpu.vector_load %arg6[%swap3A_105, %swap3A_106] {strides = array<i32>} : memref<2x1000xf32, #tpu.memory_space<vmem>>, vector<16xf32>,
      tpu.vector_store %arg6[%swap3A_105, %swap3A_106], %broadcast_in_dim3A_3 {strides = array<i32>} : memref<2x1000xf32, #tpu.memory_space<vmem>>, vector<16xf32>,
      %swap3A_108 = arith.constant 0 : i32
      %swap3A_109 = arith.index_cast %swap3A_108 : i32 to index
      %swap3A_110 = arith.constant 160 : index
      %swap3A_111 = tpu.vector_load %arg5[%swap3A_109, %swap3A_110] {strides = array<i32>} : memref<2x1000xf32, #tpu.memory_space<vmem>>, vector<16xf32>,
      tpu.vector_store %arg5[%swap3A_109, %swap3A_110], %broadcast_in_dim3A_3 {strides = array<i32>} : memref<2x1000xf32, #tpu.memory_space<vmem>>, vector<16xf32>,
      %swap3A_112 = arith.constant 0 : i32
      %swap3A_113 = arith.index_cast %swap3A_112 : i32 to index
      %swap3A_114 = arith.constant 160 : index
      %swap3A_115 = tpu.vector_load %arg6[%swap3A_113, %swap3A_114] {strides = array<i32>} : memref<2x1000xf32, #tpu.memory_space<vmem>>, vector<16xf32>,
      tpu.vector_store %arg6[%swap3A_113, %swap3A_114], %broadcast_in_dim3A_3 {strides = array<i32>} : memref<2x1000xf32, #tpu.memory_space<vmem>>, vector<16xf32>,
      %swap3A_116 = arith.constant 0 : i32
      %swap3A_117 = arith.index_cast %swap3A_116 : i32 to index
      %swap3A_118 = arith.constant 176 : index
      %swap3A_119 = tpu.vector_load %arg5[%swap3A_117, %swap3A_118] {strides = array<i32>} : memref<2x1000xf32, #tpu.memory_space<vmem>>, vector<16xf32>,
      tpu.vector_store %arg5[%swap3A_117, %swap3A_118], %broadcast_in_dim3A_3 {strides = array<i32>} : memref<2x1000xf32, #tpu.memory_space<vmem>>, vector<16xf32>,
      %swap3A_120 = arith.constant 0 : i32
      %swap3A_121 = arith.index_cast %swap3A_120 : i32 to index
      %swap3A_122 = arith.constant 176 : index
      %swap3A_123 = tpu.vector_load %arg6[%swap3A_121, %swap3A_122] {strides = array<i32>} : memref<2x1000xf32, #tpu.memory_space<vmem>>, vector<16xf32>,
      tpu.vector_store %arg6[%swap3A_121, %swap3A_122], %broadcast_in_dim3A_3 {strides = array<i32>} : memref<2x1000xf32, #tpu.memory_space<vmem>>, vector<16xf32>,
      %swap3A_124 = arith.constant 0 : i32
      %swap3A_125 = arith.index_cast %swap3A_124 : i32 to index
      %swap3A_126 = arith.constant 192 : index
      %swap3A_127 = tpu.vector_load %arg5[%swap3A_125, %swap3A_126] {strides = array<i32>} : memref<2x1000xf32, #tpu.memory_space<vmem>>, vector<16xf32>,
      tpu.vector_store %arg5[%swap3A_125, %swap3A_126], %broadcast_in_dim3A_3 {strides = array<i32>} : memref<2x1000xf32, #tpu.memory_space<vmem>>, vector<16xf32>,
      %swap3A_128 = arith.constant 0 : i32
      %swap3A_129 = arith.index_cast %swap3A_128 : i32 to index
      %swap3A_130 = arith.constant 192 : index
      %swap3A_131 = tpu.vector_load %arg6[%swap3A_129, %swap3A_130] {strides = array<i32>} : memref<2x1000xf32, #tpu.memory_space<vmem>>, vector<16xf32>,
      tpu.vector_store %arg6[%swap3A_129, %swap3A_130], %broadcast_in_dim3A_3 {strides = array<i32>} : memref<2x1000xf32, #tpu.memory_space<vmem>>, vector<16xf32>,
      %swap3A_132 = arith.constant 0 : i32
      %swap3A_133 = arith.index_cast %swap3A_132 : i32 to index
      %swap3A_134 = arith.constant 208 : index
      %swap3A_135 = tpu.vector_load %arg5[%swap3A_133, %swap3A_134] {strides = array<i32>} : memref<2x1000xf32, #tpu.memory_space<vmem>>, vector<16xf32>,
      tpu.vector_store %arg5[%swap3A_133, %swap3A_134], %broadcast_in_dim3A_3 {strides = array<i32>} : memref<2x1000xf32, #tpu.memory_space<vmem>>, vector<16xf32>,
      %swap3A_136 = arith.constant 0 : i32
      %swap3A_137 = arith.index_cast %swap3A_136 : i32 to index
      %swap3A_138 = arith.constant 208 : index
      %swap3A_139 = tpu.vector_load %arg6[%swap3A_137, %swap3A_138] {strides = array<i32>} : memref<2x1000xf32, #tpu.memory_space<vmem>>, vector<16xf32>,
      tpu.vector_store %arg6[%swap3A_137, %swap3A_138], %broadcast_in_dim3A_3 {strides = array<i32>} : memref<2x1000xf32, #tpu.memory_space<vmem>>, vector<16xf32>,
      %swap3A_140 = arith.constant 0 : i32
      %swap3A_141 = arith.index_cast %swap3A_140 : i32 to index
      %swap3A_142 = arith.constant 224 : index
      %swap3A_143 = tpu.vector_load %arg5[%swap3A_141, %swap3A_142] {strides = array<i32>} : memref<2x1000xf32, #tpu.memory_space<vmem>>, vector<16xf32>,
      tpu.vector_store %arg5[%swap3A_141, %swap3A_142], %broadcast_in_dim3A_3 {strides = array<i32>} : memref<2x1000xf32, #tpu.memory_space<vmem>>, vector<16xf32>,
      %swap3A_144 = arith.constant 0 : i32
      %swap3A_145 = arith.index_cast %swap3A_144 : i32 to index
      %swap3A_146 = arith.constant 224 : index
      %swap3A_147 = tpu.vector_load %arg6[%swap3A_145, %swap3A_146] {strides = array<i32>} : memref<2x1000xf32, #tpu.memory_space<vmem>>, vector<16xf32>,
      tpu.vector_store %arg6[%swap3A_145, %swap3A_146], %broadcast_in_dim3A_3 {strides = array<i32>} : memref<2x1000xf32, #tpu.memory_space<vmem>>, vector<16xf32>,
      %swap3A_148 = arith.constant 0 : i32
      %swap3A_149 = arith.index_cast %swap3A_148 : i32 to index
      %swap3A_150 = arith.constant 240 : index
      %swap3A_151 = tpu.vector_load %arg5[%swap3A_149, %swap3A_150] {strides = array<i32>} : memref<2x1000xf32, #tpu.memory_space<vmem>>, vector<16xf32>,
      tpu.vector_store %arg5[%swap3A_149, %swap3A_150], %broadcast_in_dim3A_3 {strides = array<i32>} : memref<2x1000xf32, #tpu.memory_space<vmem>>, vector<16xf32>,
      %swap3A_152 = arith.constant 0 : i32
      %swap3A_153 = arith.index_cast %swap3A_152 : i32 to index
      %swap3A_154 = arith.constant 240 : index
      %swap3A_155 = tpu.vector_load %arg6[%swap3A_153, %swap3A_154] {strides = array<i32>} : memref<2x1000xf32, #tpu.memory_space<vmem>>, vector<16xf32>,
      tpu.vector_store %arg6[%swap3A_153, %swap3A_154], %broadcast_in_dim3A_3 {strides = array<i32>} : memref<2x1000xf32, #tpu.memory_space<vmem>>, vector<16xf32>,
      %swap3A_156 = arith.constant 0 : i32
      %swap3A_157 = arith.index_cast %swap3A_156 : i32 to index
      %swap3A_158 = arith.constant 256 : index
      %swap3A_159 = tpu.vector_load %arg5[%swap3A_157, %swap3A_158] {strides = array<i32>} : memref<2x1000xf32, #tpu.memory_space<vmem>>, vector<16xf32>,
      tpu.vector_store %arg5[%swap3A_157, %swap3A_158], %broadcast_in_dim3A_3 {strides = array<i32>} : memref<2x1000xf32, #tpu.memory_space<vmem>>, vector<16xf32>,
      %swap3A_160 = arith.constant 0 : i32
      %swap3A_161 = arith.index_cast %swap3A_160 : i32 to index
      %swap3A_162 = arith.constant 256 : index
      %swap3A_163 = tpu.vector_load %arg6[%swap3A_161, %swap3A_162] {strides = array<i32>} : memref<2x1000xf32, #tpu.memory_space<vmem>>, vector<16xf32>,
      tpu.vector_store %arg6[%swap3A_161, %swap3A_162], %broadcast_in_dim3A_3 {strides = array<i32>} : memref<2x1000xf32, #tpu.memory_space<vmem>>, vector<16xf32>,
      %swap3A_164 = arith.constant 0 : i32
      %swap3A_165 = arith.index_cast %swap3A_164 : i32 to index
      %swap3A_166 = arith.constant 272 : index
      %swap3A_167 = tpu.vector_load %arg5[%swap3A_165, %swap3A_166] {strides = array<i32>} : memref<2x1000xf32, #tpu.memory_space<vmem>>, vector<16xf32>,
      tpu.vector_store %arg5[%swap3A_165, %swap3A_166], %broadcast_in_dim3A_3 {strides = array<i32>} : memref<2x1000xf32, #tpu.memory_space<vmem>>, vector<16xf32>,
      %swap3A_168 = arith.constant 0 : i32
      %swap3A_169 = arith.index_cast %swap3A_168 : i32 to index
      %swap3A_170 = arith.constant 272 : index
      %swap3A_171 = tpu.vector_load %arg6[%swap3A_169, %swap3A_170] {strides = array<i32>} : memref<2x1000xf32, #tpu.memory_space<vmem>>, vector<16xf32>,
      tpu.vector_store %arg6[%swap3A_169, %swap3A_170], %broadcast_in_dim3A_3 {strides = array<i32>} : memref<2x1000xf32, #tpu.memory_space<vmem>>, vector<16xf32>,
      %swap3A_172 = arith.constant 0 : i32
      %swap3A_173 = arith.index_cast %swap3A_172 : i32 to index
      %swap3A_174 = arith.constant 288 : index
      %swap3A_175 = tpu.vector_load %arg5[%swap3A_173, %swap3A_174] {strides = array<i32>} : memref<2x1000xf32, #tpu.memory_space<vmem>>, vector<16xf32>,
      tpu.vector_store %arg5[%swap3A_173, %swap3A_174], %broadcast_in_dim3A_3 {strides = array<i32>} : memref<2x1000xf32, #tpu.memory_space<vmem>>, vector<16xf32>,
      %swap3A_176 = arith.constant 0 : i32
      %swap3A_177 = arith.index_cast %swap3A_176 : i32 to index
      %swap3A_178 = arith.constant 288 : index
      %swap3A_179 = tpu.vector_load %arg6[%swap3A_177, %swap3A_178] {strides = array<i32>} : memref<2x1000xf32, #tpu.memory_space<vmem>>, vector<16xf32>,
      tpu.vector_store %arg6[%swap3A_177, %swap3A_178], %broadcast_in_dim3A_3 {strides = array<i32>} : memref<2x1000xf32, #tpu.memory_space<vmem>>, vector<16xf32>,
      %swap3A_180 = arith.constant 0 : i32
      %swap3A_181 = arith.index_cast %swap3A_180 : i32 to index
      %swap3A_182 = arith.constant 304 : index
      %swap3A_183 = tpu.vector_load %arg5[%swap3A_181, %swap3A_182] {strides = array<i32>} : memref<2x1000xf32, #tpu.memory_space<vmem>>, vector<16xf32>,
      tpu.vector_store %arg5[%swap3A_181, %swap3A_182], %broadcast_in_dim3A_3 {strides = array<i32>} : memref<2x1000xf32, #tpu.memory_space<vmem>>, vector<16xf32>,
      %swap3A_184 = arith.constant 0 : i32
      %swap3A_185 = arith.index_cast %swap3A_184 : i32 to index
      %swap3A_186 = arith.constant 304 : index
      %swap3A_187 = tpu.vector_load %arg6[%swap3A_185, %swap3A_186] {strides = array<i32>} : memref<2x1000xf32, #tpu.memory_space<vmem>>, vector<16xf32>,
      tpu.vector_store %arg6[%swap3A_185, %swap3A_186], %broadcast_in_dim3A_3 {strides = array<i32>} : memref<2x1000xf32, #tpu.memory_space<vmem>>, vector<16xf32>,
      %swap3A_188 = arith.constant 0 : i32
      %swap3A_189 = arith.index_cast %swap3A_188 : i32 to index
      %swap3A_190 = arith.constant 320 : index
      %swap3A_191 = tpu.vector_load %arg5[%swap3A_189, %swap3A_190] {strides = array<i32>} : memref<2x1000xf32, #tpu.memory_space<vmem>>, vector<16xf32>,
      tpu.vector_store %arg5[%swap3A_189, %swap3A_190], %broadcast_in_dim3A_3 {strides = array<i32>} : memref<2x1000xf32, #tpu.memory_space<vmem>>, vector<16xf32>,
      %swap3A_192 = arith.constant 0 : i32
      %swap3A_193 = arith.index_cast %swap3A_192 : i32 to index
      %swap3A_194 = arith.constant 320 : index
      %swap3A_195 = tpu.vector_load %arg6[%swap3A_193, %swap3A_194] {strides = array<i32>} : memref<2x1000xf32, #tpu.memory_space<vmem>>, vector<16xf32>,
      tpu.vector_store %arg6[%swap3A_193, %swap3A_194], %broadcast_in_dim3A_3 {strides = array<i32>} : memref<2x1000xf32, #tpu.memory_space<vmem>>, vector<16xf32>,
      %swap3A_196 = arith.constant 0 : i32
      %swap3A_197 = arith.index_cast %swap3A_196 : i32 to index
      %swap3A_198 = arith.constant 336 : index
      %swap3A_199 = tpu.vector_load %arg5[%swap3A_197, %swap3A_198] {strides = array<i32>} : memref<2x1000xf32, #tpu.memory_space<vmem>>, vector<16xf32>,
      tpu.vector_store %arg5[%swap3A_197, %swap3A_198], %broadcast_in_dim3A_3 {strides = array<i32>} : memref<2x1000xf32, #tpu.memory_space<vmem>>, vector<16xf32>,
      %swap3A_200 = arith.constant 0 : i32
      %swap3A_201 = arith.index_cast %swap3A_200 : i32 to index
      %swap3A_202 = arith.constant 336 : index
      %swap3A_203 = tpu.vector_load %arg6[%swap3A_201, %swap3A_202] {strides = array<i32>} : memref<2x1000xf32, #tpu.memory_space<vmem>>, vector<16xf32>,
      tpu.vector_store %arg6[%swap3A_201, %swap3A_202], %broadcast_in_dim3A_3 {strides = array<i32>} : memref<2x1000xf32, #tpu.memory_space<vmem>>, vector<16xf32>,
      %swap3A_204 = arith.constant 0 : i32
      %swap3A_205 = arith.index_cast %swap3A_204 : i32 to index
      %swap3A_206 = arith.constant 352 : index
      %swap3A_207 = tpu.vector_load %arg5[%swap3A_205, %swap3A_206] {strides = array<i32>} : memref<2x1000xf32, #tpu.memory_space<vmem>>, vector<16xf32>,
      tpu.vector_store %arg5[%swap3A_205, %swap3A_206], %broadcast_in_dim3A_3 {strides = array<i32>} : memref<2x1000xf32, #tpu.memory_space<vmem>>, vector<16xf32>,
      %swap3A_208 = arith.constant 0 : i32
      %swap3A_209 = arith.index_cast %swap3A_208 : i32 to index
      %swap3A_210 = arith.constant 352 : index
      %swap3A_211 = tpu.vector_load %arg6[%swap3A_209, %swap3A_210] {strides = array<i32>} : memref<2x1000xf32, #tpu.memory_space<vmem>>, vector<16xf32>,
      tpu.vector_store %arg6[%swap3A_209, %swap3A_210], %broadcast_in_dim3A_3 {strides = array<i32>} : memref<2x1000xf32, #tpu.memory_space<vmem>>, vector<16xf32>,
      %swap3A_212 = arith.constant 0 : i32
      %swap3A_213 = arith.index_cast %swap3A_212 : i32 to index
      %swap3A_214 = arith.constant 368 : index
      %swap3A_215 = tpu.vector_load %arg5[%swap3A_213, %swap3A_214] {strides = array<i32>} : memref<2x1000xf32, #tpu.memory_space<vmem>>, vector<16xf32>,
      tpu.vector_store %arg5[%swap3A_213, %swap3A_214], %broadcast_in_dim3A_3 {strides = array<i32>} : memref<2x1000xf32, #tpu.memory_space<vmem>>, vector<16xf32>,
      %swap3A_216 = arith.constant 0 : i32
      %swap3A_217 = arith.index_cast %swap3A_216 : i32 to index
      %swap3A_218 = arith.constant 368 : index
      %swap3A_219 = tpu.vector_load %arg6[%swap3A_217, %swap3A_218] {strides = array<i32>} : memref<2x1000xf32, #tpu.memory_space<vmem>>, vector<16xf32>,
      tpu.vector_store %arg6[%swap3A_217, %swap3A_218], %broadcast_in_dim3A_3 {strides = array<i32>} : memref<2x1000xf32, #tpu.memory_space<vmem>>, vector<16xf32>,
      %swap3A_220 = arith.constant 0 : i32
      %swap3A_221 = arith.index_cast %swap3A_220 : i32 to index
      %swap3A_222 = arith.constant 384 : index
      %swap3A_223 = tpu.vector_load %arg5[%swap3A_221, %swap3A_222] {strides = array<i32>} : memref<2x1000xf32, #tpu.memory_space<vmem>>, vector<16xf32>,
      tpu.vector_store %arg5[%swap3A_221, %swap3A_222], %broadcast_in_dim3A_3 {strides = array<i32>} : memref<2x1000xf32, #tpu.memory_space<vmem>>, vector<16xf32>,
      %swap3A_224 = arith.constant 0 : i32
      %swap3A_225 = arith.index_cast %swap3A_224 : i32 to index
      %swap3A_226 = arith.constant 384 : index
      %swap3A_227 = tpu.vector_load %arg6[%swap3A_225, %swap3A_226] {strides = array<i32>} : memref<2x1000xf32, #tpu.memory_space<vmem>>, vector<16xf32>,
      tpu.vector_store %arg6[%swap3A_225, %swap3A_226], %broadcast_in_dim3A_3 {strides = array<i32>} : memref<2x1000xf32, #tpu.memory_space<vmem>>, vector<16xf32>,
      %swap3A_228 = arith.constant 0 : i32
      %swap3A_229 = arith.index_cast %swap3A_228 : i32 to index
      %swap3A_230 = arith.constant 400 : index
      %swap3A_231 = tpu.vector_load %arg5[%swap3A_229, %swap3A_230] {strides = array<i32>} : memref<2x1000xf32, #tpu.memory_space<vmem>>, vector<16xf32>,
      tpu.vector_store %arg5[%swap3A_229, %swap3A_230], %broadcast_in_dim3A_3 {strides = array<i32>} : memref<2x1000xf32, #tpu.memory_space<vmem>>, vector<16xf32>,
      %swap3A_232 = arith.constant 0 : i32
      %swap3A_233 = arith.index_cast %swap3A_232 : i32 to index
      %swap3A_234 = arith.constant 400 : index
      %swap3A_235 = tpu.vector_load %arg6[%swap3A_233, %swap3A_234] {strides = array<i32>} : memref<2x1000xf32, #tpu.memory_space<vmem>>, vector<16xf32>,
      tpu.vector_store %arg6[%swap3A_233, %swap3A_234], %broadcast_in_dim3A_3 {strides = array<i32>} : memref<2x1000xf32, #tpu.memory_space<vmem>>, vector<16xf32>,
      %swap3A_236 = arith.constant 0 : i32
      %swap3A_237 = arith.index_cast %swap3A_236 : i32 to index
      %swap3A_238 = arith.constant 416 : index
      %swap3A_239 = tpu.vector_load %arg5[%swap3A_237, %swap3A_238] {strides = array<i32>} : memref<2x1000xf32, #tpu.memory_space<vmem>>, vector<16xf32>,
      tpu.vector_store %arg5[%swap3A_237, %swap3A_238], %broadcast_in_dim3A_3 {strides = array<i32>} : memref<2x1000xf32, #tpu.memory_space<vmem>>, vector<16xf32>,
      %swap3A_240 = arith.constant 0 : i32
      %swap3A_241 = arith.index_cast %swap3A_240 : i32 to index
      %swap3A_242 = arith.constant 416 : index
      %swap3A_243 = tpu.vector_load %arg6[%swap3A_241, %swap3A_242] {strides = array<i32>} : memref<2x1000xf32, #tpu.memory_space<vmem>>, vector<16xf32>,
      tpu.vector_store %arg6[%swap3A_241, %swap3A_242], %broadcast_in_dim3A_3 {strides = array<i32>} : memref<2x1000xf32, #tpu.memory_space<vmem>>, vector<16xf32>,
      %swap3A_244 = arith.constant 0 : i32
      %swap3A_245 = arith.index_cast %swap3A_244 : i32 to index
      %swap3A_246 = arith.constant 432 : index
      %swap3A_247 = tpu.vector_load %arg5[%swap3A_245, %swap3A_246] {strides = array<i32>} : memref<2x1000xf32, #tpu.memory_space<vmem>>, vector<16xf32>,
      tpu.vector_store %arg5[%swap3A_245, %swap3A_246], %broadcast_in_dim3A_3 {strides = array<i32>} : memref<2x1000xf32, #tpu.memory_space<vmem>>, vector<16xf32>,
      %swap3A_248 = arith.constant 0 : i32
      %swap3A_249 = arith.index_cast %swap3A_248 : i32 to index
      %swap3A_250 = arith.constant 432 : index
      %swap3A_251 = tpu.vector_load %arg6[%swap3A_249, %swap3A_250] {strides = array<i32>} : memref<2x1000xf32, #tpu.memory_space<vmem>>, vector<16xf32>,
      tpu.vector_store %arg6[%swap3A_249, %swap3A_250], %broadcast_in_dim3A_3 {strides = array<i32>} : memref<2x1000xf32, #tpu.memory_space<vmem>>, vector<16xf32>,
      %swap3A_252 = arith.constant 0 : i32
      %swap3A_253 = arith.index_cast %swap3A_252 : i32 to index
      %swap3A_254 = arith.constant 448 : index
      %swap3A_255 = tpu.vector_load %arg5[%swap3A_253, %swap3A_254] {strides = array<i32>} : memref<2x1000xf32, #tpu.memory_space<vmem>>, vector<16xf32>,
      tpu.vector_store %arg5[%swap3A_253, %swap3A_254], %broadcast_in_dim3A_3 {strides = array<i32>} : memref<2x1000xf32, #tpu.memory_space<vmem>>, vector<16xf32>,
      %swap3A_256 = arith.constant 0 : i32
      %swap3A_257 = arith.index_cast %swap3A_256 : i32 to index
      %swap3A_258 = arith.constant 448 : index
      %swap3A_259 = tpu.vector_load %arg6[%swap3A_257, %swap3A_258] {strides = array<i32>} : memref<2x1000xf32, #tpu.memory_space<vmem>>, vector<16xf32>,
      tpu.vector_store %arg6[%swap3A_257, %swap3A_258], %broadcast_in_dim3A_3 {strides = array<i32>} : memref<2x1000xf32, #tpu.memory_space<vmem>>, vector<16xf32>,
      %swap3A_260 = arith.constant 0 : i32
      %swap3A_261 = arith.index_cast %swap3A_260 : i32 to index
      %swap3A_262 = arith.constant 464 : index
      %swap3A_263 = tpu.vector_load %arg5[%swap3A_261, %swap3A_262] {strides = array<i32>} : memref<2x1000xf32, #tpu.memory_space<vmem>>, vector<16xf32>,
      tpu.vector_store %arg5[%swap3A_261, %swap3A_262], %broadcast_in_dim3A_3 {strides = array<i32>} : memref<2x1000xf32, #tpu.memory_space<vmem>>, vector<16xf32>,
      %swap3A_264 = arith.constant 0 : i32
      %swap3A_265 = arith.index_cast %swap3A_264 : i32 to index
      %swap3A_266 = arith.constant 464 : index
      %swap3A_267 = tpu.vector_load %arg6[%swap3A_265, %swap3A_266] {strides = array<i32>} : memref<2x1000xf32, #tpu.memory_space<vmem>>, vector<16xf32>,
      tpu.vector_store %arg6[%swap3A_265, %swap3A_266], %broadcast_in_dim3A_3 {strides = array<i32>} : memref<2x1000xf32, #tpu.memory_space<vmem>>, vector<16xf32>,
      %swap3A_268 = arith.constant 0 : i32
      %swap3A_269 = arith.index_cast %swap3A_268 : i32 to index
      %swap3A_270 = arith.constant 480 : index
      %swap3A_271 = tpu.vector_load %arg5[%swap3A_269, %swap3A_270] {strides = array<i32>} : memref<2x1000xf32, #tpu.memory_space<vmem>>, vector<16xf32>,
      tpu.vector_store %arg5[%swap3A_269, %swap3A_270], %broadcast_in_dim3A_3 {strides = array<i32>} : memref<2x1000xf32, #tpu.memory_space<vmem>>, vector<16xf32>,
      %swap3A_272 = arith.constant 0 : i32
      %swap3A_273 = arith.index_cast %swap3A_272 : i32 to index
      %swap3A_274 = arith.constant 480 : index
      %swap3A_275 = tpu.vector_load %arg6[%swap3A_273, %swap3A_274] {strides = array<i32>} : memref<2x1000xf32, #tpu.memory_space<vmem>>, vector<16xf32>,
      tpu.vector_store %arg6[%swap3A_273, %swap3A_274], %broadcast_in_dim3A_3 {strides = array<i32>} : memref<2x1000xf32, #tpu.memory_space<vmem>>, vector<16xf32>,
      %swap3A_276 = arith.constant 0 : i32
      %swap3A_277 = arith.index_cast %swap3A_276 : i32 to index
      %swap3A_278 = arith.constant 496 : index
      %swap3A_279 = tpu.vector_load %arg5[%swap3A_277, %swap3A_278] {strides = array<i32>} : memref<2x1000xf32, #tpu.memory_space<vmem>>, vector<16xf32>,
      tpu.vector_store %arg5[%swap3A_277, %swap3A_278], %broadcast_in_dim3A_3 {strides = array<i32>} : memref<2x1000xf32, #tpu.memory_space<vmem>>, vector<16xf32>,
      %swap3A_280 = arith.constant 0 : i32
      %swap3A_281 = arith.index_cast %swap3A_280 : i32 to index
      %swap3A_282 = arith.constant 496 : index
      %swap3A_283 = tpu.vector_load %arg6[%swap3A_281, %swap3A_282] {strides = array<i32>} : memref<2x1000xf32, #tpu.memory_space<vmem>>, vector<16xf32>,
      tpu.vector_store %arg6[%swap3A_281, %swap3A_282], %broadcast_in_dim3A_3 {strides = array<i32>} : memref<2x1000xf32, #tpu.memory_space<vmem>>, vector<16xf32>,
      %swap3A_284 = arith.constant 0 : i32
      %swap3A_285 = arith.index_cast %swap3A_284 : i32 to index
      %swap3A_286 = arith.constant 512 : index
      %swap3A_287 = tpu.vector_load %arg5[%swap3A_285, %swap3A_286] {strides = array<i32>} : memref<2x1000xf32, #tpu.memory_space<vmem>>, vector<16xf32>,
      tpu.vector_store %arg5[%swap3A_285, %swap3A_286], %broadcast_in_dim3A_3 {strides = array<i32>} : memref<2x1000xf32, #tpu.memory_space<vmem>>, vector<16xf32>,
      %swap3A_288 = arith.constant 0 : i32
      %swap3A_289 = arith.index_cast %swap3A_288 : i32 to index
      %swap3A_290 = arith.constant 512 : index
      %swap3A_291 = tpu.vector_load %arg6[%swap3A_289, %swap3A_290] {strides = array<i32>} : memref<2x1000xf32, #tpu.memory_space<vmem>>, vector<16xf32>,
      tpu.vector_store %arg6[%swap3A_289, %swap3A_290], %broadcast_in_dim3A_3 {strides = array<i32>} : memref<2x1000xf32, #tpu.memory_space<vmem>>, vector<16xf32>,
      %swap3A_292 = arith.constant 0 : i32
      %swap3A_293 = arith.index_cast %swap3A_292 : i32 to index
      %swap3A_294 = arith.constant 528 : index
      %swap3A_295 = tpu.vector_load %arg5[%swap3A_293, %swap3A_294] {strides = array<i32>} : memref<2x1000xf32, #tpu.memory_space<vmem>>, vector<16xf32>,
      tpu.vector_store %arg5[%swap3A_293, %swap3A_294], %broadcast_in_dim3A_3 {strides = array<i32>} : memref<2x1000xf32, #tpu.memory_space<vmem>>, vector<16xf32>,
      %swap3A_296 = arith.constant 0 : i32
      %swap3A_297 = arith.index_cast %swap3A_296 : i32 to index
      %swap3A_298 = arith.constant 528 : index
      %swap3A_299 = tpu.vector_load %arg6[%swap3A_297, %swap3A_298] {strides = array<i32>} : memref<2x1000xf32, #tpu.memory_space<vmem>>, vector<16xf32>,
      tpu.vector_store %arg6[%swap3A_297, %swap3A_298], %broadcast_in_dim3A_3 {strides = array<i32>} : memref<2x1000xf32, #tpu.memory_space<vmem>>, vector<16xf32>,
      %swap3A_300 = arith.constant 0 : i32
      %swap3A_301 = arith.index_cast %swap3A_300 : i32 to index
      %swap3A_302 = arith.constant 544 : index
      %swap3A_303 = tpu.vector_load %arg5[%swap3A_301, %swap3A_302] {strides = array<i32>} : memref<2x1000xf32, #tpu.memory_space<vmem>>, vector<16xf32>,
      tpu.vector_store %arg5[%swap3A_301, %swap3A_302], %broadcast_in_dim3A_3 {strides = array<i32>} : memref<2x1000xf32, #tpu.memory_space<vmem>>, vector<16xf32>,
      %swap3A_304 = arith.constant 0 : i32
      %swap3A_305 = arith.index_cast %swap3A_304 : i32 to index
      %swap3A_306 = arith.constant 544 : index
      %swap3A_307 = tpu.vector_load %arg6[%swap3A_305, %swap3A_306] {strides = array<i32>} : memref<2x1000xf32, #tpu.memory_space<vmem>>, vector<16xf32>,
      tpu.vector_store %arg6[%swap3A_305, %swap3A_306], %broadcast_in_dim3A_3 {strides = array<i32>} : memref<2x1000xf32, #tpu.memory_space<vmem>>, vector<16xf32>,
      %swap3A_308 = arith.constant 0 : i32
      %swap3A_309 = arith.index_cast %swap3A_308 : i32 to index
      %swap3A_310 = arith.constant 560 : index
      %swap3A_311 = tpu.vector_load %arg5[%swap3A_309, %swap3A_310] {strides = array<i32>} : memref<2x1000xf32, #tpu.memory_space<vmem>>, vector<16xf32>,
      tpu.vector_store %arg5[%swap3A_309, %swap3A_310], %broadcast_in_dim3A_3 {strides = array<i32>} : memref<2x1000xf32, #tpu.memory_space<vmem>>, vector<16xf32>,
      %swap3A_312 = arith.constant 0 : i32
      %swap3A_313 = arith.index_cast %swap3A_312 : i32 to index
      %swap3A_314 = arith.constant 560 : index
      %swap3A_315 = tpu.vector_load %arg6[%swap3A_313, %swap3A_314] {strides = array<i32>} : memref<2x1000xf32, #tpu.memory_space<vmem>>, vector<16xf32>,
      tpu.vector_store %arg6[%swap3A_313, %swap3A_314], %broadcast_in_dim3A_3 {strides = array<i32>} : memref<2x1000xf32, #tpu.memory_space<vmem>>, vector<16xf32>,
      %swap3A_316 = arith.constant 0 : i32
      %swap3A_317 = arith.index_cast %swap3A_316 : i32 to index
      %swap3A_318 = arith.constant 576 : index
      %swap3A_319 = tpu.vector_load %arg5[%swap3A_317, %swap3A_318] {strides = array<i32>} : memref<2x1000xf32, #tpu.memory_space<vmem>>, vector<16xf32>,
      tpu.vector_store %arg5[%swap3A_317, %swap3A_318], %broadcast_in_dim3A_3 {strides = array<i32>} : memref<2x1000xf32, #tpu.memory_space<vmem>>, vector<16xf32>,
      %swap3A_320 = arith.constant 0 : i32
      %swap3A_321 = arith.index_cast %swap3A_320 : i32 to index
      %swap3A_322 = arith.constant 576 : index
      %swap3A_323 = tpu.vector_load %arg6[%swap3A_321, %swap3A_322] {strides = array<i32>} : memref<2x1000xf32, #tpu.memory_space<vmem>>, vector<16xf32>,
      tpu.vector_store %arg6[%swap3A_321, %swap3A_322], %broadcast_in_dim3A_3 {strides = array<i32>} : memref<2x1000xf32, #tpu.memory_space<vmem>>, vector<16xf32>,
      %swap3A_324 = arith.constant 0 : i32
      %swap3A_325 = arith.index_cast %swap3A_324 : i32 to index
      %swap3A_326 = arith.constant 592 : index
      %swap3A_327 = tpu.vector_load %arg5[%swap3A_325, %swap3A_326] {strides = array<i32>} : memref<2x1000xf32, #tpu.memory_space<vmem>>, vector<16xf32>,
      tpu.vector_store %arg5[%swap3A_325, %swap3A_326], %broadcast_in_dim3A_3 {strides = array<i32>} : memref<2x1000xf32, #tpu.memory_space<vmem>>, vector<16xf32>,
      %swap3A_328 = arith.constant 0 : i32
      %swap3A_329 = arith.index_cast %swap3A_328 : i32 to index
      %swap3A_330 = arith.constant 592 : index
      %swap3A_331 = tpu.vector_load %arg6[%swap3A_329, %swap3A_330] {strides = array<i32>} : memref<2x1000xf32, #tpu.memory_space<vmem>>, vector<16xf32>,
      tpu.vector_store %arg6[%swap3A_329, %swap3A_330], %broadcast_in_dim3A_3 {strides = array<i32>} : memref<2x1000xf32, #tpu.memory_space<vmem>>, vector<16xf32>,
      %swap3A_332 = arith.constant 0 : i32
      %swap3A_333 = arith.index_cast %swap3A_332 : i32 to index
      %swap3A_334 = arith.constant 608 : index
      %swap3A_335 = tpu.vector_load %arg5[%swap3A_333, %swap3A_334] {strides = array<i32>} : memref<2x1000xf32, #tpu.memory_space<vmem>>, vector<16xf32>,
      tpu.vector_store %arg5[%swap3A_333, %swap3A_334], %broadcast_in_dim3A_3 {strides = array<i32>} : memref<2x1000xf32, #tpu.memory_space<vmem>>, vector<16xf32>,
      %swap3A_336 = arith.constant 0 : i32
      %swap3A_337 = arith.index_cast %swap3A_336 : i32 to index
      %swap3A_338 = arith.constant 608 : index
      %swap3A_339 = tpu.vector_load %arg6[%swap3A_337, %swap3A_338] {strides = array<i32>} : memref<2x1000xf32, #tpu.memory_space<vmem>>, vector<16xf32>,
      tpu.vector_store %arg6[%swap3A_337, %swap3A_338], %broadcast_in_dim3A_3 {strides = array<i32>} : memref<2x1000xf32, #tpu.memory_space<vmem>>, vector<16xf32>,
      %swap3A_340 = arith.constant 0 : i32
      %swap3A_341 = arith.index_cast %swap3A_340 : i32 to index
      %swap3A_342 = arith.constant 624 : index
      %swap3A_343 = tpu.vector_load %arg5[%swap3A_341, %swap3A_342] {strides = array<i32>} : memref<2x1000xf32, #tpu.memory_space<vmem>>, vector<16xf32>,
      tpu.vector_store %arg5[%swap3A_341, %swap3A_342], %broadcast_in_dim3A_3 {strides = array<i32>} : memref<2x1000xf32, #tpu.memory_space<vmem>>, vector<16xf32>,
      %swap3A_344 = arith.constant 0 : i32
      %swap3A_345 = arith.index_cast %swap3A_344 : i32 to index
      %swap3A_346 = arith.constant 624 : index
      %swap3A_347 = tpu.vector_load %arg6[%swap3A_345, %swap3A_346] {strides = array<i32>} : memref<2x1000xf32, #tpu.memory_space<vmem>>, vector<16xf32>,
      tpu.vector_store %arg6[%swap3A_345, %swap3A_346], %broadcast_in_dim3A_3 {strides = array<i32>} : memref<2x1000xf32, #tpu.memory_space<vmem>>, vector<16xf32>,
      %swap3A_348 = arith.constant 0 : i32
      %swap3A_349 = arith.index_cast %swap3A_348 : i32 to index
      %swap3A_350 = arith.constant 640 : index
      %swap3A_351 = tpu.vector_load %arg5[%swap3A_349, %swap3A_350] {strides = array<i32>} : memref<2x1000xf32, #tpu.memory_space<vmem>>, vector<16xf32>,
      tpu.vector_store %arg5[%swap3A_349, %swap3A_350], %broadcast_in_dim3A_3 {strides = array<i32>} : memref<2x1000xf32, #tpu.memory_space<vmem>>, vector<16xf32>,
      %swap3A_352 = arith.constant 0 : i32
      %swap3A_353 = arith.index_cast %swap3A_352 : i32 to index
      %swap3A_354 = arith.constant 640 : index
      %swap3A_355 = tpu.vector_load %arg6[%swap3A_353, %swap3A_354] {strides = array<i32>} : memref<2x1000xf32, #tpu.memory_space<vmem>>, vector<16xf32>,
      tpu.vector_store %arg6[%swap3A_353, %swap3A_354], %broadcast_in_dim3A_3 {strides = array<i32>} : memref<2x1000xf32, #tpu.memory_space<vmem>>, vector<16xf32>,
      %swap3A_356 = arith.constant 0 : i32
      %swap3A_357 = arith.index_cast %swap3A_356 : i32 to index
      %swap3A_358 = arith.constant 656 : index
      %swap3A_359 = tpu.vector_load %arg5[%swap3A_357, %swap3A_358] {strides = array<i32>} : memref<2x1000xf32, #tpu.memory_space<vmem>>, vector<16xf32>,
      tpu.vector_store %arg5[%swap3A_357, %swap3A_358], %broadcast_in_dim3A_3 {strides = array<i32>} : memref<2x1000xf32, #tpu.memory_space<vmem>>, vector<16xf32>,
      %swap3A_360 = arith.constant 0 : i32
      %swap3A_361 = arith.index_cast %swap3A_360 : i32 to index
      %swap3A_362 = arith.constant 656 : index
      %swap3A_363 = tpu.vector_load %arg6[%swap3A_361, %swap3A_362] {strides = array<i32>} : memref<2x1000xf32, #tpu.memory_space<vmem>>, vector<16xf32>,
      tpu.vector_store %arg6[%swap3A_361, %swap3A_362], %broadcast_in_dim3A_3 {strides = array<i32>} : memref<2x1000xf32, #tpu.memory_space<vmem>>, vector<16xf32>,
      %swap3A_364 = arith.constant 0 : i32
      %swap3A_365 = arith.index_cast %swap3A_364 : i32 to index
      %swap3A_366 = arith.constant 672 : index
      %swap3A_367 = tpu.vector_load %arg5[%swap3A_365, %swap3A_366] {strides = array<i32>} : memref<2x1000xf32, #tpu.memory_space<vmem>>, vector<16xf32>,
      tpu.vector_store %arg5[%swap3A_365, %swap3A_366], %broadcast_in_dim3A_3 {strides = array<i32>} : memref<2x1000xf32, #tpu.memory_space<vmem>>, vector<16xf32>,
      %swap3A_368 = arith.constant 0 : i32
      %swap3A_369 = arith.index_cast %swap3A_368 : i32 to index
      %swap3A_370 = arith.constant 672 : index
      %swap3A_371 = tpu.vector_load %arg6[%swap3A_369, %swap3A_370] {strides = array<i32>} : memref<2x1000xf32, #tpu.memory_space<vmem>>, vector<16xf32>,
      tpu.vector_store %arg6[%swap3A_369, %swap3A_370], %broadcast_in_dim3A_3 {strides = array<i32>} : memref<2x1000xf32, #tpu.memory_space<vmem>>, vector<16xf32>,
      %swap3A_372 = arith.constant 0 : i32
      %swap3A_373 = arith.index_cast %swap3A_372 : i32 to index
      %swap3A_374 = arith.constant 688 : index
      %swap3A_375 = tpu.vector_load %arg5[%swap3A_373, %swap3A_374] {strides = array<i32>} : memref<2x1000xf32, #tpu.memory_space<vmem>>, vector<16xf32>,
      tpu.vector_store %arg5[%swap3A_373, %swap3A_374], %broadcast_in_dim3A_3 {strides = array<i32>} : memref<2x1000xf32, #tpu.memory_space<vmem>>, vector<16xf32>,
      %swap3A_376 = arith.constant 0 : i32
      %swap3A_377 = arith.index_cast %swap3A_376 : i32 to index
      %swap3A_378 = arith.constant 688 : index
      %swap3A_379 = tpu.vector_load %arg6[%swap3A_377, %swap3A_378] {strides = array<i32>} : memref<2x1000xf32, #tpu.memory_space<vmem>>, vector<16xf32>,
      tpu.vector_store %arg6[%swap3A_377, %swap3A_378], %broadcast_in_dim3A_3 {strides = array<i32>} : memref<2x1000xf32, #tpu.memory_space<vmem>>, vector<16xf32>,
      %swap3A_380 = arith.constant 0 : i32
      %swap3A_381 = arith.index_cast %swap3A_380 : i32 to index
      %swap3A_382 = arith.constant 704 : index
      %swap3A_383 = tpu.vector_load %arg5[%swap3A_381, %swap3A_382] {strides = array<i32>} : memref<2x1000xf32, #tpu.memory_space<vmem>>, vector<16xf32>,
      tpu.vector_store %arg5[%swap3A_381, %swap3A_382], %broadcast_in_dim3A_3 {strides = array<i32>} : memref<2x1000xf32, #tpu.memory_space<vmem>>, vector<16xf32>,
      %swap3A_384 = arith.constant 0 : i32
      %swap3A_385 = arith.index_cast %swap3A_384 : i32 to index
      %swap3A_386 = arith.constant 704 : index
      %swap3A_387 = tpu.vector_load %arg6[%swap3A_385, %swap3A_386] {strides = array<i32>} : memref<2x1000xf32, #tpu.memory_space<vmem>>, vector<16xf32>,
      tpu.vector_store %arg6[%swap3A_385, %swap3A_386], %broadcast_in_dim3A_3 {strides = array<i32>} : memref<2x1000xf32, #tpu.memory_space<vmem>>, vector<16xf32>,
      %swap3A_388 = arith.constant 0 : i32
      %swap3A_389 = arith.index_cast %swap3A_388 : i32 to index
      %swap3A_390 = arith.constant 720 : index
      %swap3A_391 = tpu.vector_load %arg5[%swap3A_389, %swap3A_390] {strides = array<i32>} : memref<2x1000xf32, #tpu.memory_space<vmem>>, vector<16xf32>,
      tpu.vector_store %arg5[%swap3A_389, %swap3A_390], %broadcast_in_dim3A_3 {strides = array<i32>} : memref<2x1000xf32, #tpu.memory_space<vmem>>, vector<16xf32>,
      %swap3A_392 = arith.constant 0 : i32
      %swap3A_393 = arith.index_cast %swap3A_392 : i32 to index
      %swap3A_394 = arith.constant 720 : index
      %swap3A_395 = tpu.vector_load %arg6[%swap3A_393, %swap3A_394] {strides = array<i32>} : memref<2x1000xf32, #tpu.memory_space<vmem>>, vector<16xf32>,
      tpu.vector_store %arg6[%swap3A_393, %swap3A_394], %broadcast_in_dim3A_3 {strides = array<i32>} : memref<2x1000xf32, #tpu.memory_space<vmem>>, vector<16xf32>,
      %swap3A_396 = arith.constant 0 : i32
      %swap3A_397 = arith.index_cast %swap3A_396 : i32 to index
      %swap3A_398 = arith.constant 736 : index
      %swap3A_399 = tpu.vector_load %arg5[%swap3A_397, %swap3A_398] {strides = array<i32>} : memref<2x1000xf32, #tpu.memory_space<vmem>>, vector<16xf32>,
      tpu.vector_store %arg5[%swap3A_397, %swap3A_398], %broadcast_in_dim3A_3 {strides = array<i32>} : memref<2x1000xf32, #tpu.memory_space<vmem>>, vector<16xf32>,
      %swap3A_400 = arith.constant 0 : i32
      %swap3A_401 = arith.index_cast %swap3A_400 : i32 to index
      %swap3A_402 = arith.constant 736 : index
      %swap3A_403 = tpu.vector_load %arg6[%swap3A_401, %swap3A_402] {strides = array<i32>} : memref<2x1000xf32, #tpu.memory_space<vmem>>, vector<16xf32>,
      tpu.vector_store %arg6[%swap3A_401, %swap3A_402], %broadcast_in_dim3A_3 {strides = array<i32>} : memref<2x1000xf32, #tpu.memory_space<vmem>>, vector<16xf32>,
      %swap3A_404 = arith.constant 0 : i32
      %swap3A_405 = arith.index_cast %swap3A_404 : i32 to index
      %swap3A_406 = arith.constant 752 : index
      %swap3A_407 = tpu.vector_load %arg5[%swap3A_405, %swap3A_406] {strides = array<i32>} : memref<2x1000xf32, #tpu.memory_space<vmem>>, vector<16xf32>,
      tpu.vector_store %arg5[%swap3A_405, %swap3A_406], %broadcast_in_dim3A_3 {strides = array<i32>} : memref<2x1000xf32, #tpu.memory_space<vmem>>, vector<16xf32>,
      %swap3A_408 = arith.constant 0 : i32
      %swap3A_409 = arith.index_cast %swap3A_408 : i32 to index
      %swap3A_410 = arith.constant 752 : index
      %swap3A_411 = tpu.vector_load %arg6[%swap3A_409, %swap3A_410] {strides = array<i32>} : memref<2x1000xf32, #tpu.memory_space<vmem>>, vector<16xf32>,
      tpu.vector_store %arg6[%swap3A_409, %swap3A_410], %broadcast_in_dim3A_3 {strides = array<i32>} : memref<2x1000xf32, #tpu.memory_space<vmem>>, vector<16xf32>,
      %swap3A_412 = arith.constant 0 : i32
      %swap3A_413 = arith.index_cast %swap3A_412 : i32 to index
      %swap3A_414 = arith.constant 768 : index
      %swap3A_415 = tpu.vector_load %arg5[%swap3A_413, %swap3A_414] {strides = array<i32>} : memref<2x1000xf32, #tpu.memory_space<vmem>>, vector<16xf32>,
      tpu.vector_store %arg5[%swap3A_413, %swap3A_414], %broadcast_in_dim3A_3 {strides = array<i32>} : memref<2x1000xf32, #tpu.memory_space<vmem>>, vector<16xf32>,
      %swap3A_416 = arith.constant 0 : i32
      %swap3A_417 = arith.index_cast %swap3A_416 : i32 to index
      %swap3A_418 = arith.constant 768 : index
      %swap3A_419 = tpu.vector_load %arg6[%swap3A_417, %swap3A_418] {strides = array<i32>} : memref<2x1000xf32, #tpu.memory_space<vmem>>, vector<16xf32>,
      tpu.vector_store %arg6[%swap3A_417, %swap3A_418], %broadcast_in_dim3A_3 {strides = array<i32>} : memref<2x1000xf32, #tpu.memory_space<vmem>>, vector<16xf32>,
      %swap3A_420 = arith.constant 0 : i32
      %swap3A_421 = arith.index_cast %swap3A_420 : i32 to index
      %swap3A_422 = arith.constant 784 : index
      %swap3A_423 = tpu.vector_load %arg5[%swap3A_421, %swap3A_422] {strides = array<i32>} : memref<2x1000xf32, #tpu.memory_space<vmem>>, vector<16xf32>,
      tpu.vector_store %arg5[%swap3A_421, %swap3A_422], %broadcast_in_dim3A_3 {strides = array<i32>} : memref<2x1000xf32, #tpu.memory_space<vmem>>, vector<16xf32>,
      %swap3A_424 = arith.constant 0 : i32
      %swap3A_425 = arith.index_cast %swap3A_424 : i32 to index
      %swap3A_426 = arith.constant 784 : index
      %swap3A_427 = tpu.vector_load %arg6[%swap3A_425, %swap3A_426] {strides = array<i32>} : memref<2x1000xf32, #tpu.memory_space<vmem>>, vector<16xf32>,
      tpu.vector_store %arg6[%swap3A_425, %swap3A_426], %broadcast_in_dim3A_3 {strides = array<i32>} : memref<2x1000xf32, #tpu.memory_space<vmem>>, vector<16xf32>,
      %swap3A_428 = arith.constant 0 : i32
      %swap3A_429 = arith.index_cast %swap3A_428 : i32 to index
      %swap3A_430 = arith.constant 800 : index
      %swap3A_431 = tpu.vector_load %arg5[%swap3A_429, %swap3A_430] {strides = array<i32>} : memref<2x1000xf32, #tpu.memory_space<vmem>>, vector<16xf32>,
      tpu.vector_store %arg5[%swap3A_429, %swap3A_430], %broadcast_in_dim3A_3 {strides = array<i32>} : memref<2x1000xf32, #tpu.memory_space<vmem>>, vector<16xf32>,
      %swap3A_432 = arith.constant 0 : i32
      %swap3A_433 = arith.index_cast %swap3A_432 : i32 to index
      %swap3A_434 = arith.constant 800 : index
      %swap3A_435 = tpu.vector_load %arg6[%swap3A_433, %swap3A_434] {strides = array<i32>} : memref<2x1000xf32, #tpu.memory_space<vmem>>, vector<16xf32>,
      tpu.vector_store %arg6[%swap3A_433, %swap3A_434], %broadcast_in_dim3A_3 {strides = array<i32>} : memref<2x1000xf32, #tpu.memory_space<vmem>>, vector<16xf32>,
      %swap3A_436 = arith.constant 0 : i32
      %swap3A_437 = arith.index_cast %swap3A_436 : i32 to index
      %swap3A_438 = arith.constant 816 : index
      %swap3A_439 = tpu.vector_load %arg5[%swap3A_437, %swap3A_438] {strides = array<i32>} : memref<2x1000xf32, #tpu.memory_space<vmem>>, vector<16xf32>,
      tpu.vector_store %arg5[%swap3A_437, %swap3A_438], %broadcast_in_dim3A_3 {strides = array<i32>} : memref<2x1000xf32, #tpu.memory_space<vmem>>, vector<16xf32>,
      %swap3A_440 = arith.constant 0 : i32
      %swap3A_441 = arith.index_cast %swap3A_440 : i32 to index
      %swap3A_442 = arith.constant 816 : index
      %swap3A_443 = tpu.vector_load %arg6[%swap3A_441, %swap3A_442] {strides = array<i32>} : memref<2x1000xf32, #tpu.memory_space<vmem>>, vector<16xf32>,
      tpu.vector_store %arg6[%swap3A_441, %swap3A_442], %broadcast_in_dim3A_3 {strides = array<i32>} : memref<2x1000xf32, #tpu.memory_space<vmem>>, vector<16xf32>,
      %swap3A_444 = arith.constant 0 : i32
      %swap3A_445 = arith.index_cast %swap3A_444 : i32 to index
      %swap3A_446 = arith.constant 832 : index
      %swap3A_447 = tpu.vector_load %arg5[%swap3A_445, %swap3A_446] {strides = array<i32>} : memref<2x1000xf32, #tpu.memory_space<vmem>>, vector<16xf32>,
      tpu.vector_store %arg5[%swap3A_445, %swap3A_446], %broadcast_in_dim3A_3 {strides = array<i32>} : memref<2x1000xf32, #tpu.memory_space<vmem>>, vector<16xf32>,
      %swap3A_448 = arith.constant 0 : i32
      %swap3A_449 = arith.index_cast %swap3A_448 : i32 to index
      %swap3A_450 = arith.constant 832 : index
      %swap3A_451 = tpu.vector_load %arg6[%swap3A_449, %swap3A_450] {strides = array<i32>} : memref<2x1000xf32, #tpu.memory_space<vmem>>, vector<16xf32>,
      tpu.vector_store %arg6[%swap3A_449, %swap3A_450], %broadcast_in_dim3A_3 {strides = array<i32>} : memref<2x1000xf32, #tpu.memory_space<vmem>>, vector<16xf32>,
      %swap3A_452 = arith.constant 0 : i32
      %swap3A_453 = arith.index_cast %swap3A_452 : i32 to index
      %swap3A_454 = arith.constant 848 : index
      %swap3A_455 = tpu.vector_load %arg5[%swap3A_453, %swap3A_454] {strides = array<i32>} : memref<2x1000xf32, #tpu.memory_space<vmem>>, vector<16xf32>,
      tpu.vector_store %arg5[%swap3A_453, %swap3A_454], %broadcast_in_dim3A_3 {strides = array<i32>} : memref<2x1000xf32, #tpu.memory_space<vmem>>, vector<16xf32>,
      %swap3A_456 = arith.constant 0 : i32
      %swap3A_457 = arith.index_cast %swap3A_456 : i32 to index
      %swap3A_458 = arith.constant 848 : index
      %swap3A_459 = tpu.vector_load %arg6[%swap3A_457, %swap3A_458] {strides = array<i32>} : memref<2x1000xf32, #tpu.memory_space<vmem>>, vector<16xf32>,
      tpu.vector_store %arg6[%swap3A_457, %swap3A_458], %broadcast_in_dim3A_3 {strides = array<i32>} : memref<2x1000xf32, #tpu.memory_space<vmem>>, vector<16xf32>,
      %swap3A_460 = arith.constant 0 : i32
      %swap3A_461 = arith.index_cast %swap3A_460 : i32 to index
      %swap3A_462 = arith.constant 864 : index
      %swap3A_463 = tpu.vector_load %arg5[%swap3A_461, %swap3A_462] {strides = array<i32>} : memref<2x1000xf32, #tpu.memory_space<vmem>>, vector<16xf32>,
      tpu.vector_store %arg5[%swap3A_461, %swap3A_462], %broadcast_in_dim3A_3 {strides = array<i32>} : memref<2x1000xf32, #tpu.memory_space<vmem>>, vector<16xf32>,
      %swap3A_464 = arith.constant 0 : i32
      %swap3A_465 = arith.index_cast %swap3A_464 : i32 to index
      %swap3A_466 = arith.constant 864 : index
      %swap3A_467 = tpu.vector_load %arg6[%swap3A_465, %swap3A_466] {strides = array<i32>} : memref<2x1000xf32, #tpu.memory_space<vmem>>, vector<16xf32>,
      tpu.vector_store %arg6[%swap3A_465, %swap3A_466], %broadcast_in_dim3A_3 {strides = array<i32>} : memref<2x1000xf32, #tpu.memory_space<vmem>>, vector<16xf32>,
      %swap3A_468 = arith.constant 0 : i32
      %swap3A_469 = arith.index_cast %swap3A_468 : i32 to index
      %swap3A_470 = arith.constant 880 : index
      %swap3A_471 = tpu.vector_load %arg5[%swap3A_469, %swap3A_470] {strides = array<i32>} : memref<2x1000xf32, #tpu.memory_space<vmem>>, vector<16xf32>,
      tpu.vector_store %arg5[%swap3A_469, %swap3A_470], %broadcast_in_dim3A_3 {strides = array<i32>} : memref<2x1000xf32, #tpu.memory_space<vmem>>, vector<16xf32>,
      %swap3A_472 = arith.constant 0 : i32
      %swap3A_473 = arith.index_cast %swap3A_472 : i32 to index
      %swap3A_474 = arith.constant 880 : index
      %swap3A_475 = tpu.vector_load %arg6[%swap3A_473, %swap3A_474] {strides = array<i32>} : memref<2x1000xf32, #tpu.memory_space<vmem>>, vector<16xf32>,
      tpu.vector_store %arg6[%swap3A_473, %swap3A_474], %broadcast_in_dim3A_3 {strides = array<i32>} : memref<2x1000xf32, #tpu.memory_space<vmem>>, vector<16xf32>,
      %swap3A_476 = arith.constant 0 : i32
      %swap3A_477 = arith.index_cast %swap3A_476 : i32 to index
      %swap3A_478 = arith.constant 896 : index
      %swap3A_479 = tpu.vector_load %arg5[%swap3A_477, %swap3A_478] {strides = array<i32>} : memref<2x1000xf32, #tpu.memory_space<vmem>>, vector<16xf32>,
      tpu.vector_store %arg5[%swap3A_477, %swap3A_478], %broadcast_in_dim3A_3 {strides = array<i32>} : memref<2x1000xf32, #tpu.memory_space<vmem>>, vector<16xf32>,
      %swap3A_480 = arith.constant 0 : i32
      %swap3A_481 = arith.index_cast %swap3A_480 : i32 to index
      %swap3A_482 = arith.constant 896 : index
      %swap3A_483 = tpu.vector_load %arg6[%swap3A_481, %swap3A_482] {strides = array<i32>} : memref<2x1000xf32, #tpu.memory_space<vmem>>, vector<16xf32>,
      tpu.vector_store %arg6[%swap3A_481, %swap3A_482], %broadcast_in_dim3A_3 {strides = array<i32>} : memref<2x1000xf32, #tpu.memory_space<vmem>>, vector<16xf32>,
      %swap3A_484 = arith.constant 0 : i32
      %swap3A_485 = arith.index_cast %swap3A_484 : i32 to index
      %swap3A_486 = arith.constant 912 : index
      %swap3A_487 = tpu.vector_load %arg5[%swap3A_485, %swap3A_486] {strides = array<i32>} : memref<2x1000xf32, #tpu.memory_space<vmem>>, vector<16xf32>,
      tpu.vector_store %arg5[%swap3A_485, %swap3A_486], %broadcast_in_dim3A_3 {strides = array<i32>} : memref<2x1000xf32, #tpu.memory_space<vmem>>, vector<16xf32>,
      %swap3A_488 = arith.constant 0 : i32
      %swap3A_489 = arith.index_cast %swap3A_488 : i32 to index
      %swap3A_490 = arith.constant 912 : index
      %swap3A_491 = tpu.vector_load %arg6[%swap3A_489, %swap3A_490] {strides = array<i32>} : memref<2x1000xf32, #tpu.memory_space<vmem>>, vector<16xf32>,
      tpu.vector_store %arg6[%swap3A_489, %swap3A_490], %broadcast_in_dim3A_3 {strides = array<i32>} : memref<2x1000xf32, #tpu.memory_space<vmem>>, vector<16xf32>,
      %swap3A_492 = arith.constant 0 : i32
      %swap3A_493 = arith.index_cast %swap3A_492 : i32 to index
      %swap3A_494 = arith.constant 928 : index
      %swap3A_495 = tpu.vector_load %arg5[%swap3A_493, %swap3A_494] {strides = array<i32>} : memref<2x1000xf32, #tpu.memory_space<vmem>>, vector<16xf32>,
      tpu.vector_store %arg5[%swap3A_493, %swap3A_494], %broadcast_in_dim3A_3 {strides = array<i32>} : memref<2x1000xf32, #tpu.memory_space<vmem>>, vector<16xf32>,
      %swap3A_496 = arith.constant 0 : i32
      %swap3A_497 = arith.index_cast %swap3A_496 : i32 to index
      %swap3A_498 = arith.constant 928 : index
      %swap3A_499 = tpu.vector_load %arg6[%swap3A_497, %swap3A_498] {strides = array<i32>} : memref<2x1000xf32, #tpu.memory_space<vmem>>, vector<16xf32>,
      tpu.vector_store %arg6[%swap3A_497, %swap3A_498], %broadcast_in_dim3A_3 {strides = array<i32>} : memref<2x1000xf32, #tpu.memory_space<vmem>>, vector<16xf32>,
      %swap3A_500 = arith.constant 0 : i32
      %swap3A_501 = arith.index_cast %swap3A_500 : i32 to index
      %swap3A_502 = arith.constant 944 : index
      %swap3A_503 = tpu.vector_load %arg5[%swap3A_501, %swap3A_502] {strides = array<i32>} : memref<2x1000xf32, #tpu.memory_space<vmem>>, vector<16xf32>,
      tpu.vector_store %arg5[%swap3A_501, %swap3A_502], %broadcast_in_dim3A_3 {strides = array<i32>} : memref<2x1000xf32, #tpu.memory_space<vmem>>, vector<16xf32>,
      %swap3A_504 = arith.constant 0 : i32
      %swap3A_505 = arith.index_cast %swap3A_504 : i32 to index
      %swap3A_506 = arith.constant 944 : index
      %swap3A_507 = tpu.vector_load %arg6[%swap3A_505, %swap3A_506] {strides = array<i32>} : memref<2x1000xf32, #tpu.memory_space<vmem>>, vector<16xf32>,
      tpu.vector_store %arg6[%swap3A_505, %swap3A_506], %broadcast_in_dim3A_3 {strides = array<i32>} : memref<2x1000xf32, #tpu.memory_space<vmem>>, vector<16xf32>,
      %swap3A_508 = arith.constant 0 : i32
      %swap3A_509 = arith.index_cast %swap3A_508 : i32 to index
      %swap3A_510 = arith.constant 960 : index
      %swap3A_511 = tpu.vector_load %arg5[%swap3A_509, %swap3A_510] {strides = array<i32>} : memref<2x1000xf32, #tpu.memory_space<vmem>>, vector<16xf32>,
      tpu.vector_store %arg5[%swap3A_509, %swap3A_510], %broadcast_in_dim3A_3 {strides = array<i32>} : memref<2x1000xf32, #tpu.memory_space<vmem>>, vector<16xf32>,
      %swap3A_512 = arith.constant 0 : i32
      %swap3A_513 = arith.index_cast %swap3A_512 : i32 to index
      %swap3A_514 = arith.constant 960 : index
      %swap3A_515 = tpu.vector_load %arg6[%swap3A_513, %swap3A_514] {strides = array<i32>} : memref<2x1000xf32, #tpu.memory_space<vmem>>, vector<16xf32>,
      tpu.vector_store %arg6[%swap3A_513, %swap3A_514], %broadcast_in_dim3A_3 {strides = array<i32>} : memref<2x1000xf32, #tpu.memory_space<vmem>>, vector<16xf32>,
      %swap3A_516 = arith.constant 0 : i32
      %swap3A_517 = arith.index_cast %swap3A_516 : i32 to index
      %swap3A_518 = arith.constant 976 : index
      %swap3A_519 = tpu.vector_load %arg5[%swap3A_517, %swap3A_518] {strides = array<i32>} : memref<2x1000xf32, #tpu.memory_space<vmem>>, vector<16xf32>,
      tpu.vector_store %arg5[%swap3A_517, %swap3A_518], %broadcast_in_dim3A_3 {strides = array<i32>} : memref<2x1000xf32, #tpu.memory_space<vmem>>, vector<16xf32>,
      %swap3A_520 = arith.constant 0 : i32
      %swap3A_521 = arith.index_cast %swap3A_520 : i32 to index
      %swap3A_522 = arith.constant 976 : index
      %swap3A_523 = tpu.vector_load %arg6[%swap3A_521, %swap3A_522] {strides = array<i32>} : memref<2x1000xf32, #tpu.memory_space<vmem>>, vector<16xf32>,
      tpu.vector_store %arg6[%swap3A_521, %swap3A_522], %broadcast_in_dim3A_3 {strides = array<i32>} : memref<2x1000xf32, #tpu.memory_space<vmem>>, vector<16xf32>,
      %swap3A_524 = arith.constant 0 : i32
      %swap3A_525 = arith.index_cast %swap3A_524 : i32 to index
      %swap3A_526 = arith.constant 984 : index
      %swap3A_527 = tpu.vector_load %arg5[%swap3A_525, %swap3A_526] {strides = array<i32>} : memref<2x1000xf32, #tpu.memory_space<vmem>>, vector<16xf32>,
      tpu.vector_store %arg5[%swap3A_525, %swap3A_526], %broadcast_in_dim3A_3 {strides = array<i32>} : memref<2x1000xf32, #tpu.memory_space<vmem>>, vector<16xf32>,
      %swap3A_528 = arith.constant 0 : i32
      %swap3A_529 = arith.index_cast %swap3A_528 : i32 to index
      %swap3A_530 = arith.constant 984 : index
      %swap3A_531 = tpu.vector_load %arg6[%swap3A_529, %swap3A_530] {strides = array<i32>} : memref<2x1000xf32, #tpu.memory_space<vmem>>, vector<16xf32>,
      tpu.vector_store %arg6[%swap3A_529, %swap3A_530], %broadcast_in_dim3A_3 {strides = array<i32>} : memref<2x1000xf32, #tpu.memory_space<vmem>>, vector<16xf32>,
      %swap3A_532 = arith.constant 1 : i32
      %swap3A_533 = arith.index_cast %swap3A_532 : i32 to index
      %swap3A_534 = arith.constant 0 : index
      %swap3A_535 = tpu.vector_load %arg5[%swap3A_533, %swap3A_534] {strides = array<i32>} : memref<2x1000xf32, #tpu.memory_space<vmem>>, vector<16xf32>,
      tpu.vector_store %arg5[%swap3A_533, %swap3A_534], %broadcast_in_dim3A_3 {strides = array<i32>} : memref<2x1000xf32, #tpu.memory_space<vmem>>, vector<16xf32>,
      %swap3A_536 = arith.constant 1 : i32
      %swap3A_537 = arith.index_cast %swap3A_536 : i32 to index
      %swap3A_538 = arith.constant 0 : index
      %swap3A_539 = tpu.vector_load %arg6[%swap3A_537, %swap3A_538] {strides = array<i32>} : memref<2x1000xf32, #tpu.memory_space<vmem>>, vector<16xf32>,
      tpu.vector_store %arg6[%swap3A_537, %swap3A_538], %broadcast_in_dim3A_3 {strides = array<i32>} : memref<2x1000xf32, #tpu.memory_space<vmem>>, vector<16xf32>,
      %swap3A_540 = arith.constant 1 : i32
      %swap3A_541 = arith.index_cast %swap3A_540 : i32 to index
      %swap3A_542 = arith.constant 16 : index
      %swap3A_543 = tpu.vector_load %arg5[%swap3A_541, %swap3A_542] {strides = array<i32>} : memref<2x1000xf32, #tpu.memory_space<vmem>>, vector<16xf32>,
      tpu.vector_store %arg5[%swap3A_541, %swap3A_542], %broadcast_in_dim3A_3 {strides = array<i32>} : memref<2x1000xf32, #tpu.memory_space<vmem>>, vector<16xf32>,
      %swap3A_544 = arith.constant 1 : i32
      %swap3A_545 = arith.index_cast %swap3A_544 : i32 to index
      %swap3A_546 = arith.constant 16 : index
      %swap3A_547 = tpu.vector_load %arg6[%swap3A_545, %swap3A_546] {strides = array<i32>} : memref<2x1000xf32, #tpu.memory_space<vmem>>, vector<16xf32>,
      tpu.vector_store %arg6[%swap3A_545, %swap3A_546], %broadcast_in_dim3A_3 {strides = array<i32>} : memref<2x1000xf32, #tpu.memory_space<vmem>>, vector<16xf32>,
      %swap3A_548 = arith.constant 1 : i32
      %swap3A_549 = arith.index_cast %swap3A_548 : i32 to index
      %swap3A_550 = arith.constant 32 : index
      %swap3A_551 = tpu.vector_load %arg5[%swap3A_549, %swap3A_550] {strides = array<i32>} : memref<2x1000xf32, #tpu.memory_space<vmem>>, vector<16xf32>,
      tpu.vector_store %arg5[%swap3A_549, %swap3A_550], %broadcast_in_dim3A_3 {strides = array<i32>} : memref<2x1000xf32, #tpu.memory_space<vmem>>, vector<16xf32>,
      %swap3A_552 = arith.constant 1 : i32
      %swap3A_553 = arith.index_cast %swap3A_552 : i32 to index
      %swap3A_554 = arith.constant 32 : index
      %swap3A_555 = tpu.vector_load %arg6[%swap3A_553, %swap3A_554] {strides = array<i32>} : memref<2x1000xf32, #tpu.memory_space<vmem>>, vector<16xf32>,
      tpu.vector_store %arg6[%swap3A_553, %swap3A_554], %broadcast_in_dim3A_3 {strides = array<i32>} : memref<2x1000xf32, #tpu.memory_space<vmem>>, vector<16xf32>,
      %swap3A_556 = arith.constant 1 : i32
      %swap3A_557 = arith.index_cast %swap3A_556 : i32 to index
      %swap3A_558 = arith.constant 48 : index
      %swap3A_559 = tpu.vector_load %arg5[%swap3A_557, %swap3A_558] {strides = array<i32>} : memref<2x1000xf32, #tpu.memory_space<vmem>>, vector<16xf32>,
      tpu.vector_store %arg5[%swap3A_557, %swap3A_558], %broadcast_in_dim3A_3 {strides = array<i32>} : memref<2x1000xf32, #tpu.memory_space<vmem>>, vector<16xf32>,
      %swap3A_560 = arith.constant 1 : i32
      %swap3A_561 = arith.index_cast %swap3A_560 : i32 to index
      %swap3A_562 = arith.constant 48 : index
      %swap3A_563 = tpu.vector_load %arg6[%swap3A_561, %swap3A_562] {strides = array<i32>} : memref<2x1000xf32, #tpu.memory_space<vmem>>, vector<16xf32>,
      tpu.vector_store %arg6[%swap3A_561, %swap3A_562], %broadcast_in_dim3A_3 {strides = array<i32>} : memref<2x1000xf32, #tpu.memory_space<vmem>>, vector<16xf32>,
      %swap3A_564 = arith.constant 1 : i32
      %swap3A_565 = arith.index_cast %swap3A_564 : i32 to index
      %swap3A_566 = arith.constant 64 : index
      %swap3A_567 = tpu.vector_load %arg5[%swap3A_565, %swap3A_566] {strides = array<i32>} : memref<2x1000xf32, #tpu.memory_space<vmem>>, vector<16xf32>,
      tpu.vector_store %arg5[%swap3A_565, %swap3A_566], %broadcast_in_dim3A_3 {strides = array<i32>} : memref<2x1000xf32, #tpu.memory_space<vmem>>, vector<16xf32>,
      %swap3A_568 = arith.constant 1 : i32
      %swap3A_569 = arith.index_cast %swap3A_568 : i32 to index
      %swap3A_570 = arith.constant 64 : index
      %swap3A_571 = tpu.vector_load %arg6[%swap3A_569, %swap3A_570] {strides = array<i32>} : memref<2x1000xf32, #tpu.memory_space<vmem>>, vector<16xf32>,
      tpu.vector_store %arg6[%swap3A_569, %swap3A_570], %broadcast_in_dim3A_3 {strides = array<i32>} : memref<2x1000xf32, #tpu.memory_space<vmem>>, vector<16xf32>,
      %swap3A_572 = arith.constant 1 : i32
      %swap3A_573 = arith.index_cast %swap3A_572 : i32 to index
      %swap3A_574 = arith.constant 80 : index
      %swap3A_575 = tpu.vector_load %arg5[%swap3A_573, %swap3A_574] {strides = array<i32>} : memref<2x1000xf32, #tpu.memory_space<vmem>>, vector<16xf32>,
      tpu.vector_store %arg5[%swap3A_573, %swap3A_574], %broadcast_in_dim3A_3 {strides = array<i32>} : memref<2x1000xf32, #tpu.memory_space<vmem>>, vector<16xf32>,
      %swap3A_576 = arith.constant 1 : i32
      %swap3A_577 = arith.index_cast %swap3A_576 : i32 to index
      %swap3A_578 = arith.constant 80 : index
      %swap3A_579 = tpu.vector_load %arg6[%swap3A_577, %swap3A_578] {strides = array<i32>} : memref<2x1000xf32, #tpu.memory_space<vmem>>, vector<16xf32>,
      tpu.vector_store %arg6[%swap3A_577, %swap3A_578], %broadcast_in_dim3A_3 {strides = array<i32>} : memref<2x1000xf32, #tpu.memory_space<vmem>>, vector<16xf32>,
      %swap3A_580 = arith.constant 1 : i32
      %swap3A_581 = arith.index_cast %swap3A_580 : i32 to index
      %swap3A_582 = arith.constant 96 : index
      %swap3A_583 = tpu.vector_load %arg5[%swap3A_581, %swap3A_582] {strides = array<i32>} : memref<2x1000xf32, #tpu.memory_space<vmem>>, vector<16xf32>,
      tpu.vector_store %arg5[%swap3A_581, %swap3A_582], %broadcast_in_dim3A_3 {strides = array<i32>} : memref<2x1000xf32, #tpu.memory_space<vmem>>, vector<16xf32>,
      %swap3A_584 = arith.constant 1 : i32
      %swap3A_585 = arith.index_cast %swap3A_584 : i32 to index
      %swap3A_586 = arith.constant 96 : index
      %swap3A_587 = tpu.vector_load %arg6[%swap3A_585, %swap3A_586] {strides = array<i32>} : memref<2x1000xf32, #tpu.memory_space<vmem>>, vector<16xf32>,
      tpu.vector_store %arg6[%swap3A_585, %swap3A_586], %broadcast_in_dim3A_3 {strides = array<i32>} : memref<2x1000xf32, #tpu.memory_space<vmem>>, vector<16xf32>,
      %swap3A_588 = arith.constant 1 : i32
      %swap3A_589 = arith.index_cast %swap3A_588 : i32 to index
      %swap3A_590 = arith.constant 112 : index
      %swap3A_591 = tpu.vector_load %arg5[%swap3A_589, %swap3A_590] {strides = array<i32>} : memref<2x1000xf32, #tpu.memory_space<vmem>>, vector<16xf32>,
      tpu.vector_store %arg5[%swap3A_589, %swap3A_590], %broadcast_in_dim3A_3 {strides = array<i32>} : memref<2x1000xf32, #tpu.memory_space<vmem>>, vector<16xf32>,
      %swap3A_592 = arith.constant 1 : i32
      %swap3A_593 = arith.index_cast %swap3A_592 : i32 to index
      %swap3A_594 = arith.constant 112 : index
      %swap3A_595 = tpu.vector_load %arg6[%swap3A_593, %swap3A_594] {strides = array<i32>} : memref<2x1000xf32, #tpu.memory_space<vmem>>, vector<16xf32>,
      tpu.vector_store %arg6[%swap3A_593, %swap3A_594], %broadcast_in_dim3A_3 {strides = array<i32>} : memref<2x1000xf32, #tpu.memory_space<vmem>>, vector<16xf32>,
      %swap3A_596 = arith.constant 1 : i32
      %swap3A_597 = arith.index_cast %swap3A_596 : i32 to index
      %swap3A_598 = arith.constant 128 : index
      %swap3A_599 = tpu.vector_load %arg5[%swap3A_597, %swap3A_598] {strides = array<i32>} : memref<2x1000xf32, #tpu.memory_space<vmem>>, vector<16xf32>,
      tpu.vector_store %arg5[%swap3A_597, %swap3A_598], %broadcast_in_dim3A_3 {strides = array<i32>} : memref<2x1000xf32, #tpu.memory_space<vmem>>, vector<16xf32>,
      %swap3A_600 = arith.constant 1 : i32
      %swap3A_601 = arith.index_cast %swap3A_600 : i32 to index
      %swap3A_602 = arith.constant 128 : index
      %swap3A_603 = tpu.vector_load %arg6[%swap3A_601, %swap3A_602] {strides = array<i32>} : memref<2x1000xf32, #tpu.memory_space<vmem>>, vector<16xf32>,
      tpu.vector_store %arg6[%swap3A_601, %swap3A_602], %broadcast_in_dim3A_3 {strides = array<i32>} : memref<2x1000xf32, #tpu.memory_space<vmem>>, vector<16xf32>,
      %swap3A_604 = arith.constant 1 : i32
      %swap3A_605 = arith.index_cast %swap3A_604 : i32 to index
      %swap3A_606 = arith.constant 144 : index
      %swap3A_607 = tpu.vector_load %arg5[%swap3A_605, %swap3A_606] {strides = array<i32>} : memref<2x1000xf32, #tpu.memory_space<vmem>>, vector<16xf32>,
      tpu.vector_store %arg5[%swap3A_605, %swap3A_606], %broadcast_in_dim3A_3 {strides = array<i32>} : memref<2x1000xf32, #tpu.memory_space<vmem>>, vector<16xf32>,
      %swap3A_608 = arith.constant 1 : i32
      %swap3A_609 = arith.index_cast %swap3A_608 : i32 to index
      %swap3A_610 = arith.constant 144 : index
      %swap3A_611 = tpu.vector_load %arg6[%swap3A_609, %swap3A_610] {strides = array<i32>} : memref<2x1000xf32, #tpu.memory_space<vmem>>, vector<16xf32>,
      tpu.vector_store %arg6[%swap3A_609, %swap3A_610], %broadcast_in_dim3A_3 {strides = array<i32>} : memref<2x1000xf32, #tpu.memory_space<vmem>>, vector<16xf32>,
      %swap3A_612 = arith.constant 1 : i32
      %swap3A_613 = arith.index_cast %swap3A_612 : i32 to index
      %swap3A_614 = arith.constant 160 : index
      %swap3A_615 = tpu.vector_load %arg5[%swap3A_613, %swap3A_614] {strides = array<i32>} : memref<2x1000xf32, #tpu.memory_space<vmem>>, vector<16xf32>,
      tpu.vector_store %arg5[%swap3A_613, %swap3A_614], %broadcast_in_dim3A_3 {strides = array<i32>} : memref<2x1000xf32, #tpu.memory_space<vmem>>, vector<16xf32>,
      %swap3A_616 = arith.constant 1 : i32
      %swap3A_617 = arith.index_cast %swap3A_616 : i32 to index
      %swap3A_618 = arith.constant 160 : index
      %swap3A_619 = tpu.vector_load %arg6[%swap3A_617, %swap3A_618] {strides = array<i32>} : memref<2x1000xf32, #tpu.memory_space<vmem>>, vector<16xf32>,
      tpu.vector_store %arg6[%swap3A_617, %swap3A_618], %broadcast_in_dim3A_3 {strides = array<i32>} : memref<2x1000xf32, #tpu.memory_space<vmem>>, vector<16xf32>,
      %swap3A_620 = arith.constant 1 : i32
      %swap3A_621 = arith.index_cast %swap3A_620 : i32 to index
      %swap3A_622 = arith.constant 176 : index
      %swap3A_623 = tpu.vector_load %arg5[%swap3A_621, %swap3A_622] {strides = array<i32>} : memref<2x1000xf32, #tpu.memory_space<vmem>>, vector<16xf32>,
      tpu.vector_store %arg5[%swap3A_621, %swap3A_622], %broadcast_in_dim3A_3 {strides = array<i32>} : memref<2x1000xf32, #tpu.memory_space<vmem>>, vector<16xf32>,
      %swap3A_624 = arith.constant 1 : i32
      %swap3A_625 = arith.index_cast %swap3A_624 : i32 to index
      %swap3A_626 = arith.constant 176 : index
      %swap3A_627 = tpu.vector_load %arg6[%swap3A_625, %swap3A_626] {strides = array<i32>} : memref<2x1000xf32, #tpu.memory_space<vmem>>, vector<16xf32>,
      tpu.vector_store %arg6[%swap3A_625, %swap3A_626], %broadcast_in_dim3A_3 {strides = array<i32>} : memref<2x1000xf32, #tpu.memory_space<vmem>>, vector<16xf32>,
      %swap3A_628 = arith.constant 1 : i32
      %swap3A_629 = arith.index_cast %swap3A_628 : i32 to index
      %swap3A_630 = arith.constant 192 : index
      %swap3A_631 = tpu.vector_load %arg5[%swap3A_629, %swap3A_630] {strides = array<i32>} : memref<2x1000xf32, #tpu.memory_space<vmem>>, vector<16xf32>,
      tpu.vector_store %arg5[%swap3A_629, %swap3A_630], %broadcast_in_dim3A_3 {strides = array<i32>} : memref<2x1000xf32, #tpu.memory_space<vmem>>, vector<16xf32>,
      %swap3A_632 = arith.constant 1 : i32
      %swap3A_633 = arith.index_cast %swap3A_632 : i32 to index
      %swap3A_634 = arith.constant 192 : index
      %swap3A_635 = tpu.vector_load %arg6[%swap3A_633, %swap3A_634] {strides = array<i32>} : memref<2x1000xf32, #tpu.memory_space<vmem>>, vector<16xf32>,
      tpu.vector_store %arg6[%swap3A_633, %swap3A_634], %broadcast_in_dim3A_3 {strides = array<i32>} : memref<2x1000xf32, #tpu.memory_space<vmem>>, vector<16xf32>,
      %swap3A_636 = arith.constant 1 : i32
      %swap3A_637 = arith.index_cast %swap3A_636 : i32 to index
      %swap3A_638 = arith.constant 208 : index
      %swap3A_639 = tpu.vector_load %arg5[%swap3A_637, %swap3A_638] {strides = array<i32>} : memref<2x1000xf32, #tpu.memory_space<vmem>>, vector<16xf32>,
      tpu.vector_store %arg5[%swap3A_637, %swap3A_638], %broadcast_in_dim3A_3 {strides = array<i32>} : memref<2x1000xf32, #tpu.memory_space<vmem>>, vector<16xf32>,
      %swap3A_640 = arith.constant 1 : i32
      %swap3A_641 = arith.index_cast %swap3A_640 : i32 to index
      %swap3A_642 = arith.constant 208 : index
      %swap3A_643 = tpu.vector_load %arg6[%swap3A_641, %swap3A_642] {strides = array<i32>} : memref<2x1000xf32, #tpu.memory_space<vmem>>, vector<16xf32>,
      tpu.vector_store %arg6[%swap3A_641, %swap3A_642], %broadcast_in_dim3A_3 {strides = array<i32>} : memref<2x1000xf32, #tpu.memory_space<vmem>>, vector<16xf32>,
      %swap3A_644 = arith.constant 1 : i32
      %swap3A_645 = arith.index_cast %swap3A_644 : i32 to index
      %swap3A_646 = arith.constant 224 : index
      %swap3A_647 = tpu.vector_load %arg5[%swap3A_645, %swap3A_646] {strides = array<i32>} : memref<2x1000xf32, #tpu.memory_space<vmem>>, vector<16xf32>,
      tpu.vector_store %arg5[%swap3A_645, %swap3A_646], %broadcast_in_dim3A_3 {strides = array<i32>} : memref<2x1000xf32, #tpu.memory_space<vmem>>, vector<16xf32>,
      %swap3A_648 = arith.constant 1 : i32
      %swap3A_649 = arith.index_cast %swap3A_648 : i32 to index
      %swap3A_650 = arith.constant 224 : index
      %swap3A_651 = tpu.vector_load %arg6[%swap3A_649, %swap3A_650] {strides = array<i32>} : memref<2x1000xf32, #tpu.memory_space<vmem>>, vector<16xf32>,
      tpu.vector_store %arg6[%swap3A_649, %swap3A_650], %broadcast_in_dim3A_3 {strides = array<i32>} : memref<2x1000xf32, #tpu.memory_space<vmem>>, vector<16xf32>,
      %swap3A_652 = arith.constant 1 : i32
      %swap3A_653 = arith.index_cast %swap3A_652 : i32 to index
      %swap3A_654 = arith.constant 240 : index
      %swap3A_655 = tpu.vector_load %arg5[%swap3A_653, %swap3A_654] {strides = array<i32>} : memref<2x1000xf32, #tpu.memory_space<vmem>>, vector<16xf32>,
      tpu.vector_store %arg5[%swap3A_653, %swap3A_654], %broadcast_in_dim3A_3 {strides = array<i32>} : memref<2x1000xf32, #tpu.memory_space<vmem>>, vector<16xf32>,
      %swap3A_656 = arith.constant 1 : i32
      %swap3A_657 = arith.index_cast %swap3A_656 : i32 to index
      %swap3A_658 = arith.constant 240 : index
      %swap3A_659 = tpu.vector_load %arg6[%swap3A_657, %swap3A_658] {strides = array<i32>} : memref<2x1000xf32, #tpu.memory_space<vmem>>, vector<16xf32>,
      tpu.vector_store %arg6[%swap3A_657, %swap3A_658], %broadcast_in_dim3A_3 {strides = array<i32>} : memref<2x1000xf32, #tpu.memory_space<vmem>>, vector<16xf32>,
      %swap3A_660 = arith.constant 1 : i32
      %swap3A_661 = arith.index_cast %swap3A_660 : i32 to index
      %swap3A_662 = arith.constant 256 : index
      %swap3A_663 = tpu.vector_load %arg5[%swap3A_661, %swap3A_662] {strides = array<i32>} : memref<2x1000xf32, #tpu.memory_space<vmem>>, vector<16xf32>,
      tpu.vector_store %arg5[%swap3A_661, %swap3A_662], %broadcast_in_dim3A_3 {strides = array<i32>} : memref<2x1000xf32, #tpu.memory_space<vmem>>, vector<16xf32>,
      %swap3A_664 = arith.constant 1 : i32
      %swap3A_665 = arith.index_cast %swap3A_664 : i32 to index
      %swap3A_666 = arith.constant 256 : index
      %swap3A_667 = tpu.vector_load %arg6[%swap3A_665, %swap3A_666] {strides = array<i32>} : memref<2x1000xf32, #tpu.memory_space<vmem>>, vector<16xf32>,
      tpu.vector_store %arg6[%swap3A_665, %swap3A_666], %broadcast_in_dim3A_3 {strides = array<i32>} : memref<2x1000xf32, #tpu.memory_space<vmem>>, vector<16xf32>,
      %swap3A_668 = arith.constant 1 : i32
      %swap3A_669 = arith.index_cast %swap3A_668 : i32 to index
      %swap3A_670 = arith.constant 272 : index
      %swap3A_671 = tpu.vector_load %arg5[%swap3A_669, %swap3A_670] {strides = array<i32>} : memref<2x1000xf32, #tpu.memory_space<vmem>>, vector<16xf32>,
      tpu.vector_store %arg5[%swap3A_669, %swap3A_670], %broadcast_in_dim3A_3 {strides = array<i32>} : memref<2x1000xf32, #tpu.memory_space<vmem>>, vector<16xf32>,
      %swap3A_672 = arith.constant 1 : i32
      %swap3A_673 = arith.index_cast %swap3A_672 : i32 to index
      %swap3A_674 = arith.constant 272 : index
      %swap3A_675 = tpu.vector_load %arg6[%swap3A_673, %swap3A_674] {strides = array<i32>} : memref<2x1000xf32, #tpu.memory_space<vmem>>, vector<16xf32>,
      tpu.vector_store %arg6[%swap3A_673, %swap3A_674], %broadcast_in_dim3A_3 {strides = array<i32>} : memref<2x1000xf32, #tpu.memory_space<vmem>>, vector<16xf32>,
      %swap3A_676 = arith.constant 1 : i32
      %swap3A_677 = arith.index_cast %swap3A_676 : i32 to index
      %swap3A_678 = arith.constant 288 : index
      %swap3A_679 = tpu.vector_load %arg5[%swap3A_677, %swap3A_678] {strides = array<i32>} : memref<2x1000xf32, #tpu.memory_space<vmem>>, vector<16xf32>,
      tpu.vector_store %arg5[%swap3A_677, %swap3A_678], %broadcast_in_dim3A_3 {strides = array<i32>} : memref<2x1000xf32, #tpu.memory_space<vmem>>, vector<16xf32>,
      %swap3A_680 = arith.constant 1 : i32
      %swap3A_681 = arith.index_cast %swap3A_680 : i32 to index
      %swap3A_682 = arith.constant 288 : index
      %swap3A_683 = tpu.vector_load %arg6[%swap3A_681, %swap3A_682] {strides = array<i32>} : memref<2x1000xf32, #tpu.memory_space<vmem>>, vector<16xf32>,
      tpu.vector_store %arg6[%swap3A_681, %swap3A_682], %broadcast_in_dim3A_3 {strides = array<i32>} : memref<2x1000xf32, #tpu.memory_space<vmem>>, vector<16xf32>,
      %swap3A_684 = arith.constant 1 : i32
      %swap3A_685 = arith.index_cast %swap3A_684 : i32 to index
      %swap3A_686 = arith.constant 304 : index
      %swap3A_687 = tpu.vector_load %arg5[%swap3A_685, %swap3A_686] {strides = array<i32>} : memref<2x1000xf32, #tpu.memory_space<vmem>>, vector<16xf32>,
      tpu.vector_store %arg5[%swap3A_685, %swap3A_686], %broadcast_in_dim3A_3 {strides = array<i32>} : memref<2x1000xf32, #tpu.memory_space<vmem>>, vector<16xf32>,
      %swap3A_688 = arith.constant 1 : i32
      %swap3A_689 = arith.index_cast %swap3A_688 : i32 to index
      %swap3A_690 = arith.constant 304 : index
      %swap3A_691 = tpu.vector_load %arg6[%swap3A_689, %swap3A_690] {strides = array<i32>} : memref<2x1000xf32, #tpu.memory_space<vmem>>, vector<16xf32>,
      tpu.vector_store %arg6[%swap3A_689, %swap3A_690], %broadcast_in_dim3A_3 {strides = array<i32>} : memref<2x1000xf32, #tpu.memory_space<vmem>>, vector<16xf32>,
      %swap3A_692 = arith.constant 1 : i32
      %swap3A_693 = arith.index_cast %swap3A_692 : i32 to index
      %swap3A_694 = arith.constant 320 : index
      %swap3A_695 = tpu.vector_load %arg5[%swap3A_693, %swap3A_694] {strides = array<i32>} : memref<2x1000xf32, #tpu.memory_space<vmem>>, vector<16xf32>,
      tpu.vector_store %arg5[%swap3A_693, %swap3A_694], %broadcast_in_dim3A_3 {strides = array<i32>} : memref<2x1000xf32, #tpu.memory_space<vmem>>, vector<16xf32>,
      %swap3A_696 = arith.constant 1 : i32
      %swap3A_697 = arith.index_cast %swap3A_696 : i32 to index
      %swap3A_698 = arith.constant 320 : index
      %swap3A_699 = tpu.vector_load %arg6[%swap3A_697, %swap3A_698] {strides = array<i32>} : memref<2x1000xf32, #tpu.memory_space<vmem>>, vector<16xf32>,
      tpu.vector_store %arg6[%swap3A_697, %swap3A_698], %broadcast_in_dim3A_3 {strides = array<i32>} : memref<2x1000xf32, #tpu.memory_space<vmem>>, vector<16xf32>,
      %swap3A_700 = arith.constant 1 : i32
      %swap3A_701 = arith.index_cast %swap3A_700 : i32 to index
      %swap3A_702 = arith.constant 336 : index
      %swap3A_703 = tpu.vector_load %arg5[%swap3A_701, %swap3A_702] {strides = array<i32>} : memref<2x1000xf32, #tpu.memory_space<vmem>>, vector<16xf32>,
      tpu.vector_store %arg5[%swap3A_701, %swap3A_702], %broadcast_in_dim3A_3 {strides = array<i32>} : memref<2x1000xf32, #tpu.memory_space<vmem>>, vector<16xf32>,
      %swap3A_704 = arith.constant 1 : i32
      %swap3A_705 = arith.index_cast %swap3A_704 : i32 to index
      %swap3A_706 = arith.constant 336 : index
      %swap3A_707 = tpu.vector_load %arg6[%swap3A_705, %swap3A_706] {strides = array<i32>} : memref<2x1000xf32, #tpu.memory_space<vmem>>, vector<16xf32>,
      tpu.vector_store %arg6[%swap3A_705, %swap3A_706], %broadcast_in_dim3A_3 {strides = array<i32>} : memref<2x1000xf32, #tpu.memory_space<vmem>>, vector<16xf32>,
      %swap3A_708 = arith.constant 1 : i32
      %swap3A_709 = arith.index_cast %swap3A_708 : i32 to index
      %swap3A_710 = arith.constant 352 : index
      %swap3A_711 = tpu.vector_load %arg5[%swap3A_709, %swap3A_710] {strides = array<i32>} : memref<2x1000xf32, #tpu.memory_space<vmem>>, vector<16xf32>,
      tpu.vector_store %arg5[%swap3A_709, %swap3A_710], %broadcast_in_dim3A_3 {strides = array<i32>} : memref<2x1000xf32, #tpu.memory_space<vmem>>, vector<16xf32>,
      %swap3A_712 = arith.constant 1 : i32
      %swap3A_713 = arith.index_cast %swap3A_712 : i32 to index
      %swap3A_714 = arith.constant 352 : index
      %swap3A_715 = tpu.vector_load %arg6[%swap3A_713, %swap3A_714] {strides = array<i32>} : memref<2x1000xf32, #tpu.memory_space<vmem>>, vector<16xf32>,
      tpu.vector_store %arg6[%swap3A_713, %swap3A_714], %broadcast_in_dim3A_3 {strides = array<i32>} : memref<2x1000xf32, #tpu.memory_space<vmem>>, vector<16xf32>,
      %swap3A_716 = arith.constant 1 : i32
      %swap3A_717 = arith.index_cast %swap3A_716 : i32 to index
      %swap3A_718 = arith.constant 368 : index
      %swap3A_719 = tpu.vector_load %arg5[%swap3A_717, %swap3A_718] {strides = array<i32>} : memref<2x1000xf32, #tpu.memory_space<vmem>>, vector<16xf32>,
      tpu.vector_store %arg5[%swap3A_717, %swap3A_718], %broadcast_in_dim3A_3 {strides = array<i32>} : memref<2x1000xf32, #tpu.memory_space<vmem>>, vector<16xf32>,
      %swap3A_720 = arith.constant 1 : i32
      %swap3A_721 = arith.index_cast %swap3A_720 : i32 to index
      %swap3A_722 = arith.constant 368 : index
      %swap3A_723 = tpu.vector_load %arg6[%swap3A_721, %swap3A_722] {strides = array<i32>} : memref<2x1000xf32, #tpu.memory_space<vmem>>, vector<16xf32>,
      tpu.vector_store %arg6[%swap3A_721, %swap3A_722], %broadcast_in_dim3A_3 {strides = array<i32>} : memref<2x1000xf32, #tpu.memory_space<vmem>>, vector<16xf32>,
      %swap3A_724 = arith.constant 1 : i32
      %swap3A_725 = arith.index_cast %swap3A_724 : i32 to index
      %swap3A_726 = arith.constant 384 : index
      %swap3A_727 = tpu.vector_load %arg5[%swap3A_725, %swap3A_726] {strides = array<i32>} : memref<2x1000xf32, #tpu.memory_space<vmem>>, vector<16xf32>,
      tpu.vector_store %arg5[%swap3A_725, %swap3A_726], %broadcast_in_dim3A_3 {strides = array<i32>} : memref<2x1000xf32, #tpu.memory_space<vmem>>, vector<16xf32>,
      %swap3A_728 = arith.constant 1 : i32
      %swap3A_729 = arith.index_cast %swap3A_728 : i32 to index
      %swap3A_730 = arith.constant 384 : index
      %swap3A_731 = tpu.vector_load %arg6[%swap3A_729, %swap3A_730] {strides = array<i32>} : memref<2x1000xf32, #tpu.memory_space<vmem>>, vector<16xf32>,
      tpu.vector_store %arg6[%swap3A_729, %swap3A_730], %broadcast_in_dim3A_3 {strides = array<i32>} : memref<2x1000xf32, #tpu.memory_space<vmem>>, vector<16xf32>,
      %swap3A_732 = arith.constant 1 : i32
      %swap3A_733 = arith.index_cast %swap3A_732 : i32 to index
      %swap3A_734 = arith.constant 400 : index
      %swap3A_735 = tpu.vector_load %arg5[%swap3A_733, %swap3A_734] {strides = array<i32>} : memref<2x1000xf32, #tpu.memory_space<vmem>>, vector<16xf32>,
      tpu.vector_store %arg5[%swap3A_733, %swap3A_734], %broadcast_in_dim3A_3 {strides = array<i32>} : memref<2x1000xf32, #tpu.memory_space<vmem>>, vector<16xf32>,
      %swap3A_736 = arith.constant 1 : i32
      %swap3A_737 = arith.index_cast %swap3A_736 : i32 to index
      %swap3A_738 = arith.constant 400 : index
      %swap3A_739 = tpu.vector_load %arg6[%swap3A_737, %swap3A_738] {strides = array<i32>} : memref<2x1000xf32, #tpu.memory_space<vmem>>, vector<16xf32>,
      tpu.vector_store %arg6[%swap3A_737, %swap3A_738], %broadcast_in_dim3A_3 {strides = array<i32>} : memref<2x1000xf32, #tpu.memory_space<vmem>>, vector<16xf32>,
      %swap3A_740 = arith.constant 1 : i32
      %swap3A_741 = arith.index_cast %swap3A_740 : i32 to index
      %swap3A_742 = arith.constant 416 : index
      %swap3A_743 = tpu.vector_load %arg5[%swap3A_741, %swap3A_742] {strides = array<i32>} : memref<2x1000xf32, #tpu.memory_space<vmem>>, vector<16xf32>,
      tpu.vector_store %arg5[%swap3A_741, %swap3A_742], %broadcast_in_dim3A_3 {strides = array<i32>} : memref<2x1000xf32, #tpu.memory_space<vmem>>, vector<16xf32>,
      %swap3A_744 = arith.constant 1 : i32
      %swap3A_745 = arith.index_cast %swap3A_744 : i32 to index
      %swap3A_746 = arith.constant 416 : index
      %swap3A_747 = tpu.vector_load %arg6[%swap3A_745, %swap3A_746] {strides = array<i32>} : memref<2x1000xf32, #tpu.memory_space<vmem>>, vector<16xf32>,
      tpu.vector_store %arg6[%swap3A_745, %swap3A_746], %broadcast_in_dim3A_3 {strides = array<i32>} : memref<2x1000xf32, #tpu.memory_space<vmem>>, vector<16xf32>,
      %swap3A_748 = arith.constant 1 : i32
      %swap3A_749 = arith.index_cast %swap3A_748 : i32 to index
      %swap3A_750 = arith.constant 432 : index
      %swap3A_751 = tpu.vector_load %arg5[%swap3A_749, %swap3A_750] {strides = array<i32>} : memref<2x1000xf32, #tpu.memory_space<vmem>>, vector<16xf32>,
      tpu.vector_store %arg5[%swap3A_749, %swap3A_750], %broadcast_in_dim3A_3 {strides = array<i32>} : memref<2x1000xf32, #tpu.memory_space<vmem>>, vector<16xf32>,
      %swap3A_752 = arith.constant 1 : i32
      %swap3A_753 = arith.index_cast %swap3A_752 : i32 to index
      %swap3A_754 = arith.constant 432 : index
      %swap3A_755 = tpu.vector_load %arg6[%swap3A_753, %swap3A_754] {strides = array<i32>} : memref<2x1000xf32, #tpu.memory_space<vmem>>, vector<16xf32>,
      tpu.vector_store %arg6[%swap3A_753, %swap3A_754], %broadcast_in_dim3A_3 {strides = array<i32>} : memref<2x1000xf32, #tpu.memory_space<vmem>>, vector<16xf32>,
      %swap3A_756 = arith.constant 1 : i32
      %swap3A_757 = arith.index_cast %swap3A_756 : i32 to index
      %swap3A_758 = arith.constant 448 : index
      %swap3A_759 = tpu.vector_load %arg5[%swap3A_757, %swap3A_758] {strides = array<i32>} : memref<2x1000xf32, #tpu.memory_space<vmem>>, vector<16xf32>,
      tpu.vector_store %arg5[%swap3A_757, %swap3A_758], %broadcast_in_dim3A_3 {strides = array<i32>} : memref<2x1000xf32, #tpu.memory_space<vmem>>, vector<16xf32>,
      %swap3A_760 = arith.constant 1 : i32
      %swap3A_761 = arith.index_cast %swap3A_760 : i32 to index
      %swap3A_762 = arith.constant 448 : index
      %swap3A_763 = tpu.vector_load %arg6[%swap3A_761, %swap3A_762] {strides = array<i32>} : memref<2x1000xf32, #tpu.memory_space<vmem>>, vector<16xf32>,
      tpu.vector_store %arg6[%swap3A_761, %swap3A_762], %broadcast_in_dim3A_3 {strides = array<i32>} : memref<2x1000xf32, #tpu.memory_space<vmem>>, vector<16xf32>,
      %swap3A_764 = arith.constant 1 : i32
      %swap3A_765 = arith.index_cast %swap3A_764 : i32 to index
      %swap3A_766 = arith.constant 464 : index
      %swap3A_767 = tpu.vector_load %arg5[%swap3A_765, %swap3A_766] {strides = array<i32>} : memref<2x1000xf32, #tpu.memory_space<vmem>>, vector<16xf32>,
      tpu.vector_store %arg5[%swap3A_765, %swap3A_766], %broadcast_in_dim3A_3 {strides = array<i32>} : memref<2x1000xf32, #tpu.memory_space<vmem>>, vector<16xf32>,
      %swap3A_768 = arith.constant 1 : i32
      %swap3A_769 = arith.index_cast %swap3A_768 : i32 to index
      %swap3A_770 = arith.constant 464 : index
      %swap3A_771 = tpu.vector_load %arg6[%swap3A_769, %swap3A_770] {strides = array<i32>} : memref<2x1000xf32, #tpu.memory_space<vmem>>, vector<16xf32>,
      tpu.vector_store %arg6[%swap3A_769, %swap3A_770], %broadcast_in_dim3A_3 {strides = array<i32>} : memref<2x1000xf32, #tpu.memory_space<vmem>>, vector<16xf32>,
      %swap3A_772 = arith.constant 1 : i32
      %swap3A_773 = arith.index_cast %swap3A_772 : i32 to index
      %swap3A_774 = arith.constant 480 : index
      %swap3A_775 = tpu.vector_load %arg5[%swap3A_773, %swap3A_774] {strides = array<i32>} : memref<2x1000xf32, #tpu.memory_space<vmem>>, vector<16xf32>,
      tpu.vector_store %arg5[%swap3A_773, %swap3A_774], %broadcast_in_dim3A_3 {strides = array<i32>} : memref<2x1000xf32, #tpu.memory_space<vmem>>, vector<16xf32>,
      %swap3A_776 = arith.constant 1 : i32
      %swap3A_777 = arith.index_cast %swap3A_776 : i32 to index
      %swap3A_778 = arith.constant 480 : index
      %swap3A_779 = tpu.vector_load %arg6[%swap3A_777, %swap3A_778] {strides = array<i32>} : memref<2x1000xf32, #tpu.memory_space<vmem>>, vector<16xf32>,
      tpu.vector_store %arg6[%swap3A_777, %swap3A_778], %broadcast_in_dim3A_3 {strides = array<i32>} : memref<2x1000xf32, #tpu.memory_space<vmem>>, vector<16xf32>,
      %swap3A_780 = arith.constant 1 : i32
      %swap3A_781 = arith.index_cast %swap3A_780 : i32 to index
      %swap3A_782 = arith.constant 496 : index
      %swap3A_783 = tpu.vector_load %arg5[%swap3A_781, %swap3A_782] {strides = array<i32>} : memref<2x1000xf32, #tpu.memory_space<vmem>>, vector<16xf32>,
      tpu.vector_store %arg5[%swap3A_781, %swap3A_782], %broadcast_in_dim3A_3 {strides = array<i32>} : memref<2x1000xf32, #tpu.memory_space<vmem>>, vector<16xf32>,
      %swap3A_784 = arith.constant 1 : i32
      %swap3A_785 = arith.index_cast %swap3A_784 : i32 to index
      %swap3A_786 = arith.constant 496 : index
      %swap3A_787 = tpu.vector_load %arg6[%swap3A_785, %swap3A_786] {strides = array<i32>} : memref<2x1000xf32, #tpu.memory_space<vmem>>, vector<16xf32>,
      tpu.vector_store %arg6[%swap3A_785, %swap3A_786], %broadcast_in_dim3A_3 {strides = array<i32>} : memref<2x1000xf32, #tpu.memory_space<vmem>>, vector<16xf32>,
      %swap3A_788 = arith.constant 1 : i32
      %swap3A_789 = arith.index_cast %swap3A_788 : i32 to index
      %swap3A_790 = arith.constant 512 : index
      %swap3A_791 = tpu.vector_load %arg5[%swap3A_789, %swap3A_790] {strides = array<i32>} : memref<2x1000xf32, #tpu.memory_space<vmem>>, vector<16xf32>,
      tpu.vector_store %arg5[%swap3A_789, %swap3A_790], %broadcast_in_dim3A_3 {strides = array<i32>} : memref<2x1000xf32, #tpu.memory_space<vmem>>, vector<16xf32>,
      %swap3A_792 = arith.constant 1 : i32
      %swap3A_793 = arith.index_cast %swap3A_792 : i32 to index
      %swap3A_794 = arith.constant 512 : index
      %swap3A_795 = tpu.vector_load %arg6[%swap3A_793, %swap3A_794] {strides = array<i32>} : memref<2x1000xf32, #tpu.memory_space<vmem>>, vector<16xf32>,
      tpu.vector_store %arg6[%swap3A_793, %swap3A_794], %broadcast_in_dim3A_3 {strides = array<i32>} : memref<2x1000xf32, #tpu.memory_space<vmem>>, vector<16xf32>,
      %swap3A_796 = arith.constant 1 : i32
      %swap3A_797 = arith.index_cast %swap3A_796 : i32 to index
      %swap3A_798 = arith.constant 528 : index
      %swap3A_799 = tpu.vector_load %arg5[%swap3A_797, %swap3A_798] {strides = array<i32>} : memref<2x1000xf32, #tpu.memory_space<vmem>>, vector<16xf32>,
      tpu.vector_store %arg5[%swap3A_797, %swap3A_798], %broadcast_in_dim3A_3 {strides = array<i32>} : memref<2x1000xf32, #tpu.memory_space<vmem>>, vector<16xf32>,
      %swap3A_800 = arith.constant 1 : i32
      %swap3A_801 = arith.index_cast %swap3A_800 : i32 to index
      %swap3A_802 = arith.constant 528 : index
      %swap3A_803 = tpu.vector_load %arg6[%swap3A_801, %swap3A_802] {strides = array<i32>} : memref<2x1000xf32, #tpu.memory_space<vmem>>, vector<16xf32>,
      tpu.vector_store %arg6[%swap3A_801, %swap3A_802], %broadcast_in_dim3A_3 {strides = array<i32>} : memref<2x1000xf32, #tpu.memory_space<vmem>>, vector<16xf32>,
      %swap3A_804 = arith.constant 1 : i32
      %swap3A_805 = arith.index_cast %swap3A_804 : i32 to index
      %swap3A_806 = arith.constant 544 : index
      %swap3A_807 = tpu.vector_load %arg5[%swap3A_805, %swap3A_806] {strides = array<i32>} : memref<2x1000xf32, #tpu.memory_space<vmem>>, vector<16xf32>,
      tpu.vector_store %arg5[%swap3A_805, %swap3A_806], %broadcast_in_dim3A_3 {strides = array<i32>} : memref<2x1000xf32, #tpu.memory_space<vmem>>, vector<16xf32>,
      %swap3A_808 = arith.constant 1 : i32
      %swap3A_809 = arith.index_cast %swap3A_808 : i32 to index
      %swap3A_810 = arith.constant 544 : index
      %swap3A_811 = tpu.vector_load %arg6[%swap3A_809, %swap3A_810] {strides = array<i32>} : memref<2x1000xf32, #tpu.memory_space<vmem>>, vector<16xf32>,
      tpu.vector_store %arg6[%swap3A_809, %swap3A_810], %broadcast_in_dim3A_3 {strides = array<i32>} : memref<2x1000xf32, #tpu.memory_space<vmem>>, vector<16xf32>,
      %swap3A_812 = arith.constant 1 : i32
      %swap3A_813 = arith.index_cast %swap3A_812 : i32 to index
      %swap3A_814 = arith.constant 560 : index
      %swap3A_815 = tpu.vector_load %arg5[%swap3A_813, %swap3A_814] {strides = array<i32>} : memref<2x1000xf32, #tpu.memory_space<vmem>>, vector<16xf32>,
      tpu.vector_store %arg5[%swap3A_813, %swap3A_814], %broadcast_in_dim3A_3 {strides = array<i32>} : memref<2x1000xf32, #tpu.memory_space<vmem>>, vector<16xf32>,
      %swap3A_816 = arith.constant 1 : i32
      %swap3A_817 = arith.index_cast %swap3A_816 : i32 to index
      %swap3A_818 = arith.constant 560 : index
      %swap3A_819 = tpu.vector_load %arg6[%swap3A_817, %swap3A_818] {strides = array<i32>} : memref<2x1000xf32, #tpu.memory_space<vmem>>, vector<16xf32>,
      tpu.vector_store %arg6[%swap3A_817, %swap3A_818], %broadcast_in_dim3A_3 {strides = array<i32>} : memref<2x1000xf32, #tpu.memory_space<vmem>>, vector<16xf32>,
      %swap3A_820 = arith.constant 1 : i32
      %swap3A_821 = arith.index_cast %swap3A_820 : i32 to index
      %swap3A_822 = arith.constant 576 : index
      %swap3A_823 = tpu.vector_load %arg5[%swap3A_821, %swap3A_822] {strides = array<i32>} : memref<2x1000xf32, #tpu.memory_space<vmem>>, vector<16xf32>,
      tpu.vector_store %arg5[%swap3A_821, %swap3A_822], %broadcast_in_dim3A_3 {strides = array<i32>} : memref<2x1000xf32, #tpu.memory_space<vmem>>, vector<16xf32>,
      %swap3A_824 = arith.constant 1 : i32
      %swap3A_825 = arith.index_cast %swap3A_824 : i32 to index
      %swap3A_826 = arith.constant 576 : index
      %swap3A_827 = tpu.vector_load %arg6[%swap3A_825, %swap3A_826] {strides = array<i32>} : memref<2x1000xf32, #tpu.memory_space<vmem>>, vector<16xf32>,
      tpu.vector_store %arg6[%swap3A_825, %swap3A_826], %broadcast_in_dim3A_3 {strides = array<i32>} : memref<2x1000xf32, #tpu.memory_space<vmem>>, vector<16xf32>,
      %swap3A_828 = arith.constant 1 : i32
      %swap3A_829 = arith.index_cast %swap3A_828 : i32 to index
      %swap3A_830 = arith.constant 592 : index
      %swap3A_831 = tpu.vector_load %arg5[%swap3A_829, %swap3A_830] {strides = array<i32>} : memref<2x1000xf32, #tpu.memory_space<vmem>>, vector<16xf32>,
      tpu.vector_store %arg5[%swap3A_829, %swap3A_830], %broadcast_in_dim3A_3 {strides = array<i32>} : memref<2x1000xf32, #tpu.memory_space<vmem>>, vector<16xf32>,
      %swap3A_832 = arith.constant 1 : i32
      %swap3A_833 = arith.index_cast %swap3A_832 : i32 to index
      %swap3A_834 = arith.constant 592 : index
      %swap3A_835 = tpu.vector_load %arg6[%swap3A_833, %swap3A_834] {strides = array<i32>} : memref<2x1000xf32, #tpu.memory_space<vmem>>, vector<16xf32>,
      tpu.vector_store %arg6[%swap3A_833, %swap3A_834], %broadcast_in_dim3A_3 {strides = array<i32>} : memref<2x1000xf32, #tpu.memory_space<vmem>>, vector<16xf32>,
      %swap3A_836 = arith.constant 1 : i32
      %swap3A_837 = arith.index_cast %swap3A_836 : i32 to index
      %swap3A_838 = arith.constant 608 : index
      %swap3A_839 = tpu.vector_load %arg5[%swap3A_837, %swap3A_838] {strides = array<i32>} : memref<2x1000xf32, #tpu.memory_space<vmem>>, vector<16xf32>,
      tpu.vector_store %arg5[%swap3A_837, %swap3A_838], %broadcast_in_dim3A_3 {strides = array<i32>} : memref<2x1000xf32, #tpu.memory_space<vmem>>, vector<16xf32>,
      %swap3A_840 = arith.constant 1 : i32
      %swap3A_841 = arith.index_cast %swap3A_840 : i32 to index
      %swap3A_842 = arith.constant 608 : index
      %swap3A_843 = tpu.vector_load %arg6[%swap3A_841, %swap3A_842] {strides = array<i32>} : memref<2x1000xf32, #tpu.memory_space<vmem>>, vector<16xf32>,
      tpu.vector_store %arg6[%swap3A_841, %swap3A_842], %broadcast_in_dim3A_3 {strides = array<i32>} : memref<2x1000xf32, #tpu.memory_space<vmem>>, vector<16xf32>,
      %swap3A_844 = arith.constant 1 : i32
      %swap3A_845 = arith.index_cast %swap3A_844 : i32 to index
      %swap3A_846 = arith.constant 624 : index
      %swap3A_847 = tpu.vector_load %arg5[%swap3A_845, %swap3A_846] {strides = array<i32>} : memref<2x1000xf32, #tpu.memory_space<vmem>>, vector<16xf32>,
      tpu.vector_store %arg5[%swap3A_845, %swap3A_846], %broadcast_in_dim3A_3 {strides = array<i32>} : memref<2x1000xf32, #tpu.memory_space<vmem>>, vector<16xf32>,
      %swap3A_848 = arith.constant 1 : i32
      %swap3A_849 = arith.index_cast %swap3A_848 : i32 to index
      %swap3A_850 = arith.constant 624 : index
      %swap3A_851 = tpu.vector_load %arg6[%swap3A_849, %swap3A_850] {strides = array<i32>} : memref<2x1000xf32, #tpu.memory_space<vmem>>, vector<16xf32>,
      tpu.vector_store %arg6[%swap3A_849, %swap3A_850], %broadcast_in_dim3A_3 {strides = array<i32>} : memref<2x1000xf32, #tpu.memory_space<vmem>>, vector<16xf32>,
      %swap3A_852 = arith.constant 1 : i32
      %swap3A_853 = arith.index_cast %swap3A_852 : i32 to index
      %swap3A_854 = arith.constant 640 : index
      %swap3A_855 = tpu.vector_load %arg5[%swap3A_853, %swap3A_854] {strides = array<i32>} : memref<2x1000xf32, #tpu.memory_space<vmem>>, vector<16xf32>,
      tpu.vector_store %arg5[%swap3A_853, %swap3A_854], %broadcast_in_dim3A_3 {strides = array<i32>} : memref<2x1000xf32, #tpu.memory_space<vmem>>, vector<16xf32>,
      %swap3A_856 = arith.constant 1 : i32
      %swap3A_857 = arith.index_cast %swap3A_856 : i32 to index
      %swap3A_858 = arith.constant 640 : index
      %swap3A_859 = tpu.vector_load %arg6[%swap3A_857, %swap3A_858] {strides = array<i32>} : memref<2x1000xf32, #tpu.memory_space<vmem>>, vector<16xf32>,
      tpu.vector_store %arg6[%swap3A_857, %swap3A_858], %broadcast_in_dim3A_3 {strides = array<i32>} : memref<2x1000xf32, #tpu.memory_space<vmem>>, vector<16xf32>,
      %swap3A_860 = arith.constant 1 : i32
      %swap3A_861 = arith.index_cast %swap3A_860 : i32 to index
      %swap3A_862 = arith.constant 656 : index
      %swap3A_863 = tpu.vector_load %arg5[%swap3A_861, %swap3A_862] {strides = array<i32>} : memref<2x1000xf32, #tpu.memory_space<vmem>>, vector<16xf32>,
      tpu.vector_store %arg5[%swap3A_861, %swap3A_862], %broadcast_in_dim3A_3 {strides = array<i32>} : memref<2x1000xf32, #tpu.memory_space<vmem>>, vector<16xf32>,
      %swap3A_864 = arith.constant 1 : i32
      %swap3A_865 = arith.index_cast %swap3A_864 : i32 to index
      %swap3A_866 = arith.constant 656 : index
      %swap3A_867 = tpu.vector_load %arg6[%swap3A_865, %swap3A_866] {strides = array<i32>} : memref<2x1000xf32, #tpu.memory_space<vmem>>, vector<16xf32>,
      tpu.vector_store %arg6[%swap3A_865, %swap3A_866], %broadcast_in_dim3A_3 {strides = array<i32>} : memref<2x1000xf32, #tpu.memory_space<vmem>>, vector<16xf32>,
      %swap3A_868 = arith.constant 1 : i32
      %swap3A_869 = arith.index_cast %swap3A_868 : i32 to index
      %swap3A_870 = arith.constant 672 : index
      %swap3A_871 = tpu.vector_load %arg5[%swap3A_869, %swap3A_870] {strides = array<i32>} : memref<2x1000xf32, #tpu.memory_space<vmem>>, vector<16xf32>,
      tpu.vector_store %arg5[%swap3A_869, %swap3A_870], %broadcast_in_dim3A_3 {strides = array<i32>} : memref<2x1000xf32, #tpu.memory_space<vmem>>, vector<16xf32>,
      %swap3A_872 = arith.constant 1 : i32
      %swap3A_873 = arith.index_cast %swap3A_872 : i32 to index
      %swap3A_874 = arith.constant 672 : index
      %swap3A_875 = tpu.vector_load %arg6[%swap3A_873, %swap3A_874] {strides = array<i32>} : memref<2x1000xf32, #tpu.memory_space<vmem>>, vector<16xf32>,
      tpu.vector_store %arg6[%swap3A_873, %swap3A_874], %broadcast_in_dim3A_3 {strides = array<i32>} : memref<2x1000xf32, #tpu.memory_space<vmem>>, vector<16xf32>,
      %swap3A_876 = arith.constant 1 : i32
      %swap3A_877 = arith.index_cast %swap3A_876 : i32 to index
      %swap3A_878 = arith.constant 688 : index
      %swap3A_879 = tpu.vector_load %arg5[%swap3A_877, %swap3A_878] {strides = array<i32>} : memref<2x1000xf32, #tpu.memory_space<vmem>>, vector<16xf32>,
      tpu.vector_store %arg5[%swap3A_877, %swap3A_878], %broadcast_in_dim3A_3 {strides = array<i32>} : memref<2x1000xf32, #tpu.memory_space<vmem>>, vector<16xf32>,
      %swap3A_880 = arith.constant 1 : i32
      %swap3A_881 = arith.index_cast %swap3A_880 : i32 to index
      %swap3A_882 = arith.constant 688 : index
      %swap3A_883 = tpu.vector_load %arg6[%swap3A_881, %swap3A_882] {strides = array<i32>} : memref<2x1000xf32, #tpu.memory_space<vmem>>, vector<16xf32>,
      tpu.vector_store %arg6[%swap3A_881, %swap3A_882], %broadcast_in_dim3A_3 {strides = array<i32>} : memref<2x1000xf32, #tpu.memory_space<vmem>>, vector<16xf32>,
      %swap3A_884 = arith.constant 1 : i32
      %swap3A_885 = arith.index_cast %swap3A_884 : i32 to index
      %swap3A_886 = arith.constant 704 : index
      %swap3A_887 = tpu.vector_load %arg5[%swap3A_885, %swap3A_886] {strides = array<i32>} : memref<2x1000xf32, #tpu.memory_space<vmem>>, vector<16xf32>,
      tpu.vector_store %arg5[%swap3A_885, %swap3A_886], %broadcast_in_dim3A_3 {strides = array<i32>} : memref<2x1000xf32, #tpu.memory_space<vmem>>, vector<16xf32>,
      %swap3A_888 = arith.constant 1 : i32
      %swap3A_889 = arith.index_cast %swap3A_888 : i32 to index
      %swap3A_890 = arith.constant 704 : index
      %swap3A_891 = tpu.vector_load %arg6[%swap3A_889, %swap3A_890] {strides = array<i32>} : memref<2x1000xf32, #tpu.memory_space<vmem>>, vector<16xf32>,
      tpu.vector_store %arg6[%swap3A_889, %swap3A_890], %broadcast_in_dim3A_3 {strides = array<i32>} : memref<2x1000xf32, #tpu.memory_space<vmem>>, vector<16xf32>,
      %swap3A_892 = arith.constant 1 : i32
      %swap3A_893 = arith.index_cast %swap3A_892 : i32 to index
      %swap3A_894 = arith.constant 720 : index
      %swap3A_895 = tpu.vector_load %arg5[%swap3A_893, %swap3A_894] {strides = array<i32>} : memref<2x1000xf32, #tpu.memory_space<vmem>>, vector<16xf32>,
      tpu.vector_store %arg5[%swap3A_893, %swap3A_894], %broadcast_in_dim3A_3 {strides = array<i32>} : memref<2x1000xf32, #tpu.memory_space<vmem>>, vector<16xf32>,
      %swap3A_896 = arith.constant 1 : i32
      %swap3A_897 = arith.index_cast %swap3A_896 : i32 to index
      %swap3A_898 = arith.constant 720 : index
      %swap3A_899 = tpu.vector_load %arg6[%swap3A_897, %swap3A_898] {strides = array<i32>} : memref<2x1000xf32, #tpu.memory_space<vmem>>, vector<16xf32>,
      tpu.vector_store %arg6[%swap3A_897, %swap3A_898], %broadcast_in_dim3A_3 {strides = array<i32>} : memref<2x1000xf32, #tpu.memory_space<vmem>>, vector<16xf32>,
      %swap3A_900 = arith.constant 1 : i32
      %swap3A_901 = arith.index_cast %swap3A_900 : i32 to index
      %swap3A_902 = arith.constant 736 : index
      %swap3A_903 = tpu.vector_load %arg5[%swap3A_901, %swap3A_902] {strides = array<i32>} : memref<2x1000xf32, #tpu.memory_space<vmem>>, vector<16xf32>,
      tpu.vector_store %arg5[%swap3A_901, %swap3A_902], %broadcast_in_dim3A_3 {strides = array<i32>} : memref<2x1000xf32, #tpu.memory_space<vmem>>, vector<16xf32>,
      %swap3A_904 = arith.constant 1 : i32
      %swap3A_905 = arith.index_cast %swap3A_904 : i32 to index
      %swap3A_906 = arith.constant 736 : index
      %swap3A_907 = tpu.vector_load %arg6[%swap3A_905, %swap3A_906] {strides = array<i32>} : memref<2x1000xf32, #tpu.memory_space<vmem>>, vector<16xf32>,
      tpu.vector_store %arg6[%swap3A_905, %swap3A_906], %broadcast_in_dim3A_3 {strides = array<i32>} : memref<2x1000xf32, #tpu.memory_space<vmem>>, vector<16xf32>,
      %swap3A_908 = arith.constant 1 : i32
      %swap3A_909 = arith.index_cast %swap3A_908 : i32 to index
      %swap3A_910 = arith.constant 752 : index
      %swap3A_911 = tpu.vector_load %arg5[%swap3A_909, %swap3A_910] {strides = array<i32>} : memref<2x1000xf32, #tpu.memory_space<vmem>>, vector<16xf32>,
      tpu.vector_store %arg5[%swap3A_909, %swap3A_910], %broadcast_in_dim3A_3 {strides = array<i32>} : memref<2x1000xf32, #tpu.memory_space<vmem>>, vector<16xf32>,
      %swap3A_912 = arith.constant 1 : i32
      %swap3A_913 = arith.index_cast %swap3A_912 : i32 to index
      %swap3A_914 = arith.constant 752 : index
      %swap3A_915 = tpu.vector_load %arg6[%swap3A_913, %swap3A_914] {strides = array<i32>} : memref<2x1000xf32, #tpu.memory_space<vmem>>, vector<16xf32>,
      tpu.vector_store %arg6[%swap3A_913, %swap3A_914], %broadcast_in_dim3A_3 {strides = array<i32>} : memref<2x1000xf32, #tpu.memory_space<vmem>>, vector<16xf32>,
      %swap3A_916 = arith.constant 1 : i32
      %swap3A_917 = arith.index_cast %swap3A_916 : i32 to index
      %swap3A_918 = arith.constant 768 : index
      %swap3A_919 = tpu.vector_load %arg5[%swap3A_917, %swap3A_918] {strides = array<i32>} : memref<2x1000xf32, #tpu.memory_space<vmem>>, vector<16xf32>,
      tpu.vector_store %arg5[%swap3A_917, %swap3A_918], %broadcast_in_dim3A_3 {strides = array<i32>} : memref<2x1000xf32, #tpu.memory_space<vmem>>, vector<16xf32>,
      %swap3A_920 = arith.constant 1 : i32
      %swap3A_921 = arith.index_cast %swap3A_920 : i32 to index
      %swap3A_922 = arith.constant 768 : index
      %swap3A_923 = tpu.vector_load %arg6[%swap3A_921, %swap3A_922] {strides = array<i32>} : memref<2x1000xf32, #tpu.memory_space<vmem>>, vector<16xf32>,
      tpu.vector_store %arg6[%swap3A_921, %swap3A_922], %broadcast_in_dim3A_3 {strides = array<i32>} : memref<2x1000xf32, #tpu.memory_space<vmem>>, vector<16xf32>,
      %swap3A_924 = arith.constant 1 : i32
      %swap3A_925 = arith.index_cast %swap3A_924 : i32 to index
      %swap3A_926 = arith.constant 784 : index
      %swap3A_927 = tpu.vector_load %arg5[%swap3A_925, %swap3A_926] {strides = array<i32>} : memref<2x1000xf32, #tpu.memory_space<vmem>>, vector<16xf32>,
      tpu.vector_store %arg5[%swap3A_925, %swap3A_926], %broadcast_in_dim3A_3 {strides = array<i32>} : memref<2x1000xf32, #tpu.memory_space<vmem>>, vector<16xf32>,
      %swap3A_928 = arith.constant 1 : i32
      %swap3A_929 = arith.index_cast %swap3A_928 : i32 to index
      %swap3A_930 = arith.constant 784 : index
      %swap3A_931 = tpu.vector_load %arg6[%swap3A_929, %swap3A_930] {strides = array<i32>} : memref<2x1000xf32, #tpu.memory_space<vmem>>, vector<16xf32>,
      tpu.vector_store %arg6[%swap3A_929, %swap3A_930], %broadcast_in_dim3A_3 {strides = array<i32>} : memref<2x1000xf32, #tpu.memory_space<vmem>>, vector<16xf32>,
      %swap3A_932 = arith.constant 1 : i32
      %swap3A_933 = arith.index_cast %swap3A_932 : i32 to index
      %swap3A_934 = arith.constant 800 : index
      %swap3A_935 = tpu.vector_load %arg5[%swap3A_933, %swap3A_934] {strides = array<i32>} : memref<2x1000xf32, #tpu.memory_space<vmem>>, vector<16xf32>,
      tpu.vector_store %arg5[%swap3A_933, %swap3A_934], %broadcast_in_dim3A_3 {strides = array<i32>} : memref<2x1000xf32, #tpu.memory_space<vmem>>, vector<16xf32>,
      %swap3A_936 = arith.constant 1 : i32
      %swap3A_937 = arith.index_cast %swap3A_936 : i32 to index
      %swap3A_938 = arith.constant 800 : index
      %swap3A_939 = tpu.vector_load %arg6[%swap3A_937, %swap3A_938] {strides = array<i32>} : memref<2x1000xf32, #tpu.memory_space<vmem>>, vector<16xf32>,
      tpu.vector_store %arg6[%swap3A_937, %swap3A_938], %broadcast_in_dim3A_3 {strides = array<i32>} : memref<2x1000xf32, #tpu.memory_space<vmem>>, vector<16xf32>,
      %swap3A_940 = arith.constant 1 : i32
      %swap3A_941 = arith.index_cast %swap3A_940 : i32 to index
      %swap3A_942 = arith.constant 816 : index
      %swap3A_943 = tpu.vector_load %arg5[%swap3A_941, %swap3A_942] {strides = array<i32>} : memref<2x1000xf32, #tpu.memory_space<vmem>>, vector<16xf32>,
      tpu.vector_store %arg5[%swap3A_941, %swap3A_942], %broadcast_in_dim3A_3 {strides = array<i32>} : memref<2x1000xf32, #tpu.memory_space<vmem>>, vector<16xf32>,
      %swap3A_944 = arith.constant 1 : i32
      %swap3A_945 = arith.index_cast %swap3A_944 : i32 to index
      %swap3A_946 = arith.constant 816 : index
      %swap3A_947 = tpu.vector_load %arg6[%swap3A_945, %swap3A_946] {strides = array<i32>} : memref<2x1000xf32, #tpu.memory_space<vmem>>, vector<16xf32>,
      tpu.vector_store %arg6[%swap3A_945, %swap3A_946], %broadcast_in_dim3A_3 {strides = array<i32>} : memref<2x1000xf32, #tpu.memory_space<vmem>>, vector<16xf32>,
      %swap3A_948 = arith.constant 1 : i32
      %swap3A_949 = arith.index_cast %swap3A_948 : i32 to index
      %swap3A_950 = arith.constant 832 : index
      %swap3A_951 = tpu.vector_load %arg5[%swap3A_949, %swap3A_950] {strides = array<i32>} : memref<2x1000xf32, #tpu.memory_space<vmem>>, vector<16xf32>,
      tpu.vector_store %arg5[%swap3A_949, %swap3A_950], %broadcast_in_dim3A_3 {strides = array<i32>} : memref<2x1000xf32, #tpu.memory_space<vmem>>, vector<16xf32>,
      %swap3A_952 = arith.constant 1 : i32
      %swap3A_953 = arith.index_cast %swap3A_952 : i32 to index
      %swap3A_954 = arith.constant 832 : index
      %swap3A_955 = tpu.vector_load %arg6[%swap3A_953, %swap3A_954] {strides = array<i32>} : memref<2x1000xf32, #tpu.memory_space<vmem>>, vector<16xf32>,
      tpu.vector_store %arg6[%swap3A_953, %swap3A_954], %broadcast_in_dim3A_3 {strides = array<i32>} : memref<2x1000xf32, #tpu.memory_space<vmem>>, vector<16xf32>,
      %swap3A_956 = arith.constant 1 : i32
      %swap3A_957 = arith.index_cast %swap3A_956 : i32 to index
      %swap3A_958 = arith.constant 848 : index
      %swap3A_959 = tpu.vector_load %arg5[%swap3A_957, %swap3A_958] {strides = array<i32>} : memref<2x1000xf32, #tpu.memory_space<vmem>>, vector<16xf32>,
      tpu.vector_store %arg5[%swap3A_957, %swap3A_958], %broadcast_in_dim3A_3 {strides = array<i32>} : memref<2x1000xf32, #tpu.memory_space<vmem>>, vector<16xf32>,
      %swap3A_960 = arith.constant 1 : i32
      %swap3A_961 = arith.index_cast %swap3A_960 : i32 to index
      %swap3A_962 = arith.constant 848 : index
      %swap3A_963 = tpu.vector_load %arg6[%swap3A_961, %swap3A_962] {strides = array<i32>} : memref<2x1000xf32, #tpu.memory_space<vmem>>, vector<16xf32>,
      tpu.vector_store %arg6[%swap3A_961, %swap3A_962], %broadcast_in_dim3A_3 {strides = array<i32>} : memref<2x1000xf32, #tpu.memory_space<vmem>>, vector<16xf32>,
      %swap3A_964 = arith.constant 1 : i32
      %swap3A_965 = arith.index_cast %swap3A_964 : i32 to index
      %swap3A_966 = arith.constant 864 : index
      %swap3A_967 = tpu.vector_load %arg5[%swap3A_965, %swap3A_966] {strides = array<i32>} : memref<2x1000xf32, #tpu.memory_space<vmem>>, vector<16xf32>,
      tpu.vector_store %arg5[%swap3A_965, %swap3A_966], %broadcast_in_dim3A_3 {strides = array<i32>} : memref<2x1000xf32, #tpu.memory_space<vmem>>, vector<16xf32>,
      %swap3A_968 = arith.constant 1 : i32
      %swap3A_969 = arith.index_cast %swap3A_968 : i32 to index
      %swap3A_970 = arith.constant 864 : index
      %swap3A_971 = tpu.vector_load %arg6[%swap3A_969, %swap3A_970] {strides = array<i32>} : memref<2x1000xf32, #tpu.memory_space<vmem>>, vector<16xf32>,
      tpu.vector_store %arg6[%swap3A_969, %swap3A_970], %broadcast_in_dim3A_3 {strides = array<i32>} : memref<2x1000xf32, #tpu.memory_space<vmem>>, vector<16xf32>,
      %swap3A_972 = arith.constant 1 : i32
      %swap3A_973 = arith.index_cast %swap3A_972 : i32 to index
      %swap3A_974 = arith.constant 880 : index
      %swap3A_975 = tpu.vector_load %arg5[%swap3A_973, %swap3A_974] {strides = array<i32>} : memref<2x1000xf32, #tpu.memory_space<vmem>>, vector<16xf32>,
      tpu.vector_store %arg5[%swap3A_973, %swap3A_974], %broadcast_in_dim3A_3 {strides = array<i32>} : memref<2x1000xf32, #tpu.memory_space<vmem>>, vector<16xf32>,
      %swap3A_976 = arith.constant 1 : i32
      %swap3A_977 = arith.index_cast %swap3A_976 : i32 to index
      %swap3A_978 = arith.constant 880 : index
      %swap3A_979 = tpu.vector_load %arg6[%swap3A_977, %swap3A_978] {strides = array<i32>} : memref<2x1000xf32, #tpu.memory_space<vmem>>, vector<16xf32>,
      tpu.vector_store %arg6[%swap3A_977, %swap3A_978], %broadcast_in_dim3A_3 {strides = array<i32>} : memref<2x1000xf32, #tpu.memory_space<vmem>>, vector<16xf32>,
      %swap3A_980 = arith.constant 1 : i32
      %swap3A_981 = arith.index_cast %swap3A_980 : i32 to index
      %swap3A_982 = arith.constant 896 : index
      %swap3A_983 = tpu.vector_load %arg5[%swap3A_981, %swap3A_982] {strides = array<i32>} : memref<2x1000xf32, #tpu.memory_space<vmem>>, vector<16xf32>,
      tpu.vector_store %arg5[%swap3A_981, %swap3A_982], %broadcast_in_dim3A_3 {strides = array<i32>} : memref<2x1000xf32, #tpu.memory_space<vmem>>, vector<16xf32>,
      %swap3A_984 = arith.constant 1 : i32
      %swap3A_985 = arith.index_cast %swap3A_984 : i32 to index
      %swap3A_986 = arith.constant 896 : index
      %swap3A_987 = tpu.vector_load %arg6[%swap3A_985, %swap3A_986] {strides = array<i32>} : memref<2x1000xf32, #tpu.memory_space<vmem>>, vector<16xf32>,
      tpu.vector_store %arg6[%swap3A_985, %swap3A_986], %broadcast_in_dim3A_3 {strides = array<i32>} : memref<2x1000xf32, #tpu.memory_space<vmem>>, vector<16xf32>,
      %swap3A_988 = arith.constant 1 : i32
      %swap3A_989 = arith.index_cast %swap3A_988 : i32 to index
      %swap3A_990 = arith.constant 912 : index
      %swap3A_991 = tpu.vector_load %arg5[%swap3A_989, %swap3A_990] {strides = array<i32>} : memref<2x1000xf32, #tpu.memory_space<vmem>>, vector<16xf32>,
      tpu.vector_store %arg5[%swap3A_989, %swap3A_990], %broadcast_in_dim3A_3 {strides = array<i32>} : memref<2x1000xf32, #tpu.memory_space<vmem>>, vector<16xf32>,
      %swap3A_992 = arith.constant 1 : i32
      %swap3A_993 = arith.index_cast %swap3A_992 : i32 to index
      %swap3A_994 = arith.constant 912 : index
      %swap3A_995 = tpu.vector_load %arg6[%swap3A_993, %swap3A_994] {strides = array<i32>} : memref<2x1000xf32, #tpu.memory_space<vmem>>, vector<16xf32>,
      tpu.vector_store %arg6[%swap3A_993, %swap3A_994], %broadcast_in_dim3A_3 {strides = array<i32>} : memref<2x1000xf32, #tpu.memory_space<vmem>>, vector<16xf32>,
      %swap3A_996 = arith.constant 1 : i32
      %swap3A_997 = arith.index_cast %swap3A_996 : i32 to index
      %swap3A_998 = arith.constant 928 : index
      %swap3A_999 = tpu.vector_load %arg5[%swap3A_997, %swap3A_998] {strides = array<i32>} : memref<2x1000xf32, #tpu.memory_space<vmem>>, vector<16xf32>,
      tpu.vector_store %arg5[%swap3A_997, %swap3A_998], %broadcast_in_dim3A_3 {strides = array<i32>} : memref<2x1000xf32, #tpu.memory_space<vmem>>, vector<16xf32>,
      %swap3A_1000 = arith.constant 1 : i32
      %swap3A_1001 = arith.index_cast %swap3A_1000 : i32 to index
      %swap3A_1002 = arith.constant 928 : index
      %swap3A_1003 = tpu.vector_load %arg6[%swap3A_1001, %swap3A_1002] {strides = array<i32>} : memref<2x1000xf32, #tpu.memory_space<vmem>>, vector<16xf32>,
      tpu.vector_store %arg6[%swap3A_1001, %swap3A_1002], %broadcast_in_dim3A_3 {strides = array<i32>} : memref<2x1000xf32, #tpu.memory_space<vmem>>, vector<16xf32>,
      %swap3A_1004 = arith.constant 1 : i32
      %swap3A_1005 = arith.index_cast %swap3A_1004 : i32 to index
      %swap3A_1006 = arith.constant 944 : index
      %swap3A_1007 = tpu.vector_load %arg5[%swap3A_1005, %swap3A_1006] {strides = array<i32>} : memref<2x1000xf32, #tpu.memory_space<vmem>>, vector<16xf32>,
      tpu.vector_store %arg5[%swap3A_1005, %swap3A_1006], %broadcast_in_dim3A_3 {strides = array<i32>} : memref<2x1000xf32, #tpu.memory_space<vmem>>, vector<16xf32>,
      %swap3A_1008 = arith.constant 1 : i32
      %swap3A_1009 = arith.index_cast %swap3A_1008 : i32 to index
      %swap3A_1010 = arith.constant 944 : index
      %swap3A_1011 = tpu.vector_load %arg6[%swap3A_1009, %swap3A_1010] {strides = array<i32>} : memref<2x1000xf32, #tpu.memory_space<vmem>>, vector<16xf32>,
      tpu.vector_store %arg6[%swap3A_1009, %swap3A_1010], %broadcast_in_dim3A_3 {strides = array<i32>} : memref<2x1000xf32, #tpu.memory_space<vmem>>, vector<16xf32>,
      %swap3A_1012 = arith.constant 1 : i32
      %swap3A_1013 = arith.index_cast %swap3A_1012 : i32 to index
      %swap3A_1014 = arith.constant 960 : index
      %swap3A_1015 = tpu.vector_load %arg5[%swap3A_1013, %swap3A_1014] {strides = array<i32>} : memref<2x1000xf32, #tpu.memory_space<vmem>>, vector<16xf32>,
      tpu.vector_store %arg5[%swap3A_1013, %swap3A_1014], %broadcast_in_dim3A_3 {strides = array<i32>} : memref<2x1000xf32, #tpu.memory_space<vmem>>, vector<16xf32>,
      %swap3A_1016 = arith.constant 1 : i32
      %swap3A_1017 = arith.index_cast %swap3A_1016 : i32 to index
      %swap3A_1018 = arith.constant 960 : index
      %swap3A_1019 = tpu.vector_load %arg6[%swap3A_1017, %swap3A_1018] {strides = array<i32>} : memref<2x1000xf32, #tpu.memory_space<vmem>>, vector<16xf32>,
      tpu.vector_store %arg6[%swap3A_1017, %swap3A_1018], %broadcast_in_dim3A_3 {strides = array<i32>} : memref<2x1000xf32, #tpu.memory_space<vmem>>, vector<16xf32>,
      %swap3A_1020 = arith.constant 1 : i32
      %swap3A_1021 = arith.index_cast %swap3A_1020 : i32 to index
      %swap3A_1022 = arith.constant 976 : index
      %swap3A_1023 = tpu.vector_load %arg5[%swap3A_1021, %swap3A_1022] {strides = array<i32>} : memref<2x1000xf32, #tpu.memory_space<vmem>>, vector<16xf32>,
      tpu.vector_store %arg5[%swap3A_1021, %swap3A_1022], %broadcast_in_dim3A_3 {strides = array<i32>} : memref<2x1000xf32, #tpu.memory_space<vmem>>, vector<16xf32>,
      %swap3A_1024 = arith.constant 1 : i32
      %swap3A_1025 = arith.index_cast %swap3A_1024 : i32 to index
      %swap3A_1026 = arith.constant 976 : index
      %swap3A_1027 = tpu.vector_load %arg6[%swap3A_1025, %swap3A_1026] {strides = array<i32>} : memref<2x1000xf32, #tpu.memory_space<vmem>>, vector<16xf32>,
      tpu.vector_store %arg6[%swap3A_1025, %swap3A_1026], %broadcast_in_dim3A_3 {strides = array<i32>} : memref<2x1000xf32, #tpu.memory_space<vmem>>, vector<16xf32>,
      %swap3A_1028 = arith.constant 1 : i32
      %swap3A_1029 = arith.index_cast %swap3A_1028 : i32 to index
      %swap3A_1030 = arith.constant 984 : index
      %swap3A_1031 = tpu.vector_load %arg5[%swap3A_1029, %swap3A_1030] {strides = array<i32>} : memref<2x1000xf32, #tpu.memory_space<vmem>>, vector<16xf32>,
      tpu.vector_store %arg5[%swap3A_1029, %swap3A_1030], %broadcast_in_dim3A_3 {strides = array<i32>} : memref<2x1000xf32, #tpu.memory_space<vmem>>, vector<16xf32>,
      %swap3A_1032 = arith.constant 1 : i32
      %swap3A_1033 = arith.index_cast %swap3A_1032 : i32 to index
      %swap3A_1034 = arith.constant 984 : index
      %swap3A_1035 = tpu.vector_load %arg6[%swap3A_1033, %swap3A_1034] {strides = array<i32>} : memref<2x1000xf32, #tpu.memory_space<vmem>>, vector<16xf32>,
      tpu.vector_store %arg6[%swap3A_1033, %swap3A_1034], %broadcast_in_dim3A_3 {strides = array<i32>} : memref<2x1000xf32, #tpu.memory_space<vmem>>, vector<16xf32>,
      %mul3A_1036 = arith.constant 2 : i32
      %mul3A_1037 = arith.muli %scan3A_25, %mul3A_1036 : i32
      %add3A_1038 = arith.constant 0 : i32
      %add3A_1039 = arith.addi %mul3A_1037, %add3A_1038 : i32
      %mul3A_1040 = arith.constant 2 : i32
      %mul3A_1041 = arith.muli %add3A_1039, %mul3A_1040 : i32
      %add3A_1042 = arith.constant 0 : i32
      %add3A_1043 = arith.addi %mul3A_1041, %add3A_1042 : i32
      %get3A = arith.index_cast %add3A_1043 : i32 to index
      %get3A_1044 = arith.constant 0 : index
      %get3A_1045 = tpu.vector_load %arg4[%get3A, %get3A_1044] {strides = array<i32>} : memref<64x200xi32, #tpu.memory_space<vmem>>, vector<16xi32>,
      %get3A_1046 = arith.index_cast %add3A_1043 : i32 to index
      %get3A_1047 = arith.constant 16 : index
      %get3A_1048 = tpu.vector_load %arg4[%get3A_1046, %get3A_1047] {strides = array<i32>} : memref<64x200xi32, #tpu.memory_space<vmem>>, vector<16xi32>,
      %get3A_1049 = arith.index_cast %add3A_1043 : i32 to index
      %get3A_1050 = arith.constant 32 : index
      %get3A_1051 = tpu.vector_load %arg4[%get3A_1049, %get3A_1050] {strides = array<i32>} : memref<64x200xi32, #tpu.memory_space<vmem>>, vector<16xi32>,
      %get3A_1052 = arith.index_cast %add3A_1043 : i32 to index
      %get3A_1053 = arith.constant 48 : index
      %get3A_1054 = tpu.vector_load %arg4[%get3A_1052, %get3A_1053] {strides = array<i32>} : memref<64x200xi32, #tpu.memory_space<vmem>>, vector<16xi32>,
      %get3A_1055 = arith.index_cast %add3A_1043 : i32 to index
      %get3A_1056 = arith.constant 64 : index
      %get3A_1057 = tpu.vector_load %arg4[%get3A_1055, %get3A_1056] {strides = array<i32>} : memref<64x200xi32, #tpu.memory_space<vmem>>, vector<16xi32>,
      %get3A_1058 = arith.index_cast %add3A_1043 : i32 to index
      %get3A_1059 = arith.constant 80 : index
      %get3A_1060 = tpu.vector_load %arg4[%get3A_1058, %get3A_1059] {strides = array<i32>} : memref<64x200xi32, #tpu.memory_space<vmem>>, vector<16xi32>,
      %get3A_1061 = arith.index_cast %add3A_1043 : i32 to index
      %get3A_1062 = arith.constant 96 : index
      %get3A_1063 = tpu.vector_load %arg4[%get3A_1061, %get3A_1062] {strides = array<i32>} : memref<64x200xi32, #tpu.memory_space<vmem>>, vector<16xi32>,
      %get3A_1064 = arith.index_cast %add3A_1043 : i32 to index
      %get3A_1065 = arith.constant 112 : index
      %get3A_1066 = tpu.vector_load %arg4[%get3A_1064, %get3A_1065] {strides = array<i32>} : memref<64x200xi32, #tpu.memory_space<vmem>>, vector<16xi32>,
      %get3A_1067 = arith.index_cast %add3A_1043 : i32 to index
      %get3A_1068 = arith.constant 128 : index
      %get3A_1069 = tpu.vector_load %arg4[%get3A_1067, %get3A_1068] {strides = array<i32>} : memref<64x200xi32, #tpu.memory_space<vmem>>, vector<16xi32>,
      %get3A_1070 = arith.index_cast %add3A_1043 : i32 to index
      %get3A_1071 = arith.constant 144 : index
      %get3A_1072 = tpu.vector_load %arg4[%get3A_1070, %get3A_1071] {strides = array<i32>} : memref<64x200xi32, #tpu.memory_space<vmem>>, vector<16xi32>,
      %get3A_1073 = arith.index_cast %add3A_1043 : i32 to index
      %get3A_1074 = arith.constant 160 : index
      %get3A_1075 = tpu.vector_load %arg4[%get3A_1073, %get3A_1074] {strides = array<i32>} : memref<64x200xi32, #tpu.memory_space<vmem>>, vector<16xi32>,
      %get3A_1076 = arith.index_cast %add3A_1043 : i32 to index
      %get3A_1077 = arith.constant 176 : index
      %get3A_1078 = tpu.vector_load %arg4[%get3A_1076, %get3A_1077] {strides = array<i32>} : memref<64x200xi32, #tpu.memory_space<vmem>>, vector<16xi32>,
      %get3A_1079 = arith.index_cast %add3A_1043 : i32 to index
      %get3A_1080 = arith.constant 184 : index
      %get3A_1081 = tpu.vector_load %arg4[%get3A_1079, %get3A_1080] {strides = array<i32>} : memref<64x200xi32, #tpu.memory_space<vmem>>, vector<16xi32>,
      %mul3A_1082 = arith.constant 2 : i32
      %mul3A_1083 = arith.muli %scan3A_25, %mul3A_1082 : i32
      %add3A_1084 = arith.constant 1 : i32
      %add3A_1085 = arith.addi %mul3A_1083, %add3A_1084 : i32
      %mul3A_1086 = arith.constant 2 : i32
      %mul3A_1087 = arith.muli %add3A_1085, %mul3A_1086 : i32
      %add3A_1088 = arith.constant 0 : i32
      %add3A_1089 = arith.addi %mul3A_1087, %add3A_1088 : i32
      %get3A_1090 = arith.index_cast %add3A_1089 : i32 to index
      %get3A_1091 = arith.constant 0 : index
      %get3A_1092 = tpu.vector_load %arg4[%get3A_1090, %get3A_1091] {strides = array<i32>} : memref<64x200xi32, #tpu.memory_space<vmem>>, vector<16xi32>,
      %get3A_1093 = arith.index_cast %add3A_1089 : i32 to index
      %get3A_1094 = arith.constant 16 : index
      %get3A_1095 = tpu.vector_load %arg4[%get3A_1093, %get3A_1094] {strides = array<i32>} : memref<64x200xi32, #tpu.memory_space<vmem>>, vector<16xi32>,
      %get3A_1096 = arith.index_cast %add3A_1089 : i32 to index
      %get3A_1097 = arith.constant 32 : index
      %get3A_1098 = tpu.vector_load %arg4[%get3A_1096, %get3A_1097] {strides = array<i32>} : memref<64x200xi32, #tpu.memory_space<vmem>>, vector<16xi32>,
      %get3A_1099 = arith.index_cast %add3A_1089 : i32 to index
      %get3A_1100 = arith.constant 48 : index
      %get3A_1101 = tpu.vector_load %arg4[%get3A_1099, %get3A_1100] {strides = array<i32>} : memref<64x200xi32, #tpu.memory_space<vmem>>, vector<16xi32>,
      %get3A_1102 = arith.index_cast %add3A_1089 : i32 to index
      %get3A_1103 = arith.constant 64 : index
      %get3A_1104 = tpu.vector_load %arg4[%get3A_1102, %get3A_1103] {strides = array<i32>} : memref<64x200xi32, #tpu.memory_space<vmem>>, vector<16xi32>,
      %get3A_1105 = arith.index_cast %add3A_1089 : i32 to index
      %get3A_1106 = arith.constant 80 : index
      %get3A_1107 = tpu.vector_load %arg4[%get3A_1105, %get3A_1106] {strides = array<i32>} : memref<64x200xi32, #tpu.memory_space<vmem>>, vector<16xi32>,
      %get3A_1108 = arith.index_cast %add3A_1089 : i32 to index
      %get3A_1109 = arith.constant 96 : index
      %get3A_1110 = tpu.vector_load %arg4[%get3A_1108, %get3A_1109] {strides = array<i32>} : memref<64x200xi32, #tpu.memory_space<vmem>>, vector<16xi32>,
      %get3A_1111 = arith.index_cast %add3A_1089 : i32 to index
      %get3A_1112 = arith.constant 112 : index
      %get3A_1113 = tpu.vector_load %arg4[%get3A_1111, %get3A_1112] {strides = array<i32>} : memref<64x200xi32, #tpu.memory_space<vmem>>, vector<16xi32>,
      %get3A_1114 = arith.index_cast %add3A_1089 : i32 to index
      %get3A_1115 = arith.constant 128 : index
      %get3A_1116 = tpu.vector_load %arg4[%get3A_1114, %get3A_1115] {strides = array<i32>} : memref<64x200xi32, #tpu.memory_space<vmem>>, vector<16xi32>,
      %get3A_1117 = arith.index_cast %add3A_1089 : i32 to index
      %get3A_1118 = arith.constant 144 : index
      %get3A_1119 = tpu.vector_load %arg4[%get3A_1117, %get3A_1118] {strides = array<i32>} : memref<64x200xi32, #tpu.memory_space<vmem>>, vector<16xi32>,
      %get3A_1120 = arith.index_cast %add3A_1089 : i32 to index
      %get3A_1121 = arith.constant 160 : index
      %get3A_1122 = tpu.vector_load %arg4[%get3A_1120, %get3A_1121] {strides = array<i32>} : memref<64x200xi32, #tpu.memory_space<vmem>>, vector<16xi32>,
      %get3A_1123 = arith.index_cast %add3A_1089 : i32 to index
      %get3A_1124 = arith.constant 176 : index
      %get3A_1125 = tpu.vector_load %arg4[%get3A_1123, %get3A_1124] {strides = array<i32>} : memref<64x200xi32, #tpu.memory_space<vmem>>, vector<16xi32>,
      %get3A_1126 = arith.index_cast %add3A_1089 : i32 to index
      %get3A_1127 = arith.constant 184 : index
      %get3A_1128 = tpu.vector_load %arg4[%get3A_1126, %get3A_1127] {strides = array<i32>} : memref<64x200xi32, #tpu.memory_space<vmem>>, vector<16xi32>,
      %broadcast_in_dim3A_1129 = arith.constant 0 : i32
      %broadcast_in_dim3A_1130 = vector.broadcast %broadcast_in_dim3A_1129 : i32 to vector<16xi32>
      tpu.vector_store_idx %arg5[%broadcast_in_dim3A_1130, %get3A_1045], %broadcast_in_dim3A_5 {add = true} : memref<2x1000xf32, #tpu.memory_space<vmem>>[vector<16xi32>, vector<16xi32>], vector<16xf32>,
      tpu.vector_store_idx %arg5[%broadcast_in_dim3A_1130, %get3A_1048], %broadcast_in_dim3A_5 {add = true} : memref<2x1000xf32, #tpu.memory_space<vmem>>[vector<16xi32>, vector<16xi32>], vector<16xf32>,
      tpu.vector_store_idx %arg5[%broadcast_in_dim3A_1130, %get3A_1051], %broadcast_in_dim3A_5 {add = true} : memref<2x1000xf32, #tpu.memory_space<vmem>>[vector<16xi32>, vector<16xi32>], vector<16xf32>,
      tpu.vector_store_idx %arg5[%broadcast_in_dim3A_1130, %get3A_1054], %broadcast_in_dim3A_5 {add = true} : memref<2x1000xf32, #tpu.memory_space<vmem>>[vector<16xi32>, vector<16xi32>], vector<16xf32>,
      tpu.vector_store_idx %arg5[%broadcast_in_dim3A_1130, %get3A_1057], %broadcast_in_dim3A_5 {add = true} : memref<2x1000xf32, #tpu.memory_space<vmem>>[vector<16xi32>, vector<16xi32>], vector<16xf32>,
      tpu.vector_store_idx %arg5[%broadcast_in_dim3A_1130, %get3A_1060], %broadcast_in_dim3A_5 {add = true} : memref<2x1000xf32, #tpu.memory_space<vmem>>[vector<16xi32>, vector<16xi32>], vector<16xf32>,
      tpu.vector_store_idx %arg5[%broadcast_in_dim3A_1130, %get3A_1063], %broadcast_in_dim3A_5 {add = true} : memref<2x1000xf32, #tpu.memory_space<vmem>>[vector<16xi32>, vector<16xi32>], vector<16xf32>,
      tpu.vector_store_idx %arg5[%broadcast_in_dim3A_1130, %get3A_1066], %broadcast_in_dim3A_5 {add = true} : memref<2x1000xf32, #tpu.memory_space<vmem>>[vector<16xi32>, vector<16xi32>], vector<16xf32>,
      tpu.vector_store_idx %arg5[%broadcast_in_dim3A_1130, %get3A_1069], %broadcast_in_dim3A_5 {add = true} : memref<2x1000xf32, #tpu.memory_space<vmem>>[vector<16xi32>, vector<16xi32>], vector<16xf32>,
      tpu.vector_store_idx %arg5[%broadcast_in_dim3A_1130, %get3A_1072], %broadcast_in_dim3A_5 {add = true} : memref<2x1000xf32, #tpu.memory_space<vmem>>[vector<16xi32>, vector<16xi32>], vector<16xf32>,
      tpu.vector_store_idx %arg5[%broadcast_in_dim3A_1130, %get3A_1075], %broadcast_in_dim3A_5 {add = true} : memref<2x1000xf32, #tpu.memory_space<vmem>>[vector<16xi32>, vector<16xi32>], vector<16xf32>,
      tpu.vector_store_idx %arg5[%broadcast_in_dim3A_1130, %get3A_1078], %broadcast_in_dim3A_5 {add = true} : memref<2x1000xf32, #tpu.memory_space<vmem>>[vector<16xi32>, vector<16xi32>], vector<16xf32>,
      tpu.vector_store_idx %arg5[%broadcast_in_dim3A_1130, %get3A_1081], %broadcast_in_dim3A_5 masked %ge3A_7 {add = true} : memref<2x1000xf32, #tpu.memory_space<vmem>>[vector<16xi32>, vector<16xi32>], vector<16xf32>, vector<16xi1>
      tpu.vector_store_idx %arg6[%broadcast_in_dim3A_1130, %get3A_1092], %broadcast_in_dim3A_5 {add = true} : memref<2x1000xf32, #tpu.memory_space<vmem>>[vector<16xi32>, vector<16xi32>], vector<16xf32>,
      tpu.vector_store_idx %arg6[%broadcast_in_dim3A_1130, %get3A_1095], %broadcast_in_dim3A_5 {add = true} : memref<2x1000xf32, #tpu.memory_space<vmem>>[vector<16xi32>, vector<16xi32>], vector<16xf32>,
      tpu.vector_store_idx %arg6[%broadcast_in_dim3A_1130, %get3A_1098], %broadcast_in_dim3A_5 {add = true} : memref<2x1000xf32, #tpu.memory_space<vmem>>[vector<16xi32>, vector<16xi32>], vector<16xf32>,
      tpu.vector_store_idx %arg6[%broadcast_in_dim3A_1130, %get3A_1101], %broadcast_in_dim3A_5 {add = true} : memref<2x1000xf32, #tpu.memory_space<vmem>>[vector<16xi32>, vector<16xi32>], vector<16xf32>,
      tpu.vector_store_idx %arg6[%broadcast_in_dim3A_1130, %get3A_1104], %broadcast_in_dim3A_5 {add = true} : memref<2x1000xf32, #tpu.memory_space<vmem>>[vector<16xi32>, vector<16xi32>], vector<16xf32>,
      tpu.vector_store_idx %arg6[%broadcast_in_dim3A_1130, %get3A_1107], %broadcast_in_dim3A_5 {add = true} : memref<2x1000xf32, #tpu.memory_space<vmem>>[vector<16xi32>, vector<16xi32>], vector<16xf32>,
      tpu.vector_store_idx %arg6[%broadcast_in_dim3A_1130, %get3A_1110], %broadcast_in_dim3A_5 {add = true} : memref<2x1000xf32, #tpu.memory_space<vmem>>[vector<16xi32>, vector<16xi32>], vector<16xf32>,
      tpu.vector_store_idx %arg6[%broadcast_in_dim3A_1130, %get3A_1113], %broadcast_in_dim3A_5 {add = true} : memref<2x1000xf32, #tpu.memory_space<vmem>>[vector<16xi32>, vector<16xi32>], vector<16xf32>,
      tpu.vector_store_idx %arg6[%broadcast_in_dim3A_1130, %get3A_1116], %broadcast_in_dim3A_5 {add = true} : memref<2x1000xf32, #tpu.memory_space<vmem>>[vector<16xi32>, vector<16xi32>], vector<16xf32>,
      tpu.vector_store_idx %arg6[%broadcast_in_dim3A_1130, %get3A_1119], %broadcast_in_dim3A_5 {add = true} : memref<2x1000xf32, #tpu.memory_space<vmem>>[vector<16xi32>, vector<16xi32>], vector<16xf32>,
      tpu.vector_store_idx %arg6[%broadcast_in_dim3A_1130, %get3A_1122], %broadcast_in_dim3A_5 {add = true} : memref<2x1000xf32, #tpu.memory_space<vmem>>[vector<16xi32>, vector<16xi32>], vector<16xf32>,
      tpu.vector_store_idx %arg6[%broadcast_in_dim3A_1130, %get3A_1125], %broadcast_in_dim3A_5 {add = true} : memref<2x1000xf32, #tpu.memory_space<vmem>>[vector<16xi32>, vector<16xi32>], vector<16xf32>,
      tpu.vector_store_idx %arg6[%broadcast_in_dim3A_1130, %get3A_1128], %broadcast_in_dim3A_5 masked %ge3A_7 {add = true} : memref<2x1000xf32, #tpu.memory_space<vmem>>[vector<16xi32>, vector<16xi32>], vector<16xf32>, vector<16xi1>
      %mul3A_1131 = arith.constant 2 : i32
      %mul3A_1132 = arith.muli %scan3A_25, %mul3A_1131 : i32
      %add3A_1133 = arith.constant 0 : i32
      %add3A_1134 = arith.addi %mul3A_1132, %add3A_1133 : i32
      %mul3A_1135 = arith.constant 2 : i32
      %mul3A_1136 = arith.muli %add3A_1134, %mul3A_1135 : i32
      %add3A_1137 = arith.constant 1 : i32
      %add3A_1138 = arith.addi %mul3A_1136, %add3A_1137 : i32
      %get3A_1139 = arith.index_cast %add3A_1138 : i32 to index
      %get3A_1140 = arith.constant 0 : index
      %get3A_1141 = tpu.vector_load %arg4[%get3A_1139, %get3A_1140] {strides = array<i32>} : memref<64x200xi32, #tpu.memory_space<vmem>>, vector<16xi32>,
      %get3A_1142 = arith.index_cast %add3A_1138 : i32 to index
      %get3A_1143 = arith.constant 16 : index
      %get3A_1144 = tpu.vector_load %arg4[%get3A_1142, %get3A_1143] {strides = array<i32>} : memref<64x200xi32, #tpu.memory_space<vmem>>, vector<16xi32>,
      %get3A_1145 = arith.index_cast %add3A_1138 : i32 to index
      %get3A_1146 = arith.constant 32 : index
      %get3A_1147 = tpu.vector_load %arg4[%get3A_1145, %get3A_1146] {strides = array<i32>} : memref<64x200xi32, #tpu.memory_space<vmem>>, vector<16xi32>,
      %get3A_1148 = arith.index_cast %add3A_1138 : i32 to index
      %get3A_1149 = arith.constant 48 : index
      %get3A_1150 = tpu.vector_load %arg4[%get3A_1148, %get3A_1149] {strides = array<i32>} : memref<64x200xi32, #tpu.memory_space<vmem>>, vector<16xi32>,
      %get3A_1151 = arith.index_cast %add3A_1138 : i32 to index
      %get3A_1152 = arith.constant 64 : index
      %get3A_1153 = tpu.vector_load %arg4[%get3A_1151, %get3A_1152] {strides = array<i32>} : memref<64x200xi32, #tpu.memory_space<vmem>>, vector<16xi32>,
      %get3A_1154 = arith.index_cast %add3A_1138 : i32 to index
      %get3A_1155 = arith.constant 80 : index
      %get3A_1156 = tpu.vector_load %arg4[%get3A_1154, %get3A_1155] {strides = array<i32>} : memref<64x200xi32, #tpu.memory_space<vmem>>, vector<16xi32>,
      %get3A_1157 = arith.index_cast %add3A_1138 : i32 to index
      %get3A_1158 = arith.constant 96 : index
      %get3A_1159 = tpu.vector_load %arg4[%get3A_1157, %get3A_1158] {strides = array<i32>} : memref<64x200xi32, #tpu.memory_space<vmem>>, vector<16xi32>,
      %get3A_1160 = arith.index_cast %add3A_1138 : i32 to index
      %get3A_1161 = arith.constant 112 : index
      %get3A_1162 = tpu.vector_load %arg4[%get3A_1160, %get3A_1161] {strides = array<i32>} : memref<64x200xi32, #tpu.memory_space<vmem>>, vector<16xi32>,
      %get3A_1163 = arith.index_cast %add3A_1138 : i32 to index
      %get3A_1164 = arith.constant 128 : index
      %get3A_1165 = tpu.vector_load %arg4[%get3A_1163, %get3A_1164] {strides = array<i32>} : memref<64x200xi32, #tpu.memory_space<vmem>>, vector<16xi32>,
      %get3A_1166 = arith.index_cast %add3A_1138 : i32 to index
      %get3A_1167 = arith.constant 144 : index
      %get3A_1168 = tpu.vector_load %arg4[%get3A_1166, %get3A_1167] {strides = array<i32>} : memref<64x200xi32, #tpu.memory_space<vmem>>, vector<16xi32>,
      %get3A_1169 = arith.index_cast %add3A_1138 : i32 to index
      %get3A_1170 = arith.constant 160 : index
      %get3A_1171 = tpu.vector_load %arg4[%get3A_1169, %get3A_1170] {strides = array<i32>} : memref<64x200xi32, #tpu.memory_space<vmem>>, vector<16xi32>,
      %get3A_1172 = arith.index_cast %add3A_1138 : i32 to index
      %get3A_1173 = arith.constant 176 : index
      %get3A_1174 = tpu.vector_load %arg4[%get3A_1172, %get3A_1173] {strides = array<i32>} : memref<64x200xi32, #tpu.memory_space<vmem>>, vector<16xi32>,
      %get3A_1175 = arith.index_cast %add3A_1138 : i32 to index
      %get3A_1176 = arith.constant 184 : index
      %get3A_1177 = tpu.vector_load %arg4[%get3A_1175, %get3A_1176] {strides = array<i32>} : memref<64x200xi32, #tpu.memory_space<vmem>>, vector<16xi32>,
      %mul3A_1178 = arith.constant 2 : i32
      %mul3A_1179 = arith.muli %scan3A_25, %mul3A_1178 : i32
      %add3A_1180 = arith.constant 1 : i32
      %add3A_1181 = arith.addi %mul3A_1179, %add3A_1180 : i32
      %mul3A_1182 = arith.constant 2 : i32
      %mul3A_1183 = arith.muli %add3A_1181, %mul3A_1182 : i32
      %add3A_1184 = arith.constant 1 : i32
      %add3A_1185 = arith.addi %mul3A_1183, %add3A_1184 : i32
      %get3A_1186 = arith.index_cast %add3A_1185 : i32 to index
      %get3A_1187 = arith.constant 0 : index
      %get3A_1188 = tpu.vector_load %arg4[%get3A_1186, %get3A_1187] {strides = array<i32>} : memref<64x200xi32, #tpu.memory_space<vmem>>, vector<16xi32>,
      %get3A_1189 = arith.index_cast %add3A_1185 : i32 to index
      %get3A_1190 = arith.constant 16 : index
      %get3A_1191 = tpu.vector_load %arg4[%get3A_1189, %get3A_1190] {strides = array<i32>} : memref<64x200xi32, #tpu.memory_space<vmem>>, vector<16xi32>,
      %get3A_1192 = arith.index_cast %add3A_1185 : i32 to index
      %get3A_1193 = arith.constant 32 : index
      %get3A_1194 = tpu.vector_load %arg4[%get3A_1192, %get3A_1193] {strides = array<i32>} : memref<64x200xi32, #tpu.memory_space<vmem>>, vector<16xi32>,
      %get3A_1195 = arith.index_cast %add3A_1185 : i32 to index
      %get3A_1196 = arith.constant 48 : index
      %get3A_1197 = tpu.vector_load %arg4[%get3A_1195, %get3A_1196] {strides = array<i32>} : memref<64x200xi32, #tpu.memory_space<vmem>>, vector<16xi32>,
      %get3A_1198 = arith.index_cast %add3A_1185 : i32 to index
      %get3A_1199 = arith.constant 64 : index
      %get3A_1200 = tpu.vector_load %arg4[%get3A_1198, %get3A_1199] {strides = array<i32>} : memref<64x200xi32, #tpu.memory_space<vmem>>, vector<16xi32>,
      %get3A_1201 = arith.index_cast %add3A_1185 : i32 to index
      %get3A_1202 = arith.constant 80 : index
      %get3A_1203 = tpu.vector_load %arg4[%get3A_1201, %get3A_1202] {strides = array<i32>} : memref<64x200xi32, #tpu.memory_space<vmem>>, vector<16xi32>,
      %get3A_1204 = arith.index_cast %add3A_1185 : i32 to index
      %get3A_1205 = arith.constant 96 : index
      %get3A_1206 = tpu.vector_load %arg4[%get3A_1204, %get3A_1205] {strides = array<i32>} : memref<64x200xi32, #tpu.memory_space<vmem>>, vector<16xi32>,
      %get3A_1207 = arith.index_cast %add3A_1185 : i32 to index
      %get3A_1208 = arith.constant 112 : index
      %get3A_1209 = tpu.vector_load %arg4[%get3A_1207, %get3A_1208] {strides = array<i32>} : memref<64x200xi32, #tpu.memory_space<vmem>>, vector<16xi32>,
      %get3A_1210 = arith.index_cast %add3A_1185 : i32 to index
      %get3A_1211 = arith.constant 128 : index
      %get3A_1212 = tpu.vector_load %arg4[%get3A_1210, %get3A_1211] {strides = array<i32>} : memref<64x200xi32, #tpu.memory_space<vmem>>, vector<16xi32>,
      %get3A_1213 = arith.index_cast %add3A_1185 : i32 to index
      %get3A_1214 = arith.constant 144 : index
      %get3A_1215 = tpu.vector_load %arg4[%get3A_1213, %get3A_1214] {strides = array<i32>} : memref<64x200xi32, #tpu.memory_space<vmem>>, vector<16xi32>,
      %get3A_1216 = arith.index_cast %add3A_1185 : i32 to index
      %get3A_1217 = arith.constant 160 : index
      %get3A_1218 = tpu.vector_load %arg4[%get3A_1216, %get3A_1217] {strides = array<i32>} : memref<64x200xi32, #tpu.memory_space<vmem>>, vector<16xi32>,
      %get3A_1219 = arith.index_cast %add3A_1185 : i32 to index
      %get3A_1220 = arith.constant 176 : index
      %get3A_1221 = tpu.vector_load %arg4[%get3A_1219, %get3A_1220] {strides = array<i32>} : memref<64x200xi32, #tpu.memory_space<vmem>>, vector<16xi32>,
      %get3A_1222 = arith.index_cast %add3A_1185 : i32 to index
      %get3A_1223 = arith.constant 184 : index
      %get3A_1224 = tpu.vector_load %arg4[%get3A_1222, %get3A_1223] {strides = array<i32>} : memref<64x200xi32, #tpu.memory_space<vmem>>, vector<16xi32>,
      %broadcast_in_dim3A_1225 = arith.constant 1 : i32
      %broadcast_in_dim3A_1226 = vector.broadcast %broadcast_in_dim3A_1225 : i32 to vector<16xi32>
      tpu.vector_store_idx %arg5[%broadcast_in_dim3A_1226, %get3A_1141], %broadcast_in_dim3A_5 {add = true} : memref<2x1000xf32, #tpu.memory_space<vmem>>[vector<16xi32>, vector<16xi32>], vector<16xf32>,
      tpu.vector_store_idx %arg5[%broadcast_in_dim3A_1226, %get3A_1144], %broadcast_in_dim3A_5 {add = true} : memref<2x1000xf32, #tpu.memory_space<vmem>>[vector<16xi32>, vector<16xi32>], vector<16xf32>,
      tpu.vector_store_idx %arg5[%broadcast_in_dim3A_1226, %get3A_1147], %broadcast_in_dim3A_5 {add = true} : memref<2x1000xf32, #tpu.memory_space<vmem>>[vector<16xi32>, vector<16xi32>], vector<16xf32>,
      tpu.vector_store_idx %arg5[%broadcast_in_dim3A_1226, %get3A_1150], %broadcast_in_dim3A_5 {add = true} : memref<2x1000xf32, #tpu.memory_space<vmem>>[vector<16xi32>, vector<16xi32>], vector<16xf32>,
      tpu.vector_store_idx %arg5[%broadcast_in_dim3A_1226, %get3A_1153], %broadcast_in_dim3A_5 {add = true} : memref<2x1000xf32, #tpu.memory_space<vmem>>[vector<16xi32>, vector<16xi32>], vector<16xf32>,
      tpu.vector_store_idx %arg5[%broadcast_in_dim3A_1226, %get3A_1156], %broadcast_in_dim3A_5 {add = true} : memref<2x1000xf32, #tpu.memory_space<vmem>>[vector<16xi32>, vector<16xi32>], vector<16xf32>,
      tpu.vector_store_idx %arg5[%broadcast_in_dim3A_1226, %get3A_1159], %broadcast_in_dim3A_5 {add = true} : memref<2x1000xf32, #tpu.memory_space<vmem>>[vector<16xi32>, vector<16xi32>], vector<16xf32>,
      tpu.vector_store_idx %arg5[%broadcast_in_dim3A_1226, %get3A_1162], %broadcast_in_dim3A_5 {add = true} : memref<2x1000xf32, #tpu.memory_space<vmem>>[vector<16xi32>, vector<16xi32>], vector<16xf32>,
      tpu.vector_store_idx %arg5[%broadcast_in_dim3A_1226, %get3A_1165], %broadcast_in_dim3A_5 {add = true} : memref<2x1000xf32, #tpu.memory_space<vmem>>[vector<16xi32>, vector<16xi32>], vector<16xf32>,
      tpu.vector_store_idx %arg5[%broadcast_in_dim3A_1226, %get3A_1168], %broadcast_in_dim3A_5 {add = true} : memref<2x1000xf32, #tpu.memory_space<vmem>>[vector<16xi32>, vector<16xi32>], vector<16xf32>,
      tpu.vector_store_idx %arg5[%broadcast_in_dim3A_1226, %get3A_1171], %broadcast_in_dim3A_5 {add = true} : memref<2x1000xf32, #tpu.memory_space<vmem>>[vector<16xi32>, vector<16xi32>], vector<16xf32>,
      tpu.vector_store_idx %arg5[%broadcast_in_dim3A_1226, %get3A_1174], %broadcast_in_dim3A_5 {add = true} : memref<2x1000xf32, #tpu.memory_space<vmem>>[vector<16xi32>, vector<16xi32>], vector<16xf32>,
      tpu.vector_store_idx %arg5[%broadcast_in_dim3A_1226, %get3A_1177], %broadcast_in_dim3A_5 masked %ge3A_7 {add = true} : memref<2x1000xf32, #tpu.memory_space<vmem>>[vector<16xi32>, vector<16xi32>], vector<16xf32>, vector<16xi1>
      tpu.vector_store_idx %arg6[%broadcast_in_dim3A_1226, %get3A_1188], %broadcast_in_dim3A_5 {add = true} : memref<2x1000xf32, #tpu.memory_space<vmem>>[vector<16xi32>, vector<16xi32>], vector<16xf32>,
      tpu.vector_store_idx %arg6[%broadcast_in_dim3A_1226, %get3A_1191], %broadcast_in_dim3A_5 {add = true} : memref<2x1000xf32, #tpu.memory_space<vmem>>[vector<16xi32>, vector<16xi32>], vector<16xf32>,
      tpu.vector_store_idx %arg6[%broadcast_in_dim3A_1226, %get3A_1194], %broadcast_in_dim3A_5 {add = true} : memref<2x1000xf32, #tpu.memory_space<vmem>>[vector<16xi32>, vector<16xi32>], vector<16xf32>,
      tpu.vector_store_idx %arg6[%broadcast_in_dim3A_1226, %get3A_1197], %broadcast_in_dim3A_5 {add = true} : memref<2x1000xf32, #tpu.memory_space<vmem>>[vector<16xi32>, vector<16xi32>], vector<16xf32>,
      tpu.vector_store_idx %arg6[%broadcast_in_dim3A_1226, %get3A_1200], %broadcast_in_dim3A_5 {add = true} : memref<2x1000xf32, #tpu.memory_space<vmem>>[vector<16xi32>, vector<16xi32>], vector<16xf32>,
      tpu.vector_store_idx %arg6[%broadcast_in_dim3A_1226, %get3A_1203], %broadcast_in_dim3A_5 {add = true} : memref<2x1000xf32, #tpu.memory_space<vmem>>[vector<16xi32>, vector<16xi32>], vector<16xf32>,
      tpu.vector_store_idx %arg6[%broadcast_in_dim3A_1226, %get3A_1206], %broadcast_in_dim3A_5 {add = true} : memref<2x1000xf32, #tpu.memory_space<vmem>>[vector<16xi32>, vector<16xi32>], vector<16xf32>,
      tpu.vector_store_idx %arg6[%broadcast_in_dim3A_1226, %get3A_1209], %broadcast_in_dim3A_5 {add = true} : memref<2x1000xf32, #tpu.memory_space<vmem>>[vector<16xi32>, vector<16xi32>], vector<16xf32>,
      tpu.vector_store_idx %arg6[%broadcast_in_dim3A_1226, %get3A_1212], %broadcast_in_dim3A_5 {add = true} : memref<2x1000xf32, #tpu.memory_space<vmem>>[vector<16xi32>, vector<16xi32>], vector<16xf32>,
      tpu.vector_store_idx %arg6[%broadcast_in_dim3A_1226, %get3A_1215], %broadcast_in_dim3A_5 {add = true} : memref<2x1000xf32, #tpu.memory_space<vmem>>[vector<16xi32>, vector<16xi32>], vector<16xf32>,
      tpu.vector_store_idx %arg6[%broadcast_in_dim3A_1226, %get3A_1218], %broadcast_in_dim3A_5 {add = true} : memref<2x1000xf32, #tpu.memory_space<vmem>>[vector<16xi32>, vector<16xi32>], vector<16xf32>,
      tpu.vector_store_idx %arg6[%broadcast_in_dim3A_1226, %get3A_1221], %broadcast_in_dim3A_5 {add = true} : memref<2x1000xf32, #tpu.memory_space<vmem>>[vector<16xi32>, vector<16xi32>], vector<16xf32>,
      tpu.vector_store_idx %arg6[%broadcast_in_dim3A_1226, %get3A_1224], %broadcast_in_dim3A_5 masked %ge3A_7 {add = true} : memref<2x1000xf32, #tpu.memory_space<vmem>>[vector<16xi32>, vector<16xi32>], vector<16xf32>, vector<16xi1>
      %mul3A_1227 = arith.constant 2 : i32
      %mul3A_1228 = arith.muli %scan3A_25, %mul3A_1227 : i32
      %add3A_1229 = arith.constant 0 : i32
      %add3A_1230 = arith.addi %mul3A_1228, %add3A_1229 : i32
      %mul3A_1231 = arith.constant 2 : i32
      %mul3A_1232 = arith.muli %add3A_1230, %mul3A_1231 : i32
      %add3A_1233 = arith.addi %mul3A_2, %mul3A_1232 : i32
      %dma_start3A = arith.constant 0 : i32
      %dma_start3A_1234 = tpu.memref_slice %arg3[%add3A_1233, %dma_start3A] : memref<2048x1000xf32, #tpu.memory_space<hbm>> -> memref<2x1000xf32, #tpu.memory_space<hbm>>
      %dma_start3A_1235 = arith.constant 0 : i32
      %dma_start3A_1236 = tpu.memref_slice %arg3[%add3A_1233, %dma_start3A_1235] : memref<2048x1000xf32, #tpu.memory_space<hbm>> -> memref<2x1000xf32, #tpu.memory_space<hbm>>
      tpu.enqueue_dma source(%arg5 : memref<2x1000xf32, #tpu.memory_space<vmem>>) target(%dma_start3A_1236 : memref<2x1000xf32, #tpu.memory_space<hbm>>) target_semaphore(%arg7 : memref<!tpu.dma_semaphore, #tpu.memory_space<semaphore_mem>>)
      %mul3A_1237 = arith.constant 2 : i32
      %mul3A_1238 = arith.muli %scan3A_25, %mul3A_1237 : i32
      %add3A_1239 = arith.constant 1 : i32
      %add3A_1240 = arith.addi %mul3A_1238, %add3A_1239 : i32
      %mul3A_1241 = arith.constant 2 : i32
      %mul3A_1242 = arith.muli %add3A_1240, %mul3A_1241 : i32
      %add3A_1243 = arith.addi %mul3A_2, %mul3A_1242 : i32
      %dma_start3A_1244 = arith.constant 0 : i32
      %dma_start3A_1245 = tpu.memref_slice %arg3[%add3A_1243, %dma_start3A_1244] : memref<2048x1000xf32, #tpu.memory_space<hbm>> -> memref<2x1000xf32, #tpu.memory_space<hbm>>
      %dma_start3A_1246 = arith.constant 0 : i32
      %dma_start3A_1247 = tpu.memref_slice %arg3[%add3A_1243, %dma_start3A_1246] : memref<2048x1000xf32, #tpu.memory_space<hbm>> -> memref<2x1000xf32, #tpu.memory_space<hbm>>
      tpu.enqueue_dma source(%arg6 : memref<2x1000xf32, #tpu.memory_space<vmem>>) target(%dma_start3A_1247 : memref<2x1000xf32, #tpu.memory_space<hbm>>) target_semaphore(%arg8 : memref<!tpu.dma_semaphore, #tpu.memory_space<semaphore_mem>>)
      %scan3A_1248 = arith.constant 0 : i32
      scf.yield %scan3A_1248 : i32
    }
    %scan3A_13 = arith.constant 16 : i32
    %add3A_14 = arith.constant 60 : i32
    %add3A_15 = arith.addi %mul3A_2, %add3A_14 : i32
    %dma_wait3A = arith.constant 0 : i32
    %dma_wait3A_16 = tpu.memref_slice %arg3[%add3A_15, %dma_wait3A] : memref<2048x1000xf32, #tpu.memory_space<hbm>> -> memref<2x1000xf32, #tpu.memory_space<hbm>>
    %dma_wait3A_17 = arith.constant 0 : i32
    %dma_wait3A_18 = tpu.memref_slice %arg3[%add3A_15, %dma_wait3A_17] : memref<2048x1000xf32, #tpu.memory_space<hbm>> -> memref<2x1000xf32, #tpu.memory_space<hbm>>
    tpu.wait_dma2 semaphore(%arg7 : memref<!tpu.dma_semaphore, #tpu.memory_space<semaphore_mem>>) src(%arg5 : memref<2x1000xf32, #tpu.memory_space<vmem>>) dst(%dma_wait3A_18 : memref<2x1000xf32, #tpu.memory_space<hbm>>)
    %add3A_19 = arith.constant 62 : i32
    %add3A_20 = arith.addi %mul3A_2, %add3A_19 : i32
    %dma_wait3A_21 = arith.constant 0 : i32
    %dma_wait3A_22 = tpu.memref_slice %arg3[%add3A_20, %dma_wait3A_21] : memref<2048x1000xf32, #tpu.memory_space<hbm>> -> memref<2x1000xf32, #tpu.memory_space<hbm>>
    %dma_wait3A_23 = arith.constant 0 : i32
    %dma_wait3A_24 = tpu.memref_slice %arg3[%add3A_20, %dma_wait3A_23] : memref<2048x1000xf32, #tpu.memory_space<hbm>> -> memref<2x1000xf32, #tpu.memory_space<hbm>>
    tpu.wait_dma2 semaphore(%arg8 : memref<!tpu.dma_semaphore, #tpu.memory_space<semaphore_mem>>) src(%arg6 : memref<2x1000xf32, #tpu.memory_space<vmem>>) dst(%dma_wait3A_24 : memref<2x1000xf32, #tpu.memory_space<hbm>>)
    return
  }
}

#map = affine_map<(d0, d1) -> (0, 0)>
module attributes {stable_mosaic.version = 14 : i64} {
  func.func @build_counts(%arg0: i32, %arg1: i32, %arg2: memref<2048x200xi32, #tpu.memory_space<hbm>>, %arg3: memref<2048x1000xf32, #tpu.memory_space<hbm>>, %arg4: memref<64x200xi32, #tpu.memory_space<vmem>>, %arg5: memref<2x1000xf32, #tpu.memory_space<vmem>>, %arg6: memref<2x1000xf32, #tpu.memory_space<vmem>>, %arg7: memref<!tpu.dma_semaphore, #tpu.memory_space<semaphore_mem>>, %arg8: memref<!tpu.dma_semaphore, #tpu.memory_space<semaphore_mem>>) attributes {dimension_semantics = [#tpu.dimension_semantics<core_parallel>, #tpu.dimension_semantics<subcore_parallel>], iteration_bounds = array<i64: 2, 16>, scalar_prefetch = 0 : i64, scratch_operands = 5 : i64, tpu.core_type = #tpu.core_type<sc_vector_subcore>, window_params = [{transform_indices = #map}, {transform_indices = #map}]} {
    %mul3A = arith.constant 2 : i32
    %mul3A_0 = arith.muli %arg1, %mul3A : i32
    %add3A = arith.addi %mul3A_0, %arg0 : i32
    %mul3A_1 = arith.constant 64 : i32
    %mul3A_2 = arith.muli %add3A, %mul3A_1 : i32
    "tpu.region"() ({
      %run_scoped3A = tpu.sem_alloc : memref<!tpu.dma_semaphore, #tpu.memory_space<semaphore_mem>>
      %dma_start3A = arith.constant 0 : i32
      %dma_start3A_25 = tpu.memref_slice %arg2[%mul3A_2, %dma_start3A] : memref<2048x200xi32, #tpu.memory_space<hbm>> -> memref<64x200xi32, #tpu.memory_space<hbm>>
      %dma_start3A_26 = arith.constant 0 : i32
      %dma_start3A_27 = tpu.memref_slice %arg2[%mul3A_2, %dma_start3A_26] : memref<2048x200xi32, #tpu.memory_space<hbm>> -> memref<64x200xi32, #tpu.memory_space<hbm>>
      tpu.enqueue_dma source(%dma_start3A_27 : memref<64x200xi32, #tpu.memory_space<hbm>>) target(%arg4 : memref<64x200xi32, #tpu.memory_space<vmem>>) target_semaphore(%run_scoped3A : memref<!tpu.dma_semaphore, #tpu.memory_space<semaphore_mem>>)
      %dma_wait3A_28 = arith.constant 0 : i32
      %dma_wait3A_29 = tpu.memref_slice %arg2[%mul3A_2, %dma_wait3A_28] : memref<2048x200xi32, #tpu.memory_space<hbm>> -> memref<64x200xi32, #tpu.memory_space<hbm>>
      %dma_wait3A_30 = arith.constant 0 : i32
      %dma_wait3A_31 = tpu.memref_slice %arg2[%mul3A_2, %dma_wait3A_30] : memref<2048x200xi32, #tpu.memory_space<hbm>> -> memref<64x200xi32, #tpu.memory_space<hbm>>
      tpu.wait_dma2 semaphore(%run_scoped3A : memref<!tpu.dma_semaphore, #tpu.memory_space<semaphore_mem>>) src(%dma_wait3A_31 : memref<64x200xi32, #tpu.memory_space<hbm>>) dst(%arg4 : memref<64x200xi32, #tpu.memory_space<vmem>>)
      tpu.yield
    }) : () -> ()
    %broadcast_in_dim3A = arith.constant 0.000000e+00 : f32
    %broadcast_in_dim3A_3 = vector.broadcast %broadcast_in_dim3A : f32 to vector<16xf32>
    %broadcast_in_dim3A_4 = arith.constant 1.000000e+00 : f32
    %broadcast_in_dim3A_5 = vector.broadcast %broadcast_in_dim3A_4 : f32 to vector<16xf32>
    %iota3A = tpu.iota {dimensions = array<i32: 0>} : vector<16xi32>
    %ge3A = arith.constant 8 : i32
    %ge3A_6 = vector.broadcast %ge3A : i32 to vector<16xi32>
    %ge3A_7 = arith.cmpi sge, %iota3A, %ge3A_6 : vector<16xi32>
    %scan3A = arith.constant 0 : i32
    %scan3A_8 = arith.constant 0 : i32
    %scan3A_9 = arith.constant 16 : i32
    %scan3A_10 = arith.addi %scan3A_8, %scan3A_9 : i32
    %scan3A_11 = arith.constant 1 : i32
    %scan3A_12 = scf.for %scan3A_25 = %scan3A_8 to %scan3A_10 step %scan3A_11 iter_args(%scan3A_26 = %scan3A) -> (i32)  : i32 {
      %gt3A = arith.constant 0 : i32
      %gt3A_27 = arith.cmpi sgt, %scan3A_25, %gt3A : i32
      %convert_element_type3A = arith.extui %gt3A_27 : i1 to i32
      %cond3A = arith.constant 0 : i32
      %cond3A_28 = arith.cmpi ne, %convert_element_type3A, %cond3A : i32
      scf.if %cond3A_28 {
        %mul3A_1249 = arith.constant 2 : i32
        %mul3A_1250 = arith.muli %scan3A_25, %mul3A_1249 : i32
        %add3A_1251 = arith.constant 0 : i32
        %add3A_1252 = arith.addi %mul3A_1250, %add3A_1251 : i32
        %sub3A = arith.constant 2 : i32
        %sub3A_1253 = arith.subi %add3A_1252, %sub3A : i32
        %mul3A_1254 = arith.constant 2 : i32
        %mul3A_1255 = arith.muli %sub3A_1253, %mul3A_1254 : i32
        %add3A_1256 = arith.addi %mul3A_2, %mul3A_1255 : i32
        %dma_wait3A_1257 = arith.constant 0 : i32
        %dma_wait3A_1258 = tpu.memref_slice %arg3[%add3A_1256, %dma_wait3A_1257] : memref<2048x1000xf32, #tpu.memory_space<hbm>> -> memref<2x1000xf32, #tpu.memory_space<hbm>>
        %dma_wait3A_1259 = arith.constant 0 : i32
        %dma_wait3A_1260 = tpu.memref_slice %arg3[%add3A_1256, %dma_wait3A_1259] : memref<2048x1000xf32, #tpu.memory_space<hbm>> -> memref<2x1000xf32, #tpu.memory_space<hbm>>
        tpu.wait_dma2 semaphore(%arg7 : memref<!tpu.dma_semaphore, #tpu.memory_space<semaphore_mem>>) src(%arg5 : memref<2x1000xf32, #tpu.memory_space<vmem>>) dst(%dma_wait3A_1260 : memref<2x1000xf32, #tpu.memory_space<hbm>>)
        %mul3A_1261 = arith.constant 2 : i32
        %mul3A_1262 = arith.muli %scan3A_25, %mul3A_1261 : i32
        %add3A_1263 = arith.constant 1 : i32
        %add3A_1264 = arith.addi %mul3A_1262, %add3A_1263 : i32
        %sub3A_1265 = arith.constant 2 : i32
        %sub3A_1266 = arith.subi %add3A_1264, %sub3A_1265 : i32
        %mul3A_1267 = arith.constant 2 : i32
        %mul3A_1268 = arith.muli %sub3A_1266, %mul3A_1267 : i32
        %add3A_1269 = arith.addi %mul3A_2, %mul3A_1268 : i32
        %dma_wait3A_1270 = arith.constant 0 : i32
        %dma_wait3A_1271 = tpu.memref_slice %arg3[%add3A_1269, %dma_wait3A_1270] : memref<2048x1000xf32, #tpu.memory_space<hbm>> -> memref<2x1000xf32, #tpu.memory_space<hbm>>
        %dma_wait3A_1272 = arith.constant 0 : i32
        %dma_wait3A_1273 = tpu.memref_slice %arg3[%add3A_1269, %dma_wait3A_1272] : memref<2048x1000xf32, #tpu.memory_space<hbm>> -> memref<2x1000xf32, #tpu.memory_space<hbm>>
        tpu.wait_dma2 semaphore(%arg8 : memref<!tpu.dma_semaphore, #tpu.memory_space<semaphore_mem>>) src(%arg6 : memref<2x1000xf32, #tpu.memory_space<vmem>>) dst(%dma_wait3A_1273 : memref<2x1000xf32, #tpu.memory_space<hbm>>)
      } else {
      }
      %swap3A = arith.constant 0 : i32
      %swap3A_29 = arith.index_cast %swap3A : i32 to index
      %swap3A_30 = arith.constant 0 : index
      %swap3A_31 = tpu.vector_load %arg5[%swap3A_29, %swap3A_30] {strides = array<i32>} : memref<2x1000xf32, #tpu.memory_space<vmem>>, vector<16xf32>,
      tpu.vector_store %arg5[%swap3A_29, %swap3A_30], %broadcast_in_dim3A_3 {strides = array<i32>} : memref<2x1000xf32, #tpu.memory_space<vmem>>, vector<16xf32>,
      %swap3A_32 = arith.constant 0 : i32
      %swap3A_33 = arith.index_cast %swap3A_32 : i32 to index
      %swap3A_34 = arith.constant 0 : index
      %swap3A_35 = tpu.vector_load %arg6[%swap3A_33, %swap3A_34] {strides = array<i32>} : memref<2x1000xf32, #tpu.memory_space<vmem>>, vector<16xf32>,
      tpu.vector_store %arg6[%swap3A_33, %swap3A_34], %broadcast_in_dim3A_3 {strides = array<i32>} : memref<2x1000xf32, #tpu.memory_space<vmem>>, vector<16xf32>,
      %swap3A_36 = arith.constant 0 : i32
      %swap3A_37 = arith.index_cast %swap3A_36 : i32 to index
      %swap3A_38 = arith.constant 16 : index
      %swap3A_39 = tpu.vector_load %arg5[%swap3A_37, %swap3A_38] {strides = array<i32>} : memref<2x1000xf32, #tpu.memory_space<vmem>>, vector<16xf32>,
      tpu.vector_store %arg5[%swap3A_37, %swap3A_38], %broadcast_in_dim3A_3 {strides = array<i32>} : memref<2x1000xf32, #tpu.memory_space<vmem>>, vector<16xf32>,
      %swap3A_40 = arith.constant 0 : i32
      %swap3A_41 = arith.index_cast %swap3A_40 : i32 to index
      %swap3A_42 = arith.constant 16 : index
      %swap3A_43 = tpu.vector_load %arg6[%swap3A_41, %swap3A_42] {strides = array<i32>} : memref<2x1000xf32, #tpu.memory_space<vmem>>, vector<16xf32>,
      tpu.vector_store %arg6[%swap3A_41, %swap3A_42], %broadcast_in_dim3A_3 {strides = array<i32>} : memref<2x1000xf32, #tpu.memory_space<vmem>>, vector<16xf32>,
      %swap3A_44 = arith.constant 0 : i32
      %swap3A_45 = arith.index_cast %swap3A_44 : i32 to index
      %swap3A_46 = arith.constant 32 : index
      %swap3A_47 = tpu.vector_load %arg5[%swap3A_45, %swap3A_46] {strides = array<i32>} : memref<2x1000xf32, #tpu.memory_space<vmem>>, vector<16xf32>,
      tpu.vector_store %arg5[%swap3A_45, %swap3A_46], %broadcast_in_dim3A_3 {strides = array<i32>} : memref<2x1000xf32, #tpu.memory_space<vmem>>, vector<16xf32>,
      %swap3A_48 = arith.constant 0 : i32
      %swap3A_49 = arith.index_cast %swap3A_48 : i32 to index
      %swap3A_50 = arith.constant 32 : index
      %swap3A_51 = tpu.vector_load %arg6[%swap3A_49, %swap3A_50] {strides = array<i32>} : memref<2x1000xf32, #tpu.memory_space<vmem>>, vector<16xf32>,
      tpu.vector_store %arg6[%swap3A_49, %swap3A_50], %broadcast_in_dim3A_3 {strides = array<i32>} : memref<2x1000xf32, #tpu.memory_space<vmem>>, vector<16xf32>,
      %swap3A_52 = arith.constant 0 : i32
      %swap3A_53 = arith.index_cast %swap3A_52 : i32 to index
      %swap3A_54 = arith.constant 48 : index
      %swap3A_55 = tpu.vector_load %arg5[%swap3A_53, %swap3A_54] {strides = array<i32>} : memref<2x1000xf32, #tpu.memory_space<vmem>>, vector<16xf32>,
      tpu.vector_store %arg5[%swap3A_53, %swap3A_54], %broadcast_in_dim3A_3 {strides = array<i32>} : memref<2x1000xf32, #tpu.memory_space<vmem>>, vector<16xf32>,
      %swap3A_56 = arith.constant 0 : i32
      %swap3A_57 = arith.index_cast %swap3A_56 : i32 to index
      %swap3A_58 = arith.constant 48 : index
      %swap3A_59 = tpu.vector_load %arg6[%swap3A_57, %swap3A_58] {strides = array<i32>} : memref<2x1000xf32, #tpu.memory_space<vmem>>, vector<16xf32>,
      tpu.vector_store %arg6[%swap3A_57, %swap3A_58], %broadcast_in_dim3A_3 {strides = array<i32>} : memref<2x1000xf32, #tpu.memory_space<vmem>>, vector<16xf32>,
      %swap3A_60 = arith.constant 0 : i32
      %swap3A_61 = arith.index_cast %swap3A_60 : i32 to index
      %swap3A_62 = arith.constant 64 : index
      %swap3A_63 = tpu.vector_load %arg5[%swap3A_61, %swap3A_62] {strides = array<i32>} : memref<2x1000xf32, #tpu.memory_space<vmem>>, vector<16xf32>,
      tpu.vector_store %arg5[%swap3A_61, %swap3A_62], %broadcast_in_dim3A_3 {strides = array<i32>} : memref<2x1000xf32, #tpu.memory_space<vmem>>, vector<16xf32>,
      %swap3A_64 = arith.constant 0 : i32
      %swap3A_65 = arith.index_cast %swap3A_64 : i32 to index
      %swap3A_66 = arith.constant 64 : index
      %swap3A_67 = tpu.vector_load %arg6[%swap3A_65, %swap3A_66] {strides = array<i32>} : memref<2x1000xf32, #tpu.memory_space<vmem>>, vector<16xf32>,
      tpu.vector_store %arg6[%swap3A_65, %swap3A_66], %broadcast_in_dim3A_3 {strides = array<i32>} : memref<2x1000xf32, #tpu.memory_space<vmem>>, vector<16xf32>,
      %swap3A_68 = arith.constant 0 : i32
      %swap3A_69 = arith.index_cast %swap3A_68 : i32 to index
      %swap3A_70 = arith.constant 80 : index
      %swap3A_71 = tpu.vector_load %arg5[%swap3A_69, %swap3A_70] {strides = array<i32>} : memref<2x1000xf32, #tpu.memory_space<vmem>>, vector<16xf32>,
      tpu.vector_store %arg5[%swap3A_69, %swap3A_70], %broadcast_in_dim3A_3 {strides = array<i32>} : memref<2x1000xf32, #tpu.memory_space<vmem>>, vector<16xf32>,
      %swap3A_72 = arith.constant 0 : i32
      %swap3A_73 = arith.index_cast %swap3A_72 : i32 to index
      %swap3A_74 = arith.constant 80 : index
      %swap3A_75 = tpu.vector_load %arg6[%swap3A_73, %swap3A_74] {strides = array<i32>} : memref<2x1000xf32, #tpu.memory_space<vmem>>, vector<16xf32>,
      tpu.vector_store %arg6[%swap3A_73, %swap3A_74], %broadcast_in_dim3A_3 {strides = array<i32>} : memref<2x1000xf32, #tpu.memory_space<vmem>>, vector<16xf32>,
      %swap3A_76 = arith.constant 0 : i32
      %swap3A_77 = arith.index_cast %swap3A_76 : i32 to index
      %swap3A_78 = arith.constant 96 : index
      %swap3A_79 = tpu.vector_load %arg5[%swap3A_77, %swap3A_78] {strides = array<i32>} : memref<2x1000xf32, #tpu.memory_space<vmem>>, vector<16xf32>,
      tpu.vector_store %arg5[%swap3A_77, %swap3A_78], %broadcast_in_dim3A_3 {strides = array<i32>} : memref<2x1000xf32, #tpu.memory_space<vmem>>, vector<16xf32>,
      %swap3A_80 = arith.constant 0 : i32
      %swap3A_81 = arith.index_cast %swap3A_80 : i32 to index
      %swap3A_82 = arith.constant 96 : index
      %swap3A_83 = tpu.vector_load %arg6[%swap3A_81, %swap3A_82] {strides = array<i32>} : memref<2x1000xf32, #tpu.memory_space<vmem>>, vector<16xf32>,
      tpu.vector_store %arg6[%swap3A_81, %swap3A_82], %broadcast_in_dim3A_3 {strides = array<i32>} : memref<2x1000xf32, #tpu.memory_space<vmem>>, vector<16xf32>,
      %swap3A_84 = arith.constant 0 : i32
      %swap3A_85 = arith.index_cast %swap3A_84 : i32 to index
      %swap3A_86 = arith.constant 112 : index
      %swap3A_87 = tpu.vector_load %arg5[%swap3A_85, %swap3A_86] {strides = array<i32>} : memref<2x1000xf32, #tpu.memory_space<vmem>>, vector<16xf32>,
      tpu.vector_store %arg5[%swap3A_85, %swap3A_86], %broadcast_in_dim3A_3 {strides = array<i32>} : memref<2x1000xf32, #tpu.memory_space<vmem>>, vector<16xf32>,
      %swap3A_88 = arith.constant 0 : i32
      %swap3A_89 = arith.index_cast %swap3A_88 : i32 to index
      %swap3A_90 = arith.constant 112 : index
      %swap3A_91 = tpu.vector_load %arg6[%swap3A_89, %swap3A_90] {strides = array<i32>} : memref<2x1000xf32, #tpu.memory_space<vmem>>, vector<16xf32>,
      tpu.vector_store %arg6[%swap3A_89, %swap3A_90], %broadcast_in_dim3A_3 {strides = array<i32>} : memref<2x1000xf32, #tpu.memory_space<vmem>>, vector<16xf32>,
      %swap3A_92 = arith.constant 0 : i32
      %swap3A_93 = arith.index_cast %swap3A_92 : i32 to index
      %swap3A_94 = arith.constant 128 : index
      %swap3A_95 = tpu.vector_load %arg5[%swap3A_93, %swap3A_94] {strides = array<i32>} : memref<2x1000xf32, #tpu.memory_space<vmem>>, vector<16xf32>,
      tpu.vector_store %arg5[%swap3A_93, %swap3A_94], %broadcast_in_dim3A_3 {strides = array<i32>} : memref<2x1000xf32, #tpu.memory_space<vmem>>, vector<16xf32>,
      %swap3A_96 = arith.constant 0 : i32
      %swap3A_97 = arith.index_cast %swap3A_96 : i32 to index
      %swap3A_98 = arith.constant 128 : index
      %swap3A_99 = tpu.vector_load %arg6[%swap3A_97, %swap3A_98] {strides = array<i32>} : memref<2x1000xf32, #tpu.memory_space<vmem>>, vector<16xf32>,
      tpu.vector_store %arg6[%swap3A_97, %swap3A_98], %broadcast_in_dim3A_3 {strides = array<i32>} : memref<2x1000xf32, #tpu.memory_space<vmem>>, vector<16xf32>,
      %swap3A_100 = arith.constant 0 : i32
      %swap3A_101 = arith.index_cast %swap3A_100 : i32 to index
      %swap3A_102 = arith.constant 144 : index
      %swap3A_103 = tpu.vector_load %arg5[%swap3A_101, %swap3A_102] {strides = array<i32>} : memref<2x1000xf32, #tpu.memory_space<vmem>>, vector<16xf32>,
      tpu.vector_store %arg5[%swap3A_101, %swap3A_102], %broadcast_in_dim3A_3 {strides = array<i32>} : memref<2x1000xf32, #tpu.memory_space<vmem>>, vector<16xf32>,
      %swap3A_104 = arith.constant 0 : i32
      %swap3A_105 = arith.index_cast %swap3A_104 : i32 to index
      %swap3A_106 = arith.constant 144 : index
      %swap3A_107 = tpu.vector_load %arg6[%swap3A_105, %swap3A_106] {strides = array<i32>} : memref<2x1000xf32, #tpu.memory_space<vmem>>, vector<16xf32>,
      tpu.vector_store %arg6[%swap3A_105, %swap3A_106], %broadcast_in_dim3A_3 {strides = array<i32>} : memref<2x1000xf32, #tpu.memory_space<vmem>>, vector<16xf32>,
      %swap3A_108 = arith.constant 0 : i32
      %swap3A_109 = arith.index_cast %swap3A_108 : i32 to index
      %swap3A_110 = arith.constant 160 : index
      %swap3A_111 = tpu.vector_load %arg5[%swap3A_109, %swap3A_110] {strides = array<i32>} : memref<2x1000xf32, #tpu.memory_space<vmem>>, vector<16xf32>,
      tpu.vector_store %arg5[%swap3A_109, %swap3A_110], %broadcast_in_dim3A_3 {strides = array<i32>} : memref<2x1000xf32, #tpu.memory_space<vmem>>, vector<16xf32>,
      %swap3A_112 = arith.constant 0 : i32
      %swap3A_113 = arith.index_cast %swap3A_112 : i32 to index
      %swap3A_114 = arith.constant 160 : index
      %swap3A_115 = tpu.vector_load %arg6[%swap3A_113, %swap3A_114] {strides = array<i32>} : memref<2x1000xf32, #tpu.memory_space<vmem>>, vector<16xf32>,
      tpu.vector_store %arg6[%swap3A_113, %swap3A_114], %broadcast_in_dim3A_3 {strides = array<i32>} : memref<2x1000xf32, #tpu.memory_space<vmem>>, vector<16xf32>,
      %swap3A_116 = arith.constant 0 : i32
      %swap3A_117 = arith.index_cast %swap3A_116 : i32 to index
      %swap3A_118 = arith.constant 176 : index
      %swap3A_119 = tpu.vector_load %arg5[%swap3A_117, %swap3A_118] {strides = array<i32>} : memref<2x1000xf32, #tpu.memory_space<vmem>>, vector<16xf32>,
      tpu.vector_store %arg5[%swap3A_117, %swap3A_118], %broadcast_in_dim3A_3 {strides = array<i32>} : memref<2x1000xf32, #tpu.memory_space<vmem>>, vector<16xf32>,
      %swap3A_120 = arith.constant 0 : i32
      %swap3A_121 = arith.index_cast %swap3A_120 : i32 to index
      %swap3A_122 = arith.constant 176 : index
      %swap3A_123 = tpu.vector_load %arg6[%swap3A_121, %swap3A_122] {strides = array<i32>} : memref<2x1000xf32, #tpu.memory_space<vmem>>, vector<16xf32>,
      tpu.vector_store %arg6[%swap3A_121, %swap3A_122], %broadcast_in_dim3A_3 {strides = array<i32>} : memref<2x1000xf32, #tpu.memory_space<vmem>>, vector<16xf32>,
      %swap3A_124 = arith.constant 0 : i32
      %swap3A_125 = arith.index_cast %swap3A_124 : i32 to index
      %swap3A_126 = arith.constant 192 : index
      %swap3A_127 = tpu.vector_load %arg5[%swap3A_125, %swap3A_126] {strides = array<i32>} : memref<2x1000xf32, #tpu.memory_space<vmem>>, vector<16xf32>,
      tpu.vector_store %arg5[%swap3A_125, %swap3A_126], %broadcast_in_dim3A_3 {strides = array<i32>} : memref<2x1000xf32, #tpu.memory_space<vmem>>, vector<16xf32>,
      %swap3A_128 = arith.constant 0 : i32
      %swap3A_129 = arith.index_cast %swap3A_128 : i32 to index
      %swap3A_130 = arith.constant 192 : index
      %swap3A_131 = tpu.vector_load %arg6[%swap3A_129, %swap3A_130] {strides = array<i32>} : memref<2x1000xf32, #tpu.memory_space<vmem>>, vector<16xf32>,
      tpu.vector_store %arg6[%swap3A_129, %swap3A_130], %broadcast_in_dim3A_3 {strides = array<i32>} : memref<2x1000xf32, #tpu.memory_space<vmem>>, vector<16xf32>,
      %swap3A_132 = arith.constant 0 : i32
      %swap3A_133 = arith.index_cast %swap3A_132 : i32 to index
      %swap3A_134 = arith.constant 208 : index
      %swap3A_135 = tpu.vector_load %arg5[%swap3A_133, %swap3A_134] {strides = array<i32>} : memref<2x1000xf32, #tpu.memory_space<vmem>>, vector<16xf32>,
      tpu.vector_store %arg5[%swap3A_133, %swap3A_134], %broadcast_in_dim3A_3 {strides = array<i32>} : memref<2x1000xf32, #tpu.memory_space<vmem>>, vector<16xf32>,
      %swap3A_136 = arith.constant 0 : i32
      %swap3A_137 = arith.index_cast %swap3A_136 : i32 to index
      %swap3A_138 = arith.constant 208 : index
      %swap3A_139 = tpu.vector_load %arg6[%swap3A_137, %swap3A_138] {strides = array<i32>} : memref<2x1000xf32, #tpu.memory_space<vmem>>, vector<16xf32>,
      tpu.vector_store %arg6[%swap3A_137, %swap3A_138], %broadcast_in_dim3A_3 {strides = array<i32>} : memref<2x1000xf32, #tpu.memory_space<vmem>>, vector<16xf32>,
      %swap3A_140 = arith.constant 0 : i32
      %swap3A_141 = arith.index_cast %swap3A_140 : i32 to index
      %swap3A_142 = arith.constant 224 : index
      %swap3A_143 = tpu.vector_load %arg5[%swap3A_141, %swap3A_142] {strides = array<i32>} : memref<2x1000xf32, #tpu.memory_space<vmem>>, vector<16xf32>,
      tpu.vector_store %arg5[%swap3A_141, %swap3A_142], %broadcast_in_dim3A_3 {strides = array<i32>} : memref<2x1000xf32, #tpu.memory_space<vmem>>, vector<16xf32>,
      %swap3A_144 = arith.constant 0 : i32
      %swap3A_145 = arith.index_cast %swap3A_144 : i32 to index
      %swap3A_146 = arith.constant 224 : index
      %swap3A_147 = tpu.vector_load %arg6[%swap3A_145, %swap3A_146] {strides = array<i32>} : memref<2x1000xf32, #tpu.memory_space<vmem>>, vector<16xf32>,
      tpu.vector_store %arg6[%swap3A_145, %swap3A_146], %broadcast_in_dim3A_3 {strides = array<i32>} : memref<2x1000xf32, #tpu.memory_space<vmem>>, vector<16xf32>,
      %swap3A_148 = arith.constant 0 : i32
      %swap3A_149 = arith.index_cast %swap3A_148 : i32 to index
      %swap3A_150 = arith.constant 240 : index
      %swap3A_151 = tpu.vector_load %arg5[%swap3A_149, %swap3A_150] {strides = array<i32>} : memref<2x1000xf32, #tpu.memory_space<vmem>>, vector<16xf32>,
      tpu.vector_store %arg5[%swap3A_149, %swap3A_150], %broadcast_in_dim3A_3 {strides = array<i32>} : memref<2x1000xf32, #tpu.memory_space<vmem>>, vector<16xf32>,
      %swap3A_152 = arith.constant 0 : i32
      %swap3A_153 = arith.index_cast %swap3A_152 : i32 to index
      %swap3A_154 = arith.constant 240 : index
      %swap3A_155 = tpu.vector_load %arg6[%swap3A_153, %swap3A_154] {strides = array<i32>} : memref<2x1000xf32, #tpu.memory_space<vmem>>, vector<16xf32>,
      tpu.vector_store %arg6[%swap3A_153, %swap3A_154], %broadcast_in_dim3A_3 {strides = array<i32>} : memref<2x1000xf32, #tpu.memory_space<vmem>>, vector<16xf32>,
      %swap3A_156 = arith.constant 0 : i32
      %swap3A_157 = arith.index_cast %swap3A_156 : i32 to index
      %swap3A_158 = arith.constant 256 : index
      %swap3A_159 = tpu.vector_load %arg5[%swap3A_157, %swap3A_158] {strides = array<i32>} : memref<2x1000xf32, #tpu.memory_space<vmem>>, vector<16xf32>,
      tpu.vector_store %arg5[%swap3A_157, %swap3A_158], %broadcast_in_dim3A_3 {strides = array<i32>} : memref<2x1000xf32, #tpu.memory_space<vmem>>, vector<16xf32>,
      %swap3A_160 = arith.constant 0 : i32
      %swap3A_161 = arith.index_cast %swap3A_160 : i32 to index
      %swap3A_162 = arith.constant 256 : index
      %swap3A_163 = tpu.vector_load %arg6[%swap3A_161, %swap3A_162] {strides = array<i32>} : memref<2x1000xf32, #tpu.memory_space<vmem>>, vector<16xf32>,
      tpu.vector_store %arg6[%swap3A_161, %swap3A_162], %broadcast_in_dim3A_3 {strides = array<i32>} : memref<2x1000xf32, #tpu.memory_space<vmem>>, vector<16xf32>,
      %swap3A_164 = arith.constant 0 : i32
      %swap3A_165 = arith.index_cast %swap3A_164 : i32 to index
      %swap3A_166 = arith.constant 272 : index
      %swap3A_167 = tpu.vector_load %arg5[%swap3A_165, %swap3A_166] {strides = array<i32>} : memref<2x1000xf32, #tpu.memory_space<vmem>>, vector<16xf32>,
      tpu.vector_store %arg5[%swap3A_165, %swap3A_166], %broadcast_in_dim3A_3 {strides = array<i32>} : memref<2x1000xf32, #tpu.memory_space<vmem>>, vector<16xf32>,
      %swap3A_168 = arith.constant 0 : i32
      %swap3A_169 = arith.index_cast %swap3A_168 : i32 to index
      %swap3A_170 = arith.constant 272 : index
      %swap3A_171 = tpu.vector_load %arg6[%swap3A_169, %swap3A_170] {strides = array<i32>} : memref<2x1000xf32, #tpu.memory_space<vmem>>, vector<16xf32>,
      tpu.vector_store %arg6[%swap3A_169, %swap3A_170], %broadcast_in_dim3A_3 {strides = array<i32>} : memref<2x1000xf32, #tpu.memory_space<vmem>>, vector<16xf32>,
      %swap3A_172 = arith.constant 0 : i32
      %swap3A_173 = arith.index_cast %swap3A_172 : i32 to index
      %swap3A_174 = arith.constant 288 : index
      %swap3A_175 = tpu.vector_load %arg5[%swap3A_173, %swap3A_174] {strides = array<i32>} : memref<2x1000xf32, #tpu.memory_space<vmem>>, vector<16xf32>,
      tpu.vector_store %arg5[%swap3A_173, %swap3A_174], %broadcast_in_dim3A_3 {strides = array<i32>} : memref<2x1000xf32, #tpu.memory_space<vmem>>, vector<16xf32>,
      %swap3A_176 = arith.constant 0 : i32
      %swap3A_177 = arith.index_cast %swap3A_176 : i32 to index
      %swap3A_178 = arith.constant 288 : index
      %swap3A_179 = tpu.vector_load %arg6[%swap3A_177, %swap3A_178] {strides = array<i32>} : memref<2x1000xf32, #tpu.memory_space<vmem>>, vector<16xf32>,
      tpu.vector_store %arg6[%swap3A_177, %swap3A_178], %broadcast_in_dim3A_3 {strides = array<i32>} : memref<2x1000xf32, #tpu.memory_space<vmem>>, vector<16xf32>,
      %swap3A_180 = arith.constant 0 : i32
      %swap3A_181 = arith.index_cast %swap3A_180 : i32 to index
      %swap3A_182 = arith.constant 304 : index
      %swap3A_183 = tpu.vector_load %arg5[%swap3A_181, %swap3A_182] {strides = array<i32>} : memref<2x1000xf32, #tpu.memory_space<vmem>>, vector<16xf32>,
      tpu.vector_store %arg5[%swap3A_181, %swap3A_182], %broadcast_in_dim3A_3 {strides = array<i32>} : memref<2x1000xf32, #tpu.memory_space<vmem>>, vector<16xf32>,
      %swap3A_184 = arith.constant 0 : i32
      %swap3A_185 = arith.index_cast %swap3A_184 : i32 to index
      %swap3A_186 = arith.constant 304 : index
      %swap3A_187 = tpu.vector_load %arg6[%swap3A_185, %swap3A_186] {strides = array<i32>} : memref<2x1000xf32, #tpu.memory_space<vmem>>, vector<16xf32>,
      tpu.vector_store %arg6[%swap3A_185, %swap3A_186], %broadcast_in_dim3A_3 {strides = array<i32>} : memref<2x1000xf32, #tpu.memory_space<vmem>>, vector<16xf32>,
      %swap3A_188 = arith.constant 0 : i32
      %swap3A_189 = arith.index_cast %swap3A_188 : i32 to index
      %swap3A_190 = arith.constant 320 : index
      %swap3A_191 = tpu.vector_load %arg5[%swap3A_189, %swap3A_190] {strides = array<i32>} : memref<2x1000xf32, #tpu.memory_space<vmem>>, vector<16xf32>,
      tpu.vector_store %arg5[%swap3A_189, %swap3A_190], %broadcast_in_dim3A_3 {strides = array<i32>} : memref<2x1000xf32, #tpu.memory_space<vmem>>, vector<16xf32>,
      %swap3A_192 = arith.constant 0 : i32
      %swap3A_193 = arith.index_cast %swap3A_192 : i32 to index
      %swap3A_194 = arith.constant 320 : index
      %swap3A_195 = tpu.vector_load %arg6[%swap3A_193, %swap3A_194] {strides = array<i32>} : memref<2x1000xf32, #tpu.memory_space<vmem>>, vector<16xf32>,
      tpu.vector_store %arg6[%swap3A_193, %swap3A_194], %broadcast_in_dim3A_3 {strides = array<i32>} : memref<2x1000xf32, #tpu.memory_space<vmem>>, vector<16xf32>,
      %swap3A_196 = arith.constant 0 : i32
      %swap3A_197 = arith.index_cast %swap3A_196 : i32 to index
      %swap3A_198 = arith.constant 336 : index
      %swap3A_199 = tpu.vector_load %arg5[%swap3A_197, %swap3A_198] {strides = array<i32>} : memref<2x1000xf32, #tpu.memory_space<vmem>>, vector<16xf32>,
      tpu.vector_store %arg5[%swap3A_197, %swap3A_198], %broadcast_in_dim3A_3 {strides = array<i32>} : memref<2x1000xf32, #tpu.memory_space<vmem>>, vector<16xf32>,
      %swap3A_200 = arith.constant 0 : i32
      %swap3A_201 = arith.index_cast %swap3A_200 : i32 to index
      %swap3A_202 = arith.constant 336 : index
      %swap3A_203 = tpu.vector_load %arg6[%swap3A_201, %swap3A_202] {strides = array<i32>} : memref<2x1000xf32, #tpu.memory_space<vmem>>, vector<16xf32>,
      tpu.vector_store %arg6[%swap3A_201, %swap3A_202], %broadcast_in_dim3A_3 {strides = array<i32>} : memref<2x1000xf32, #tpu.memory_space<vmem>>, vector<16xf32>,
      %swap3A_204 = arith.constant 0 : i32
      %swap3A_205 = arith.index_cast %swap3A_204 : i32 to index
      %swap3A_206 = arith.constant 352 : index
      %swap3A_207 = tpu.vector_load %arg5[%swap3A_205, %swap3A_206] {strides = array<i32>} : memref<2x1000xf32, #tpu.memory_space<vmem>>, vector<16xf32>,
      tpu.vector_store %arg5[%swap3A_205, %swap3A_206], %broadcast_in_dim3A_3 {strides = array<i32>} : memref<2x1000xf32, #tpu.memory_space<vmem>>, vector<16xf32>,
      %swap3A_208 = arith.constant 0 : i32
      %swap3A_209 = arith.index_cast %swap3A_208 : i32 to index
      %swap3A_210 = arith.constant 352 : index
      %swap3A_211 = tpu.vector_load %arg6[%swap3A_209, %swap3A_210] {strides = array<i32>} : memref<2x1000xf32, #tpu.memory_space<vmem>>, vector<16xf32>,
      tpu.vector_store %arg6[%swap3A_209, %swap3A_210], %broadcast_in_dim3A_3 {strides = array<i32>} : memref<2x1000xf32, #tpu.memory_space<vmem>>, vector<16xf32>,
      %swap3A_212 = arith.constant 0 : i32
      %swap3A_213 = arith.index_cast %swap3A_212 : i32 to index
      %swap3A_214 = arith.constant 368 : index
      %swap3A_215 = tpu.vector_load %arg5[%swap3A_213, %swap3A_214] {strides = array<i32>} : memref<2x1000xf32, #tpu.memory_space<vmem>>, vector<16xf32>,
      tpu.vector_store %arg5[%swap3A_213, %swap3A_214], %broadcast_in_dim3A_3 {strides = array<i32>} : memref<2x1000xf32, #tpu.memory_space<vmem>>, vector<16xf32>,
      %swap3A_216 = arith.constant 0 : i32
      %swap3A_217 = arith.index_cast %swap3A_216 : i32 to index
      %swap3A_218 = arith.constant 368 : index
      %swap3A_219 = tpu.vector_load %arg6[%swap3A_217, %swap3A_218] {strides = array<i32>} : memref<2x1000xf32, #tpu.memory_space<vmem>>, vector<16xf32>,
      tpu.vector_store %arg6[%swap3A_217, %swap3A_218], %broadcast_in_dim3A_3 {strides = array<i32>} : memref<2x1000xf32, #tpu.memory_space<vmem>>, vector<16xf32>,
      %swap3A_220 = arith.constant 0 : i32
      %swap3A_221 = arith.index_cast %swap3A_220 : i32 to index
      %swap3A_222 = arith.constant 384 : index
      %swap3A_223 = tpu.vector_load %arg5[%swap3A_221, %swap3A_222] {strides = array<i32>} : memref<2x1000xf32, #tpu.memory_space<vmem>>, vector<16xf32>,
      tpu.vector_store %arg5[%swap3A_221, %swap3A_222], %broadcast_in_dim3A_3 {strides = array<i32>} : memref<2x1000xf32, #tpu.memory_space<vmem>>, vector<16xf32>,
      %swap3A_224 = arith.constant 0 : i32
      %swap3A_225 = arith.index_cast %swap3A_224 : i32 to index
      %swap3A_226 = arith.constant 384 : index
      %swap3A_227 = tpu.vector_load %arg6[%swap3A_225, %swap3A_226] {strides = array<i32>} : memref<2x1000xf32, #tpu.memory_space<vmem>>, vector<16xf32>,
      tpu.vector_store %arg6[%swap3A_225, %swap3A_226], %broadcast_in_dim3A_3 {strides = array<i32>} : memref<2x1000xf32, #tpu.memory_space<vmem>>, vector<16xf32>,
      %swap3A_228 = arith.constant 0 : i32
      %swap3A_229 = arith.index_cast %swap3A_228 : i32 to index
      %swap3A_230 = arith.constant 400 : index
      %swap3A_231 = tpu.vector_load %arg5[%swap3A_229, %swap3A_230] {strides = array<i32>} : memref<2x1000xf32, #tpu.memory_space<vmem>>, vector<16xf32>,
      tpu.vector_store %arg5[%swap3A_229, %swap3A_230], %broadcast_in_dim3A_3 {strides = array<i32>} : memref<2x1000xf32, #tpu.memory_space<vmem>>, vector<16xf32>,
      %swap3A_232 = arith.constant 0 : i32
      %swap3A_233 = arith.index_cast %swap3A_232 : i32 to index
      %swap3A_234 = arith.constant 400 : index
      %swap3A_235 = tpu.vector_load %arg6[%swap3A_233, %swap3A_234] {strides = array<i32>} : memref<2x1000xf32, #tpu.memory_space<vmem>>, vector<16xf32>,
      tpu.vector_store %arg6[%swap3A_233, %swap3A_234], %broadcast_in_dim3A_3 {strides = array<i32>} : memref<2x1000xf32, #tpu.memory_space<vmem>>, vector<16xf32>,
      %swap3A_236 = arith.constant 0 : i32
      %swap3A_237 = arith.index_cast %swap3A_236 : i32 to index
      %swap3A_238 = arith.constant 416 : index
      %swap3A_239 = tpu.vector_load %arg5[%swap3A_237, %swap3A_238] {strides = array<i32>} : memref<2x1000xf32, #tpu.memory_space<vmem>>, vector<16xf32>,
      tpu.vector_store %arg5[%swap3A_237, %swap3A_238], %broadcast_in_dim3A_3 {strides = array<i32>} : memref<2x1000xf32, #tpu.memory_space<vmem>>, vector<16xf32>,
      %swap3A_240 = arith.constant 0 : i32
      %swap3A_241 = arith.index_cast %swap3A_240 : i32 to index
      %swap3A_242 = arith.constant 416 : index
      %swap3A_243 = tpu.vector_load %arg6[%swap3A_241, %swap3A_242] {strides = array<i32>} : memref<2x1000xf32, #tpu.memory_space<vmem>>, vector<16xf32>,
      tpu.vector_store %arg6[%swap3A_241, %swap3A_242], %broadcast_in_dim3A_3 {strides = array<i32>} : memref<2x1000xf32, #tpu.memory_space<vmem>>, vector<16xf32>,
      %swap3A_244 = arith.constant 0 : i32
      %swap3A_245 = arith.index_cast %swap3A_244 : i32 to index
      %swap3A_246 = arith.constant 432 : index
      %swap3A_247 = tpu.vector_load %arg5[%swap3A_245, %swap3A_246] {strides = array<i32>} : memref<2x1000xf32, #tpu.memory_space<vmem>>, vector<16xf32>,
      tpu.vector_store %arg5[%swap3A_245, %swap3A_246], %broadcast_in_dim3A_3 {strides = array<i32>} : memref<2x1000xf32, #tpu.memory_space<vmem>>, vector<16xf32>,
      %swap3A_248 = arith.constant 0 : i32
      %swap3A_249 = arith.index_cast %swap3A_248 : i32 to index
      %swap3A_250 = arith.constant 432 : index
      %swap3A_251 = tpu.vector_load %arg6[%swap3A_249, %swap3A_250] {strides = array<i32>} : memref<2x1000xf32, #tpu.memory_space<vmem>>, vector<16xf32>,
      tpu.vector_store %arg6[%swap3A_249, %swap3A_250], %broadcast_in_dim3A_3 {strides = array<i32>} : memref<2x1000xf32, #tpu.memory_space<vmem>>, vector<16xf32>,
      %swap3A_252 = arith.constant 0 : i32
      %swap3A_253 = arith.index_cast %swap3A_252 : i32 to index
      %swap3A_254 = arith.constant 448 : index
      %swap3A_255 = tpu.vector_load %arg5[%swap3A_253, %swap3A_254] {strides = array<i32>} : memref<2x1000xf32, #tpu.memory_space<vmem>>, vector<16xf32>,
      tpu.vector_store %arg5[%swap3A_253, %swap3A_254], %broadcast_in_dim3A_3 {strides = array<i32>} : memref<2x1000xf32, #tpu.memory_space<vmem>>, vector<16xf32>,
      %swap3A_256 = arith.constant 0 : i32
      %swap3A_257 = arith.index_cast %swap3A_256 : i32 to index
      %swap3A_258 = arith.constant 448 : index
      %swap3A_259 = tpu.vector_load %arg6[%swap3A_257, %swap3A_258] {strides = array<i32>} : memref<2x1000xf32, #tpu.memory_space<vmem>>, vector<16xf32>,
      tpu.vector_store %arg6[%swap3A_257, %swap3A_258], %broadcast_in_dim3A_3 {strides = array<i32>} : memref<2x1000xf32, #tpu.memory_space<vmem>>, vector<16xf32>,
      %swap3A_260 = arith.constant 0 : i32
      %swap3A_261 = arith.index_cast %swap3A_260 : i32 to index
      %swap3A_262 = arith.constant 464 : index
      %swap3A_263 = tpu.vector_load %arg5[%swap3A_261, %swap3A_262] {strides = array<i32>} : memref<2x1000xf32, #tpu.memory_space<vmem>>, vector<16xf32>,
      tpu.vector_store %arg5[%swap3A_261, %swap3A_262], %broadcast_in_dim3A_3 {strides = array<i32>} : memref<2x1000xf32, #tpu.memory_space<vmem>>, vector<16xf32>,
      %swap3A_264 = arith.constant 0 : i32
      %swap3A_265 = arith.index_cast %swap3A_264 : i32 to index
      %swap3A_266 = arith.constant 464 : index
      %swap3A_267 = tpu.vector_load %arg6[%swap3A_265, %swap3A_266] {strides = array<i32>} : memref<2x1000xf32, #tpu.memory_space<vmem>>, vector<16xf32>,
      tpu.vector_store %arg6[%swap3A_265, %swap3A_266], %broadcast_in_dim3A_3 {strides = array<i32>} : memref<2x1000xf32, #tpu.memory_space<vmem>>, vector<16xf32>,
      %swap3A_268 = arith.constant 0 : i32
      %swap3A_269 = arith.index_cast %swap3A_268 : i32 to index
      %swap3A_270 = arith.constant 480 : index
      %swap3A_271 = tpu.vector_load %arg5[%swap3A_269, %swap3A_270] {strides = array<i32>} : memref<2x1000xf32, #tpu.memory_space<vmem>>, vector<16xf32>,
      tpu.vector_store %arg5[%swap3A_269, %swap3A_270], %broadcast_in_dim3A_3 {strides = array<i32>} : memref<2x1000xf32, #tpu.memory_space<vmem>>, vector<16xf32>,
      %swap3A_272 = arith.constant 0 : i32
      %swap3A_273 = arith.index_cast %swap3A_272 : i32 to index
      %swap3A_274 = arith.constant 480 : index
      %swap3A_275 = tpu.vector_load %arg6[%swap3A_273, %swap3A_274] {strides = array<i32>} : memref<2x1000xf32, #tpu.memory_space<vmem>>, vector<16xf32>,
      tpu.vector_store %arg6[%swap3A_273, %swap3A_274], %broadcast_in_dim3A_3 {strides = array<i32>} : memref<2x1000xf32, #tpu.memory_space<vmem>>, vector<16xf32>,
      %swap3A_276 = arith.constant 0 : i32
      %swap3A_277 = arith.index_cast %swap3A_276 : i32 to index
      %swap3A_278 = arith.constant 496 : index
      %swap3A_279 = tpu.vector_load %arg5[%swap3A_277, %swap3A_278] {strides = array<i32>} : memref<2x1000xf32, #tpu.memory_space<vmem>>, vector<16xf32>,
      tpu.vector_store %arg5[%swap3A_277, %swap3A_278], %broadcast_in_dim3A_3 {strides = array<i32>} : memref<2x1000xf32, #tpu.memory_space<vmem>>, vector<16xf32>,
      %swap3A_280 = arith.constant 0 : i32
      %swap3A_281 = arith.index_cast %swap3A_280 : i32 to index
      %swap3A_282 = arith.constant 496 : index
      %swap3A_283 = tpu.vector_load %arg6[%swap3A_281, %swap3A_282] {strides = array<i32>} : memref<2x1000xf32, #tpu.memory_space<vmem>>, vector<16xf32>,
      tpu.vector_store %arg6[%swap3A_281, %swap3A_282], %broadcast_in_dim3A_3 {strides = array<i32>} : memref<2x1000xf32, #tpu.memory_space<vmem>>, vector<16xf32>,
      %swap3A_284 = arith.constant 0 : i32
      %swap3A_285 = arith.index_cast %swap3A_284 : i32 to index
      %swap3A_286 = arith.constant 512 : index
      %swap3A_287 = tpu.vector_load %arg5[%swap3A_285, %swap3A_286] {strides = array<i32>} : memref<2x1000xf32, #tpu.memory_space<vmem>>, vector<16xf32>,
      tpu.vector_store %arg5[%swap3A_285, %swap3A_286], %broadcast_in_dim3A_3 {strides = array<i32>} : memref<2x1000xf32, #tpu.memory_space<vmem>>, vector<16xf32>,
      %swap3A_288 = arith.constant 0 : i32
      %swap3A_289 = arith.index_cast %swap3A_288 : i32 to index
      %swap3A_290 = arith.constant 512 : index
      %swap3A_291 = tpu.vector_load %arg6[%swap3A_289, %swap3A_290] {strides = array<i32>} : memref<2x1000xf32, #tpu.memory_space<vmem>>, vector<16xf32>,
      tpu.vector_store %arg6[%swap3A_289, %swap3A_290], %broadcast_in_dim3A_3 {strides = array<i32>} : memref<2x1000xf32, #tpu.memory_space<vmem>>, vector<16xf32>,
      %swap3A_292 = arith.constant 0 : i32
      %swap3A_293 = arith.index_cast %swap3A_292 : i32 to index
      %swap3A_294 = arith.constant 528 : index
      %swap3A_295 = tpu.vector_load %arg5[%swap3A_293, %swap3A_294] {strides = array<i32>} : memref<2x1000xf32, #tpu.memory_space<vmem>>, vector<16xf32>,
      tpu.vector_store %arg5[%swap3A_293, %swap3A_294], %broadcast_in_dim3A_3 {strides = array<i32>} : memref<2x1000xf32, #tpu.memory_space<vmem>>, vector<16xf32>,
      %swap3A_296 = arith.constant 0 : i32
      %swap3A_297 = arith.index_cast %swap3A_296 : i32 to index
      %swap3A_298 = arith.constant 528 : index
      %swap3A_299 = tpu.vector_load %arg6[%swap3A_297, %swap3A_298] {strides = array<i32>} : memref<2x1000xf32, #tpu.memory_space<vmem>>, vector<16xf32>,
      tpu.vector_store %arg6[%swap3A_297, %swap3A_298], %broadcast_in_dim3A_3 {strides = array<i32>} : memref<2x1000xf32, #tpu.memory_space<vmem>>, vector<16xf32>,
      %swap3A_300 = arith.constant 0 : i32
      %swap3A_301 = arith.index_cast %swap3A_300 : i32 to index
      %swap3A_302 = arith.constant 544 : index
      %swap3A_303 = tpu.vector_load %arg5[%swap3A_301, %swap3A_302] {strides = array<i32>} : memref<2x1000xf32, #tpu.memory_space<vmem>>, vector<16xf32>,
      tpu.vector_store %arg5[%swap3A_301, %swap3A_302], %broadcast_in_dim3A_3 {strides = array<i32>} : memref<2x1000xf32, #tpu.memory_space<vmem>>, vector<16xf32>,
      %swap3A_304 = arith.constant 0 : i32
      %swap3A_305 = arith.index_cast %swap3A_304 : i32 to index
      %swap3A_306 = arith.constant 544 : index
      %swap3A_307 = tpu.vector_load %arg6[%swap3A_305, %swap3A_306] {strides = array<i32>} : memref<2x1000xf32, #tpu.memory_space<vmem>>, vector<16xf32>,
      tpu.vector_store %arg6[%swap3A_305, %swap3A_306], %broadcast_in_dim3A_3 {strides = array<i32>} : memref<2x1000xf32, #tpu.memory_space<vmem>>, vector<16xf32>,
      %swap3A_308 = arith.constant 0 : i32
      %swap3A_309 = arith.index_cast %swap3A_308 : i32 to index
      %swap3A_310 = arith.constant 560 : index
      %swap3A_311 = tpu.vector_load %arg5[%swap3A_309, %swap3A_310] {strides = array<i32>} : memref<2x1000xf32, #tpu.memory_space<vmem>>, vector<16xf32>,
      tpu.vector_store %arg5[%swap3A_309, %swap3A_310], %broadcast_in_dim3A_3 {strides = array<i32>} : memref<2x1000xf32, #tpu.memory_space<vmem>>, vector<16xf32>,
      %swap3A_312 = arith.constant 0 : i32
      %swap3A_313 = arith.index_cast %swap3A_312 : i32 to index
      %swap3A_314 = arith.constant 560 : index
      %swap3A_315 = tpu.vector_load %arg6[%swap3A_313, %swap3A_314] {strides = array<i32>} : memref<2x1000xf32, #tpu.memory_space<vmem>>, vector<16xf32>,
      tpu.vector_store %arg6[%swap3A_313, %swap3A_314], %broadcast_in_dim3A_3 {strides = array<i32>} : memref<2x1000xf32, #tpu.memory_space<vmem>>, vector<16xf32>,
      %swap3A_316 = arith.constant 0 : i32
      %swap3A_317 = arith.index_cast %swap3A_316 : i32 to index
      %swap3A_318 = arith.constant 576 : index
      %swap3A_319 = tpu.vector_load %arg5[%swap3A_317, %swap3A_318] {strides = array<i32>} : memref<2x1000xf32, #tpu.memory_space<vmem>>, vector<16xf32>,
      tpu.vector_store %arg5[%swap3A_317, %swap3A_318], %broadcast_in_dim3A_3 {strides = array<i32>} : memref<2x1000xf32, #tpu.memory_space<vmem>>, vector<16xf32>,
      %swap3A_320 = arith.constant 0 : i32
      %swap3A_321 = arith.index_cast %swap3A_320 : i32 to index
      %swap3A_322 = arith.constant 576 : index
      %swap3A_323 = tpu.vector_load %arg6[%swap3A_321, %swap3A_322] {strides = array<i32>} : memref<2x1000xf32, #tpu.memory_space<vmem>>, vector<16xf32>,
      tpu.vector_store %arg6[%swap3A_321, %swap3A_322], %broadcast_in_dim3A_3 {strides = array<i32>} : memref<2x1000xf32, #tpu.memory_space<vmem>>, vector<16xf32>,
      %swap3A_324 = arith.constant 0 : i32
      %swap3A_325 = arith.index_cast %swap3A_324 : i32 to index
      %swap3A_326 = arith.constant 592 : index
      %swap3A_327 = tpu.vector_load %arg5[%swap3A_325, %swap3A_326] {strides = array<i32>} : memref<2x1000xf32, #tpu.memory_space<vmem>>, vector<16xf32>,
      tpu.vector_store %arg5[%swap3A_325, %swap3A_326], %broadcast_in_dim3A_3 {strides = array<i32>} : memref<2x1000xf32, #tpu.memory_space<vmem>>, vector<16xf32>,
      %swap3A_328 = arith.constant 0 : i32
      %swap3A_329 = arith.index_cast %swap3A_328 : i32 to index
      %swap3A_330 = arith.constant 592 : index
      %swap3A_331 = tpu.vector_load %arg6[%swap3A_329, %swap3A_330] {strides = array<i32>} : memref<2x1000xf32, #tpu.memory_space<vmem>>, vector<16xf32>,
      tpu.vector_store %arg6[%swap3A_329, %swap3A_330], %broadcast_in_dim3A_3 {strides = array<i32>} : memref<2x1000xf32, #tpu.memory_space<vmem>>, vector<16xf32>,
      %swap3A_332 = arith.constant 0 : i32
      %swap3A_333 = arith.index_cast %swap3A_332 : i32 to index
      %swap3A_334 = arith.constant 608 : index
      %swap3A_335 = tpu.vector_load %arg5[%swap3A_333, %swap3A_334] {strides = array<i32>} : memref<2x1000xf32, #tpu.memory_space<vmem>>, vector<16xf32>,
      tpu.vector_store %arg5[%swap3A_333, %swap3A_334], %broadcast_in_dim3A_3 {strides = array<i32>} : memref<2x1000xf32, #tpu.memory_space<vmem>>, vector<16xf32>,
      %swap3A_336 = arith.constant 0 : i32
      %swap3A_337 = arith.index_cast %swap3A_336 : i32 to index
      %swap3A_338 = arith.constant 608 : index
      %swap3A_339 = tpu.vector_load %arg6[%swap3A_337, %swap3A_338] {strides = array<i32>} : memref<2x1000xf32, #tpu.memory_space<vmem>>, vector<16xf32>,
      tpu.vector_store %arg6[%swap3A_337, %swap3A_338], %broadcast_in_dim3A_3 {strides = array<i32>} : memref<2x1000xf32, #tpu.memory_space<vmem>>, vector<16xf32>,
      %swap3A_340 = arith.constant 0 : i32
      %swap3A_341 = arith.index_cast %swap3A_340 : i32 to index
      %swap3A_342 = arith.constant 624 : index
      %swap3A_343 = tpu.vector_load %arg5[%swap3A_341, %swap3A_342] {strides = array<i32>} : memref<2x1000xf32, #tpu.memory_space<vmem>>, vector<16xf32>,
      tpu.vector_store %arg5[%swap3A_341, %swap3A_342], %broadcast_in_dim3A_3 {strides = array<i32>} : memref<2x1000xf32, #tpu.memory_space<vmem>>, vector<16xf32>,
      %swap3A_344 = arith.constant 0 : i32
      %swap3A_345 = arith.index_cast %swap3A_344 : i32 to index
      %swap3A_346 = arith.constant 624 : index
      %swap3A_347 = tpu.vector_load %arg6[%swap3A_345, %swap3A_346] {strides = array<i32>} : memref<2x1000xf32, #tpu.memory_space<vmem>>, vector<16xf32>,
      tpu.vector_store %arg6[%swap3A_345, %swap3A_346], %broadcast_in_dim3A_3 {strides = array<i32>} : memref<2x1000xf32, #tpu.memory_space<vmem>>, vector<16xf32>,
      %swap3A_348 = arith.constant 0 : i32
      %swap3A_349 = arith.index_cast %swap3A_348 : i32 to index
      %swap3A_350 = arith.constant 640 : index
      %swap3A_351 = tpu.vector_load %arg5[%swap3A_349, %swap3A_350] {strides = array<i32>} : memref<2x1000xf32, #tpu.memory_space<vmem>>, vector<16xf32>,
      tpu.vector_store %arg5[%swap3A_349, %swap3A_350], %broadcast_in_dim3A_3 {strides = array<i32>} : memref<2x1000xf32, #tpu.memory_space<vmem>>, vector<16xf32>,
      %swap3A_352 = arith.constant 0 : i32
      %swap3A_353 = arith.index_cast %swap3A_352 : i32 to index
      %swap3A_354 = arith.constant 640 : index
      %swap3A_355 = tpu.vector_load %arg6[%swap3A_353, %swap3A_354] {strides = array<i32>} : memref<2x1000xf32, #tpu.memory_space<vmem>>, vector<16xf32>,
      tpu.vector_store %arg6[%swap3A_353, %swap3A_354], %broadcast_in_dim3A_3 {strides = array<i32>} : memref<2x1000xf32, #tpu.memory_space<vmem>>, vector<16xf32>,
      %swap3A_356 = arith.constant 0 : i32
      %swap3A_357 = arith.index_cast %swap3A_356 : i32 to index
      %swap3A_358 = arith.constant 656 : index
      %swap3A_359 = tpu.vector_load %arg5[%swap3A_357, %swap3A_358] {strides = array<i32>} : memref<2x1000xf32, #tpu.memory_space<vmem>>, vector<16xf32>,
      tpu.vector_store %arg5[%swap3A_357, %swap3A_358], %broadcast_in_dim3A_3 {strides = array<i32>} : memref<2x1000xf32, #tpu.memory_space<vmem>>, vector<16xf32>,
      %swap3A_360 = arith.constant 0 : i32
      %swap3A_361 = arith.index_cast %swap3A_360 : i32 to index
      %swap3A_362 = arith.constant 656 : index
      %swap3A_363 = tpu.vector_load %arg6[%swap3A_361, %swap3A_362] {strides = array<i32>} : memref<2x1000xf32, #tpu.memory_space<vmem>>, vector<16xf32>,
      tpu.vector_store %arg6[%swap3A_361, %swap3A_362], %broadcast_in_dim3A_3 {strides = array<i32>} : memref<2x1000xf32, #tpu.memory_space<vmem>>, vector<16xf32>,
      %swap3A_364 = arith.constant 0 : i32
      %swap3A_365 = arith.index_cast %swap3A_364 : i32 to index
      %swap3A_366 = arith.constant 672 : index
      %swap3A_367 = tpu.vector_load %arg5[%swap3A_365, %swap3A_366] {strides = array<i32>} : memref<2x1000xf32, #tpu.memory_space<vmem>>, vector<16xf32>,
      tpu.vector_store %arg5[%swap3A_365, %swap3A_366], %broadcast_in_dim3A_3 {strides = array<i32>} : memref<2x1000xf32, #tpu.memory_space<vmem>>, vector<16xf32>,
      %swap3A_368 = arith.constant 0 : i32
      %swap3A_369 = arith.index_cast %swap3A_368 : i32 to index
      %swap3A_370 = arith.constant 672 : index
      %swap3A_371 = tpu.vector_load %arg6[%swap3A_369, %swap3A_370] {strides = array<i32>} : memref<2x1000xf32, #tpu.memory_space<vmem>>, vector<16xf32>,
      tpu.vector_store %arg6[%swap3A_369, %swap3A_370], %broadcast_in_dim3A_3 {strides = array<i32>} : memref<2x1000xf32, #tpu.memory_space<vmem>>, vector<16xf32>,
      %swap3A_372 = arith.constant 0 : i32
      %swap3A_373 = arith.index_cast %swap3A_372 : i32 to index
      %swap3A_374 = arith.constant 688 : index
      %swap3A_375 = tpu.vector_load %arg5[%swap3A_373, %swap3A_374] {strides = array<i32>} : memref<2x1000xf32, #tpu.memory_space<vmem>>, vector<16xf32>,
      tpu.vector_store %arg5[%swap3A_373, %swap3A_374], %broadcast_in_dim3A_3 {strides = array<i32>} : memref<2x1000xf32, #tpu.memory_space<vmem>>, vector<16xf32>,
      %swap3A_376 = arith.constant 0 : i32
      %swap3A_377 = arith.index_cast %swap3A_376 : i32 to index
      %swap3A_378 = arith.constant 688 : index
      %swap3A_379 = tpu.vector_load %arg6[%swap3A_377, %swap3A_378] {strides = array<i32>} : memref<2x1000xf32, #tpu.memory_space<vmem>>, vector<16xf32>,
      tpu.vector_store %arg6[%swap3A_377, %swap3A_378], %broadcast_in_dim3A_3 {strides = array<i32>} : memref<2x1000xf32, #tpu.memory_space<vmem>>, vector<16xf32>,
      %swap3A_380 = arith.constant 0 : i32
      %swap3A_381 = arith.index_cast %swap3A_380 : i32 to index
      %swap3A_382 = arith.constant 704 : index
      %swap3A_383 = tpu.vector_load %arg5[%swap3A_381, %swap3A_382] {strides = array<i32>} : memref<2x1000xf32, #tpu.memory_space<vmem>>, vector<16xf32>,
      tpu.vector_store %arg5[%swap3A_381, %swap3A_382], %broadcast_in_dim3A_3 {strides = array<i32>} : memref<2x1000xf32, #tpu.memory_space<vmem>>, vector<16xf32>,
      %swap3A_384 = arith.constant 0 : i32
      %swap3A_385 = arith.index_cast %swap3A_384 : i32 to index
      %swap3A_386 = arith.constant 704 : index
      %swap3A_387 = tpu.vector_load %arg6[%swap3A_385, %swap3A_386] {strides = array<i32>} : memref<2x1000xf32, #tpu.memory_space<vmem>>, vector<16xf32>,
      tpu.vector_store %arg6[%swap3A_385, %swap3A_386], %broadcast_in_dim3A_3 {strides = array<i32>} : memref<2x1000xf32, #tpu.memory_space<vmem>>, vector<16xf32>,
      %swap3A_388 = arith.constant 0 : i32
      %swap3A_389 = arith.index_cast %swap3A_388 : i32 to index
      %swap3A_390 = arith.constant 720 : index
      %swap3A_391 = tpu.vector_load %arg5[%swap3A_389, %swap3A_390] {strides = array<i32>} : memref<2x1000xf32, #tpu.memory_space<vmem>>, vector<16xf32>,
      tpu.vector_store %arg5[%swap3A_389, %swap3A_390], %broadcast_in_dim3A_3 {strides = array<i32>} : memref<2x1000xf32, #tpu.memory_space<vmem>>, vector<16xf32>,
      %swap3A_392 = arith.constant 0 : i32
      %swap3A_393 = arith.index_cast %swap3A_392 : i32 to index
      %swap3A_394 = arith.constant 720 : index
      %swap3A_395 = tpu.vector_load %arg6[%swap3A_393, %swap3A_394] {strides = array<i32>} : memref<2x1000xf32, #tpu.memory_space<vmem>>, vector<16xf32>,
      tpu.vector_store %arg6[%swap3A_393, %swap3A_394], %broadcast_in_dim3A_3 {strides = array<i32>} : memref<2x1000xf32, #tpu.memory_space<vmem>>, vector<16xf32>,
      %swap3A_396 = arith.constant 0 : i32
      %swap3A_397 = arith.index_cast %swap3A_396 : i32 to index
      %swap3A_398 = arith.constant 736 : index
      %swap3A_399 = tpu.vector_load %arg5[%swap3A_397, %swap3A_398] {strides = array<i32>} : memref<2x1000xf32, #tpu.memory_space<vmem>>, vector<16xf32>,
      tpu.vector_store %arg5[%swap3A_397, %swap3A_398], %broadcast_in_dim3A_3 {strides = array<i32>} : memref<2x1000xf32, #tpu.memory_space<vmem>>, vector<16xf32>,
      %swap3A_400 = arith.constant 0 : i32
      %swap3A_401 = arith.index_cast %swap3A_400 : i32 to index
      %swap3A_402 = arith.constant 736 : index
      %swap3A_403 = tpu.vector_load %arg6[%swap3A_401, %swap3A_402] {strides = array<i32>} : memref<2x1000xf32, #tpu.memory_space<vmem>>, vector<16xf32>,
      tpu.vector_store %arg6[%swap3A_401, %swap3A_402], %broadcast_in_dim3A_3 {strides = array<i32>} : memref<2x1000xf32, #tpu.memory_space<vmem>>, vector<16xf32>,
      %swap3A_404 = arith.constant 0 : i32
      %swap3A_405 = arith.index_cast %swap3A_404 : i32 to index
      %swap3A_406 = arith.constant 752 : index
      %swap3A_407 = tpu.vector_load %arg5[%swap3A_405, %swap3A_406] {strides = array<i32>} : memref<2x1000xf32, #tpu.memory_space<vmem>>, vector<16xf32>,
      tpu.vector_store %arg5[%swap3A_405, %swap3A_406], %broadcast_in_dim3A_3 {strides = array<i32>} : memref<2x1000xf32, #tpu.memory_space<vmem>>, vector<16xf32>,
      %swap3A_408 = arith.constant 0 : i32
      %swap3A_409 = arith.index_cast %swap3A_408 : i32 to index
      %swap3A_410 = arith.constant 752 : index
      %swap3A_411 = tpu.vector_load %arg6[%swap3A_409, %swap3A_410] {strides = array<i32>} : memref<2x1000xf32, #tpu.memory_space<vmem>>, vector<16xf32>,
      tpu.vector_store %arg6[%swap3A_409, %swap3A_410], %broadcast_in_dim3A_3 {strides = array<i32>} : memref<2x1000xf32, #tpu.memory_space<vmem>>, vector<16xf32>,
      %swap3A_412 = arith.constant 0 : i32
      %swap3A_413 = arith.index_cast %swap3A_412 : i32 to index
      %swap3A_414 = arith.constant 768 : index
      %swap3A_415 = tpu.vector_load %arg5[%swap3A_413, %swap3A_414] {strides = array<i32>} : memref<2x1000xf32, #tpu.memory_space<vmem>>, vector<16xf32>,
      tpu.vector_store %arg5[%swap3A_413, %swap3A_414], %broadcast_in_dim3A_3 {strides = array<i32>} : memref<2x1000xf32, #tpu.memory_space<vmem>>, vector<16xf32>,
      %swap3A_416 = arith.constant 0 : i32
      %swap3A_417 = arith.index_cast %swap3A_416 : i32 to index
      %swap3A_418 = arith.constant 768 : index
      %swap3A_419 = tpu.vector_load %arg6[%swap3A_417, %swap3A_418] {strides = array<i32>} : memref<2x1000xf32, #tpu.memory_space<vmem>>, vector<16xf32>,
      tpu.vector_store %arg6[%swap3A_417, %swap3A_418], %broadcast_in_dim3A_3 {strides = array<i32>} : memref<2x1000xf32, #tpu.memory_space<vmem>>, vector<16xf32>,
      %swap3A_420 = arith.constant 0 : i32
      %swap3A_421 = arith.index_cast %swap3A_420 : i32 to index
      %swap3A_422 = arith.constant 784 : index
      %swap3A_423 = tpu.vector_load %arg5[%swap3A_421, %swap3A_422] {strides = array<i32>} : memref<2x1000xf32, #tpu.memory_space<vmem>>, vector<16xf32>,
      tpu.vector_store %arg5[%swap3A_421, %swap3A_422], %broadcast_in_dim3A_3 {strides = array<i32>} : memref<2x1000xf32, #tpu.memory_space<vmem>>, vector<16xf32>,
      %swap3A_424 = arith.constant 0 : i32
      %swap3A_425 = arith.index_cast %swap3A_424 : i32 to index
      %swap3A_426 = arith.constant 784 : index
      %swap3A_427 = tpu.vector_load %arg6[%swap3A_425, %swap3A_426] {strides = array<i32>} : memref<2x1000xf32, #tpu.memory_space<vmem>>, vector<16xf32>,
      tpu.vector_store %arg6[%swap3A_425, %swap3A_426], %broadcast_in_dim3A_3 {strides = array<i32>} : memref<2x1000xf32, #tpu.memory_space<vmem>>, vector<16xf32>,
      %swap3A_428 = arith.constant 0 : i32
      %swap3A_429 = arith.index_cast %swap3A_428 : i32 to index
      %swap3A_430 = arith.constant 800 : index
      %swap3A_431 = tpu.vector_load %arg5[%swap3A_429, %swap3A_430] {strides = array<i32>} : memref<2x1000xf32, #tpu.memory_space<vmem>>, vector<16xf32>,
      tpu.vector_store %arg5[%swap3A_429, %swap3A_430], %broadcast_in_dim3A_3 {strides = array<i32>} : memref<2x1000xf32, #tpu.memory_space<vmem>>, vector<16xf32>,
      %swap3A_432 = arith.constant 0 : i32
      %swap3A_433 = arith.index_cast %swap3A_432 : i32 to index
      %swap3A_434 = arith.constant 800 : index
      %swap3A_435 = tpu.vector_load %arg6[%swap3A_433, %swap3A_434] {strides = array<i32>} : memref<2x1000xf32, #tpu.memory_space<vmem>>, vector<16xf32>,
      tpu.vector_store %arg6[%swap3A_433, %swap3A_434], %broadcast_in_dim3A_3 {strides = array<i32>} : memref<2x1000xf32, #tpu.memory_space<vmem>>, vector<16xf32>,
      %swap3A_436 = arith.constant 0 : i32
      %swap3A_437 = arith.index_cast %swap3A_436 : i32 to index
      %swap3A_438 = arith.constant 816 : index
      %swap3A_439 = tpu.vector_load %arg5[%swap3A_437, %swap3A_438] {strides = array<i32>} : memref<2x1000xf32, #tpu.memory_space<vmem>>, vector<16xf32>,
      tpu.vector_store %arg5[%swap3A_437, %swap3A_438], %broadcast_in_dim3A_3 {strides = array<i32>} : memref<2x1000xf32, #tpu.memory_space<vmem>>, vector<16xf32>,
      %swap3A_440 = arith.constant 0 : i32
      %swap3A_441 = arith.index_cast %swap3A_440 : i32 to index
      %swap3A_442 = arith.constant 816 : index
      %swap3A_443 = tpu.vector_load %arg6[%swap3A_441, %swap3A_442] {strides = array<i32>} : memref<2x1000xf32, #tpu.memory_space<vmem>>, vector<16xf32>,
      tpu.vector_store %arg6[%swap3A_441, %swap3A_442], %broadcast_in_dim3A_3 {strides = array<i32>} : memref<2x1000xf32, #tpu.memory_space<vmem>>, vector<16xf32>,
      %swap3A_444 = arith.constant 0 : i32
      %swap3A_445 = arith.index_cast %swap3A_444 : i32 to index
      %swap3A_446 = arith.constant 832 : index
      %swap3A_447 = tpu.vector_load %arg5[%swap3A_445, %swap3A_446] {strides = array<i32>} : memref<2x1000xf32, #tpu.memory_space<vmem>>, vector<16xf32>,
      tpu.vector_store %arg5[%swap3A_445, %swap3A_446], %broadcast_in_dim3A_3 {strides = array<i32>} : memref<2x1000xf32, #tpu.memory_space<vmem>>, vector<16xf32>,
      %swap3A_448 = arith.constant 0 : i32
      %swap3A_449 = arith.index_cast %swap3A_448 : i32 to index
      %swap3A_450 = arith.constant 832 : index
      %swap3A_451 = tpu.vector_load %arg6[%swap3A_449, %swap3A_450] {strides = array<i32>} : memref<2x1000xf32, #tpu.memory_space<vmem>>, vector<16xf32>,
      tpu.vector_store %arg6[%swap3A_449, %swap3A_450], %broadcast_in_dim3A_3 {strides = array<i32>} : memref<2x1000xf32, #tpu.memory_space<vmem>>, vector<16xf32>,
      %swap3A_452 = arith.constant 0 : i32
      %swap3A_453 = arith.index_cast %swap3A_452 : i32 to index
      %swap3A_454 = arith.constant 848 : index
      %swap3A_455 = tpu.vector_load %arg5[%swap3A_453, %swap3A_454] {strides = array<i32>} : memref<2x1000xf32, #tpu.memory_space<vmem>>, vector<16xf32>,
      tpu.vector_store %arg5[%swap3A_453, %swap3A_454], %broadcast_in_dim3A_3 {strides = array<i32>} : memref<2x1000xf32, #tpu.memory_space<vmem>>, vector<16xf32>,
      %swap3A_456 = arith.constant 0 : i32
      %swap3A_457 = arith.index_cast %swap3A_456 : i32 to index
      %swap3A_458 = arith.constant 848 : index
      %swap3A_459 = tpu.vector_load %arg6[%swap3A_457, %swap3A_458] {strides = array<i32>} : memref<2x1000xf32, #tpu.memory_space<vmem>>, vector<16xf32>,
      tpu.vector_store %arg6[%swap3A_457, %swap3A_458], %broadcast_in_dim3A_3 {strides = array<i32>} : memref<2x1000xf32, #tpu.memory_space<vmem>>, vector<16xf32>,
      %swap3A_460 = arith.constant 0 : i32
      %swap3A_461 = arith.index_cast %swap3A_460 : i32 to index
      %swap3A_462 = arith.constant 864 : index
      %swap3A_463 = tpu.vector_load %arg5[%swap3A_461, %swap3A_462] {strides = array<i32>} : memref<2x1000xf32, #tpu.memory_space<vmem>>, vector<16xf32>,
      tpu.vector_store %arg5[%swap3A_461, %swap3A_462], %broadcast_in_dim3A_3 {strides = array<i32>} : memref<2x1000xf32, #tpu.memory_space<vmem>>, vector<16xf32>,
      %swap3A_464 = arith.constant 0 : i32
      %swap3A_465 = arith.index_cast %swap3A_464 : i32 to index
      %swap3A_466 = arith.constant 864 : index
      %swap3A_467 = tpu.vector_load %arg6[%swap3A_465, %swap3A_466] {strides = array<i32>} : memref<2x1000xf32, #tpu.memory_space<vmem>>, vector<16xf32>,
      tpu.vector_store %arg6[%swap3A_465, %swap3A_466], %broadcast_in_dim3A_3 {strides = array<i32>} : memref<2x1000xf32, #tpu.memory_space<vmem>>, vector<16xf32>,
      %swap3A_468 = arith.constant 0 : i32
      %swap3A_469 = arith.index_cast %swap3A_468 : i32 to index
      %swap3A_470 = arith.constant 880 : index
      %swap3A_471 = tpu.vector_load %arg5[%swap3A_469, %swap3A_470] {strides = array<i32>} : memref<2x1000xf32, #tpu.memory_space<vmem>>, vector<16xf32>,
      tpu.vector_store %arg5[%swap3A_469, %swap3A_470], %broadcast_in_dim3A_3 {strides = array<i32>} : memref<2x1000xf32, #tpu.memory_space<vmem>>, vector<16xf32>,
      %swap3A_472 = arith.constant 0 : i32
      %swap3A_473 = arith.index_cast %swap3A_472 : i32 to index
      %swap3A_474 = arith.constant 880 : index
      %swap3A_475 = tpu.vector_load %arg6[%swap3A_473, %swap3A_474] {strides = array<i32>} : memref<2x1000xf32, #tpu.memory_space<vmem>>, vector<16xf32>,
      tpu.vector_store %arg6[%swap3A_473, %swap3A_474], %broadcast_in_dim3A_3 {strides = array<i32>} : memref<2x1000xf32, #tpu.memory_space<vmem>>, vector<16xf32>,
      %swap3A_476 = arith.constant 0 : i32
      %swap3A_477 = arith.index_cast %swap3A_476 : i32 to index
      %swap3A_478 = arith.constant 896 : index
      %swap3A_479 = tpu.vector_load %arg5[%swap3A_477, %swap3A_478] {strides = array<i32>} : memref<2x1000xf32, #tpu.memory_space<vmem>>, vector<16xf32>,
      tpu.vector_store %arg5[%swap3A_477, %swap3A_478], %broadcast_in_dim3A_3 {strides = array<i32>} : memref<2x1000xf32, #tpu.memory_space<vmem>>, vector<16xf32>,
      %swap3A_480 = arith.constant 0 : i32
      %swap3A_481 = arith.index_cast %swap3A_480 : i32 to index
      %swap3A_482 = arith.constant 896 : index
      %swap3A_483 = tpu.vector_load %arg6[%swap3A_481, %swap3A_482] {strides = array<i32>} : memref<2x1000xf32, #tpu.memory_space<vmem>>, vector<16xf32>,
      tpu.vector_store %arg6[%swap3A_481, %swap3A_482], %broadcast_in_dim3A_3 {strides = array<i32>} : memref<2x1000xf32, #tpu.memory_space<vmem>>, vector<16xf32>,
      %swap3A_484 = arith.constant 0 : i32
      %swap3A_485 = arith.index_cast %swap3A_484 : i32 to index
      %swap3A_486 = arith.constant 912 : index
      %swap3A_487 = tpu.vector_load %arg5[%swap3A_485, %swap3A_486] {strides = array<i32>} : memref<2x1000xf32, #tpu.memory_space<vmem>>, vector<16xf32>,
      tpu.vector_store %arg5[%swap3A_485, %swap3A_486], %broadcast_in_dim3A_3 {strides = array<i32>} : memref<2x1000xf32, #tpu.memory_space<vmem>>, vector<16xf32>,
      %swap3A_488 = arith.constant 0 : i32
      %swap3A_489 = arith.index_cast %swap3A_488 : i32 to index
      %swap3A_490 = arith.constant 912 : index
      %swap3A_491 = tpu.vector_load %arg6[%swap3A_489, %swap3A_490] {strides = array<i32>} : memref<2x1000xf32, #tpu.memory_space<vmem>>, vector<16xf32>,
      tpu.vector_store %arg6[%swap3A_489, %swap3A_490], %broadcast_in_dim3A_3 {strides = array<i32>} : memref<2x1000xf32, #tpu.memory_space<vmem>>, vector<16xf32>,
      %swap3A_492 = arith.constant 0 : i32
      %swap3A_493 = arith.index_cast %swap3A_492 : i32 to index
      %swap3A_494 = arith.constant 928 : index
      %swap3A_495 = tpu.vector_load %arg5[%swap3A_493, %swap3A_494] {strides = array<i32>} : memref<2x1000xf32, #tpu.memory_space<vmem>>, vector<16xf32>,
      tpu.vector_store %arg5[%swap3A_493, %swap3A_494], %broadcast_in_dim3A_3 {strides = array<i32>} : memref<2x1000xf32, #tpu.memory_space<vmem>>, vector<16xf32>,
      %swap3A_496 = arith.constant 0 : i32
      %swap3A_497 = arith.index_cast %swap3A_496 : i32 to index
      %swap3A_498 = arith.constant 928 : index
      %swap3A_499 = tpu.vector_load %arg6[%swap3A_497, %swap3A_498] {strides = array<i32>} : memref<2x1000xf32, #tpu.memory_space<vmem>>, vector<16xf32>,
      tpu.vector_store %arg6[%swap3A_497, %swap3A_498], %broadcast_in_dim3A_3 {strides = array<i32>} : memref<2x1000xf32, #tpu.memory_space<vmem>>, vector<16xf32>,
      %swap3A_500 = arith.constant 0 : i32
      %swap3A_501 = arith.index_cast %swap3A_500 : i32 to index
      %swap3A_502 = arith.constant 944 : index
      %swap3A_503 = tpu.vector_load %arg5[%swap3A_501, %swap3A_502] {strides = array<i32>} : memref<2x1000xf32, #tpu.memory_space<vmem>>, vector<16xf32>,
      tpu.vector_store %arg5[%swap3A_501, %swap3A_502], %broadcast_in_dim3A_3 {strides = array<i32>} : memref<2x1000xf32, #tpu.memory_space<vmem>>, vector<16xf32>,
      %swap3A_504 = arith.constant 0 : i32
      %swap3A_505 = arith.index_cast %swap3A_504 : i32 to index
      %swap3A_506 = arith.constant 944 : index
      %swap3A_507 = tpu.vector_load %arg6[%swap3A_505, %swap3A_506] {strides = array<i32>} : memref<2x1000xf32, #tpu.memory_space<vmem>>, vector<16xf32>,
      tpu.vector_store %arg6[%swap3A_505, %swap3A_506], %broadcast_in_dim3A_3 {strides = array<i32>} : memref<2x1000xf32, #tpu.memory_space<vmem>>, vector<16xf32>,
      %swap3A_508 = arith.constant 0 : i32
      %swap3A_509 = arith.index_cast %swap3A_508 : i32 to index
      %swap3A_510 = arith.constant 960 : index
      %swap3A_511 = tpu.vector_load %arg5[%swap3A_509, %swap3A_510] {strides = array<i32>} : memref<2x1000xf32, #tpu.memory_space<vmem>>, vector<16xf32>,
      tpu.vector_store %arg5[%swap3A_509, %swap3A_510], %broadcast_in_dim3A_3 {strides = array<i32>} : memref<2x1000xf32, #tpu.memory_space<vmem>>, vector<16xf32>,
      %swap3A_512 = arith.constant 0 : i32
      %swap3A_513 = arith.index_cast %swap3A_512 : i32 to index
      %swap3A_514 = arith.constant 960 : index
      %swap3A_515 = tpu.vector_load %arg6[%swap3A_513, %swap3A_514] {strides = array<i32>} : memref<2x1000xf32, #tpu.memory_space<vmem>>, vector<16xf32>,
      tpu.vector_store %arg6[%swap3A_513, %swap3A_514], %broadcast_in_dim3A_3 {strides = array<i32>} : memref<2x1000xf32, #tpu.memory_space<vmem>>, vector<16xf32>,
      %swap3A_516 = arith.constant 0 : i32
      %swap3A_517 = arith.index_cast %swap3A_516 : i32 to index
      %swap3A_518 = arith.constant 976 : index
      %swap3A_519 = tpu.vector_load %arg5[%swap3A_517, %swap3A_518] {strides = array<i32>} : memref<2x1000xf32, #tpu.memory_space<vmem>>, vector<16xf32>,
      tpu.vector_store %arg5[%swap3A_517, %swap3A_518], %broadcast_in_dim3A_3 {strides = array<i32>} : memref<2x1000xf32, #tpu.memory_space<vmem>>, vector<16xf32>,
      %swap3A_520 = arith.constant 0 : i32
      %swap3A_521 = arith.index_cast %swap3A_520 : i32 to index
      %swap3A_522 = arith.constant 976 : index
      %swap3A_523 = tpu.vector_load %arg6[%swap3A_521, %swap3A_522] {strides = array<i32>} : memref<2x1000xf32, #tpu.memory_space<vmem>>, vector<16xf32>,
      tpu.vector_store %arg6[%swap3A_521, %swap3A_522], %broadcast_in_dim3A_3 {strides = array<i32>} : memref<2x1000xf32, #tpu.memory_space<vmem>>, vector<16xf32>,
      %swap3A_524 = arith.constant 0 : i32
      %swap3A_525 = arith.index_cast %swap3A_524 : i32 to index
      %swap3A_526 = arith.constant 984 : index
      %swap3A_527 = tpu.vector_load %arg5[%swap3A_525, %swap3A_526] {strides = array<i32>} : memref<2x1000xf32, #tpu.memory_space<vmem>>, vector<16xf32>,
      tpu.vector_store %arg5[%swap3A_525, %swap3A_526], %broadcast_in_dim3A_3 {strides = array<i32>} : memref<2x1000xf32, #tpu.memory_space<vmem>>, vector<16xf32>,
      %swap3A_528 = arith.constant 0 : i32
      %swap3A_529 = arith.index_cast %swap3A_528 : i32 to index
      %swap3A_530 = arith.constant 984 : index
      %swap3A_531 = tpu.vector_load %arg6[%swap3A_529, %swap3A_530] {strides = array<i32>} : memref<2x1000xf32, #tpu.memory_space<vmem>>, vector<16xf32>,
      tpu.vector_store %arg6[%swap3A_529, %swap3A_530], %broadcast_in_dim3A_3 {strides = array<i32>} : memref<2x1000xf32, #tpu.memory_space<vmem>>, vector<16xf32>,
      %swap3A_532 = arith.constant 1 : i32
      %swap3A_533 = arith.index_cast %swap3A_532 : i32 to index
      %swap3A_534 = arith.constant 0 : index
      %swap3A_535 = tpu.vector_load %arg5[%swap3A_533, %swap3A_534] {strides = array<i32>} : memref<2x1000xf32, #tpu.memory_space<vmem>>, vector<16xf32>,
      tpu.vector_store %arg5[%swap3A_533, %swap3A_534], %broadcast_in_dim3A_3 {strides = array<i32>} : memref<2x1000xf32, #tpu.memory_space<vmem>>, vector<16xf32>,
      %swap3A_536 = arith.constant 1 : i32
      %swap3A_537 = arith.index_cast %swap3A_536 : i32 to index
      %swap3A_538 = arith.constant 0 : index
      %swap3A_539 = tpu.vector_load %arg6[%swap3A_537, %swap3A_538] {strides = array<i32>} : memref<2x1000xf32, #tpu.memory_space<vmem>>, vector<16xf32>,
      tpu.vector_store %arg6[%swap3A_537, %swap3A_538], %broadcast_in_dim3A_3 {strides = array<i32>} : memref<2x1000xf32, #tpu.memory_space<vmem>>, vector<16xf32>,
      %swap3A_540 = arith.constant 1 : i32
      %swap3A_541 = arith.index_cast %swap3A_540 : i32 to index
      %swap3A_542 = arith.constant 16 : index
      %swap3A_543 = tpu.vector_load %arg5[%swap3A_541, %swap3A_542] {strides = array<i32>} : memref<2x1000xf32, #tpu.memory_space<vmem>>, vector<16xf32>,
      tpu.vector_store %arg5[%swap3A_541, %swap3A_542], %broadcast_in_dim3A_3 {strides = array<i32>} : memref<2x1000xf32, #tpu.memory_space<vmem>>, vector<16xf32>,
      %swap3A_544 = arith.constant 1 : i32
      %swap3A_545 = arith.index_cast %swap3A_544 : i32 to index
      %swap3A_546 = arith.constant 16 : index
      %swap3A_547 = tpu.vector_load %arg6[%swap3A_545, %swap3A_546] {strides = array<i32>} : memref<2x1000xf32, #tpu.memory_space<vmem>>, vector<16xf32>,
      tpu.vector_store %arg6[%swap3A_545, %swap3A_546], %broadcast_in_dim3A_3 {strides = array<i32>} : memref<2x1000xf32, #tpu.memory_space<vmem>>, vector<16xf32>,
      %swap3A_548 = arith.constant 1 : i32
      %swap3A_549 = arith.index_cast %swap3A_548 : i32 to index
      %swap3A_550 = arith.constant 32 : index
      %swap3A_551 = tpu.vector_load %arg5[%swap3A_549, %swap3A_550] {strides = array<i32>} : memref<2x1000xf32, #tpu.memory_space<vmem>>, vector<16xf32>,
      tpu.vector_store %arg5[%swap3A_549, %swap3A_550], %broadcast_in_dim3A_3 {strides = array<i32>} : memref<2x1000xf32, #tpu.memory_space<vmem>>, vector<16xf32>,
      %swap3A_552 = arith.constant 1 : i32
      %swap3A_553 = arith.index_cast %swap3A_552 : i32 to index
      %swap3A_554 = arith.constant 32 : index
      %swap3A_555 = tpu.vector_load %arg6[%swap3A_553, %swap3A_554] {strides = array<i32>} : memref<2x1000xf32, #tpu.memory_space<vmem>>, vector<16xf32>,
      tpu.vector_store %arg6[%swap3A_553, %swap3A_554], %broadcast_in_dim3A_3 {strides = array<i32>} : memref<2x1000xf32, #tpu.memory_space<vmem>>, vector<16xf32>,
      %swap3A_556 = arith.constant 1 : i32
      %swap3A_557 = arith.index_cast %swap3A_556 : i32 to index
      %swap3A_558 = arith.constant 48 : index
      %swap3A_559 = tpu.vector_load %arg5[%swap3A_557, %swap3A_558] {strides = array<i32>} : memref<2x1000xf32, #tpu.memory_space<vmem>>, vector<16xf32>,
      tpu.vector_store %arg5[%swap3A_557, %swap3A_558], %broadcast_in_dim3A_3 {strides = array<i32>} : memref<2x1000xf32, #tpu.memory_space<vmem>>, vector<16xf32>,
      %swap3A_560 = arith.constant 1 : i32
      %swap3A_561 = arith.index_cast %swap3A_560 : i32 to index
      %swap3A_562 = arith.constant 48 : index
      %swap3A_563 = tpu.vector_load %arg6[%swap3A_561, %swap3A_562] {strides = array<i32>} : memref<2x1000xf32, #tpu.memory_space<vmem>>, vector<16xf32>,
      tpu.vector_store %arg6[%swap3A_561, %swap3A_562], %broadcast_in_dim3A_3 {strides = array<i32>} : memref<2x1000xf32, #tpu.memory_space<vmem>>, vector<16xf32>,
      %swap3A_564 = arith.constant 1 : i32
      %swap3A_565 = arith.index_cast %swap3A_564 : i32 to index
      %swap3A_566 = arith.constant 64 : index
      %swap3A_567 = tpu.vector_load %arg5[%swap3A_565, %swap3A_566] {strides = array<i32>} : memref<2x1000xf32, #tpu.memory_space<vmem>>, vector<16xf32>,
      tpu.vector_store %arg5[%swap3A_565, %swap3A_566], %broadcast_in_dim3A_3 {strides = array<i32>} : memref<2x1000xf32, #tpu.memory_space<vmem>>, vector<16xf32>,
      %swap3A_568 = arith.constant 1 : i32
      %swap3A_569 = arith.index_cast %swap3A_568 : i32 to index
      %swap3A_570 = arith.constant 64 : index
      %swap3A_571 = tpu.vector_load %arg6[%swap3A_569, %swap3A_570] {strides = array<i32>} : memref<2x1000xf32, #tpu.memory_space<vmem>>, vector<16xf32>,
      tpu.vector_store %arg6[%swap3A_569, %swap3A_570], %broadcast_in_dim3A_3 {strides = array<i32>} : memref<2x1000xf32, #tpu.memory_space<vmem>>, vector<16xf32>,
      %swap3A_572 = arith.constant 1 : i32
      %swap3A_573 = arith.index_cast %swap3A_572 : i32 to index
      %swap3A_574 = arith.constant 80 : index
      %swap3A_575 = tpu.vector_load %arg5[%swap3A_573, %swap3A_574] {strides = array<i32>} : memref<2x1000xf32, #tpu.memory_space<vmem>>, vector<16xf32>,
      tpu.vector_store %arg5[%swap3A_573, %swap3A_574], %broadcast_in_dim3A_3 {strides = array<i32>} : memref<2x1000xf32, #tpu.memory_space<vmem>>, vector<16xf32>,
      %swap3A_576 = arith.constant 1 : i32
      %swap3A_577 = arith.index_cast %swap3A_576 : i32 to index
      %swap3A_578 = arith.constant 80 : index
      %swap3A_579 = tpu.vector_load %arg6[%swap3A_577, %swap3A_578] {strides = array<i32>} : memref<2x1000xf32, #tpu.memory_space<vmem>>, vector<16xf32>,
      tpu.vector_store %arg6[%swap3A_577, %swap3A_578], %broadcast_in_dim3A_3 {strides = array<i32>} : memref<2x1000xf32, #tpu.memory_space<vmem>>, vector<16xf32>,
      %swap3A_580 = arith.constant 1 : i32
      %swap3A_581 = arith.index_cast %swap3A_580 : i32 to index
      %swap3A_582 = arith.constant 96 : index
      %swap3A_583 = tpu.vector_load %arg5[%swap3A_581, %swap3A_582] {strides = array<i32>} : memref<2x1000xf32, #tpu.memory_space<vmem>>, vector<16xf32>,
      tpu.vector_store %arg5[%swap3A_581, %swap3A_582], %broadcast_in_dim3A_3 {strides = array<i32>} : memref<2x1000xf32, #tpu.memory_space<vmem>>, vector<16xf32>,
      %swap3A_584 = arith.constant 1 : i32
      %swap3A_585 = arith.index_cast %swap3A_584 : i32 to index
      %swap3A_586 = arith.constant 96 : index
      %swap3A_587 = tpu.vector_load %arg6[%swap3A_585, %swap3A_586] {strides = array<i32>} : memref<2x1000xf32, #tpu.memory_space<vmem>>, vector<16xf32>,
      tpu.vector_store %arg6[%swap3A_585, %swap3A_586], %broadcast_in_dim3A_3 {strides = array<i32>} : memref<2x1000xf32, #tpu.memory_space<vmem>>, vector<16xf32>,
      %swap3A_588 = arith.constant 1 : i32
      %swap3A_589 = arith.index_cast %swap3A_588 : i32 to index
      %swap3A_590 = arith.constant 112 : index
      %swap3A_591 = tpu.vector_load %arg5[%swap3A_589, %swap3A_590] {strides = array<i32>} : memref<2x1000xf32, #tpu.memory_space<vmem>>, vector<16xf32>,
      tpu.vector_store %arg5[%swap3A_589, %swap3A_590], %broadcast_in_dim3A_3 {strides = array<i32>} : memref<2x1000xf32, #tpu.memory_space<vmem>>, vector<16xf32>,
      %swap3A_592 = arith.constant 1 : i32
      %swap3A_593 = arith.index_cast %swap3A_592 : i32 to index
      %swap3A_594 = arith.constant 112 : index
      %swap3A_595 = tpu.vector_load %arg6[%swap3A_593, %swap3A_594] {strides = array<i32>} : memref<2x1000xf32, #tpu.memory_space<vmem>>, vector<16xf32>,
      tpu.vector_store %arg6[%swap3A_593, %swap3A_594], %broadcast_in_dim3A_3 {strides = array<i32>} : memref<2x1000xf32, #tpu.memory_space<vmem>>, vector<16xf32>,
      %swap3A_596 = arith.constant 1 : i32
      %swap3A_597 = arith.index_cast %swap3A_596 : i32 to index
      %swap3A_598 = arith.constant 128 : index
      %swap3A_599 = tpu.vector_load %arg5[%swap3A_597, %swap3A_598] {strides = array<i32>} : memref<2x1000xf32, #tpu.memory_space<vmem>>, vector<16xf32>,
      tpu.vector_store %arg5[%swap3A_597, %swap3A_598], %broadcast_in_dim3A_3 {strides = array<i32>} : memref<2x1000xf32, #tpu.memory_space<vmem>>, vector<16xf32>,
      %swap3A_600 = arith.constant 1 : i32
      %swap3A_601 = arith.index_cast %swap3A_600 : i32 to index
      %swap3A_602 = arith.constant 128 : index
      %swap3A_603 = tpu.vector_load %arg6[%swap3A_601, %swap3A_602] {strides = array<i32>} : memref<2x1000xf32, #tpu.memory_space<vmem>>, vector<16xf32>,
      tpu.vector_store %arg6[%swap3A_601, %swap3A_602], %broadcast_in_dim3A_3 {strides = array<i32>} : memref<2x1000xf32, #tpu.memory_space<vmem>>, vector<16xf32>,
      %swap3A_604 = arith.constant 1 : i32
      %swap3A_605 = arith.index_cast %swap3A_604 : i32 to index
      %swap3A_606 = arith.constant 144 : index
      %swap3A_607 = tpu.vector_load %arg5[%swap3A_605, %swap3A_606] {strides = array<i32>} : memref<2x1000xf32, #tpu.memory_space<vmem>>, vector<16xf32>,
      tpu.vector_store %arg5[%swap3A_605, %swap3A_606], %broadcast_in_dim3A_3 {strides = array<i32>} : memref<2x1000xf32, #tpu.memory_space<vmem>>, vector<16xf32>,
      %swap3A_608 = arith.constant 1 : i32
      %swap3A_609 = arith.index_cast %swap3A_608 : i32 to index
      %swap3A_610 = arith.constant 144 : index
      %swap3A_611 = tpu.vector_load %arg6[%swap3A_609, %swap3A_610] {strides = array<i32>} : memref<2x1000xf32, #tpu.memory_space<vmem>>, vector<16xf32>,
      tpu.vector_store %arg6[%swap3A_609, %swap3A_610], %broadcast_in_dim3A_3 {strides = array<i32>} : memref<2x1000xf32, #tpu.memory_space<vmem>>, vector<16xf32>,
      %swap3A_612 = arith.constant 1 : i32
      %swap3A_613 = arith.index_cast %swap3A_612 : i32 to index
      %swap3A_614 = arith.constant 160 : index
      %swap3A_615 = tpu.vector_load %arg5[%swap3A_613, %swap3A_614] {strides = array<i32>} : memref<2x1000xf32, #tpu.memory_space<vmem>>, vector<16xf32>,
      tpu.vector_store %arg5[%swap3A_613, %swap3A_614], %broadcast_in_dim3A_3 {strides = array<i32>} : memref<2x1000xf32, #tpu.memory_space<vmem>>, vector<16xf32>,
      %swap3A_616 = arith.constant 1 : i32
      %swap3A_617 = arith.index_cast %swap3A_616 : i32 to index
      %swap3A_618 = arith.constant 160 : index
      %swap3A_619 = tpu.vector_load %arg6[%swap3A_617, %swap3A_618] {strides = array<i32>} : memref<2x1000xf32, #tpu.memory_space<vmem>>, vector<16xf32>,
      tpu.vector_store %arg6[%swap3A_617, %swap3A_618], %broadcast_in_dim3A_3 {strides = array<i32>} : memref<2x1000xf32, #tpu.memory_space<vmem>>, vector<16xf32>,
      %swap3A_620 = arith.constant 1 : i32
      %swap3A_621 = arith.index_cast %swap3A_620 : i32 to index
      %swap3A_622 = arith.constant 176 : index
      %swap3A_623 = tpu.vector_load %arg5[%swap3A_621, %swap3A_622] {strides = array<i32>} : memref<2x1000xf32, #tpu.memory_space<vmem>>, vector<16xf32>,
      tpu.vector_store %arg5[%swap3A_621, %swap3A_622], %broadcast_in_dim3A_3 {strides = array<i32>} : memref<2x1000xf32, #tpu.memory_space<vmem>>, vector<16xf32>,
      %swap3A_624 = arith.constant 1 : i32
      %swap3A_625 = arith.index_cast %swap3A_624 : i32 to index
      %swap3A_626 = arith.constant 176 : index
      %swap3A_627 = tpu.vector_load %arg6[%swap3A_625, %swap3A_626] {strides = array<i32>} : memref<2x1000xf32, #tpu.memory_space<vmem>>, vector<16xf32>,
      tpu.vector_store %arg6[%swap3A_625, %swap3A_626], %broadcast_in_dim3A_3 {strides = array<i32>} : memref<2x1000xf32, #tpu.memory_space<vmem>>, vector<16xf32>,
      %swap3A_628 = arith.constant 1 : i32
      %swap3A_629 = arith.index_cast %swap3A_628 : i32 to index
      %swap3A_630 = arith.constant 192 : index
      %swap3A_631 = tpu.vector_load %arg5[%swap3A_629, %swap3A_630] {strides = array<i32>} : memref<2x1000xf32, #tpu.memory_space<vmem>>, vector<16xf32>,
      tpu.vector_store %arg5[%swap3A_629, %swap3A_630], %broadcast_in_dim3A_3 {strides = array<i32>} : memref<2x1000xf32, #tpu.memory_space<vmem>>, vector<16xf32>,
      %swap3A_632 = arith.constant 1 : i32
      %swap3A_633 = arith.index_cast %swap3A_632 : i32 to index
      %swap3A_634 = arith.constant 192 : index
      %swap3A_635 = tpu.vector_load %arg6[%swap3A_633, %swap3A_634] {strides = array<i32>} : memref<2x1000xf32, #tpu.memory_space<vmem>>, vector<16xf32>,
      tpu.vector_store %arg6[%swap3A_633, %swap3A_634], %broadcast_in_dim3A_3 {strides = array<i32>} : memref<2x1000xf32, #tpu.memory_space<vmem>>, vector<16xf32>,
      %swap3A_636 = arith.constant 1 : i32
      %swap3A_637 = arith.index_cast %swap3A_636 : i32 to index
      %swap3A_638 = arith.constant 208 : index
      %swap3A_639 = tpu.vector_load %arg5[%swap3A_637, %swap3A_638] {strides = array<i32>} : memref<2x1000xf32, #tpu.memory_space<vmem>>, vector<16xf32>,
      tpu.vector_store %arg5[%swap3A_637, %swap3A_638], %broadcast_in_dim3A_3 {strides = array<i32>} : memref<2x1000xf32, #tpu.memory_space<vmem>>, vector<16xf32>,
      %swap3A_640 = arith.constant 1 : i32
      %swap3A_641 = arith.index_cast %swap3A_640 : i32 to index
      %swap3A_642 = arith.constant 208 : index
      %swap3A_643 = tpu.vector_load %arg6[%swap3A_641, %swap3A_642] {strides = array<i32>} : memref<2x1000xf32, #tpu.memory_space<vmem>>, vector<16xf32>,
      tpu.vector_store %arg6[%swap3A_641, %swap3A_642], %broadcast_in_dim3A_3 {strides = array<i32>} : memref<2x1000xf32, #tpu.memory_space<vmem>>, vector<16xf32>,
      %swap3A_644 = arith.constant 1 : i32
      %swap3A_645 = arith.index_cast %swap3A_644 : i32 to index
      %swap3A_646 = arith.constant 224 : index
      %swap3A_647 = tpu.vector_load %arg5[%swap3A_645, %swap3A_646] {strides = array<i32>} : memref<2x1000xf32, #tpu.memory_space<vmem>>, vector<16xf32>,
      tpu.vector_store %arg5[%swap3A_645, %swap3A_646], %broadcast_in_dim3A_3 {strides = array<i32>} : memref<2x1000xf32, #tpu.memory_space<vmem>>, vector<16xf32>,
      %swap3A_648 = arith.constant 1 : i32
      %swap3A_649 = arith.index_cast %swap3A_648 : i32 to index
      %swap3A_650 = arith.constant 224 : index
      %swap3A_651 = tpu.vector_load %arg6[%swap3A_649, %swap3A_650] {strides = array<i32>} : memref<2x1000xf32, #tpu.memory_space<vmem>>, vector<16xf32>,
      tpu.vector_store %arg6[%swap3A_649, %swap3A_650], %broadcast_in_dim3A_3 {strides = array<i32>} : memref<2x1000xf32, #tpu.memory_space<vmem>>, vector<16xf32>,
      %swap3A_652 = arith.constant 1 : i32
      %swap3A_653 = arith.index_cast %swap3A_652 : i32 to index
      %swap3A_654 = arith.constant 240 : index
      %swap3A_655 = tpu.vector_load %arg5[%swap3A_653, %swap3A_654] {strides = array<i32>} : memref<2x1000xf32, #tpu.memory_space<vmem>>, vector<16xf32>,
      tpu.vector_store %arg5[%swap3A_653, %swap3A_654], %broadcast_in_dim3A_3 {strides = array<i32>} : memref<2x1000xf32, #tpu.memory_space<vmem>>, vector<16xf32>,
      %swap3A_656 = arith.constant 1 : i32
      %swap3A_657 = arith.index_cast %swap3A_656 : i32 to index
      %swap3A_658 = arith.constant 240 : index
      %swap3A_659 = tpu.vector_load %arg6[%swap3A_657, %swap3A_658] {strides = array<i32>} : memref<2x1000xf32, #tpu.memory_space<vmem>>, vector<16xf32>,
      tpu.vector_store %arg6[%swap3A_657, %swap3A_658], %broadcast_in_dim3A_3 {strides = array<i32>} : memref<2x1000xf32, #tpu.memory_space<vmem>>, vector<16xf32>,
      %swap3A_660 = arith.constant 1 : i32
      %swap3A_661 = arith.index_cast %swap3A_660 : i32 to index
      %swap3A_662 = arith.constant 256 : index
      %swap3A_663 = tpu.vector_load %arg5[%swap3A_661, %swap3A_662] {strides = array<i32>} : memref<2x1000xf32, #tpu.memory_space<vmem>>, vector<16xf32>,
      tpu.vector_store %arg5[%swap3A_661, %swap3A_662], %broadcast_in_dim3A_3 {strides = array<i32>} : memref<2x1000xf32, #tpu.memory_space<vmem>>, vector<16xf32>,
      %swap3A_664 = arith.constant 1 : i32
      %swap3A_665 = arith.index_cast %swap3A_664 : i32 to index
      %swap3A_666 = arith.constant 256 : index
      %swap3A_667 = tpu.vector_load %arg6[%swap3A_665, %swap3A_666] {strides = array<i32>} : memref<2x1000xf32, #tpu.memory_space<vmem>>, vector<16xf32>,
      tpu.vector_store %arg6[%swap3A_665, %swap3A_666], %broadcast_in_dim3A_3 {strides = array<i32>} : memref<2x1000xf32, #tpu.memory_space<vmem>>, vector<16xf32>,
      %swap3A_668 = arith.constant 1 : i32
      %swap3A_669 = arith.index_cast %swap3A_668 : i32 to index
      %swap3A_670 = arith.constant 272 : index
      %swap3A_671 = tpu.vector_load %arg5[%swap3A_669, %swap3A_670] {strides = array<i32>} : memref<2x1000xf32, #tpu.memory_space<vmem>>, vector<16xf32>,
      tpu.vector_store %arg5[%swap3A_669, %swap3A_670], %broadcast_in_dim3A_3 {strides = array<i32>} : memref<2x1000xf32, #tpu.memory_space<vmem>>, vector<16xf32>,
      %swap3A_672 = arith.constant 1 : i32
      %swap3A_673 = arith.index_cast %swap3A_672 : i32 to index
      %swap3A_674 = arith.constant 272 : index
      %swap3A_675 = tpu.vector_load %arg6[%swap3A_673, %swap3A_674] {strides = array<i32>} : memref<2x1000xf32, #tpu.memory_space<vmem>>, vector<16xf32>,
      tpu.vector_store %arg6[%swap3A_673, %swap3A_674], %broadcast_in_dim3A_3 {strides = array<i32>} : memref<2x1000xf32, #tpu.memory_space<vmem>>, vector<16xf32>,
      %swap3A_676 = arith.constant 1 : i32
      %swap3A_677 = arith.index_cast %swap3A_676 : i32 to index
      %swap3A_678 = arith.constant 288 : index
      %swap3A_679 = tpu.vector_load %arg5[%swap3A_677, %swap3A_678] {strides = array<i32>} : memref<2x1000xf32, #tpu.memory_space<vmem>>, vector<16xf32>,
      tpu.vector_store %arg5[%swap3A_677, %swap3A_678], %broadcast_in_dim3A_3 {strides = array<i32>} : memref<2x1000xf32, #tpu.memory_space<vmem>>, vector<16xf32>,
      %swap3A_680 = arith.constant 1 : i32
      %swap3A_681 = arith.index_cast %swap3A_680 : i32 to index
      %swap3A_682 = arith.constant 288 : index
      %swap3A_683 = tpu.vector_load %arg6[%swap3A_681, %swap3A_682] {strides = array<i32>} : memref<2x1000xf32, #tpu.memory_space<vmem>>, vector<16xf32>,
      tpu.vector_store %arg6[%swap3A_681, %swap3A_682], %broadcast_in_dim3A_3 {strides = array<i32>} : memref<2x1000xf32, #tpu.memory_space<vmem>>, vector<16xf32>,
      %swap3A_684 = arith.constant 1 : i32
      %swap3A_685 = arith.index_cast %swap3A_684 : i32 to index
      %swap3A_686 = arith.constant 304 : index
      %swap3A_687 = tpu.vector_load %arg5[%swap3A_685, %swap3A_686] {strides = array<i32>} : memref<2x1000xf32, #tpu.memory_space<vmem>>, vector<16xf32>,
      tpu.vector_store %arg5[%swap3A_685, %swap3A_686], %broadcast_in_dim3A_3 {strides = array<i32>} : memref<2x1000xf32, #tpu.memory_space<vmem>>, vector<16xf32>,
      %swap3A_688 = arith.constant 1 : i32
      %swap3A_689 = arith.index_cast %swap3A_688 : i32 to index
      %swap3A_690 = arith.constant 304 : index
      %swap3A_691 = tpu.vector_load %arg6[%swap3A_689, %swap3A_690] {strides = array<i32>} : memref<2x1000xf32, #tpu.memory_space<vmem>>, vector<16xf32>,
      tpu.vector_store %arg6[%swap3A_689, %swap3A_690], %broadcast_in_dim3A_3 {strides = array<i32>} : memref<2x1000xf32, #tpu.memory_space<vmem>>, vector<16xf32>,
      %swap3A_692 = arith.constant 1 : i32
      %swap3A_693 = arith.index_cast %swap3A_692 : i32 to index
      %swap3A_694 = arith.constant 320 : index
      %swap3A_695 = tpu.vector_load %arg5[%swap3A_693, %swap3A_694] {strides = array<i32>} : memref<2x1000xf32, #tpu.memory_space<vmem>>, vector<16xf32>,
      tpu.vector_store %arg5[%swap3A_693, %swap3A_694], %broadcast_in_dim3A_3 {strides = array<i32>} : memref<2x1000xf32, #tpu.memory_space<vmem>>, vector<16xf32>,
      %swap3A_696 = arith.constant 1 : i32
      %swap3A_697 = arith.index_cast %swap3A_696 : i32 to index
      %swap3A_698 = arith.constant 320 : index
      %swap3A_699 = tpu.vector_load %arg6[%swap3A_697, %swap3A_698] {strides = array<i32>} : memref<2x1000xf32, #tpu.memory_space<vmem>>, vector<16xf32>,
      tpu.vector_store %arg6[%swap3A_697, %swap3A_698], %broadcast_in_dim3A_3 {strides = array<i32>} : memref<2x1000xf32, #tpu.memory_space<vmem>>, vector<16xf32>,
      %swap3A_700 = arith.constant 1 : i32
      %swap3A_701 = arith.index_cast %swap3A_700 : i32 to index
      %swap3A_702 = arith.constant 336 : index
      %swap3A_703 = tpu.vector_load %arg5[%swap3A_701, %swap3A_702] {strides = array<i32>} : memref<2x1000xf32, #tpu.memory_space<vmem>>, vector<16xf32>,
      tpu.vector_store %arg5[%swap3A_701, %swap3A_702], %broadcast_in_dim3A_3 {strides = array<i32>} : memref<2x1000xf32, #tpu.memory_space<vmem>>, vector<16xf32>,
      %swap3A_704 = arith.constant 1 : i32
      %swap3A_705 = arith.index_cast %swap3A_704 : i32 to index
      %swap3A_706 = arith.constant 336 : index
      %swap3A_707 = tpu.vector_load %arg6[%swap3A_705, %swap3A_706] {strides = array<i32>} : memref<2x1000xf32, #tpu.memory_space<vmem>>, vector<16xf32>,
      tpu.vector_store %arg6[%swap3A_705, %swap3A_706], %broadcast_in_dim3A_3 {strides = array<i32>} : memref<2x1000xf32, #tpu.memory_space<vmem>>, vector<16xf32>,
      %swap3A_708 = arith.constant 1 : i32
      %swap3A_709 = arith.index_cast %swap3A_708 : i32 to index
      %swap3A_710 = arith.constant 352 : index
      %swap3A_711 = tpu.vector_load %arg5[%swap3A_709, %swap3A_710] {strides = array<i32>} : memref<2x1000xf32, #tpu.memory_space<vmem>>, vector<16xf32>,
      tpu.vector_store %arg5[%swap3A_709, %swap3A_710], %broadcast_in_dim3A_3 {strides = array<i32>} : memref<2x1000xf32, #tpu.memory_space<vmem>>, vector<16xf32>,
      %swap3A_712 = arith.constant 1 : i32
      %swap3A_713 = arith.index_cast %swap3A_712 : i32 to index
      %swap3A_714 = arith.constant 352 : index
      %swap3A_715 = tpu.vector_load %arg6[%swap3A_713, %swap3A_714] {strides = array<i32>} : memref<2x1000xf32, #tpu.memory_space<vmem>>, vector<16xf32>,
      tpu.vector_store %arg6[%swap3A_713, %swap3A_714], %broadcast_in_dim3A_3 {strides = array<i32>} : memref<2x1000xf32, #tpu.memory_space<vmem>>, vector<16xf32>,
      %swap3A_716 = arith.constant 1 : i32
      %swap3A_717 = arith.index_cast %swap3A_716 : i32 to index
      %swap3A_718 = arith.constant 368 : index
      %swap3A_719 = tpu.vector_load %arg5[%swap3A_717, %swap3A_718] {strides = array<i32>} : memref<2x1000xf32, #tpu.memory_space<vmem>>, vector<16xf32>,
      tpu.vector_store %arg5[%swap3A_717, %swap3A_718], %broadcast_in_dim3A_3 {strides = array<i32>} : memref<2x1000xf32, #tpu.memory_space<vmem>>, vector<16xf32>,
      %swap3A_720 = arith.constant 1 : i32
      %swap3A_721 = arith.index_cast %swap3A_720 : i32 to index
      %swap3A_722 = arith.constant 368 : index
      %swap3A_723 = tpu.vector_load %arg6[%swap3A_721, %swap3A_722] {strides = array<i32>} : memref<2x1000xf32, #tpu.memory_space<vmem>>, vector<16xf32>,
      tpu.vector_store %arg6[%swap3A_721, %swap3A_722], %broadcast_in_dim3A_3 {strides = array<i32>} : memref<2x1000xf32, #tpu.memory_space<vmem>>, vector<16xf32>,
      %swap3A_724 = arith.constant 1 : i32
      %swap3A_725 = arith.index_cast %swap3A_724 : i32 to index
      %swap3A_726 = arith.constant 384 : index
      %swap3A_727 = tpu.vector_load %arg5[%swap3A_725, %swap3A_726] {strides = array<i32>} : memref<2x1000xf32, #tpu.memory_space<vmem>>, vector<16xf32>,
      tpu.vector_store %arg5[%swap3A_725, %swap3A_726], %broadcast_in_dim3A_3 {strides = array<i32>} : memref<2x1000xf32, #tpu.memory_space<vmem>>, vector<16xf32>,
      %swap3A_728 = arith.constant 1 : i32
      %swap3A_729 = arith.index_cast %swap3A_728 : i32 to index
      %swap3A_730 = arith.constant 384 : index
      %swap3A_731 = tpu.vector_load %arg6[%swap3A_729, %swap3A_730] {strides = array<i32>} : memref<2x1000xf32, #tpu.memory_space<vmem>>, vector<16xf32>,
      tpu.vector_store %arg6[%swap3A_729, %swap3A_730], %broadcast_in_dim3A_3 {strides = array<i32>} : memref<2x1000xf32, #tpu.memory_space<vmem>>, vector<16xf32>,
      %swap3A_732 = arith.constant 1 : i32
      %swap3A_733 = arith.index_cast %swap3A_732 : i32 to index
      %swap3A_734 = arith.constant 400 : index
      %swap3A_735 = tpu.vector_load %arg5[%swap3A_733, %swap3A_734] {strides = array<i32>} : memref<2x1000xf32, #tpu.memory_space<vmem>>, vector<16xf32>,
      tpu.vector_store %arg5[%swap3A_733, %swap3A_734], %broadcast_in_dim3A_3 {strides = array<i32>} : memref<2x1000xf32, #tpu.memory_space<vmem>>, vector<16xf32>,
      %swap3A_736 = arith.constant 1 : i32
      %swap3A_737 = arith.index_cast %swap3A_736 : i32 to index
      %swap3A_738 = arith.constant 400 : index
      %swap3A_739 = tpu.vector_load %arg6[%swap3A_737, %swap3A_738] {strides = array<i32>} : memref<2x1000xf32, #tpu.memory_space<vmem>>, vector<16xf32>,
      tpu.vector_store %arg6[%swap3A_737, %swap3A_738], %broadcast_in_dim3A_3 {strides = array<i32>} : memref<2x1000xf32, #tpu.memory_space<vmem>>, vector<16xf32>,
      %swap3A_740 = arith.constant 1 : i32
      %swap3A_741 = arith.index_cast %swap3A_740 : i32 to index
      %swap3A_742 = arith.constant 416 : index
      %swap3A_743 = tpu.vector_load %arg5[%swap3A_741, %swap3A_742] {strides = array<i32>} : memref<2x1000xf32, #tpu.memory_space<vmem>>, vector<16xf32>,
      tpu.vector_store %arg5[%swap3A_741, %swap3A_742], %broadcast_in_dim3A_3 {strides = array<i32>} : memref<2x1000xf32, #tpu.memory_space<vmem>>, vector<16xf32>,
      %swap3A_744 = arith.constant 1 : i32
      %swap3A_745 = arith.index_cast %swap3A_744 : i32 to index
      %swap3A_746 = arith.constant 416 : index
      %swap3A_747 = tpu.vector_load %arg6[%swap3A_745, %swap3A_746] {strides = array<i32>} : memref<2x1000xf32, #tpu.memory_space<vmem>>, vector<16xf32>,
      tpu.vector_store %arg6[%swap3A_745, %swap3A_746], %broadcast_in_dim3A_3 {strides = array<i32>} : memref<2x1000xf32, #tpu.memory_space<vmem>>, vector<16xf32>,
      %swap3A_748 = arith.constant 1 : i32
      %swap3A_749 = arith.index_cast %swap3A_748 : i32 to index
      %swap3A_750 = arith.constant 432 : index
      %swap3A_751 = tpu.vector_load %arg5[%swap3A_749, %swap3A_750] {strides = array<i32>} : memref<2x1000xf32, #tpu.memory_space<vmem>>, vector<16xf32>,
      tpu.vector_store %arg5[%swap3A_749, %swap3A_750], %broadcast_in_dim3A_3 {strides = array<i32>} : memref<2x1000xf32, #tpu.memory_space<vmem>>, vector<16xf32>,
      %swap3A_752 = arith.constant 1 : i32
      %swap3A_753 = arith.index_cast %swap3A_752 : i32 to index
      %swap3A_754 = arith.constant 432 : index
      %swap3A_755 = tpu.vector_load %arg6[%swap3A_753, %swap3A_754] {strides = array<i32>} : memref<2x1000xf32, #tpu.memory_space<vmem>>, vector<16xf32>,
      tpu.vector_store %arg6[%swap3A_753, %swap3A_754], %broadcast_in_dim3A_3 {strides = array<i32>} : memref<2x1000xf32, #tpu.memory_space<vmem>>, vector<16xf32>,
      %swap3A_756 = arith.constant 1 : i32
      %swap3A_757 = arith.index_cast %swap3A_756 : i32 to index
      %swap3A_758 = arith.constant 448 : index
      %swap3A_759 = tpu.vector_load %arg5[%swap3A_757, %swap3A_758] {strides = array<i32>} : memref<2x1000xf32, #tpu.memory_space<vmem>>, vector<16xf32>,
      tpu.vector_store %arg5[%swap3A_757, %swap3A_758], %broadcast_in_dim3A_3 {strides = array<i32>} : memref<2x1000xf32, #tpu.memory_space<vmem>>, vector<16xf32>,
      %swap3A_760 = arith.constant 1 : i32
      %swap3A_761 = arith.index_cast %swap3A_760 : i32 to index
      %swap3A_762 = arith.constant 448 : index
      %swap3A_763 = tpu.vector_load %arg6[%swap3A_761, %swap3A_762] {strides = array<i32>} : memref<2x1000xf32, #tpu.memory_space<vmem>>, vector<16xf32>,
      tpu.vector_store %arg6[%swap3A_761, %swap3A_762], %broadcast_in_dim3A_3 {strides = array<i32>} : memref<2x1000xf32, #tpu.memory_space<vmem>>, vector<16xf32>,
      %swap3A_764 = arith.constant 1 : i32
      %swap3A_765 = arith.index_cast %swap3A_764 : i32 to index
      %swap3A_766 = arith.constant 464 : index
      %swap3A_767 = tpu.vector_load %arg5[%swap3A_765, %swap3A_766] {strides = array<i32>} : memref<2x1000xf32, #tpu.memory_space<vmem>>, vector<16xf32>,
      tpu.vector_store %arg5[%swap3A_765, %swap3A_766], %broadcast_in_dim3A_3 {strides = array<i32>} : memref<2x1000xf32, #tpu.memory_space<vmem>>, vector<16xf32>,
      %swap3A_768 = arith.constant 1 : i32
      %swap3A_769 = arith.index_cast %swap3A_768 : i32 to index
      %swap3A_770 = arith.constant 464 : index
      %swap3A_771 = tpu.vector_load %arg6[%swap3A_769, %swap3A_770] {strides = array<i32>} : memref<2x1000xf32, #tpu.memory_space<vmem>>, vector<16xf32>,
      tpu.vector_store %arg6[%swap3A_769, %swap3A_770], %broadcast_in_dim3A_3 {strides = array<i32>} : memref<2x1000xf32, #tpu.memory_space<vmem>>, vector<16xf32>,
      %swap3A_772 = arith.constant 1 : i32
      %swap3A_773 = arith.index_cast %swap3A_772 : i32 to index
      %swap3A_774 = arith.constant 480 : index
      %swap3A_775 = tpu.vector_load %arg5[%swap3A_773, %swap3A_774] {strides = array<i32>} : memref<2x1000xf32, #tpu.memory_space<vmem>>, vector<16xf32>,
      tpu.vector_store %arg5[%swap3A_773, %swap3A_774], %broadcast_in_dim3A_3 {strides = array<i32>} : memref<2x1000xf32, #tpu.memory_space<vmem>>, vector<16xf32>,
      %swap3A_776 = arith.constant 1 : i32
      %swap3A_777 = arith.index_cast %swap3A_776 : i32 to index
      %swap3A_778 = arith.constant 480 : index
      %swap3A_779 = tpu.vector_load %arg6[%swap3A_777, %swap3A_778] {strides = array<i32>} : memref<2x1000xf32, #tpu.memory_space<vmem>>, vector<16xf32>,
      tpu.vector_store %arg6[%swap3A_777, %swap3A_778], %broadcast_in_dim3A_3 {strides = array<i32>} : memref<2x1000xf32, #tpu.memory_space<vmem>>, vector<16xf32>,
      %swap3A_780 = arith.constant 1 : i32
      %swap3A_781 = arith.index_cast %swap3A_780 : i32 to index
      %swap3A_782 = arith.constant 496 : index
      %swap3A_783 = tpu.vector_load %arg5[%swap3A_781, %swap3A_782] {strides = array<i32>} : memref<2x1000xf32, #tpu.memory_space<vmem>>, vector<16xf32>,
      tpu.vector_store %arg5[%swap3A_781, %swap3A_782], %broadcast_in_dim3A_3 {strides = array<i32>} : memref<2x1000xf32, #tpu.memory_space<vmem>>, vector<16xf32>,
      %swap3A_784 = arith.constant 1 : i32
      %swap3A_785 = arith.index_cast %swap3A_784 : i32 to index
      %swap3A_786 = arith.constant 496 : index
      %swap3A_787 = tpu.vector_load %arg6[%swap3A_785, %swap3A_786] {strides = array<i32>} : memref<2x1000xf32, #tpu.memory_space<vmem>>, vector<16xf32>,
      tpu.vector_store %arg6[%swap3A_785, %swap3A_786], %broadcast_in_dim3A_3 {strides = array<i32>} : memref<2x1000xf32, #tpu.memory_space<vmem>>, vector<16xf32>,
      %swap3A_788 = arith.constant 1 : i32
      %swap3A_789 = arith.index_cast %swap3A_788 : i32 to index
      %swap3A_790 = arith.constant 512 : index
      %swap3A_791 = tpu.vector_load %arg5[%swap3A_789, %swap3A_790] {strides = array<i32>} : memref<2x1000xf32, #tpu.memory_space<vmem>>, vector<16xf32>,
      tpu.vector_store %arg5[%swap3A_789, %swap3A_790], %broadcast_in_dim3A_3 {strides = array<i32>} : memref<2x1000xf32, #tpu.memory_space<vmem>>, vector<16xf32>,
      %swap3A_792 = arith.constant 1 : i32
      %swap3A_793 = arith.index_cast %swap3A_792 : i32 to index
      %swap3A_794 = arith.constant 512 : index
      %swap3A_795 = tpu.vector_load %arg6[%swap3A_793, %swap3A_794] {strides = array<i32>} : memref<2x1000xf32, #tpu.memory_space<vmem>>, vector<16xf32>,
      tpu.vector_store %arg6[%swap3A_793, %swap3A_794], %broadcast_in_dim3A_3 {strides = array<i32>} : memref<2x1000xf32, #tpu.memory_space<vmem>>, vector<16xf32>,
      %swap3A_796 = arith.constant 1 : i32
      %swap3A_797 = arith.index_cast %swap3A_796 : i32 to index
      %swap3A_798 = arith.constant 528 : index
      %swap3A_799 = tpu.vector_load %arg5[%swap3A_797, %swap3A_798] {strides = array<i32>} : memref<2x1000xf32, #tpu.memory_space<vmem>>, vector<16xf32>,
      tpu.vector_store %arg5[%swap3A_797, %swap3A_798], %broadcast_in_dim3A_3 {strides = array<i32>} : memref<2x1000xf32, #tpu.memory_space<vmem>>, vector<16xf32>,
      %swap3A_800 = arith.constant 1 : i32
      %swap3A_801 = arith.index_cast %swap3A_800 : i32 to index
      %swap3A_802 = arith.constant 528 : index
      %swap3A_803 = tpu.vector_load %arg6[%swap3A_801, %swap3A_802] {strides = array<i32>} : memref<2x1000xf32, #tpu.memory_space<vmem>>, vector<16xf32>,
      tpu.vector_store %arg6[%swap3A_801, %swap3A_802], %broadcast_in_dim3A_3 {strides = array<i32>} : memref<2x1000xf32, #tpu.memory_space<vmem>>, vector<16xf32>,
      %swap3A_804 = arith.constant 1 : i32
      %swap3A_805 = arith.index_cast %swap3A_804 : i32 to index
      %swap3A_806 = arith.constant 544 : index
      %swap3A_807 = tpu.vector_load %arg5[%swap3A_805, %swap3A_806] {strides = array<i32>} : memref<2x1000xf32, #tpu.memory_space<vmem>>, vector<16xf32>,
      tpu.vector_store %arg5[%swap3A_805, %swap3A_806], %broadcast_in_dim3A_3 {strides = array<i32>} : memref<2x1000xf32, #tpu.memory_space<vmem>>, vector<16xf32>,
      %swap3A_808 = arith.constant 1 : i32
      %swap3A_809 = arith.index_cast %swap3A_808 : i32 to index
      %swap3A_810 = arith.constant 544 : index
      %swap3A_811 = tpu.vector_load %arg6[%swap3A_809, %swap3A_810] {strides = array<i32>} : memref<2x1000xf32, #tpu.memory_space<vmem>>, vector<16xf32>,
      tpu.vector_store %arg6[%swap3A_809, %swap3A_810], %broadcast_in_dim3A_3 {strides = array<i32>} : memref<2x1000xf32, #tpu.memory_space<vmem>>, vector<16xf32>,
      %swap3A_812 = arith.constant 1 : i32
      %swap3A_813 = arith.index_cast %swap3A_812 : i32 to index
      %swap3A_814 = arith.constant 560 : index
      %swap3A_815 = tpu.vector_load %arg5[%swap3A_813, %swap3A_814] {strides = array<i32>} : memref<2x1000xf32, #tpu.memory_space<vmem>>, vector<16xf32>,
      tpu.vector_store %arg5[%swap3A_813, %swap3A_814], %broadcast_in_dim3A_3 {strides = array<i32>} : memref<2x1000xf32, #tpu.memory_space<vmem>>, vector<16xf32>,
      %swap3A_816 = arith.constant 1 : i32
      %swap3A_817 = arith.index_cast %swap3A_816 : i32 to index
      %swap3A_818 = arith.constant 560 : index
      %swap3A_819 = tpu.vector_load %arg6[%swap3A_817, %swap3A_818] {strides = array<i32>} : memref<2x1000xf32, #tpu.memory_space<vmem>>, vector<16xf32>,
      tpu.vector_store %arg6[%swap3A_817, %swap3A_818], %broadcast_in_dim3A_3 {strides = array<i32>} : memref<2x1000xf32, #tpu.memory_space<vmem>>, vector<16xf32>,
      %swap3A_820 = arith.constant 1 : i32
      %swap3A_821 = arith.index_cast %swap3A_820 : i32 to index
      %swap3A_822 = arith.constant 576 : index
      %swap3A_823 = tpu.vector_load %arg5[%swap3A_821, %swap3A_822] {strides = array<i32>} : memref<2x1000xf32, #tpu.memory_space<vmem>>, vector<16xf32>,
      tpu.vector_store %arg5[%swap3A_821, %swap3A_822], %broadcast_in_dim3A_3 {strides = array<i32>} : memref<2x1000xf32, #tpu.memory_space<vmem>>, vector<16xf32>,
      %swap3A_824 = arith.constant 1 : i32
      %swap3A_825 = arith.index_cast %swap3A_824 : i32 to index
      %swap3A_826 = arith.constant 576 : index
      %swap3A_827 = tpu.vector_load %arg6[%swap3A_825, %swap3A_826] {strides = array<i32>} : memref<2x1000xf32, #tpu.memory_space<vmem>>, vector<16xf32>,
      tpu.vector_store %arg6[%swap3A_825, %swap3A_826], %broadcast_in_dim3A_3 {strides = array<i32>} : memref<2x1000xf32, #tpu.memory_space<vmem>>, vector<16xf32>,
      %swap3A_828 = arith.constant 1 : i32
      %swap3A_829 = arith.index_cast %swap3A_828 : i32 to index
      %swap3A_830 = arith.constant 592 : index
      %swap3A_831 = tpu.vector_load %arg5[%swap3A_829, %swap3A_830] {strides = array<i32>} : memref<2x1000xf32, #tpu.memory_space<vmem>>, vector<16xf32>,
      tpu.vector_store %arg5[%swap3A_829, %swap3A_830], %broadcast_in_dim3A_3 {strides = array<i32>} : memref<2x1000xf32, #tpu.memory_space<vmem>>, vector<16xf32>,
      %swap3A_832 = arith.constant 1 : i32
      %swap3A_833 = arith.index_cast %swap3A_832 : i32 to index
      %swap3A_834 = arith.constant 592 : index
      %swap3A_835 = tpu.vector_load %arg6[%swap3A_833, %swap3A_834] {strides = array<i32>} : memref<2x1000xf32, #tpu.memory_space<vmem>>, vector<16xf32>,
      tpu.vector_store %arg6[%swap3A_833, %swap3A_834], %broadcast_in_dim3A_3 {strides = array<i32>} : memref<2x1000xf32, #tpu.memory_space<vmem>>, vector<16xf32>,
      %swap3A_836 = arith.constant 1 : i32
      %swap3A_837 = arith.index_cast %swap3A_836 : i32 to index
      %swap3A_838 = arith.constant 608 : index
      %swap3A_839 = tpu.vector_load %arg5[%swap3A_837, %swap3A_838] {strides = array<i32>} : memref<2x1000xf32, #tpu.memory_space<vmem>>, vector<16xf32>,
      tpu.vector_store %arg5[%swap3A_837, %swap3A_838], %broadcast_in_dim3A_3 {strides = array<i32>} : memref<2x1000xf32, #tpu.memory_space<vmem>>, vector<16xf32>,
      %swap3A_840 = arith.constant 1 : i32
      %swap3A_841 = arith.index_cast %swap3A_840 : i32 to index
      %swap3A_842 = arith.constant 608 : index
      %swap3A_843 = tpu.vector_load %arg6[%swap3A_841, %swap3A_842] {strides = array<i32>} : memref<2x1000xf32, #tpu.memory_space<vmem>>, vector<16xf32>,
      tpu.vector_store %arg6[%swap3A_841, %swap3A_842], %broadcast_in_dim3A_3 {strides = array<i32>} : memref<2x1000xf32, #tpu.memory_space<vmem>>, vector<16xf32>,
      %swap3A_844 = arith.constant 1 : i32
      %swap3A_845 = arith.index_cast %swap3A_844 : i32 to index
      %swap3A_846 = arith.constant 624 : index
      %swap3A_847 = tpu.vector_load %arg5[%swap3A_845, %swap3A_846] {strides = array<i32>} : memref<2x1000xf32, #tpu.memory_space<vmem>>, vector<16xf32>,
      tpu.vector_store %arg5[%swap3A_845, %swap3A_846], %broadcast_in_dim3A_3 {strides = array<i32>} : memref<2x1000xf32, #tpu.memory_space<vmem>>, vector<16xf32>,
      %swap3A_848 = arith.constant 1 : i32
      %swap3A_849 = arith.index_cast %swap3A_848 : i32 to index
      %swap3A_850 = arith.constant 624 : index
      %swap3A_851 = tpu.vector_load %arg6[%swap3A_849, %swap3A_850] {strides = array<i32>} : memref<2x1000xf32, #tpu.memory_space<vmem>>, vector<16xf32>,
      tpu.vector_store %arg6[%swap3A_849, %swap3A_850], %broadcast_in_dim3A_3 {strides = array<i32>} : memref<2x1000xf32, #tpu.memory_space<vmem>>, vector<16xf32>,
      %swap3A_852 = arith.constant 1 : i32
      %swap3A_853 = arith.index_cast %swap3A_852 : i32 to index
      %swap3A_854 = arith.constant 640 : index
      %swap3A_855 = tpu.vector_load %arg5[%swap3A_853, %swap3A_854] {strides = array<i32>} : memref<2x1000xf32, #tpu.memory_space<vmem>>, vector<16xf32>,
      tpu.vector_store %arg5[%swap3A_853, %swap3A_854], %broadcast_in_dim3A_3 {strides = array<i32>} : memref<2x1000xf32, #tpu.memory_space<vmem>>, vector<16xf32>,
      %swap3A_856 = arith.constant 1 : i32
      %swap3A_857 = arith.index_cast %swap3A_856 : i32 to index
      %swap3A_858 = arith.constant 640 : index
      %swap3A_859 = tpu.vector_load %arg6[%swap3A_857, %swap3A_858] {strides = array<i32>} : memref<2x1000xf32, #tpu.memory_space<vmem>>, vector<16xf32>,
      tpu.vector_store %arg6[%swap3A_857, %swap3A_858], %broadcast_in_dim3A_3 {strides = array<i32>} : memref<2x1000xf32, #tpu.memory_space<vmem>>, vector<16xf32>,
      %swap3A_860 = arith.constant 1 : i32
      %swap3A_861 = arith.index_cast %swap3A_860 : i32 to index
      %swap3A_862 = arith.constant 656 : index
      %swap3A_863 = tpu.vector_load %arg5[%swap3A_861, %swap3A_862] {strides = array<i32>} : memref<2x1000xf32, #tpu.memory_space<vmem>>, vector<16xf32>,
      tpu.vector_store %arg5[%swap3A_861, %swap3A_862], %broadcast_in_dim3A_3 {strides = array<i32>} : memref<2x1000xf32, #tpu.memory_space<vmem>>, vector<16xf32>,
      %swap3A_864 = arith.constant 1 : i32
      %swap3A_865 = arith.index_cast %swap3A_864 : i32 to index
      %swap3A_866 = arith.constant 656 : index
      %swap3A_867 = tpu.vector_load %arg6[%swap3A_865, %swap3A_866] {strides = array<i32>} : memref<2x1000xf32, #tpu.memory_space<vmem>>, vector<16xf32>,
      tpu.vector_store %arg6[%swap3A_865, %swap3A_866], %broadcast_in_dim3A_3 {strides = array<i32>} : memref<2x1000xf32, #tpu.memory_space<vmem>>, vector<16xf32>,
      %swap3A_868 = arith.constant 1 : i32
      %swap3A_869 = arith.index_cast %swap3A_868 : i32 to index
      %swap3A_870 = arith.constant 672 : index
      %swap3A_871 = tpu.vector_load %arg5[%swap3A_869, %swap3A_870] {strides = array<i32>} : memref<2x1000xf32, #tpu.memory_space<vmem>>, vector<16xf32>,
      tpu.vector_store %arg5[%swap3A_869, %swap3A_870], %broadcast_in_dim3A_3 {strides = array<i32>} : memref<2x1000xf32, #tpu.memory_space<vmem>>, vector<16xf32>,
      %swap3A_872 = arith.constant 1 : i32
      %swap3A_873 = arith.index_cast %swap3A_872 : i32 to index
      %swap3A_874 = arith.constant 672 : index
      %swap3A_875 = tpu.vector_load %arg6[%swap3A_873, %swap3A_874] {strides = array<i32>} : memref<2x1000xf32, #tpu.memory_space<vmem>>, vector<16xf32>,
      tpu.vector_store %arg6[%swap3A_873, %swap3A_874], %broadcast_in_dim3A_3 {strides = array<i32>} : memref<2x1000xf32, #tpu.memory_space<vmem>>, vector<16xf32>,
      %swap3A_876 = arith.constant 1 : i32
      %swap3A_877 = arith.index_cast %swap3A_876 : i32 to index
      %swap3A_878 = arith.constant 688 : index
      %swap3A_879 = tpu.vector_load %arg5[%swap3A_877, %swap3A_878] {strides = array<i32>} : memref<2x1000xf32, #tpu.memory_space<vmem>>, vector<16xf32>,
      tpu.vector_store %arg5[%swap3A_877, %swap3A_878], %broadcast_in_dim3A_3 {strides = array<i32>} : memref<2x1000xf32, #tpu.memory_space<vmem>>, vector<16xf32>,
      %swap3A_880 = arith.constant 1 : i32
      %swap3A_881 = arith.index_cast %swap3A_880 : i32 to index
      %swap3A_882 = arith.constant 688 : index
      %swap3A_883 = tpu.vector_load %arg6[%swap3A_881, %swap3A_882] {strides = array<i32>} : memref<2x1000xf32, #tpu.memory_space<vmem>>, vector<16xf32>,
      tpu.vector_store %arg6[%swap3A_881, %swap3A_882], %broadcast_in_dim3A_3 {strides = array<i32>} : memref<2x1000xf32, #tpu.memory_space<vmem>>, vector<16xf32>,
      %swap3A_884 = arith.constant 1 : i32
      %swap3A_885 = arith.index_cast %swap3A_884 : i32 to index
      %swap3A_886 = arith.constant 704 : index
      %swap3A_887 = tpu.vector_load %arg5[%swap3A_885, %swap3A_886] {strides = array<i32>} : memref<2x1000xf32, #tpu.memory_space<vmem>>, vector<16xf32>,
      tpu.vector_store %arg5[%swap3A_885, %swap3A_886], %broadcast_in_dim3A_3 {strides = array<i32>} : memref<2x1000xf32, #tpu.memory_space<vmem>>, vector<16xf32>,
      %swap3A_888 = arith.constant 1 : i32
      %swap3A_889 = arith.index_cast %swap3A_888 : i32 to index
      %swap3A_890 = arith.constant 704 : index
      %swap3A_891 = tpu.vector_load %arg6[%swap3A_889, %swap3A_890] {strides = array<i32>} : memref<2x1000xf32, #tpu.memory_space<vmem>>, vector<16xf32>,
      tpu.vector_store %arg6[%swap3A_889, %swap3A_890], %broadcast_in_dim3A_3 {strides = array<i32>} : memref<2x1000xf32, #tpu.memory_space<vmem>>, vector<16xf32>,
      %swap3A_892 = arith.constant 1 : i32
      %swap3A_893 = arith.index_cast %swap3A_892 : i32 to index
      %swap3A_894 = arith.constant 720 : index
      %swap3A_895 = tpu.vector_load %arg5[%swap3A_893, %swap3A_894] {strides = array<i32>} : memref<2x1000xf32, #tpu.memory_space<vmem>>, vector<16xf32>,
      tpu.vector_store %arg5[%swap3A_893, %swap3A_894], %broadcast_in_dim3A_3 {strides = array<i32>} : memref<2x1000xf32, #tpu.memory_space<vmem>>, vector<16xf32>,
      %swap3A_896 = arith.constant 1 : i32
      %swap3A_897 = arith.index_cast %swap3A_896 : i32 to index
      %swap3A_898 = arith.constant 720 : index
      %swap3A_899 = tpu.vector_load %arg6[%swap3A_897, %swap3A_898] {strides = array<i32>} : memref<2x1000xf32, #tpu.memory_space<vmem>>, vector<16xf32>,
      tpu.vector_store %arg6[%swap3A_897, %swap3A_898], %broadcast_in_dim3A_3 {strides = array<i32>} : memref<2x1000xf32, #tpu.memory_space<vmem>>, vector<16xf32>,
      %swap3A_900 = arith.constant 1 : i32
      %swap3A_901 = arith.index_cast %swap3A_900 : i32 to index
      %swap3A_902 = arith.constant 736 : index
      %swap3A_903 = tpu.vector_load %arg5[%swap3A_901, %swap3A_902] {strides = array<i32>} : memref<2x1000xf32, #tpu.memory_space<vmem>>, vector<16xf32>,
      tpu.vector_store %arg5[%swap3A_901, %swap3A_902], %broadcast_in_dim3A_3 {strides = array<i32>} : memref<2x1000xf32, #tpu.memory_space<vmem>>, vector<16xf32>,
      %swap3A_904 = arith.constant 1 : i32
      %swap3A_905 = arith.index_cast %swap3A_904 : i32 to index
      %swap3A_906 = arith.constant 736 : index
      %swap3A_907 = tpu.vector_load %arg6[%swap3A_905, %swap3A_906] {strides = array<i32>} : memref<2x1000xf32, #tpu.memory_space<vmem>>, vector<16xf32>,
      tpu.vector_store %arg6[%swap3A_905, %swap3A_906], %broadcast_in_dim3A_3 {strides = array<i32>} : memref<2x1000xf32, #tpu.memory_space<vmem>>, vector<16xf32>,
      %swap3A_908 = arith.constant 1 : i32
      %swap3A_909 = arith.index_cast %swap3A_908 : i32 to index
      %swap3A_910 = arith.constant 752 : index
      %swap3A_911 = tpu.vector_load %arg5[%swap3A_909, %swap3A_910] {strides = array<i32>} : memref<2x1000xf32, #tpu.memory_space<vmem>>, vector<16xf32>,
      tpu.vector_store %arg5[%swap3A_909, %swap3A_910], %broadcast_in_dim3A_3 {strides = array<i32>} : memref<2x1000xf32, #tpu.memory_space<vmem>>, vector<16xf32>,
      %swap3A_912 = arith.constant 1 : i32
      %swap3A_913 = arith.index_cast %swap3A_912 : i32 to index
      %swap3A_914 = arith.constant 752 : index
      %swap3A_915 = tpu.vector_load %arg6[%swap3A_913, %swap3A_914] {strides = array<i32>} : memref<2x1000xf32, #tpu.memory_space<vmem>>, vector<16xf32>,
      tpu.vector_store %arg6[%swap3A_913, %swap3A_914], %broadcast_in_dim3A_3 {strides = array<i32>} : memref<2x1000xf32, #tpu.memory_space<vmem>>, vector<16xf32>,
      %swap3A_916 = arith.constant 1 : i32
      %swap3A_917 = arith.index_cast %swap3A_916 : i32 to index
      %swap3A_918 = arith.constant 768 : index
      %swap3A_919 = tpu.vector_load %arg5[%swap3A_917, %swap3A_918] {strides = array<i32>} : memref<2x1000xf32, #tpu.memory_space<vmem>>, vector<16xf32>,
      tpu.vector_store %arg5[%swap3A_917, %swap3A_918], %broadcast_in_dim3A_3 {strides = array<i32>} : memref<2x1000xf32, #tpu.memory_space<vmem>>, vector<16xf32>,
      %swap3A_920 = arith.constant 1 : i32
      %swap3A_921 = arith.index_cast %swap3A_920 : i32 to index
      %swap3A_922 = arith.constant 768 : index
      %swap3A_923 = tpu.vector_load %arg6[%swap3A_921, %swap3A_922] {strides = array<i32>} : memref<2x1000xf32, #tpu.memory_space<vmem>>, vector<16xf32>,
      tpu.vector_store %arg6[%swap3A_921, %swap3A_922], %broadcast_in_dim3A_3 {strides = array<i32>} : memref<2x1000xf32, #tpu.memory_space<vmem>>, vector<16xf32>,
      %swap3A_924 = arith.constant 1 : i32
      %swap3A_925 = arith.index_cast %swap3A_924 : i32 to index
      %swap3A_926 = arith.constant 784 : index
      %swap3A_927 = tpu.vector_load %arg5[%swap3A_925, %swap3A_926] {strides = array<i32>} : memref<2x1000xf32, #tpu.memory_space<vmem>>, vector<16xf32>,
      tpu.vector_store %arg5[%swap3A_925, %swap3A_926], %broadcast_in_dim3A_3 {strides = array<i32>} : memref<2x1000xf32, #tpu.memory_space<vmem>>, vector<16xf32>,
      %swap3A_928 = arith.constant 1 : i32
      %swap3A_929 = arith.index_cast %swap3A_928 : i32 to index
      %swap3A_930 = arith.constant 784 : index
      %swap3A_931 = tpu.vector_load %arg6[%swap3A_929, %swap3A_930] {strides = array<i32>} : memref<2x1000xf32, #tpu.memory_space<vmem>>, vector<16xf32>,
      tpu.vector_store %arg6[%swap3A_929, %swap3A_930], %broadcast_in_dim3A_3 {strides = array<i32>} : memref<2x1000xf32, #tpu.memory_space<vmem>>, vector<16xf32>,
      %swap3A_932 = arith.constant 1 : i32
      %swap3A_933 = arith.index_cast %swap3A_932 : i32 to index
      %swap3A_934 = arith.constant 800 : index
      %swap3A_935 = tpu.vector_load %arg5[%swap3A_933, %swap3A_934] {strides = array<i32>} : memref<2x1000xf32, #tpu.memory_space<vmem>>, vector<16xf32>,
      tpu.vector_store %arg5[%swap3A_933, %swap3A_934], %broadcast_in_dim3A_3 {strides = array<i32>} : memref<2x1000xf32, #tpu.memory_space<vmem>>, vector<16xf32>,
      %swap3A_936 = arith.constant 1 : i32
      %swap3A_937 = arith.index_cast %swap3A_936 : i32 to index
      %swap3A_938 = arith.constant 800 : index
      %swap3A_939 = tpu.vector_load %arg6[%swap3A_937, %swap3A_938] {strides = array<i32>} : memref<2x1000xf32, #tpu.memory_space<vmem>>, vector<16xf32>,
      tpu.vector_store %arg6[%swap3A_937, %swap3A_938], %broadcast_in_dim3A_3 {strides = array<i32>} : memref<2x1000xf32, #tpu.memory_space<vmem>>, vector<16xf32>,
      %swap3A_940 = arith.constant 1 : i32
      %swap3A_941 = arith.index_cast %swap3A_940 : i32 to index
      %swap3A_942 = arith.constant 816 : index
      %swap3A_943 = tpu.vector_load %arg5[%swap3A_941, %swap3A_942] {strides = array<i32>} : memref<2x1000xf32, #tpu.memory_space<vmem>>, vector<16xf32>,
      tpu.vector_store %arg5[%swap3A_941, %swap3A_942], %broadcast_in_dim3A_3 {strides = array<i32>} : memref<2x1000xf32, #tpu.memory_space<vmem>>, vector<16xf32>,
      %swap3A_944 = arith.constant 1 : i32
      %swap3A_945 = arith.index_cast %swap3A_944 : i32 to index
      %swap3A_946 = arith.constant 816 : index
      %swap3A_947 = tpu.vector_load %arg6[%swap3A_945, %swap3A_946] {strides = array<i32>} : memref<2x1000xf32, #tpu.memory_space<vmem>>, vector<16xf32>,
      tpu.vector_store %arg6[%swap3A_945, %swap3A_946], %broadcast_in_dim3A_3 {strides = array<i32>} : memref<2x1000xf32, #tpu.memory_space<vmem>>, vector<16xf32>,
      %swap3A_948 = arith.constant 1 : i32
      %swap3A_949 = arith.index_cast %swap3A_948 : i32 to index
      %swap3A_950 = arith.constant 832 : index
      %swap3A_951 = tpu.vector_load %arg5[%swap3A_949, %swap3A_950] {strides = array<i32>} : memref<2x1000xf32, #tpu.memory_space<vmem>>, vector<16xf32>,
      tpu.vector_store %arg5[%swap3A_949, %swap3A_950], %broadcast_in_dim3A_3 {strides = array<i32>} : memref<2x1000xf32, #tpu.memory_space<vmem>>, vector<16xf32>,
      %swap3A_952 = arith.constant 1 : i32
      %swap3A_953 = arith.index_cast %swap3A_952 : i32 to index
      %swap3A_954 = arith.constant 832 : index
      %swap3A_955 = tpu.vector_load %arg6[%swap3A_953, %swap3A_954] {strides = array<i32>} : memref<2x1000xf32, #tpu.memory_space<vmem>>, vector<16xf32>,
      tpu.vector_store %arg6[%swap3A_953, %swap3A_954], %broadcast_in_dim3A_3 {strides = array<i32>} : memref<2x1000xf32, #tpu.memory_space<vmem>>, vector<16xf32>,
      %swap3A_956 = arith.constant 1 : i32
      %swap3A_957 = arith.index_cast %swap3A_956 : i32 to index
      %swap3A_958 = arith.constant 848 : index
      %swap3A_959 = tpu.vector_load %arg5[%swap3A_957, %swap3A_958] {strides = array<i32>} : memref<2x1000xf32, #tpu.memory_space<vmem>>, vector<16xf32>,
      tpu.vector_store %arg5[%swap3A_957, %swap3A_958], %broadcast_in_dim3A_3 {strides = array<i32>} : memref<2x1000xf32, #tpu.memory_space<vmem>>, vector<16xf32>,
      %swap3A_960 = arith.constant 1 : i32
      %swap3A_961 = arith.index_cast %swap3A_960 : i32 to index
      %swap3A_962 = arith.constant 848 : index
      %swap3A_963 = tpu.vector_load %arg6[%swap3A_961, %swap3A_962] {strides = array<i32>} : memref<2x1000xf32, #tpu.memory_space<vmem>>, vector<16xf32>,
      tpu.vector_store %arg6[%swap3A_961, %swap3A_962], %broadcast_in_dim3A_3 {strides = array<i32>} : memref<2x1000xf32, #tpu.memory_space<vmem>>, vector<16xf32>,
      %swap3A_964 = arith.constant 1 : i32
      %swap3A_965 = arith.index_cast %swap3A_964 : i32 to index
      %swap3A_966 = arith.constant 864 : index
      %swap3A_967 = tpu.vector_load %arg5[%swap3A_965, %swap3A_966] {strides = array<i32>} : memref<2x1000xf32, #tpu.memory_space<vmem>>, vector<16xf32>,
      tpu.vector_store %arg5[%swap3A_965, %swap3A_966], %broadcast_in_dim3A_3 {strides = array<i32>} : memref<2x1000xf32, #tpu.memory_space<vmem>>, vector<16xf32>,
      %swap3A_968 = arith.constant 1 : i32
      %swap3A_969 = arith.index_cast %swap3A_968 : i32 to index
      %swap3A_970 = arith.constant 864 : index
      %swap3A_971 = tpu.vector_load %arg6[%swap3A_969, %swap3A_970] {strides = array<i32>} : memref<2x1000xf32, #tpu.memory_space<vmem>>, vector<16xf32>,
      tpu.vector_store %arg6[%swap3A_969, %swap3A_970], %broadcast_in_dim3A_3 {strides = array<i32>} : memref<2x1000xf32, #tpu.memory_space<vmem>>, vector<16xf32>,
      %swap3A_972 = arith.constant 1 : i32
      %swap3A_973 = arith.index_cast %swap3A_972 : i32 to index
      %swap3A_974 = arith.constant 880 : index
      %swap3A_975 = tpu.vector_load %arg5[%swap3A_973, %swap3A_974] {strides = array<i32>} : memref<2x1000xf32, #tpu.memory_space<vmem>>, vector<16xf32>,
      tpu.vector_store %arg5[%swap3A_973, %swap3A_974], %broadcast_in_dim3A_3 {strides = array<i32>} : memref<2x1000xf32, #tpu.memory_space<vmem>>, vector<16xf32>,
      %swap3A_976 = arith.constant 1 : i32
      %swap3A_977 = arith.index_cast %swap3A_976 : i32 to index
      %swap3A_978 = arith.constant 880 : index
      %swap3A_979 = tpu.vector_load %arg6[%swap3A_977, %swap3A_978] {strides = array<i32>} : memref<2x1000xf32, #tpu.memory_space<vmem>>, vector<16xf32>,
      tpu.vector_store %arg6[%swap3A_977, %swap3A_978], %broadcast_in_dim3A_3 {strides = array<i32>} : memref<2x1000xf32, #tpu.memory_space<vmem>>, vector<16xf32>,
      %swap3A_980 = arith.constant 1 : i32
      %swap3A_981 = arith.index_cast %swap3A_980 : i32 to index
      %swap3A_982 = arith.constant 896 : index
      %swap3A_983 = tpu.vector_load %arg5[%swap3A_981, %swap3A_982] {strides = array<i32>} : memref<2x1000xf32, #tpu.memory_space<vmem>>, vector<16xf32>,
      tpu.vector_store %arg5[%swap3A_981, %swap3A_982], %broadcast_in_dim3A_3 {strides = array<i32>} : memref<2x1000xf32, #tpu.memory_space<vmem>>, vector<16xf32>,
      %swap3A_984 = arith.constant 1 : i32
      %swap3A_985 = arith.index_cast %swap3A_984 : i32 to index
      %swap3A_986 = arith.constant 896 : index
      %swap3A_987 = tpu.vector_load %arg6[%swap3A_985, %swap3A_986] {strides = array<i32>} : memref<2x1000xf32, #tpu.memory_space<vmem>>, vector<16xf32>,
      tpu.vector_store %arg6[%swap3A_985, %swap3A_986], %broadcast_in_dim3A_3 {strides = array<i32>} : memref<2x1000xf32, #tpu.memory_space<vmem>>, vector<16xf32>,
      %swap3A_988 = arith.constant 1 : i32
      %swap3A_989 = arith.index_cast %swap3A_988 : i32 to index
      %swap3A_990 = arith.constant 912 : index
      %swap3A_991 = tpu.vector_load %arg5[%swap3A_989, %swap3A_990] {strides = array<i32>} : memref<2x1000xf32, #tpu.memory_space<vmem>>, vector<16xf32>,
      tpu.vector_store %arg5[%swap3A_989, %swap3A_990], %broadcast_in_dim3A_3 {strides = array<i32>} : memref<2x1000xf32, #tpu.memory_space<vmem>>, vector<16xf32>,
      %swap3A_992 = arith.constant 1 : i32
      %swap3A_993 = arith.index_cast %swap3A_992 : i32 to index
      %swap3A_994 = arith.constant 912 : index
      %swap3A_995 = tpu.vector_load %arg6[%swap3A_993, %swap3A_994] {strides = array<i32>} : memref<2x1000xf32, #tpu.memory_space<vmem>>, vector<16xf32>,
      tpu.vector_store %arg6[%swap3A_993, %swap3A_994], %broadcast_in_dim3A_3 {strides = array<i32>} : memref<2x1000xf32, #tpu.memory_space<vmem>>, vector<16xf32>,
      %swap3A_996 = arith.constant 1 : i32
      %swap3A_997 = arith.index_cast %swap3A_996 : i32 to index
      %swap3A_998 = arith.constant 928 : index
      %swap3A_999 = tpu.vector_load %arg5[%swap3A_997, %swap3A_998] {strides = array<i32>} : memref<2x1000xf32, #tpu.memory_space<vmem>>, vector<16xf32>,
      tpu.vector_store %arg5[%swap3A_997, %swap3A_998], %broadcast_in_dim3A_3 {strides = array<i32>} : memref<2x1000xf32, #tpu.memory_space<vmem>>, vector<16xf32>,
      %swap3A_1000 = arith.constant 1 : i32
      %swap3A_1001 = arith.index_cast %swap3A_1000 : i32 to index
      %swap3A_1002 = arith.constant 928 : index
      %swap3A_1003 = tpu.vector_load %arg6[%swap3A_1001, %swap3A_1002] {strides = array<i32>} : memref<2x1000xf32, #tpu.memory_space<vmem>>, vector<16xf32>,
      tpu.vector_store %arg6[%swap3A_1001, %swap3A_1002], %broadcast_in_dim3A_3 {strides = array<i32>} : memref<2x1000xf32, #tpu.memory_space<vmem>>, vector<16xf32>,
      %swap3A_1004 = arith.constant 1 : i32
      %swap3A_1005 = arith.index_cast %swap3A_1004 : i32 to index
      %swap3A_1006 = arith.constant 944 : index
      %swap3A_1007 = tpu.vector_load %arg5[%swap3A_1005, %swap3A_1006] {strides = array<i32>} : memref<2x1000xf32, #tpu.memory_space<vmem>>, vector<16xf32>,
      tpu.vector_store %arg5[%swap3A_1005, %swap3A_1006], %broadcast_in_dim3A_3 {strides = array<i32>} : memref<2x1000xf32, #tpu.memory_space<vmem>>, vector<16xf32>,
      %swap3A_1008 = arith.constant 1 : i32
      %swap3A_1009 = arith.index_cast %swap3A_1008 : i32 to index
      %swap3A_1010 = arith.constant 944 : index
      %swap3A_1011 = tpu.vector_load %arg6[%swap3A_1009, %swap3A_1010] {strides = array<i32>} : memref<2x1000xf32, #tpu.memory_space<vmem>>, vector<16xf32>,
      tpu.vector_store %arg6[%swap3A_1009, %swap3A_1010], %broadcast_in_dim3A_3 {strides = array<i32>} : memref<2x1000xf32, #tpu.memory_space<vmem>>, vector<16xf32>,
      %swap3A_1012 = arith.constant 1 : i32
      %swap3A_1013 = arith.index_cast %swap3A_1012 : i32 to index
      %swap3A_1014 = arith.constant 960 : index
      %swap3A_1015 = tpu.vector_load %arg5[%swap3A_1013, %swap3A_1014] {strides = array<i32>} : memref<2x1000xf32, #tpu.memory_space<vmem>>, vector<16xf32>,
      tpu.vector_store %arg5[%swap3A_1013, %swap3A_1014], %broadcast_in_dim3A_3 {strides = array<i32>} : memref<2x1000xf32, #tpu.memory_space<vmem>>, vector<16xf32>,
      %swap3A_1016 = arith.constant 1 : i32
      %swap3A_1017 = arith.index_cast %swap3A_1016 : i32 to index
      %swap3A_1018 = arith.constant 960 : index
      %swap3A_1019 = tpu.vector_load %arg6[%swap3A_1017, %swap3A_1018] {strides = array<i32>} : memref<2x1000xf32, #tpu.memory_space<vmem>>, vector<16xf32>,
      tpu.vector_store %arg6[%swap3A_1017, %swap3A_1018], %broadcast_in_dim3A_3 {strides = array<i32>} : memref<2x1000xf32, #tpu.memory_space<vmem>>, vector<16xf32>,
      %swap3A_1020 = arith.constant 1 : i32
      %swap3A_1021 = arith.index_cast %swap3A_1020 : i32 to index
      %swap3A_1022 = arith.constant 976 : index
      %swap3A_1023 = tpu.vector_load %arg5[%swap3A_1021, %swap3A_1022] {strides = array<i32>} : memref<2x1000xf32, #tpu.memory_space<vmem>>, vector<16xf32>,
      tpu.vector_store %arg5[%swap3A_1021, %swap3A_1022], %broadcast_in_dim3A_3 {strides = array<i32>} : memref<2x1000xf32, #tpu.memory_space<vmem>>, vector<16xf32>,
      %swap3A_1024 = arith.constant 1 : i32
      %swap3A_1025 = arith.index_cast %swap3A_1024 : i32 to index
      %swap3A_1026 = arith.constant 976 : index
      %swap3A_1027 = tpu.vector_load %arg6[%swap3A_1025, %swap3A_1026] {strides = array<i32>} : memref<2x1000xf32, #tpu.memory_space<vmem>>, vector<16xf32>,
      tpu.vector_store %arg6[%swap3A_1025, %swap3A_1026], %broadcast_in_dim3A_3 {strides = array<i32>} : memref<2x1000xf32, #tpu.memory_space<vmem>>, vector<16xf32>,
      %swap3A_1028 = arith.constant 1 : i32
      %swap3A_1029 = arith.index_cast %swap3A_1028 : i32 to index
      %swap3A_1030 = arith.constant 984 : index
      %swap3A_1031 = tpu.vector_load %arg5[%swap3A_1029, %swap3A_1030] {strides = array<i32>} : memref<2x1000xf32, #tpu.memory_space<vmem>>, vector<16xf32>,
      tpu.vector_store %arg5[%swap3A_1029, %swap3A_1030], %broadcast_in_dim3A_3 {strides = array<i32>} : memref<2x1000xf32, #tpu.memory_space<vmem>>, vector<16xf32>,
      %swap3A_1032 = arith.constant 1 : i32
      %swap3A_1033 = arith.index_cast %swap3A_1032 : i32 to index
      %swap3A_1034 = arith.constant 984 : index
      %swap3A_1035 = tpu.vector_load %arg6[%swap3A_1033, %swap3A_1034] {strides = array<i32>} : memref<2x1000xf32, #tpu.memory_space<vmem>>, vector<16xf32>,
      tpu.vector_store %arg6[%swap3A_1033, %swap3A_1034], %broadcast_in_dim3A_3 {strides = array<i32>} : memref<2x1000xf32, #tpu.memory_space<vmem>>, vector<16xf32>,
      %mul3A_1036 = arith.constant 2 : i32
      %mul3A_1037 = arith.muli %scan3A_25, %mul3A_1036 : i32
      %add3A_1038 = arith.constant 0 : i32
      %add3A_1039 = arith.addi %mul3A_1037, %add3A_1038 : i32
      %mul3A_1040 = arith.constant 2 : i32
      %mul3A_1041 = arith.muli %add3A_1039, %mul3A_1040 : i32
      %add3A_1042 = arith.constant 0 : i32
      %add3A_1043 = arith.addi %mul3A_1041, %add3A_1042 : i32
      %get3A = arith.index_cast %add3A_1043 : i32 to index
      %get3A_1044 = arith.constant 0 : index
      %get3A_1045 = tpu.vector_load %arg4[%get3A, %get3A_1044] {strides = array<i32>} : memref<64x200xi32, #tpu.memory_space<vmem>>, vector<16xi32>,
      %get3A_1046 = arith.index_cast %add3A_1043 : i32 to index
      %get3A_1047 = arith.constant 16 : index
      %get3A_1048 = tpu.vector_load %arg4[%get3A_1046, %get3A_1047] {strides = array<i32>} : memref<64x200xi32, #tpu.memory_space<vmem>>, vector<16xi32>,
      %get3A_1049 = arith.index_cast %add3A_1043 : i32 to index
      %get3A_1050 = arith.constant 32 : index
      %get3A_1051 = tpu.vector_load %arg4[%get3A_1049, %get3A_1050] {strides = array<i32>} : memref<64x200xi32, #tpu.memory_space<vmem>>, vector<16xi32>,
      %get3A_1052 = arith.index_cast %add3A_1043 : i32 to index
      %get3A_1053 = arith.constant 48 : index
      %get3A_1054 = tpu.vector_load %arg4[%get3A_1052, %get3A_1053] {strides = array<i32>} : memref<64x200xi32, #tpu.memory_space<vmem>>, vector<16xi32>,
      %get3A_1055 = arith.index_cast %add3A_1043 : i32 to index
      %get3A_1056 = arith.constant 64 : index
      %get3A_1057 = tpu.vector_load %arg4[%get3A_1055, %get3A_1056] {strides = array<i32>} : memref<64x200xi32, #tpu.memory_space<vmem>>, vector<16xi32>,
      %get3A_1058 = arith.index_cast %add3A_1043 : i32 to index
      %get3A_1059 = arith.constant 80 : index
      %get3A_1060 = tpu.vector_load %arg4[%get3A_1058, %get3A_1059] {strides = array<i32>} : memref<64x200xi32, #tpu.memory_space<vmem>>, vector<16xi32>,
      %get3A_1061 = arith.index_cast %add3A_1043 : i32 to index
      %get3A_1062 = arith.constant 96 : index
      %get3A_1063 = tpu.vector_load %arg4[%get3A_1061, %get3A_1062] {strides = array<i32>} : memref<64x200xi32, #tpu.memory_space<vmem>>, vector<16xi32>,
      %get3A_1064 = arith.index_cast %add3A_1043 : i32 to index
      %get3A_1065 = arith.constant 112 : index
      %get3A_1066 = tpu.vector_load %arg4[%get3A_1064, %get3A_1065] {strides = array<i32>} : memref<64x200xi32, #tpu.memory_space<vmem>>, vector<16xi32>,
      %get3A_1067 = arith.index_cast %add3A_1043 : i32 to index
      %get3A_1068 = arith.constant 128 : index
      %get3A_1069 = tpu.vector_load %arg4[%get3A_1067, %get3A_1068] {strides = array<i32>} : memref<64x200xi32, #tpu.memory_space<vmem>>, vector<16xi32>,
      %get3A_1070 = arith.index_cast %add3A_1043 : i32 to index
      %get3A_1071 = arith.constant 144 : index
      %get3A_1072 = tpu.vector_load %arg4[%get3A_1070, %get3A_1071] {strides = array<i32>} : memref<64x200xi32, #tpu.memory_space<vmem>>, vector<16xi32>,
      %get3A_1073 = arith.index_cast %add3A_1043 : i32 to index
      %get3A_1074 = arith.constant 160 : index
      %get3A_1075 = tpu.vector_load %arg4[%get3A_1073, %get3A_1074] {strides = array<i32>} : memref<64x200xi32, #tpu.memory_space<vmem>>, vector<16xi32>,
      %get3A_1076 = arith.index_cast %add3A_1043 : i32 to index
      %get3A_1077 = arith.constant 176 : index
      %get3A_1078 = tpu.vector_load %arg4[%get3A_1076, %get3A_1077] {strides = array<i32>} : memref<64x200xi32, #tpu.memory_space<vmem>>, vector<16xi32>,
      %get3A_1079 = arith.index_cast %add3A_1043 : i32 to index
      %get3A_1080 = arith.constant 184 : index
      %get3A_1081 = tpu.vector_load %arg4[%get3A_1079, %get3A_1080] {strides = array<i32>} : memref<64x200xi32, #tpu.memory_space<vmem>>, vector<16xi32>,
      %mul3A_1082 = arith.constant 2 : i32
      %mul3A_1083 = arith.muli %scan3A_25, %mul3A_1082 : i32
      %add3A_1084 = arith.constant 1 : i32
      %add3A_1085 = arith.addi %mul3A_1083, %add3A_1084 : i32
      %mul3A_1086 = arith.constant 2 : i32
      %mul3A_1087 = arith.muli %add3A_1085, %mul3A_1086 : i32
      %add3A_1088 = arith.constant 0 : i32
      %add3A_1089 = arith.addi %mul3A_1087, %add3A_1088 : i32
      %get3A_1090 = arith.index_cast %add3A_1089 : i32 to index
      %get3A_1091 = arith.constant 0 : index
      %get3A_1092 = tpu.vector_load %arg4[%get3A_1090, %get3A_1091] {strides = array<i32>} : memref<64x200xi32, #tpu.memory_space<vmem>>, vector<16xi32>,
      %get3A_1093 = arith.index_cast %add3A_1089 : i32 to index
      %get3A_1094 = arith.constant 16 : index
      %get3A_1095 = tpu.vector_load %arg4[%get3A_1093, %get3A_1094] {strides = array<i32>} : memref<64x200xi32, #tpu.memory_space<vmem>>, vector<16xi32>,
      %get3A_1096 = arith.index_cast %add3A_1089 : i32 to index
      %get3A_1097 = arith.constant 32 : index
      %get3A_1098 = tpu.vector_load %arg4[%get3A_1096, %get3A_1097] {strides = array<i32>} : memref<64x200xi32, #tpu.memory_space<vmem>>, vector<16xi32>,
      %get3A_1099 = arith.index_cast %add3A_1089 : i32 to index
      %get3A_1100 = arith.constant 48 : index
      %get3A_1101 = tpu.vector_load %arg4[%get3A_1099, %get3A_1100] {strides = array<i32>} : memref<64x200xi32, #tpu.memory_space<vmem>>, vector<16xi32>,
      %get3A_1102 = arith.index_cast %add3A_1089 : i32 to index
      %get3A_1103 = arith.constant 64 : index
      %get3A_1104 = tpu.vector_load %arg4[%get3A_1102, %get3A_1103] {strides = array<i32>} : memref<64x200xi32, #tpu.memory_space<vmem>>, vector<16xi32>,
      %get3A_1105 = arith.index_cast %add3A_1089 : i32 to index
      %get3A_1106 = arith.constant 80 : index
      %get3A_1107 = tpu.vector_load %arg4[%get3A_1105, %get3A_1106] {strides = array<i32>} : memref<64x200xi32, #tpu.memory_space<vmem>>, vector<16xi32>,
      %get3A_1108 = arith.index_cast %add3A_1089 : i32 to index
      %get3A_1109 = arith.constant 96 : index
      %get3A_1110 = tpu.vector_load %arg4[%get3A_1108, %get3A_1109] {strides = array<i32>} : memref<64x200xi32, #tpu.memory_space<vmem>>, vector<16xi32>,
      %get3A_1111 = arith.index_cast %add3A_1089 : i32 to index
      %get3A_1112 = arith.constant 112 : index
      %get3A_1113 = tpu.vector_load %arg4[%get3A_1111, %get3A_1112] {strides = array<i32>} : memref<64x200xi32, #tpu.memory_space<vmem>>, vector<16xi32>,
      %get3A_1114 = arith.index_cast %add3A_1089 : i32 to index
      %get3A_1115 = arith.constant 128 : index
      %get3A_1116 = tpu.vector_load %arg4[%get3A_1114, %get3A_1115] {strides = array<i32>} : memref<64x200xi32, #tpu.memory_space<vmem>>, vector<16xi32>,
      %get3A_1117 = arith.index_cast %add3A_1089 : i32 to index
      %get3A_1118 = arith.constant 144 : index
      %get3A_1119 = tpu.vector_load %arg4[%get3A_1117, %get3A_1118] {strides = array<i32>} : memref<64x200xi32, #tpu.memory_space<vmem>>, vector<16xi32>,
      %get3A_1120 = arith.index_cast %add3A_1089 : i32 to index
      %get3A_1121 = arith.constant 160 : index
      %get3A_1122 = tpu.vector_load %arg4[%get3A_1120, %get3A_1121] {strides = array<i32>} : memref<64x200xi32, #tpu.memory_space<vmem>>, vector<16xi32>,
      %get3A_1123 = arith.index_cast %add3A_1089 : i32 to index
      %get3A_1124 = arith.constant 176 : index
      %get3A_1125 = tpu.vector_load %arg4[%get3A_1123, %get3A_1124] {strides = array<i32>} : memref<64x200xi32, #tpu.memory_space<vmem>>, vector<16xi32>,
      %get3A_1126 = arith.index_cast %add3A_1089 : i32 to index
      %get3A_1127 = arith.constant 184 : index
      %get3A_1128 = tpu.vector_load %arg4[%get3A_1126, %get3A_1127] {strides = array<i32>} : memref<64x200xi32, #tpu.memory_space<vmem>>, vector<16xi32>,
      %broadcast_in_dim3A_1129 = arith.constant 0 : i32
      %broadcast_in_dim3A_1130 = vector.broadcast %broadcast_in_dim3A_1129 : i32 to vector<16xi32>
      tpu.vector_store_idx %arg5[%broadcast_in_dim3A_1130, %get3A_1045], %broadcast_in_dim3A_5 {add = true} : memref<2x1000xf32, #tpu.memory_space<vmem>>[vector<16xi32>, vector<16xi32>], vector<16xf32>,
      tpu.vector_store_idx %arg5[%broadcast_in_dim3A_1130, %get3A_1048], %broadcast_in_dim3A_5 {add = true} : memref<2x1000xf32, #tpu.memory_space<vmem>>[vector<16xi32>, vector<16xi32>], vector<16xf32>,
      tpu.vector_store_idx %arg5[%broadcast_in_dim3A_1130, %get3A_1051], %broadcast_in_dim3A_5 {add = true} : memref<2x1000xf32, #tpu.memory_space<vmem>>[vector<16xi32>, vector<16xi32>], vector<16xf32>,
      tpu.vector_store_idx %arg5[%broadcast_in_dim3A_1130, %get3A_1054], %broadcast_in_dim3A_5 {add = true} : memref<2x1000xf32, #tpu.memory_space<vmem>>[vector<16xi32>, vector<16xi32>], vector<16xf32>,
      tpu.vector_store_idx %arg5[%broadcast_in_dim3A_1130, %get3A_1057], %broadcast_in_dim3A_5 {add = true} : memref<2x1000xf32, #tpu.memory_space<vmem>>[vector<16xi32>, vector<16xi32>], vector<16xf32>,
      tpu.vector_store_idx %arg5[%broadcast_in_dim3A_1130, %get3A_1060], %broadcast_in_dim3A_5 {add = true} : memref<2x1000xf32, #tpu.memory_space<vmem>>[vector<16xi32>, vector<16xi32>], vector<16xf32>,
      tpu.vector_store_idx %arg5[%broadcast_in_dim3A_1130, %get3A_1063], %broadcast_in_dim3A_5 {add = true} : memref<2x1000xf32, #tpu.memory_space<vmem>>[vector<16xi32>, vector<16xi32>], vector<16xf32>,
      tpu.vector_store_idx %arg5[%broadcast_in_dim3A_1130, %get3A_1066], %broadcast_in_dim3A_5 {add = true} : memref<2x1000xf32, #tpu.memory_space<vmem>>[vector<16xi32>, vector<16xi32>], vector<16xf32>,
      tpu.vector_store_idx %arg5[%broadcast_in_dim3A_1130, %get3A_1069], %broadcast_in_dim3A_5 {add = true} : memref<2x1000xf32, #tpu.memory_space<vmem>>[vector<16xi32>, vector<16xi32>], vector<16xf32>,
      tpu.vector_store_idx %arg5[%broadcast_in_dim3A_1130, %get3A_1072], %broadcast_in_dim3A_5 {add = true} : memref<2x1000xf32, #tpu.memory_space<vmem>>[vector<16xi32>, vector<16xi32>], vector<16xf32>,
      tpu.vector_store_idx %arg5[%broadcast_in_dim3A_1130, %get3A_1075], %broadcast_in_dim3A_5 {add = true} : memref<2x1000xf32, #tpu.memory_space<vmem>>[vector<16xi32>, vector<16xi32>], vector<16xf32>,
      tpu.vector_store_idx %arg5[%broadcast_in_dim3A_1130, %get3A_1078], %broadcast_in_dim3A_5 {add = true} : memref<2x1000xf32, #tpu.memory_space<vmem>>[vector<16xi32>, vector<16xi32>], vector<16xf32>,
      tpu.vector_store_idx %arg5[%broadcast_in_dim3A_1130, %get3A_1081], %broadcast_in_dim3A_5 masked %ge3A_7 {add = true} : memref<2x1000xf32, #tpu.memory_space<vmem>>[vector<16xi32>, vector<16xi32>], vector<16xf32>, vector<16xi1>
      tpu.vector_store_idx %arg6[%broadcast_in_dim3A_1130, %get3A_1092], %broadcast_in_dim3A_5 {add = true} : memref<2x1000xf32, #tpu.memory_space<vmem>>[vector<16xi32>, vector<16xi32>], vector<16xf32>,
      tpu.vector_store_idx %arg6[%broadcast_in_dim3A_1130, %get3A_1095], %broadcast_in_dim3A_5 {add = true} : memref<2x1000xf32, #tpu.memory_space<vmem>>[vector<16xi32>, vector<16xi32>], vector<16xf32>,
      tpu.vector_store_idx %arg6[%broadcast_in_dim3A_1130, %get3A_1098], %broadcast_in_dim3A_5 {add = true} : memref<2x1000xf32, #tpu.memory_space<vmem>>[vector<16xi32>, vector<16xi32>], vector<16xf32>,
      tpu.vector_store_idx %arg6[%broadcast_in_dim3A_1130, %get3A_1101], %broadcast_in_dim3A_5 {add = true} : memref<2x1000xf32, #tpu.memory_space<vmem>>[vector<16xi32>, vector<16xi32>], vector<16xf32>,
      tpu.vector_store_idx %arg6[%broadcast_in_dim3A_1130, %get3A_1104], %broadcast_in_dim3A_5 {add = true} : memref<2x1000xf32, #tpu.memory_space<vmem>>[vector<16xi32>, vector<16xi32>], vector<16xf32>,
      tpu.vector_store_idx %arg6[%broadcast_in_dim3A_1130, %get3A_1107], %broadcast_in_dim3A_5 {add = true} : memref<2x1000xf32, #tpu.memory_space<vmem>>[vector<16xi32>, vector<16xi32>], vector<16xf32>,
      tpu.vector_store_idx %arg6[%broadcast_in_dim3A_1130, %get3A_1110], %broadcast_in_dim3A_5 {add = true} : memref<2x1000xf32, #tpu.memory_space<vmem>>[vector<16xi32>, vector<16xi32>], vector<16xf32>,
      tpu.vector_store_idx %arg6[%broadcast_in_dim3A_1130, %get3A_1113], %broadcast_in_dim3A_5 {add = true} : memref<2x1000xf32, #tpu.memory_space<vmem>>[vector<16xi32>, vector<16xi32>], vector<16xf32>,
      tpu.vector_store_idx %arg6[%broadcast_in_dim3A_1130, %get3A_1116], %broadcast_in_dim3A_5 {add = true} : memref<2x1000xf32, #tpu.memory_space<vmem>>[vector<16xi32>, vector<16xi32>], vector<16xf32>,
      tpu.vector_store_idx %arg6[%broadcast_in_dim3A_1130, %get3A_1119], %broadcast_in_dim3A_5 {add = true} : memref<2x1000xf32, #tpu.memory_space<vmem>>[vector<16xi32>, vector<16xi32>], vector<16xf32>,
      tpu.vector_store_idx %arg6[%broadcast_in_dim3A_1130, %get3A_1122], %broadcast_in_dim3A_5 {add = true} : memref<2x1000xf32, #tpu.memory_space<vmem>>[vector<16xi32>, vector<16xi32>], vector<16xf32>,
      tpu.vector_store_idx %arg6[%broadcast_in_dim3A_1130, %get3A_1125], %broadcast_in_dim3A_5 {add = true} : memref<2x1000xf32, #tpu.memory_space<vmem>>[vector<16xi32>, vector<16xi32>], vector<16xf32>,
      tpu.vector_store_idx %arg6[%broadcast_in_dim3A_1130, %get3A_1128], %broadcast_in_dim3A_5 masked %ge3A_7 {add = true} : memref<2x1000xf32, #tpu.memory_space<vmem>>[vector<16xi32>, vector<16xi32>], vector<16xf32>, vector<16xi1>
      %mul3A_1131 = arith.constant 2 : i32
      %mul3A_1132 = arith.muli %scan3A_25, %mul3A_1131 : i32
      %add3A_1133 = arith.constant 0 : i32
      %add3A_1134 = arith.addi %mul3A_1132, %add3A_1133 : i32
      %mul3A_1135 = arith.constant 2 : i32
      %mul3A_1136 = arith.muli %add3A_1134, %mul3A_1135 : i32
      %add3A_1137 = arith.constant 1 : i32
      %add3A_1138 = arith.addi %mul3A_1136, %add3A_1137 : i32
      %get3A_1139 = arith.index_cast %add3A_1138 : i32 to index
      %get3A_1140 = arith.constant 0 : index
      %get3A_1141 = tpu.vector_load %arg4[%get3A_1139, %get3A_1140] {strides = array<i32>} : memref<64x200xi32, #tpu.memory_space<vmem>>, vector<16xi32>,
      %get3A_1142 = arith.index_cast %add3A_1138 : i32 to index
      %get3A_1143 = arith.constant 16 : index
      %get3A_1144 = tpu.vector_load %arg4[%get3A_1142, %get3A_1143] {strides = array<i32>} : memref<64x200xi32, #tpu.memory_space<vmem>>, vector<16xi32>,
      %get3A_1145 = arith.index_cast %add3A_1138 : i32 to index
      %get3A_1146 = arith.constant 32 : index
      %get3A_1147 = tpu.vector_load %arg4[%get3A_1145, %get3A_1146] {strides = array<i32>} : memref<64x200xi32, #tpu.memory_space<vmem>>, vector<16xi32>,
      %get3A_1148 = arith.index_cast %add3A_1138 : i32 to index
      %get3A_1149 = arith.constant 48 : index
      %get3A_1150 = tpu.vector_load %arg4[%get3A_1148, %get3A_1149] {strides = array<i32>} : memref<64x200xi32, #tpu.memory_space<vmem>>, vector<16xi32>,
      %get3A_1151 = arith.index_cast %add3A_1138 : i32 to index
      %get3A_1152 = arith.constant 64 : index
      %get3A_1153 = tpu.vector_load %arg4[%get3A_1151, %get3A_1152] {strides = array<i32>} : memref<64x200xi32, #tpu.memory_space<vmem>>, vector<16xi32>,
      %get3A_1154 = arith.index_cast %add3A_1138 : i32 to index
      %get3A_1155 = arith.constant 80 : index
      %get3A_1156 = tpu.vector_load %arg4[%get3A_1154, %get3A_1155] {strides = array<i32>} : memref<64x200xi32, #tpu.memory_space<vmem>>, vector<16xi32>,
      %get3A_1157 = arith.index_cast %add3A_1138 : i32 to index
      %get3A_1158 = arith.constant 96 : index
      %get3A_1159 = tpu.vector_load %arg4[%get3A_1157, %get3A_1158] {strides = array<i32>} : memref<64x200xi32, #tpu.memory_space<vmem>>, vector<16xi32>,
      %get3A_1160 = arith.index_cast %add3A_1138 : i32 to index
      %get3A_1161 = arith.constant 112 : index
      %get3A_1162 = tpu.vector_load %arg4[%get3A_1160, %get3A_1161] {strides = array<i32>} : memref<64x200xi32, #tpu.memory_space<vmem>>, vector<16xi32>,
      %get3A_1163 = arith.index_cast %add3A_1138 : i32 to index
      %get3A_1164 = arith.constant 128 : index
      %get3A_1165 = tpu.vector_load %arg4[%get3A_1163, %get3A_1164] {strides = array<i32>} : memref<64x200xi32, #tpu.memory_space<vmem>>, vector<16xi32>,
      %get3A_1166 = arith.index_cast %add3A_1138 : i32 to index
      %get3A_1167 = arith.constant 144 : index
      %get3A_1168 = tpu.vector_load %arg4[%get3A_1166, %get3A_1167] {strides = array<i32>} : memref<64x200xi32, #tpu.memory_space<vmem>>, vector<16xi32>,
      %get3A_1169 = arith.index_cast %add3A_1138 : i32 to index
      %get3A_1170 = arith.constant 160 : index
      %get3A_1171 = tpu.vector_load %arg4[%get3A_1169, %get3A_1170] {strides = array<i32>} : memref<64x200xi32, #tpu.memory_space<vmem>>, vector<16xi32>,
      %get3A_1172 = arith.index_cast %add3A_1138 : i32 to index
      %get3A_1173 = arith.constant 176 : index
      %get3A_1174 = tpu.vector_load %arg4[%get3A_1172, %get3A_1173] {strides = array<i32>} : memref<64x200xi32, #tpu.memory_space<vmem>>, vector<16xi32>,
      %get3A_1175 = arith.index_cast %add3A_1138 : i32 to index
      %get3A_1176 = arith.constant 184 : index
      %get3A_1177 = tpu.vector_load %arg4[%get3A_1175, %get3A_1176] {strides = array<i32>} : memref<64x200xi32, #tpu.memory_space<vmem>>, vector<16xi32>,
      %mul3A_1178 = arith.constant 2 : i32
      %mul3A_1179 = arith.muli %scan3A_25, %mul3A_1178 : i32
      %add3A_1180 = arith.constant 1 : i32
      %add3A_1181 = arith.addi %mul3A_1179, %add3A_1180 : i32
      %mul3A_1182 = arith.constant 2 : i32
      %mul3A_1183 = arith.muli %add3A_1181, %mul3A_1182 : i32
      %add3A_1184 = arith.constant 1 : i32
      %add3A_1185 = arith.addi %mul3A_1183, %add3A_1184 : i32
      %get3A_1186 = arith.index_cast %add3A_1185 : i32 to index
      %get3A_1187 = arith.constant 0 : index
      %get3A_1188 = tpu.vector_load %arg4[%get3A_1186, %get3A_1187] {strides = array<i32>} : memref<64x200xi32, #tpu.memory_space<vmem>>, vector<16xi32>,
      %get3A_1189 = arith.index_cast %add3A_1185 : i32 to index
      %get3A_1190 = arith.constant 16 : index
      %get3A_1191 = tpu.vector_load %arg4[%get3A_1189, %get3A_1190] {strides = array<i32>} : memref<64x200xi32, #tpu.memory_space<vmem>>, vector<16xi32>,
      %get3A_1192 = arith.index_cast %add3A_1185 : i32 to index
      %get3A_1193 = arith.constant 32 : index
      %get3A_1194 = tpu.vector_load %arg4[%get3A_1192, %get3A_1193] {strides = array<i32>} : memref<64x200xi32, #tpu.memory_space<vmem>>, vector<16xi32>,
      %get3A_1195 = arith.index_cast %add3A_1185 : i32 to index
      %get3A_1196 = arith.constant 48 : index
      %get3A_1197 = tpu.vector_load %arg4[%get3A_1195, %get3A_1196] {strides = array<i32>} : memref<64x200xi32, #tpu.memory_space<vmem>>, vector<16xi32>,
      %get3A_1198 = arith.index_cast %add3A_1185 : i32 to index
      %get3A_1199 = arith.constant 64 : index
      %get3A_1200 = tpu.vector_load %arg4[%get3A_1198, %get3A_1199] {strides = array<i32>} : memref<64x200xi32, #tpu.memory_space<vmem>>, vector<16xi32>,
      %get3A_1201 = arith.index_cast %add3A_1185 : i32 to index
      %get3A_1202 = arith.constant 80 : index
      %get3A_1203 = tpu.vector_load %arg4[%get3A_1201, %get3A_1202] {strides = array<i32>} : memref<64x200xi32, #tpu.memory_space<vmem>>, vector<16xi32>,
      %get3A_1204 = arith.index_cast %add3A_1185 : i32 to index
      %get3A_1205 = arith.constant 96 : index
      %get3A_1206 = tpu.vector_load %arg4[%get3A_1204, %get3A_1205] {strides = array<i32>} : memref<64x200xi32, #tpu.memory_space<vmem>>, vector<16xi32>,
      %get3A_1207 = arith.index_cast %add3A_1185 : i32 to index
      %get3A_1208 = arith.constant 112 : index
      %get3A_1209 = tpu.vector_load %arg4[%get3A_1207, %get3A_1208] {strides = array<i32>} : memref<64x200xi32, #tpu.memory_space<vmem>>, vector<16xi32>,
      %get3A_1210 = arith.index_cast %add3A_1185 : i32 to index
      %get3A_1211 = arith.constant 128 : index
      %get3A_1212 = tpu.vector_load %arg4[%get3A_1210, %get3A_1211] {strides = array<i32>} : memref<64x200xi32, #tpu.memory_space<vmem>>, vector<16xi32>,
      %get3A_1213 = arith.index_cast %add3A_1185 : i32 to index
      %get3A_1214 = arith.constant 144 : index
      %get3A_1215 = tpu.vector_load %arg4[%get3A_1213, %get3A_1214] {strides = array<i32>} : memref<64x200xi32, #tpu.memory_space<vmem>>, vector<16xi32>,
      %get3A_1216 = arith.index_cast %add3A_1185 : i32 to index
      %get3A_1217 = arith.constant 160 : index
      %get3A_1218 = tpu.vector_load %arg4[%get3A_1216, %get3A_1217] {strides = array<i32>} : memref<64x200xi32, #tpu.memory_space<vmem>>, vector<16xi32>,
      %get3A_1219 = arith.index_cast %add3A_1185 : i32 to index
      %get3A_1220 = arith.constant 176 : index
      %get3A_1221 = tpu.vector_load %arg4[%get3A_1219, %get3A_1220] {strides = array<i32>} : memref<64x200xi32, #tpu.memory_space<vmem>>, vector<16xi32>,
      %get3A_1222 = arith.index_cast %add3A_1185 : i32 to index
      %get3A_1223 = arith.constant 184 : index
      %get3A_1224 = tpu.vector_load %arg4[%get3A_1222, %get3A_1223] {strides = array<i32>} : memref<64x200xi32, #tpu.memory_space<vmem>>, vector<16xi32>,
      %broadcast_in_dim3A_1225 = arith.constant 1 : i32
      %broadcast_in_dim3A_1226 = vector.broadcast %broadcast_in_dim3A_1225 : i32 to vector<16xi32>
      tpu.vector_store_idx %arg5[%broadcast_in_dim3A_1226, %get3A_1141], %broadcast_in_dim3A_5 {add = true} : memref<2x1000xf32, #tpu.memory_space<vmem>>[vector<16xi32>, vector<16xi32>], vector<16xf32>,
      tpu.vector_store_idx %arg5[%broadcast_in_dim3A_1226, %get3A_1144], %broadcast_in_dim3A_5 {add = true} : memref<2x1000xf32, #tpu.memory_space<vmem>>[vector<16xi32>, vector<16xi32>], vector<16xf32>,
      tpu.vector_store_idx %arg5[%broadcast_in_dim3A_1226, %get3A_1147], %broadcast_in_dim3A_5 {add = true} : memref<2x1000xf32, #tpu.memory_space<vmem>>[vector<16xi32>, vector<16xi32>], vector<16xf32>,
      tpu.vector_store_idx %arg5[%broadcast_in_dim3A_1226, %get3A_1150], %broadcast_in_dim3A_5 {add = true} : memref<2x1000xf32, #tpu.memory_space<vmem>>[vector<16xi32>, vector<16xi32>], vector<16xf32>,
      tpu.vector_store_idx %arg5[%broadcast_in_dim3A_1226, %get3A_1153], %broadcast_in_dim3A_5 {add = true} : memref<2x1000xf32, #tpu.memory_space<vmem>>[vector<16xi32>, vector<16xi32>], vector<16xf32>,
      tpu.vector_store_idx %arg5[%broadcast_in_dim3A_1226, %get3A_1156], %broadcast_in_dim3A_5 {add = true} : memref<2x1000xf32, #tpu.memory_space<vmem>>[vector<16xi32>, vector<16xi32>], vector<16xf32>,
      tpu.vector_store_idx %arg5[%broadcast_in_dim3A_1226, %get3A_1159], %broadcast_in_dim3A_5 {add = true} : memref<2x1000xf32, #tpu.memory_space<vmem>>[vector<16xi32>, vector<16xi32>], vector<16xf32>,
      tpu.vector_store_idx %arg5[%broadcast_in_dim3A_1226, %get3A_1162], %broadcast_in_dim3A_5 {add = true} : memref<2x1000xf32, #tpu.memory_space<vmem>>[vector<16xi32>, vector<16xi32>], vector<16xf32>,
      tpu.vector_store_idx %arg5[%broadcast_in_dim3A_1226, %get3A_1165], %broadcast_in_dim3A_5 {add = true} : memref<2x1000xf32, #tpu.memory_space<vmem>>[vector<16xi32>, vector<16xi32>], vector<16xf32>,
      tpu.vector_store_idx %arg5[%broadcast_in_dim3A_1226, %get3A_1168], %broadcast_in_dim3A_5 {add = true} : memref<2x1000xf32, #tpu.memory_space<vmem>>[vector<16xi32>, vector<16xi32>], vector<16xf32>,
      tpu.vector_store_idx %arg5[%broadcast_in_dim3A_1226, %get3A_1171], %broadcast_in_dim3A_5 {add = true} : memref<2x1000xf32, #tpu.memory_space<vmem>>[vector<16xi32>, vector<16xi32>], vector<16xf32>,
      tpu.vector_store_idx %arg5[%broadcast_in_dim3A_1226, %get3A_1174], %broadcast_in_dim3A_5 {add = true} : memref<2x1000xf32, #tpu.memory_space<vmem>>[vector<16xi32>, vector<16xi32>], vector<16xf32>,
      tpu.vector_store_idx %arg5[%broadcast_in_dim3A_1226, %get3A_1177], %broadcast_in_dim3A_5 masked %ge3A_7 {add = true} : memref<2x1000xf32, #tpu.memory_space<vmem>>[vector<16xi32>, vector<16xi32>], vector<16xf32>, vector<16xi1>
      tpu.vector_store_idx %arg6[%broadcast_in_dim3A_1226, %get3A_1188], %broadcast_in_dim3A_5 {add = true} : memref<2x1000xf32, #tpu.memory_space<vmem>>[vector<16xi32>, vector<16xi32>], vector<16xf32>,
      tpu.vector_store_idx %arg6[%broadcast_in_dim3A_1226, %get3A_1191], %broadcast_in_dim3A_5 {add = true} : memref<2x1000xf32, #tpu.memory_space<vmem>>[vector<16xi32>, vector<16xi32>], vector<16xf32>,
      tpu.vector_store_idx %arg6[%broadcast_in_dim3A_1226, %get3A_1194], %broadcast_in_dim3A_5 {add = true} : memref<2x1000xf32, #tpu.memory_space<vmem>>[vector<16xi32>, vector<16xi32>], vector<16xf32>,
      tpu.vector_store_idx %arg6[%broadcast_in_dim3A_1226, %get3A_1197], %broadcast_in_dim3A_5 {add = true} : memref<2x1000xf32, #tpu.memory_space<vmem>>[vector<16xi32>, vector<16xi32>], vector<16xf32>,
      tpu.vector_store_idx %arg6[%broadcast_in_dim3A_1226, %get3A_1200], %broadcast_in_dim3A_5 {add = true} : memref<2x1000xf32, #tpu.memory_space<vmem>>[vector<16xi32>, vector<16xi32>], vector<16xf32>,
      tpu.vector_store_idx %arg6[%broadcast_in_dim3A_1226, %get3A_1203], %broadcast_in_dim3A_5 {add = true} : memref<2x1000xf32, #tpu.memory_space<vmem>>[vector<16xi32>, vector<16xi32>], vector<16xf32>,
      tpu.vector_store_idx %arg6[%broadcast_in_dim3A_1226, %get3A_1206], %broadcast_in_dim3A_5 {add = true} : memref<2x1000xf32, #tpu.memory_space<vmem>>[vector<16xi32>, vector<16xi32>], vector<16xf32>,
      tpu.vector_store_idx %arg6[%broadcast_in_dim3A_1226, %get3A_1209], %broadcast_in_dim3A_5 {add = true} : memref<2x1000xf32, #tpu.memory_space<vmem>>[vector<16xi32>, vector<16xi32>], vector<16xf32>,
      tpu.vector_store_idx %arg6[%broadcast_in_dim3A_1226, %get3A_1212], %broadcast_in_dim3A_5 {add = true} : memref<2x1000xf32, #tpu.memory_space<vmem>>[vector<16xi32>, vector<16xi32>], vector<16xf32>,
      tpu.vector_store_idx %arg6[%broadcast_in_dim3A_1226, %get3A_1215], %broadcast_in_dim3A_5 {add = true} : memref<2x1000xf32, #tpu.memory_space<vmem>>[vector<16xi32>, vector<16xi32>], vector<16xf32>,
      tpu.vector_store_idx %arg6[%broadcast_in_dim3A_1226, %get3A_1218], %broadcast_in_dim3A_5 {add = true} : memref<2x1000xf32, #tpu.memory_space<vmem>>[vector<16xi32>, vector<16xi32>], vector<16xf32>,
      tpu.vector_store_idx %arg6[%broadcast_in_dim3A_1226, %get3A_1221], %broadcast_in_dim3A_5 {add = true} : memref<2x1000xf32, #tpu.memory_space<vmem>>[vector<16xi32>, vector<16xi32>], vector<16xf32>,
      tpu.vector_store_idx %arg6[%broadcast_in_dim3A_1226, %get3A_1224], %broadcast_in_dim3A_5 masked %ge3A_7 {add = true} : memref<2x1000xf32, #tpu.memory_space<vmem>>[vector<16xi32>, vector<16xi32>], vector<16xf32>, vector<16xi1>
      %mul3A_1227 = arith.constant 2 : i32
      %mul3A_1228 = arith.muli %scan3A_25, %mul3A_1227 : i32
      %add3A_1229 = arith.constant 0 : i32
      %add3A_1230 = arith.addi %mul3A_1228, %add3A_1229 : i32
      %mul3A_1231 = arith.constant 2 : i32
      %mul3A_1232 = arith.muli %add3A_1230, %mul3A_1231 : i32
      %add3A_1233 = arith.addi %mul3A_2, %mul3A_1232 : i32
      %dma_start3A = arith.constant 0 : i32
      %dma_start3A_1234 = tpu.memref_slice %arg3[%add3A_1233, %dma_start3A] : memref<2048x1000xf32, #tpu.memory_space<hbm>> -> memref<2x1000xf32, #tpu.memory_space<hbm>>
      %dma_start3A_1235 = arith.constant 0 : i32
      %dma_start3A_1236 = tpu.memref_slice %arg3[%add3A_1233, %dma_start3A_1235] : memref<2048x1000xf32, #tpu.memory_space<hbm>> -> memref<2x1000xf32, #tpu.memory_space<hbm>>
      tpu.enqueue_dma source(%arg5 : memref<2x1000xf32, #tpu.memory_space<vmem>>) target(%dma_start3A_1236 : memref<2x1000xf32, #tpu.memory_space<hbm>>) target_semaphore(%arg7 : memref<!tpu.dma_semaphore, #tpu.memory_space<semaphore_mem>>)
      %mul3A_1237 = arith.constant 2 : i32
      %mul3A_1238 = arith.muli %scan3A_25, %mul3A_1237 : i32
      %add3A_1239 = arith.constant 1 : i32
      %add3A_1240 = arith.addi %mul3A_1238, %add3A_1239 : i32
      %mul3A_1241 = arith.constant 2 : i32
      %mul3A_1242 = arith.muli %add3A_1240, %mul3A_1241 : i32
      %add3A_1243 = arith.addi %mul3A_2, %mul3A_1242 : i32
      %dma_start3A_1244 = arith.constant 0 : i32
      %dma_start3A_1245 = tpu.memref_slice %arg3[%add3A_1243, %dma_start3A_1244] : memref<2048x1000xf32, #tpu.memory_space<hbm>> -> memref<2x1000xf32, #tpu.memory_space<hbm>>
      %dma_start3A_1246 = arith.constant 0 : i32
      %dma_start3A_1247 = tpu.memref_slice %arg3[%add3A_1243, %dma_start3A_1246] : memref<2048x1000xf32, #tpu.memory_space<hbm>> -> memref<2x1000xf32, #tpu.memory_space<hbm>>
      tpu.enqueue_dma source(%arg6 : memref<2x1000xf32, #tpu.memory_space<vmem>>) target(%dma_start3A_1247 : memref<2x1000xf32, #tpu.memory_space<hbm>>) target_semaphore(%arg8 : memref<!tpu.dma_semaphore, #tpu.memory_space<semaphore_mem>>)
      %scan3A_1248 = arith.constant 0 : i32
      scf.yield %scan3A_1248 : i32
    }
    %scan3A_13 = arith.constant 16 : i32
    %add3A_14 = arith.constant 60 : i32
    %add3A_15 = arith.addi %mul3A_2, %add3A_14 : i32
    %dma_wait3A = arith.constant 0 : i32
    %dma_wait3A_16 = tpu.memref_slice %arg3[%add3A_15, %dma_wait3A] : memref<2048x1000xf32, #tpu.memory_space<hbm>> -> memref<2x1000xf32, #tpu.memory_space<hbm>>
    %dma_wait3A_17 = arith.constant 0 : i32
    %dma_wait3A_18 = tpu.memref_slice %arg3[%add3A_15, %dma_wait3A_17] : memref<2048x1000xf32, #tpu.memory_space<hbm>> -> memref<2x1000xf32, #tpu.memory_space<hbm>>
    tpu.wait_dma2 semaphore(%arg7 : memref<!tpu.dma_semaphore, #tpu.memory_space<semaphore_mem>>) src(%arg5 : memref<2x1000xf32, #tpu.memory_space<vmem>>) dst(%dma_wait3A_18 : memref<2x1000xf32, #tpu.memory_space<hbm>>)
    %add3A_19 = arith.constant 62 : i32
    %add3A_20 = arith.addi %mul3A_2, %add3A_19 : i32
    %dma_wait3A_21 = arith.constant 0 : i32
    %dma_wait3A_22 = tpu.memref_slice %arg3[%add3A_20, %dma_wait3A_21] : memref<2048x1000xf32, #tpu.memory_space<hbm>> -> memref<2x1000xf32, #tpu.memory_space<hbm>>
    %dma_wait3A_23 = arith.constant 0 : i32
    %dma_wait3A_24 = tpu.memref_slice %arg3[%add3A_20, %dma_wait3A_23] : memref<2048x1000xf32, #tpu.memory_space<hbm>> -> memref<2x1000xf32, #tpu.memory_space<hbm>>
    tpu.wait_dma2 semaphore(%arg8 : memref<!tpu.dma_semaphore, #tpu.memory_space<semaphore_mem>>) src(%arg6 : memref<2x1000xf32, #tpu.memory_space<vmem>>) dst(%dma_wait3A_24 : memref<2x1000xf32, #tpu.memory_space<hbm>>)
    return
  }
}

module attributes {stable_mosaic.version = 14 : i64} {
  func.func @_tc_body(%arg0: i32, %arg1: memref<512x1000xf32, #tpu.memory_space<vmem>>, %arg2: memref<1000x1000xf32, #tpu.memory_space<vmem>>, %arg3: memref<1000xf32, #tpu.memory_space<vmem>>, %arg4: memref<512xf32, #tpu.memory_space<vmem>>) attributes {dimension_semantics = [#tpu.dimension_semantics<arbitrary>], iteration_bounds = array<i64: 4>, scalar_prefetch = 0 : i64, scratch_operands = 0 : i64, tpu.core_type = #tpu.core_type<tc>, window_params = [{transform_indices = @transform_0, window_bounds = array<i64: 512, 1000>}, {pipeline_mode = #tpu.pipeline_mode<synchronous>, transform_indices = @transform_1, window_bounds = array<i64: 1000, 1000>}, {pipeline_mode = #tpu.pipeline_mode<synchronous>, transform_indices = @transform_2, window_bounds = array<i64: 1000>}, {transform_indices = @transform_3, window_bounds = array<i64: 512>}]} {
    %get3A = arith.constant 0 : index
    %get3A_0 = arith.constant 0 : index
    %get3A_1 = vector.load %arg1[%get3A, %get3A_0] : memref<512x1000xf32, #tpu.memory_space<vmem>>, vector<512x1000xf32>
    %get3A_2 = arith.constant 0 : index
    %get3A_3 = arith.constant 0 : index
    %get3A_4 = vector.load %arg2[%get3A_2, %get3A_3] : memref<1000x1000xf32, #tpu.memory_space<vmem>>, vector<1000x1000xf32>
    %dot_general3A = arith.constant dense<0.000000e+00> : vector<512x1000xf32>
    %dot_general3A_5 = tpu.matmul %get3A_1, %get3A_4, %dot_general3A {dimension_numbers = #tpu.dot_dimension_numbers<[1], [0], [0], [1], [0, 0, 1, 1], [], []>, transpose_lhs_hint = false} : vector<512x1000xf32>, vector<1000x1000xf32>, vector<512x1000xf32> -> vector<512x1000xf32>
    %mul3A = arith.mulf %dot_general3A_5, %dot_general3A_5 : vector<512x1000xf32>
    %reduce_sum3A = arith.constant dense<0.000000e+00> : vector<512xf32>
    %reduce_sum3A_6 = vector.multi_reduction <add>, %mul3A, %reduce_sum3A [1] : vector<512x1000xf32> to vector<512xf32>
    %broadcast_in_dim3A = vector.shape_cast %reduce_sum3A_6 : vector<512xf32> to vector<512x1xf32>
    %get3A_7 = arith.constant 0 : index
    %get3A_8 = vector.load %arg3[%get3A_7] : memref<1000xf32, #tpu.memory_space<vmem>>, vector<1000xf32>
    %reshape3A = vector.shape_cast %get3A_8 : vector<1000xf32> to vector<1000x1xf32>
    %dot_general3A_9 = arith.constant dense<0.000000e+00> : vector<512x1xf32>
    %dot_general3A_10 = tpu.matmul %get3A_1, %reshape3A, %dot_general3A_9 {dimension_numbers = #tpu.dot_dimension_numbers<[1], [0], [0], [1], [0, 0, 1, 1], [], []>, transpose_lhs_hint = false} : vector<512x1000xf32>, vector<1000x1xf32>, vector<512x1xf32> -> vector<512x1xf32>
    %add3A = arith.constant 2.000000e+02 : f32
    %add3A_11 = vector.broadcast %add3A : f32 to vector<512x1xf32>
    %add3A_12 = arith.addf %add3A_11, %broadcast_in_dim3A : vector<512x1xf32>
    %rsqrt3A = math.rsqrt %add3A_12 : vector<512x1xf32>
    %mul3A_13 = arith.mulf %dot_general3A_10, %rsqrt3A : vector<512x1xf32>
    %logistic3A = arith.negf %mul3A_13 : vector<512x1xf32>
    %logistic3A_14 = math.exp %logistic3A : vector<512x1xf32>
    %logistic3A_15 = arith.constant 1.000000e+00 : f32
    %logistic3A_16 = vector.broadcast %logistic3A_15 : f32 to vector<512x1xf32>
    %logistic3A_17 = arith.addf %logistic3A_16, %logistic3A_14 : vector<512x1xf32>
    %logistic3A_18 = arith.divf %logistic3A_16, %logistic3A_17 : vector<512x1xf32>
    %squeeze3A = vector.shape_cast %logistic3A_18 : vector<512x1xf32> to vector<512xf32>
    %swap3A = arith.constant 0 : index
    %swap3A_19 = vector.load %arg4[%swap3A] : memref<512xf32, #tpu.memory_space<vmem>>, vector<512xf32>
    tpu.vector_store %arg4[%swap3A], %squeeze3A {strides = array<i32>} : memref<512xf32, #tpu.memory_space<vmem>>, vector<512xf32>,
    return
  }
  func.func @transform_0(%arg0: i32) -> (i32, i32) {
    %c0_i32 = arith.constant 0 : i32
    %c0_i32_0 = arith.constant 0 : i32
    return %arg0, %c0_i32 : i32, i32
  }
  func.func @transform_1(%arg0: i32) -> (i32, i32) {
    %c0_i32 = arith.constant 0 : i32
    %c0_i32_0 = arith.constant 0 : i32
    %c0_i32_1 = arith.constant 0 : i32
    return %c0_i32, %c0_i32_0 : i32, i32
  }
  func.func @transform_2(%arg0: i32) -> i32 {
    %c0_i32 = arith.constant 0 : i32
    %c0_i32_0 = arith.constant 0 : i32
    return %c0_i32 : i32
  }
  func.func @transform_3(%arg0: i32) -> i32 {
    %c0_i32 = arith.constant 0 : i32
    return %arg0 : i32
  }
}

</mosaic_0001>

<sc_bundles>
// kernel: kernel.6.cloned.1.call-start
scs
__scs_entry_jumppad:
0x0: {  	(pc) =	sbr.rel $0x88, $3  }
0x1: {  	(tag) =	ssettag $0x0;
	lr =	simm.s32 $0x1  }
0x2: {  	[smem:$0x3F9E] =	sst lr;
	_ =	strace $0xD0000000  }
0x3: {  	_ = 	snop  }
0x4: {  	_ = 	snop  }
0x5: {  	_ = 	snop  }
0x6: {  	_ = 	snop  }
0x7: {  	_ = 	snop  }
__scs_overlays_trampoline_lowered:
0x8: {  	[smem:$0x3FAD] =	sst s0  }
0x9: {  	[smem:$0x3FAE] =	sst s1  }
0xa: {  	[smem:$0x3FAF] =	sst s2  }
0xb: {  	[smem:$0x3FB0] =	sst s3  }
0xc: {  	[smem:$0x3FB1] =	sst s4  }
0xd: {  	[smem:$0x3FB2] =	sst s5  }
0xe: {  	[smem:$0x3FB3] =	sst s6  }
0xf: {  	[smem:$0x3FB4] =	sst s7  }
0x10: {  	[smem:$0x3FB5] =	sst s8  }
0x11: {  	[smem:$0x3FB6] =	sst s9;
	s0 =	simm.s32 @!p0 $0x0  }
0x12: {  	s1 =	sld [smem:$0x3F9C];
	s0 =	simm.s32 @p0 $0x1  }
0x13: {  	[smem:$0x3FB7] =	sst s0;
	s0 =	simm.s32 @!p1 $0x0  }
0x14: {  	s2 =	sld [smem:$0x3F9B];
	s0 =	simm.s32 @p1 $0x1  }
0x15: {  	[smem:$0x3FB8] =	sst s0;
	s0 =	simm.s32 @!p2 $0x0  }
0x16: {  	s3 =	sld [smem:$0x3FDB];
	s0 =	simm.s32 @p2 $0x1  }
0x17: {  	s4 =	simm.s32 $0x1BF5;
	[smem:$0x3FBA] =	sst s0  }
0x18: {  	s0 =	sld [smem:$0x3F9D];
	_ =	swait.ge [sflag:s4], $0x0  }
0x19: {  	s7 =	sld [smem:$0x3F9E]  }
0x1a: {  	s8 =	sadd.s32 $0xFFFFE003, lr  }
0x1b: {  	s9 =	sadd.s32 $0xFFFFFEF7, lr;
	s5 =	simm.s32 $0xFFFFFFFF;
	p2 =	slt.u32 s8, $0xFFFFF086  }
0x1c: {  	p1 =	slt.u32 s9, $0xF7A;
	s5 =	simm.s32 @!p2 $0x0  }
0x1d: {  	s5 =	simm.s32 @p1 $0x1;
	p0 =	seq.s32 s7, s2  }
0x1e: {  	s7 =	smul.u32 @!p0 $0xF7A, s2;
	p2 =	seq.s32 @!p0 s5, $0x0  }
0x1f: {  	s9 =	smul.u32 $0xF7A, s1;
	s8 =	simm.s32 @!p0 $0x1BF5;
	p2 =	por !p2, p0  }
0x20: {  	[sflag:s8] =	ssyncset.s32 @!p0 $0xFFFFF086;
	s6 =	sadd.s32 @!p0 s3, s7;
	s7 =	simm.s32 @!p0 $0x108  }
0x21: {  	s3 =	sadd.s32 s3, s9;
	s6 =	sadd.s32 @!p0 $0x88, s6;
	s7 =	simm.s32 @p2 $0x1082  }
0x22: {  	[simem:s7], [sflag:s8] =	dma.local @!p0 [hbm:s6], $0xF7A  }
0x23: {  	s9 =	sor.u32 $0xD0000000, s2;
	s6 =	simm.s32 $0x108;
	_ =	swait.ge @!p0 [sflag:s8], $0x0  }
0x24: {  	s3 =	sadd.s32 $0x88, s3;
	s6 =	simm.s32 @!p1 $0x1082;
	[sflag:s4] =	ssyncset.s32 $0xFFFFF086  }
0x25: {  	[simem:s6], [sflag:s4] =	dma.local [hbm:s3], $0xF7A  }
0x26: {  	[smem:$0x3F9E] =	sst s1;
	(tag) =	ssettag s2;
	_ =	strace s9  }
0x27: {  	s1 =	sld [smem:$0x3FAE]  }
0x28: {  	s2 =	sld [smem:$0x3FAF]  }
0x29: {  	s4 =	sld [smem:$0x3FB1]  }
0x2a: {  	p0 =	seq.s32 s5, $0x0;
	s5 =	sld [smem:$0x3FB2]  }
0x2b: {  	s6 =	sld [smem:$0x3FB3]  }
0x2c: {  	s7 =	sld [smem:$0x3FB4]  }
0x2d: {  	s3 =	simm.s32 $0x108;
	s8 =	sld [smem:$0x3FB5]  }
0x2e: {  	s3 =	simm.s32 @!p0 $0x1082;
	s9 =	sld [smem:$0x3FB6]  }
0x2f: {  	lr =	sadd.s32 s0, s3;
	s0 =	sld [smem:$0x3FAD]  }
0x30: {  	s3 =	sld [smem:$0x3FB0]  }
0x31: {  	[smem:$0x3FB9] =	sst s10  }
0x32: {  	s10 =	sld [smem:$0x3FB7];
	_ =	sdelay $0x3  }
0x33: {  	p0 =	seq.s32 s10, $0x1;
	s10 =	sld [smem:$0x3FB9];
	_ =	sdelay $0x3  }
0x34: {  	[smem:$0x3FB9] =	sst s10  }
0x35: {  	s10 =	sld [smem:$0x3FB8];
	_ =	sdelay $0x3  }
0x36: {  	p1 =	seq.s32 s10, $0x1;
	s10 =	sld [smem:$0x3FB9];
	_ =	sdelay $0x3  }
0x37: {  	[smem:$0x3FB9] =	sst s10  }
0x38: {  	s10 =	sld [smem:$0x3FBA]  }
0x39: {  	_ = 	snop;
	(pc) =	sbr.ind lr, $3  }
0x3a: {  	_ = 	snop  }
0x3b: {  	_ = 	snop  }
0x3c: {  	p2 =	seq.s32 s10, $0x1;
	s10 =	sld [smem:$0x3FB9]  }
0x3d: {  	_ =	shalt  }
0x3e: {  	_ =	shalt  }
0x3f: {  	_ =	shalt  }
0x40: {  	_ =	shalt  }
0x41: {  	_ =	shalt  }
0x42: {  	_ =	shalt  }
0x43: {  	_ =	shalt  }
0x44: {  	_ =	shalt  }
0x45: {  	_ =	shalt  }
0x46: {  	_ =	shalt  }
0x47: {  	_ =	shalt  }
0x48: {  	_ =	shalt  }
0x49: {  	_ =	shalt  }
0x4a: {  	_ =	shalt  }
0x4b: {  	_ =	shalt  }
0x4c: {  	_ =	shalt  }
0x4d: {  	_ =	shalt  }
0x4e: {  	_ =	shalt  }
0x4f: {  	_ =	shalt  }
0x50: {  	_ =	shalt  }
0x51: {  	_ =	shalt  }
0x52: {  	_ =	shalt  }
0x53: {  	_ =	shalt  }
0x54: {  	_ =	shalt  }
0x55: {  	_ =	shalt  }
0x56: {  	_ =	shalt  }
0x57: {  	_ =	shalt  }
0x58: {  	_ =	shalt  }
0x59: {  	_ =	shalt  }
0x5a: {  	_ =	shalt  }
0x5b: {  	_ =	shalt  }
0x5c: {  	_ =	shalt  }
0x5d: {  	_ =	shalt  }
0x5e: {  	_ =	shalt  }
0x5f: {  	_ =	shalt  }
0x60: {  	_ =	shalt  }
0x61: {  	_ =	shalt  }
0x62: {  	_ =	shalt  }
0x63: {  	_ =	shalt  }
0x64: {  	_ =	shalt  }
0x65: {  	_ =	shalt  }
0x66: {  	_ =	shalt  }
0x67: {  	_ =	shalt  }
0x68: {  	_ =	shalt  }
0x69: {  	_ =	shalt  }
0x6a: {  	_ =	shalt  }
0x6b: {  	_ =	shalt  }
0x6c: {  	_ =	shalt  }
0x6d: {  	_ =	shalt  }
0x6e: {  	_ =	shalt  }
0x6f: {  	_ =	shalt  }
0x70: {  	_ =	shalt  }
0x71: {  	_ =	shalt  }
0x72: {  	_ =	shalt  }
0x73: {  	_ =	shalt  }
0x74: {  	_ =	shalt  }
0x75: {  	_ =	shalt  }
0x76: {  	_ =	shalt  }
0x77: {  	_ =	shalt  }
0x78: {  	_ =	shalt  }
0x79: {  	_ =	shalt  }
0x7a: {  	_ =	shalt  }
0x7b: {  	_ =	shalt  }
0x7c: {  	_ =	shalt  }
0x7d: {  	_ =	shalt  }
0x7e: {  	_ =	shalt  }
0x7f: {  	_ =	shalt  }
0x80: {  	_ =	shalt  }
0x81: {  	_ =	shalt  }
0x82: {  	_ =	shalt  }
0x83: {  	_ =	shalt  }
0x84: {  	_ =	shalt  }
0x85: {  	_ =	shalt  }
0x86: {  	_ =	shalt  }
0x87: {  	_ =	shalt  }
.Lfunc_end0:
.L_simem_size_0:
called_computation_lowered:
.L_overlay_start_0:
0x88: {  	s2 =	sld [smem:$0x3FD9]  }
0x89: {  	s3 =	sld [smem:$0x3FFE];
	_ =	sdelay $0x1  }
0x8a: {  	s1 =	srdreg.scid  }
0x8b: {  	s0 =	sand.u32 $0x1, s1  }
0x8c: {  	s16 =	sshll.u32 s0, $0xA;
	s2 =	sadd.s32 s3, s2  }
0x8d: {  	s2 =	sadd.s32 s2, s16  }
0x8e: {  	[smem:$0x3FC5] =	sst s2  }
0x8f: {  	_ = 	snop  }
0x90: {  	(tm) =	ssettm $0x1  }
0x91: {  	s17 =	sld [smem:$0x3FFB];
	_ =	sdelay $0x3  }
0x92: {  	_ =	strace s17  }
0x93: {  	s2 =	sld [smem:$0x3FFC];
	_ =	sdelay $0x3  }
0x94: {  	_ =	strace s2  }
0x95: {  	s2 =	sld [smem:$0x3FFD];
	_ =	sdelay $0x3  }
0x96: {  	_ =	strace s2  }
0x97: {  	_ =	strace $0x8FFFFFFF  }
0x98: {  	s18 =	sld [smem:$0x3FDB];
	_ =	sdelay $0x1  }
0x99: {  	s19 =	simm.s32 $_scs_section_size  }
0x9a: {  	s4 =	simm.s32 $_size__tile_overlayer_lowered;
	s5 =	simm.s32 $_tile_overlayer_lowered  }
0x9b: {  	s22 =	simm.s32 $0x1BFF;
	s21 =	sshll.u32 s5, $0x1;
	s2 =	sadd.s32 s19, s18  }
0x9c: {  	s6 =	simm.s32 $0x0;
	s20 =	sshll.u32 s4, $0x1;
	s4 =	sadd.s32 s21, s2  }
0x9d: {  	[timem:s6], [sflag:s22] =	dma.local [hbm:s4], s20  }
0x9e: {  	_ =	swait.ge [sflag:s22], s20  }
0x9f: {  	s3 =	ssub.s32 $0x0, s20;
	[sflag:s22] =	ssyncset.done $0x0  }
0xa0: {  	[sflag:s22] =	ssyncadd.s32 s3;
	_ =	sdelay $0x1  }
0xa1: {  	s23 =	simm.s32 $0x1B8B  }
0xa2: {  	_ =	swait.ge [sflag:s23], $0x1  }
0xa3: {  	[sflag:s23] =	ssyncset.done $0x0  }
0xa4: {  	s25 =	simm.s32 $0x1B8E;
	s24 =	sld [smem:$0x3FFE];
	[sflag:s23] =	ssyncadd.s32 $0xFFFFFFFF  }
0xa5: {  	s26 =	simm.s32 $execute0_lowered;
	[smem:$0x3FD2] =	sst s25  }
0xa6: {  	s4 =	sshll.u32 s26, $0x1;
	_ =	strace $0x80000046;
	[dreg:$0x1] =	wrdreg $0xFFFFFFFF  }
0xa7: {  	s28 =	simm.s32 $_size_execute0_lowered;
	s2 =	sadd.s32 s2, s4;
	[dreg:$0x0] =	wrdreg $0x0  }
0xa8: {  	s4 =	sshll.u32 s28, $0x1;
	[dreg:$0x2] =	wrdreg s2  }
0xa9: {  	[dreg:$0x3] =	wrdreg s4  }
0xaa: {  	[dreg:$0x4] =	wrdreg $0xC0  }
0xab: {  	_ =	task [dreg:s6], $0x5FFFF  }
0xac: {  	[dreg:$0x1] =	wrdreg $0xFFFFFFFF  }
0xad: {  	[dreg:$0x0] =	wrdreg $0x60  }
0xae: {  	[dreg:$0x2] =	wrdreg s24  }
0xaf: {  	[dreg:$0x3] =	wrdreg $0x9  }
0xb0: {  	_ =	task.clear_ibuf [dreg:s6], $0x4FFFF;
	_ =	strace $0x90000046  }
0xb1: {  	s29 =	simm.s32 $0x9;
	_ =	strace $0x80000048  }
0xb2: {  	_ =	swait.ge [sflag:s29], $0x1  }
0xb3: {  	[sflag:s29] =	ssyncadd.s32 $0xFFFFFFFF  }
0xb4: {  	_ =	strace $0x90000048  }
0xb5: {  	_ =	sfence  }
0xb6: {  	s30 =	sld [smem:$0x0];
	_ =	sdelay $0x2  }
0xb7: {  	s31 =	sshll.u32 s1, $0xD;
	s1 =	sshrl.u32 s1, $0x2  }
0xb8: {  	s3 =	sand.u32 $0x4000, s31;
	s1 =	sadd.s32 s1, s30  }
0xb9: {  	s0 =	sor.u32 s3, s0;
	s1 =	sshll.u32 s1, $0x11  }
0xba: {  	s0 =	sor.u32 s1, s0  }
0xbb: {  	s0 =	sadd.s32 $0x8F2B, s0  }
0xbc: {  	[sflag:s0] =	ssyncadd.remote.s32 $0x1  }
0xbd: {  	_ =	sfence.sel $0xFFFF  }
0xbe: {  	[dreg:$0x0] =	wrdreg $0xFFFFFFFF;
	(pc) =	sbr.abs _section_cstart, $3  }
0xbf: {  	[dreg:$0x1] =	wrdreg $0xFFFFFFFF  }
0xc0: {  	_ =	task.clear_ibuf [dreg:s6], $0x2FFFF;
	_ =	strace $0x9FFFFFFF  }
0xc1: {  	(tm) =	ssettm $0x7FFFFFFF  }
tec
execute0_lowered:
.L_overlay_start_1:
0x0: {  	(tag) =	ssettag $0x1  }
0x1: {  	s3 =	rddreg [dreg:$0x0];
	s2 =	srdreg.scid  }
0x2: {  	s0 =	rddreg [dreg:$0x1];
	s1 =	stileid.u32  }
0x3: {  	s10 =	simm.s32 $0x100;
	s11 =	simm.s32 $0x400;
	s12 =	simm.s32 $0x2  }
0x4: {  	s13 =	simm.s32 $0x0;
	s5 =	sand.u32 $0x1, s2;
	s2 =	simm.s32 $0x0  }
0x5: {  	s4 =	sshll.u32 s1, $0x7;
	s30 =	sshll.u32 s1, $0xE;
	s6 =	sshll.u32 s5, $0x6  }
0x6: {  	[smem:$0x7FF] =	sst s2;
	s7 =	ssub.s32 $0x2, s5;
	s9 =	sshll.u32 s5, $0xD  }
0x7: {  	s6 =	sor.u32 s6, s4;
	_ =	strace $0x80000047;
	s8 =	sshrl.u32 s7, $0x1  }
0x8: {  	s31 =	sor.u32 s9, s30;
	s9 =	simm.s32 $0x4800;
	s4 =	sshll.u32 s6, $0x5  }
0x9: {  	s7 =	ssub.s32 s7, s8;
	s6 =	sshll.u32 s6, $0x7;
	[dreg:$0x3] =	wrdreg s31  }
0xa: {  	s8 =	simm.s32 $0x4000;
	s4 =	sadd.s32 s4, s3;
	s3 =	sadd.s32 $0x11200, s3  }
0xb: {  	s5 =	smax.u32 s7, $0x1;
	s7 =	simm.s32 $0x1;
	s6 =	sadd.s32 s3, s6  }
0xc: {  	v0 =	vimm.f32 $0.0e+00;
	v1 =	vimm.f32 $1.000000000e+00;
	vm0 =	vcmask $0x3F20;
	s4 =	sadd.s32 $0x1200, s4;
	[dreg:$0x2] =	wrdreg s6;
	s6 =	simm.s32 $0x3  }
.LBB2_1:
0xd: {  	[tilespmem:s2], [sflag:$0x3] =	stream.linear.gather [hbm4b:s4+s2], $0x4000, $0x38;
	[tilespmem:$0x5000] =	vst v63  }
0xe: {  	p0 =	por $0x0, $0x0;
	_ =	swait.ge [sflag:s6], $0x4000  }
0xf: {  	s14 =	simm.s32 $0x0;
	s15 =	simm.s32 $0x0;
	[sflag:s6] =	ssyncset.done $0x0  }
0x10: {  	s16 =	simm.s32 $0x0;
	s17 =	simm.s32 $0x0;
	[sflag:s6] =	ssyncadd.s32 $0xFFFFC000  }
.LBB2_2:
0x11: {  	p1 =	seq.s32 s17, $0x0  }
0x12: {  	s18 =	simm.s32 @!p1 $0x1  }
0x13: {  	_ =	swait.ge @!p1 [sflag:s18], $0x800  }
0x14: {  	[sflag:s18] =	ssyncset.done @!p1 $0x0  }
0x15: {  	[sflag:s18] =	ssyncadd.s32 @!p1 $0xFFFFF800;
	s18 =	simm.s32 @!p1 $0x2  }
0x16: {  	_ =	swait.ge @!p1 [sflag:s18], $0x800  }
0x17: {  	[sflag:s18] =	ssyncset.done @!p1 $0x0  }
0x18: {  	[sflag:s18] =	ssyncadd.s32 @!p1 $0xFFFFF800  }
0x19: {  	[tilespmem:$0x4000] =	vst v0  }
0x1a: {  	[tilespmem:$0x4800] =	vst v0  }
0x1b: {  	[tilespmem:$0x4010] =	vst v0  }
0x1c: {  	[tilespmem:$0x4810] =	vst v0  }
0x1d: {  	[tilespmem:$0x4020] =	vst v0  }
0x1e: {  	[tilespmem:$0x4820] =	vst v0  }
0x1f: {  	[tilespmem:$0x4030] =	vst v0  }
0x20: {  	[tilespmem:$0x4830] =	vst v0  }
0x21: {  	[tilespmem:$0x4040] =	vst v0  }
0x22: {  	[tilespmem:$0x4840] =	vst v0  }
0x23: {  	[tilespmem:$0x4050] =	vst v0  }
0x24: {  	[tilespmem:$0x4850] =	vst v0  }
0x25: {  	[tilespmem:$0x4060] =	vst v0  }
0x26: {  	[tilespmem:$0x4860] =	vst v0  }
0x27: {  	[tilespmem:$0x4070] =	vst v0  }
0x28: {  	[tilespmem:$0x4870] =	vst v0  }
0x29: {  	[tilespmem:$0x4100] =	vst v0  }
0x2a: {  	[tilespmem:$0x4900] =	vst v0  }
0x2b: {  	[tilespmem:$0x4110] =	vst v0  }
0x2c: {  	[tilespmem:$0x4910] =	vst v0  }
0x2d: {  	[tilespmem:$0x4120] =	vst v0  }
0x2e: {  	[tilespmem:$0x4920] =	vst v0  }
0x2f: {  	[tilespmem:$0x4130] =	vst v0  }
0x30: {  	[tilespmem:$0x4930] =	vst v0  }
0x31: {  	[tilespmem:$0x4140] =	vst v0  }
0x32: {  	[tilespmem:$0x4940] =	vst v0  }
0x33: {  	[tilespmem:$0x4150] =	vst v0  }
0x34: {  	[tilespmem:$0x4950] =	vst v0  }
0x35: {  	[tilespmem:$0x4160] =	vst v0  }
0x36: {  	[tilespmem:$0x4960] =	vst v0  }
0x37: {  	[tilespmem:$0x4170] =	vst v0  }
0x38: {  	[tilespmem:$0x4970] =	vst v0  }
0x39: {  	[tilespmem:$0x4200] =	vst v0  }
0x3a: {  	[tilespmem:$0x4A00] =	vst v0  }
0x3b: {  	[tilespmem:$0x4210] =	vst v0  }
0x3c: {  	[tilespmem:$0x4A10] =	vst v0  }
0x3d: {  	[tilespmem:$0x4220] =	vst v0  }
0x3e: {  	[tilespmem:$0x4A20] =	vst v0  }
0x3f: {  	[tilespmem:$0x4230] =	vst v0  }
0x40: {  	[tilespmem:$0x4A30] =	vst v0  }
0x41: {  	[tilespmem:$0x4240] =	vst v0  }
0x42: {  	[tilespmem:$0x4A40] =	vst v0  }
0x43: {  	[tilespmem:$0x4250] =	vst v0  }
0x44: {  	[tilespmem:$0x4A50] =	vst v0  }
0x45: {  	[tilespmem:$0x4260] =	vst v0  }
0x46: {  	[tilespmem:$0x4A60] =	vst v0  }
0x47: {  	[tilespmem:$0x4270] =	vst v0  }
0x48: {  	[tilespmem:$0x4A70] =	vst v0  }
0x49: {  	[tilespmem:$0x4300] =	vst v0  }
0x4a: {  	[tilespmem:$0x4B00] =	vst v0  }
0x4b: {  	[tilespmem:$0x4310] =	vst v0  }
0x4c: {  	[tilespmem:$0x4B10] =	vst v0  }
0x4d: {  	[tilespmem:$0x4320] =	vst v0  }
0x4e: {  	[tilespmem:$0x4B20] =	vst v0  }
0x4f: {  	[tilespmem:$0x4330] =	vst v0  }
0x50: {  	[tilespmem:$0x4B30] =	vst v0  }
0x51: {  	[tilespmem:$0x4340] =	vst v0  }
0x52: {  	[tilespmem:$0x4B40] =	vst v0  }
0x53: {  	[tilespmem:$0x4350] =	vst v0  }
0x54: {  	[tilespmem:$0x4B50] =	vst v0  }
0x55: {  	[tilespmem:$0x4360] =	vst v0  }
0x56: {  	[tilespmem:$0x4B60] =	vst v0  }
0x57: {  	[tilespmem:$0x4370] =	vst v0  }
0x58: {  	[tilespmem:$0x4B70] =	vst v0  }
0x59: {  	[tilespmem:$0x4400] =	vst v0  }
0x5a: {  	[tilespmem:$0x4C00] =	vst v0  }
0x5b: {  	[tilespmem:$0x4410] =	vst v0  }
0x5c: {  	[tilespmem:$0x4C10] =	vst v0  }
0x5d: {  	[tilespmem:$0x4420] =	vst v0  }
0x5e: {  	[tilespmem:$0x4C20] =	vst v0  }
0x5f: {  	[tilespmem:$0x4430] =	vst v0  }
0x60: {  	[tilespmem:$0x4C30] =	vst v0  }
0x61: {  	[tilespmem:$0x4440] =	vst v0  }
0x62: {  	[tilespmem:$0x4C40] =	vst v0  }
0x63: {  	[tilespmem:$0x4450] =	vst v0  }
0x64: {  	[tilespmem:$0x4C50] =	vst v0  }
0x65: {  	[tilespmem:$0x4460] =	vst v0  }
0x66: {  	[tilespmem:$0x4C60] =	vst v0  }
0x67: {  	[tilespmem:$0x4470] =	vst v0  }
0x68: {  	[tilespmem:$0x4C70] =	vst v0  }
0x69: {  	[tilespmem:$0x4500] =	vst v0  }
0x6a: {  	[tilespmem:$0x4D00] =	vst v0  }
0x6b: {  	[tilespmem:$0x4510] =	vst v0  }
0x6c: {  	[tilespmem:$0x4D10] =	vst v0  }
0x6d: {  	[tilespmem:$0x4520] =	vst v0  }
0x6e: {  	[tilespmem:$0x4D20] =	vst v0  }
0x6f: {  	[tilespmem:$0x4530] =	vst v0  }
0x70: {  	[tilespmem:$0x4D30] =	vst v0  }
0x71: {  	[tilespmem:$0x4540] =	vst v0  }
0x72: {  	[tilespmem:$0x4D40] =	vst v0  }
0x73: {  	[tilespmem:$0x4550] =	vst v0  }
0x74: {  	[tilespmem:$0x4D50] =	vst v0  }
0x75: {  	[tilespmem:$0x4560] =	vst v0  }
0x76: {  	[tilespmem:$0x4D60] =	vst v0  }
0x77: {  	[tilespmem:$0x4570] =	vst v0  }
0x78: {  	[tilespmem:$0x4D70] =	vst v0  }
0x79: {  	[tilespmem:$0x4600] =	vst v0  }
0x7a: {  	[tilespmem:$0x4E00] =	vst v0  }
0x7b: {  	[tilespmem:$0x4610] =	vst v0  }
0x7c: {  	[tilespmem:$0x4E10] =	vst v0  }
0x7d: {  	[tilespmem:$0x4620] =	vst v0  }
0x7e: {  	[tilespmem:$0x4E20] =	vst v0  }
0x7f: {  	[tilespmem:$0x4630] =	vst v0  }
0x80: {  	[tilespmem:$0x4E30] =	vst v0  }
0x81: {  	[tilespmem:$0x4640] =	vst v0  }
0x82: {  	[tilespmem:$0x4E40] =	vst v0  }
0x83: {  	[tilespmem:$0x4650] =	vst v0  }
0x84: {  	[tilespmem:$0x4E50] =	vst v0  }
0x85: {  	[tilespmem:$0x4660] =	vst v0  }
0x86: {  	[tilespmem:$0x4E60] =	vst v0  }
0x87: {  	[tilespmem:$0x4670] =	vst v0  }
0x88: {  	[tilespmem:$0x4E70] =	vst v0  }
0x89: {  	[tilespmem:$0x4700] =	vst v0  }
0x8a: {  	[tilespmem:$0x4F00] =	vst v0  }
0x8b: {  	[tilespmem:$0x4710] =	vst v0  }
0x8c: {  	[tilespmem:$0x4F10] =	vst v0  }
0x8d: {  	[tilespmem:$0x4720] =	vst v0  }
0x8e: {  	[tilespmem:$0x4F20] =	vst v0  }
0x8f: {  	[tilespmem:$0x4730] =	vst v0  }
0x90: {  	[tilespmem:$0x4F30] =	vst v0  }
0x91: {  	[tilespmem:$0x4740] =	vst v0  }
0x92: {  	[tilespmem:$0x4F40] =	vst v0  }
0x93: {  	[tilespmem:$0x4750] =	vst v0  }
0x94: {  	[tilespmem:$0x4F50] =	vst v0  }
0x95: {  	[tilespmem:$0x4080] =	vst v0  }
0x96: {  	[tilespmem:$0x4880] =	vst v0  }
0x97: {  	[tilespmem:$0x4090] =	vst v0  }
0x98: {  	[tilespmem:$0x4890] =	vst v0  }
0x99: {  	[tilespmem:$0x40A0] =	vst v0  }
0x9a: {  	[tilespmem:$0x48A0] =	vst v0  }
0x9b: {  	[tilespmem:$0x40B0] =	vst v0  }
0x9c: {  	[tilespmem:$0x48B0] =	vst v0  }
0x9d: {  	[tilespmem:$0x40C0] =	vst v0  }
0x9e: {  	[tilespmem:$0x48C0] =	vst v0  }
0x9f: {  	[tilespmem:$0x40D0] =	vst v0  }
0xa0: {  	[tilespmem:$0x48D0] =	vst v0  }
0xa1: {  	[tilespmem:$0x40E0] =	vst v0  }
0xa2: {  	[tilespmem:$0x48E0] =	vst v0  }
0xa3: {  	[tilespmem:$0x40F0] =	vst v0  }
0xa4: {  	[tilespmem:$0x48F0] =	vst v0  }
0xa5: {  	[tilespmem:$0x4180] =	vst v0  }
0xa6: {  	[tilespmem:$0x4980] =	vst v0  }
0xa7: {  	[tilespmem:$0x4190] =	vst v0  }
0xa8: {  	[tilespmem:$0x4990] =	vst v0  }
0xa9: {  	[tilespmem:$0x41A0] =	vst v0  }
0xaa: {  	[tilespmem:$0x49A0] =	vst v0  }
0xab: {  	[tilespmem:$0x41B0] =	vst v0  }
0xac: {  	[tilespmem:$0x49B0] =	vst v0  }
0xad: {  	[tilespmem:$0x41C0] =	vst v0  }
0xae: {  	[tilespmem:$0x49C0] =	vst v0  }
0xaf: {  	[tilespmem:$0x41D0] =	vst v0  }
0xb0: {  	[tilespmem:$0x49D0] =	vst v0  }
0xb1: {  	[tilespmem:$0x41E0] =	vst v0  }
0xb2: {  	[tilespmem:$0x49E0] =	vst v0  }
0xb3: {  	[tilespmem:$0x41F0] =	vst v0  }
0xb4: {  	[tilespmem:$0x49F0] =	vst v0  }
0xb5: {  	[tilespmem:$0x4280] =	vst v0  }
0xb6: {  	[tilespmem:$0x4A80] =	vst v0  }
0xb7: {  	[tilespmem:$0x4290] =	vst v0  }
0xb8: {  	[tilespmem:$0x4A90] =	vst v0  }
0xb9: {  	[tilespmem:$0x42A0] =	vst v0  }
0xba: {  	[tilespmem:$0x4AA0] =	vst v0  }
0xbb: {  	[tilespmem:$0x42B0] =	vst v0  }
0xbc: {  	[tilespmem:$0x4AB0] =	vst v0  }
0xbd: {  	[tilespmem:$0x42C0] =	vst v0  }
0xbe: {  	[tilespmem:$0x4AC0] =	vst v0  }
0xbf: {  	[tilespmem:$0x42D0] =	vst v0  }
0xc0: {  	[tilespmem:$0x4AD0] =	vst v0  }
0xc1: {  	[tilespmem:$0x42E0] =	vst v0  }
0xc2: {  	[tilespmem:$0x4AE0] =	vst v0  }
0xc3: {  	[tilespmem:$0x42F0] =	vst v0  }
0xc4: {  	[tilespmem:$0x4AF0] =	vst v0  }
0xc5: {  	[tilespmem:$0x4380] =	vst v0  }
0xc6: {  	[tilespmem:$0x4B80] =	vst v0  }
0xc7: {  	[tilespmem:$0x4390] =	vst v0  }
0xc8: {  	[tilespmem:$0x4B90] =	vst v0  }
0xc9: {  	[tilespmem:$0x43A0] =	vst v0  }
0xca: {  	[tilespmem:$0x4BA0] =	vst v0  }
0xcb: {  	[tilespmem:$0x43B0] =	vst v0  }
0xcc: {  	[tilespmem:$0x4BB0] =	vst v0  }
0xcd: {  	[tilespmem:$0x43C0] =	vst v0  }
0xce: {  	[tilespmem:$0x4BC0] =	vst v0  }
0xcf: {  	[tilespmem:$0x43D0] =	vst v0  }
0xd0: {  	[tilespmem:$0x4BD0] =	vst v0  }
0xd1: {  	[tilespmem:$0x43E0] =	vst v0  }
0xd2: {  	[tilespmem:$0x4BE0] =	vst v0  }
0xd3: {  	[tilespmem:$0x43F0] =	vst v0  }
0xd4: {  	[tilespmem:$0x4BF0] =	vst v0  }
0xd5: {  	[tilespmem:$0x4480] =	vst v0  }
0xd6: {  	[tilespmem:$0x4C80] =	vst v0  }
0xd7: {  	[tilespmem:$0x4490] =	vst v0  }
0xd8: {  	[tilespmem:$0x4C90] =	vst v0  }
0xd9: {  	[tilespmem:$0x44A0] =	vst v0  }
0xda: {  	[tilespmem:$0x4CA0] =	vst v0  }
0xdb: {  	[tilespmem:$0x44B0] =	vst v0  }
0xdc: {  	[tilespmem:$0x4CB0] =	vst v0  }
0xdd: {  	[tilespmem:$0x44C0] =	vst v0  }
0xde: {  	[tilespmem:$0x4CC0] =	vst v0  }
0xdf: {  	[tilespmem:$0x44D0] =	vst v0  }
0xe0: {  	[tilespmem:$0x4CD0] =	vst v0  }
0xe1: {  	[tilespmem:$0x44E0] =	vst v0  }
0xe2: {  	[tilespmem:$0x4CE0] =	vst v0  }
0xe3: {  	[tilespmem:$0x44F0] =	vst v0  }
0xe4: {  	[tilespmem:$0x4CF0] =	vst v0  }
0xe5: {  	[tilespmem:$0x4580] =	vst v0  }
0xe6: {  	[tilespmem:$0x4D80] =	vst v0  }
0xe7: {  	[tilespmem:$0x4590] =	vst v0  }
0xe8: {  	[tilespmem:$0x4D90] =	vst v0  }
0xe9: {  	[tilespmem:$0x45A0] =	vst v0  }
0xea: {  	[tilespmem:$0x4DA0] =	vst v0  }
0xeb: {  	[tilespmem:$0x45B0] =	vst v0  }
0xec: {  	[tilespmem:$0x4DB0] =	vst v0  }
0xed: {  	[tilespmem:$0x45C0] =	vst v0  }
0xee: {  	[tilespmem:$0x4DC0] =	vst v0  }
0xef: {  	[tilespmem:$0x45D0] =	vst v0  }
0xf0: {  	[tilespmem:$0x4DD0] =	vst v0  }
0xf1: {  	[tilespmem:$0x45E0] =	vst v0  }
0xf2: {  	[tilespmem:$0x4DE0] =	vst v0  }
0xf3: {  	[tilespmem:$0x45F0] =	vst v0  }
0xf4: {  	[tilespmem:$0x4DF0] =	vst v0  }
0xf5: {  	[tilespmem:$0x4680] =	vst v0  }
0xf6: {  	[tilespmem:$0x4E80] =	vst v0  }
0xf7: {  	[tilespmem:$0x4690] =	vst v0  }
0xf8: {  	[tilespmem:$0x4E90] =	vst v0  }
0xf9: {  	[tilespmem:$0x46A0] =	vst v0  }
0xfa: {  	[tilespmem:$0x4EA0] =	vst v0  }
0xfb: {  	[tilespmem:$0x46B0] =	vst v0  }
0xfc: {  	[tilespmem:$0x4EB0] =	vst v0  }
0xfd: {  	[tilespmem:$0x46C0] =	vst v0  }
0xfe: {  	[tilespmem:$0x4EC0] =	vst v0  }
0xff: {  	[tilespmem:$0x46D0] =	vst v0  }
0x100: {  	[tilespmem:$0x4ED0] =	vst v0  }
0x101: {  	[tilespmem:$0x46E0] =	vst v0  }
0x102: {  	[tilespmem:$0x4EE0] =	vst v0  }
0x103: {  	[tilespmem:$0x46F0] =	vst v0  }
0x104: {  	[tilespmem:$0x4EF0] =	vst v0  }
0x105: {  	[tilespmem:$0x4780] =	vst v0  }
0x106: {  	[tilespmem:$0x4F80] =	vst v0  }
0x107: {  	[tilespmem:$0x4790] =	vst v0  }
0x108: {  	[tilespmem:$0x4F90] =	vst v0  }
0x109: {  	[tilespmem:$0x47A0] =	vst v0  }
0x10a: {  	[tilespmem:$0x4FA0] =	vst v0  }
0x10b: {  	[tilespmem:$0x47B0] =	vst v0  }
0x10c: {  	[tilespmem:$0x4FB0] =	vst v0  }
0x10d: {  	[tilespmem:$0x47C0] =	vst v0  }
0x10e: {  	[tilespmem:$0x4FC0] =	vst v0  }
0x10f: {  	[tilespmem:$0x47D0] =	vst v0  }
0x110: {  	[tilespmem:$0x4FD0] =	vst v0  }
0x111: {  	[tilespmem:$0x4758] =	vst v0  }
0x112: {  	[tilespmem:$0x4F58] =	vst v0  }
0x113: {  	s21 =	sand.u32 $0x3800, s17;
	s24 =	sand.u32 $0x200, s15;
	[tilespmem:$0x47D8] =	vst v0  }
0x114: {  	s18 =	sor.u32 s24, s21;
	[tilespmem:$0x4FD8] =	vst v0  }
0x115: {  	v2 =	vld [tilespmem:s18+$0x0]  }
0x116: {  	v3 =	vld [tilespmem:s18+$0x10]  }
0x117: {  	v4 =	vld [tilespmem:s18+$0x20]  }
0x118: {  	s19 =	simm.s32 $0x1;
	v5 =	vld [tilespmem:s18+$0x30]  }
0x119: {  	s19 =	simm.s32 @!p0 $0x0;
	v6 =	vld [tilespmem:s18+$0x40]  }
0x11a: {  	s19 =	sshll.u32 s19, $0x9;
	v7 =	vld [tilespmem:s18+$0x50]  }
0x11b: {  	s20 =	sadd.s32 s19, s17;
	v8 =	vld [tilespmem:s18+$0x60]  }
0x11c: {  	s22 =	sor.u32 $0x400, s20;
	v9 =	vld [tilespmem:s18+$0x70]  }
0x11d: {  	s25 =	sor.u32 $0x410, s20;
	v10 =	vld [tilespmem:s22+$0x0]  }
0x11e: {  	s26 =	sor.u32 $0x420, s20;
	v11 =	vld [tilespmem:s25+$0x0]  }
0x11f: {  	s23 =	sadd.s32 $0x100, s15;
	s28 =	sor.u32 $0x430, s20;
	v12 =	vld [tilespmem:s26+$0x0]  }
0x120: {  	s23 =	sand.u32 $0x300, s23;
	s29 =	sor.u32 $0x438, s20;
	v13 =	vld [tilespmem:s28+$0x0];
	v17 =	vshll.u32 v2, $0x1  }
0x121: {  	s21 =	sor.u32 s23, s21;
	v14 =	vld [tilespmem:s29+$0x0];
	v2 =	vand.u32 $0x7F, v2;
	v19 =	vshll.u32 v3, $0x1;
	v3 =	vand.u32 $0x7F, v3  }
0x122: {  	v15 =	vld [tilespmem:s21+$0x0];
	v21 =	vand.u32 $0x7F, v4;
	v4 =	vshll.u32 v4, $0x1;
	v22 =	vshll.u32 v5, $0x1  }
0x123: {  	v16 =	vld [tilespmem:s21+$0x10];
	v5 =	vand.u32 $0x7F, v5;
	v30 =	vand.u32 $0x7F, v6;
	v6 =	vshll.u32 v6, $0x1  }
0x124: {  	s30 =	sand.u32 $0x3, s14;
	v18 =	vld [tilespmem:s21+$0x20];
	v31 =	vshll.u32 v7, $0x1;
	v7 =	vand.u32 $0x7F, v7;
	v32 =	vshll.u32 v8, $0x1  }
0x125: {  	v20 =	vld [tilespmem:s21+$0x30];
	s22 =	sshll.u32 s30, $0x8;
	v8 =	vand.u32 $0x7F, v8;
	v27 =	vshll.u32 v9, $0x1;
	v9 =	vand.u32 $0x7F, v9  }
0x126: {  	v63 =	vld [tilespmem:s21+$0x40];
	s22 =	sadd.s32 $0x100, s22;
	v29 =	vand.u32 $0x7F, v10;
	v10 =	vshll.u32 v10, $0x1;
	v36 =	vand.u32 $0x7F, v11  }
0x127: {  	v23 =	vld [tilespmem:s21+$0x50];
	s22 =	sadd.s32 s22, s17;
	v38 =	vshll.u32 v12, $0x1;
	v39 =	vshll.u32 v13, $0x1;
	v41 =	vand.u32 $0x7F, v13  }
0x128: {  	v24 =	vld [tilespmem:s21+$0x60];
	s31 =	sor.u32 $0x400, s22;
	v43 =	vshll.u32 v14, $0x1;
	v44 =	vand.u32 $0x7F, v14;
	v45 =	vshll.u32 v15, $0x1  }
0x129: {  	s23 =	sor.u32 $0x410, s22;
	v25 =	vld [tilespmem:s31+$0x0];
	v46 =	vand.u32 $0x7F, v15;
	v48 =	vand.u32 $0x7F, v16;
	v17 =	vand.u32 $0xFFFFFF00, v17  }
0x12a: {  	s24 =	sor.u32 $0x420, s22;
	v26 =	vld [tilespmem:s23+$0x0];
	v49 =	vshll.u32 v16, $0x1;
	v62 =	vand.u32 $0xFFFFFF00, v19;
	v2 =	vor.u32 v2, v17  }
0x12b: {  	s25 =	sor.u32 $0x430, s22;
	v33 =	vld [tilespmem:s24+$0x0];
	v50 =	vshll.u32 v18, $0x1;
	v4 =	vand.u32 $0xFFFFFF00, v4;
	v3 =	vor.u32 v3, v62  }
0x12c: {  	s26 =	sor.u32 $0x438, s22;
	v28 =	vld [tilespmem:s25+$0x0];
	v52 =	vand.u32 $0x7F, v18;
	v22 =	vand.u32 $0xFFFFFF00, v22;
	v4 =	vor.u32 v21, v4  }
0x12d: {  	v35 =	vld [tilespmem:s26+$0x0];
	v55 =	vshll.u32 v20, $0x1;
	v6 =	vand.u32 $0xFFFFFF00, v6;
	v5 =	vor.u32 v5, v22  }
0x12e: {  	v56 =	vshll.u32 v63, $0x1;
	v17 =	vld [tilespmem:s21+$0x70];
	v22 =	vand.u32 $0xFFFFFF00, v31;
	v6 =	vor.u32 v30, v6  }
0x12f: {  	v57 =	vand.u32 $0x7F, v63;
	v21 =	vand.u32 $0xFFFFFF00, v32;
	v7 =	vor.u32 v7, v22;
	[tilespmem:v2+s8+$0x0] =	vst.idx.add.f32.msk $0xffff, v1  }
0x130: {  	v58 =	vshll.u32 v23, $0x1;
	v34 =	vand.u32 $0xFFFFFF00, v27;
	v8 =	vor.u32 v8, v21;
	[tilespmem:v3+s8+$0x0] =	vst.idx.add.f32.msk $0xffff, v1  }
0x131: {  	v30 =	vshll.u32 v11, $0x1;
	v9 =	vor.u32 v9, v34;
	v2 =	vand.u32 $0xFFFFFF00, v10;
	[tilespmem:v4+s8+$0x0] =	vst.idx.add.f32.msk $0xffff, v1  }
0x132: {  	v59 =	vand.u32 $0x7F, v23;
	v37 =	vand.u32 $0xFFFFFF00, v30;
	v2 =	vor.u32 v29, v2;
	[tilespmem:v5+s8+$0x0] =	vst.idx.add.f32.msk $0xffff, v1  }
0x133: {  	v40 =	vand.u32 $0xFFFFFF00, v38;
	v10 =	vor.u32 v36, v37;
	v3 =	vand.u32 $0x7F, v12;
	[tilespmem:v6+s8+$0x0] =	vst.idx.add.f32.msk $0xffff, v1  }
0x134: {  	v60 =	vshll.u32 v24, $0x1;
	v12 =	vand.u32 $0xFFFFFF00, v39;
	v3 =	vor.u32 v3, v40;
	[tilespmem:v7+s8+$0x0] =	vst.idx.add.f32.msk $0xffff, v1  }
0x135: {  	v61 =	vand.u32 $0x7F, v24;
	v42 =	vor.u32 v41, v12;
	v5 =	vand.u32 $0xFFFFFF00, v43;
	[tilespmem:v8+s8+$0x0] =	vst.idx.add.f32.msk $0xffff, v1  }
0x136: {  	v47 =	vand.u32 $0xFFFFFF00, v45;
	v51 =	vand.u32 $0xFFFFFF00, v49;
	v5 =	vor.u32 v44, v5;
	[tilespmem:v9+s8+$0x0] =	vst.idx.add.f32.msk $0xffff, v1  }
0x137: {  	v53 =	vor.u32 v48, v51;
	v11 =	vand.u32 $0xFFFFFF00, v56;
	v6 =	vor.u32 v46, v47;
	[tilespmem:v2+s8+$0x0] =	vst.idx.add.f32.msk $0xffff, v1  }
0x138: {  	v62 =	vand.u32 $0xFFFFFF00, v60;
	v13 =	vshll.u32 v25, $0x1;
	v12 =	vand.u32 $0xFFFFFF00, v50;
	[tilespmem:v10+s8+$0x0] =	vst.idx.add.f32.msk $0xffff, v1  }
0x139: {  	v54 =	vor.u32 v52, v12;
	v9 =	vand.u32 $0xFFFFFF00, v55;
	v2 =	vand.u32 $0x7F, v20;
	[tilespmem:v3+s8+$0x0] =	vst.idx.add.f32.msk $0xffff, v1  }
0x13a: {  	v15 =	vand.u32 $0x7F, v25;
	v18 =	vshll.u32 v26, $0x1;
	v2 =	vor.u32 v2, v9;
	[tilespmem:v42+s8+$0x0] =	vst.idx.add.f32.msk $0xffff, v1  }
0x13b: {  	v19 =	vshll.u32 v33, $0x1;
	v9 =	vand.u32 $0xFFFFFF00, v58;
	v3 =	vor.u32 v57, v11;
	[tilespmem:v5+s8+$0x0] =	vst.idx.add.f32.msk vm0, v1  }
0x13c: {  	v21 =	vshll.u32 v28, $0x1;
	v12 =	vshll.u32 v17, $0x1;
	v4 =	vor.u32 v59, v9;
	[tilespmem:v6+s9+$0x0] =	vst.idx.add.f32.msk $0xffff, v1  }
0x13d: {  	v63 =	vand.u32 $0x7F, v17;
	v14 =	vand.u32 $0xFFFFFF00, v12;
	v5 =	vor.u32 v61, v62;
	[tilespmem:v53+s9+$0x0] =	vst.idx.add.f32.msk $0xffff, v1  }
0x13e: {  	v22 =	vand.u32 $0x7F, v28;
	v11 =	vand.u32 $0xFFFFFF00, v13;
	v6 =	vor.u32 v63, v14;
	[tilespmem:v54+s9+$0x0] =	vst.idx.add.f32.msk $0xffff, v1  }
0x13f: {  	v17 =	vand.u32 $0x7F, v26;
	v16 =	vor.u32 v15, v11;
	[tilespmem:v2+s9+$0x0] =	vst.idx.add.f32.msk $0xffff, v1;
	v2 =	vand.u32 $0xFFFFFF00, v18  }
0x140: {  	v20 =	vand.u32 $0x7F, v33;
	v10 =	vand.u32 $0xFFFFFF00, v19;
	[tilespmem:v3+s9+$0x0] =	vst.idx.add.f32.msk $0xffff, v1;
	v2 =	vor.u32 v17, v2  }
0x141: {  	v23 =	vshll.u32 v35, $0x1;
	v8 =	vand.u32 $0xFFFFFF00, v21;
	v3 =	vor.u32 v20, v10;
	[tilespmem:v4+s9+$0x0] =	vst.idx.add.f32.msk $0xffff, v1  }
0x142: {  	v24 =	vand.u32 $0x7F, v35;
	v25 =	vand.u32 $0xFFFFFF00, v23;
	v4 =	vor.u32 v22, v8;
	[tilespmem:v5+s9+$0x0] =	vst.idx.add.f32.msk $0xffff, v1  }
0x143: {  	v5 =	vor.u32 v24, v25;
	[tilespmem:v6+s9+$0x0] =	vst.idx.add.f32.msk $0xffff, v1  }
0x144: {  	[tilespmem:v16+s9+$0x0] =	vst.idx.add.f32.msk $0xffff, v1  }
0x145: {  	[tilespmem:v2+s9+$0x0] =	vst.idx.add.f32.msk $0xffff, v1  }
0x146: {  	[tilespmem:v3+s9+$0x0] =	vst.idx.add.f32.msk $0xffff, v1  }
0x147: {  	[tilespmem:v4+s9+$0x0] =	vst.idx.add.f32.msk $0xffff, v1  }
0x148: {  	[tilespmem:v5+s9+$0x0] =	vst.idx.add.f32.msk vm0, v1  }
0x149: {  	v2 =	vld [tilespmem:s18+$0x80]  }
0x14a: {  	v3 =	vld [tilespmem:s18+$0x90]  }
0x14b: {  	v4 =	vld [tilespmem:s18+$0xA0]  }
0x14c: {  	v5 =	vld [tilespmem:s18+$0xB0]  }
0x14d: {  	v7 =	vld [tilespmem:s18+$0xC0]  }
0x14e: {  	v28 =	vld [tilespmem:s18+$0xD0]  }
0x14f: {  	s20 =	sadd.s32 $0x80, s20;
	v31 =	vld [tilespmem:s18+$0xE0]  }
0x150: {  	s28 =	sor.u32 $0x400, s20;
	v33 =	vld [tilespmem:s18+$0xF0]  }
0x151: {  	s29 =	sor.u32 $0x410, s20;
	v35 =	vld [tilespmem:s28+$0x0]  }
0x152: {  	s30 =	sor.u32 $0x420, s20;
	v36 =	vld [tilespmem:s29+$0x0]  }
0x153: {  	s31 =	sor.u32 $0x430, s20;
	v39 =	vld [tilespmem:s30+$0x0]  }
0x154: {  	s20 =	sor.u32 $0x438, s20;
	v40 =	vld [tilespmem:s31+$0x0];
	v26 =	vshll.u32 v2, $0x1  }
0x155: {  	v41 =	vld [tilespmem:s20+$0x0];
	v2 =	vand.u32 $0x7F, v2;
	v27 =	vshll.u32 v3, $0x1;
	v3 =	vand.u32 $0x7F, v3  }
0x156: {  	v43 =	vld [tilespmem:s18+$0x180];
	v30 =	vshll.u32 v4, $0x1;
	v4 =	vand.u32 $0x7F, v4;
	v32 =	vshll.u32 v5, $0x1  }
0x157: {  	v51 =	vld [tilespmem:s18+$0x1C0];
	v5 =	vand.u32 $0x7F, v5;
	v37 =	vand.u32 $0x7F, v7;
	v7 =	vshll.u32 v7, $0x1  }
0x158: {  	v53 =	vld [tilespmem:s18+$0x1D0];
	v38 =	vshll.u32 v28, $0x1;
	v9 =	vand.u32 $0x7F, v28;
	v42 =	vshll.u32 v31, $0x1  }
0x159: {  	v57 =	vld [tilespmem:s18+$0x1F0];
	v8 =	vand.u32 $0x7F, v31;
	v44 =	vshll.u32 v33, $0x1;
	v11 =	vand.u32 $0x7F, v33  }
0x15a: {  	v48 =	vshll.u32 v35, $0x1;
	v10 =	vand.u32 $0x7F, v35;
	v50 =	vshll.u32 v36, $0x1  }
0x15b: {  	s19 =	sor.u32 $0x180, s19;
	v55 =	vand.u32 $0x7F, v39;
	v14 =	vshll.u32 v39, $0x1;
	v56 =	vshll.u32 v40, $0x1  }
0x15c: {  	s19 =	sadd.s32 s19, s17;
	v45 =	vld [tilespmem:s18+$0x190];
	v15 =	vand.u32 $0x7F, v40;
	v60 =	vshll.u32 v41, $0x1;
	v12 =	vand.u32 $0x7F, v41  }
0x15d: {  	s21 =	sor.u32 $0x400, s19;
	v49 =	vld [tilespmem:s18+$0x1B0];
	v62 =	vshll.u32 v43, $0x1;
	v16 =	vand.u32 $0x7F, v43;
	v39 =	vshll.u32 v51, $0x1  }
0x15e: {  	s23 =	sor.u32 $0x420, s19;
	v58 =	vld [tilespmem:s21+$0x0];
	v41 =	vand.u32 $0x7F, v51;
	v43 =	vshll.u32 v53, $0x1;
	v51 =	vand.u32 $0x7F, v57  }
0x15f: {  	v61 =	vld [tilespmem:s23+$0x0];
	v6 =	vand.u32 $0xFFFFFF00, v26;
	v29 =	vand.u32 $0xFFFFFF00, v27;
	v34 =	vand.u32 $0xFFFFFF00, v32  }
0x160: {  	v7 =	vand.u32 $0xFFFFFF00, v7;
	v13 =	vand.u32 $0xFFFFFF00, v38;
	v46 =	vand.u32 $0xFFFFFF00, v44  }
0x161: {  	v52 =	vand.u32 $0xFFFFFF00, v50;
	v14 =	vand.u32 $0xFFFFFF00, v14;
	v23 =	vand.u32 $0xFFFFFF00, v56  }
0x162: {  	v32 =	vshll.u32 v45, $0x1;
	v38 =	vshll.u32 v49, $0x1;
	v17 =	vand.u32 $0xFFFFFF00, v39  }
0x163: {  	v44 =	vand.u32 $0x7F, v53;
	v50 =	vshll.u32 v57, $0x1;
	v53 =	vand.u32 $0x7F, v58  }
0x164: {  	v56 =	vshll.u32 v61, $0x1;
	v57 =	vand.u32 $0x7F, v61;
	v2 =	vor.u32 v6, v2  }
0x165: {  	v47 =	vld [tilespmem:s18+$0x1A0];
	v3 =	vor.u32 v29, v3;
	v6 =	vand.u32 $0xFFFFFF00, v30;
	v5 =	vor.u32 v34, v5  }
0x166: {  	v7 =	vor.u32 v7, v37;
	v9 =	vor.u32 v13, v9;
	v13 =	vand.u32 $0xFFFFFF00, v42  }
0x167: {  	v11 =	vor.u32 v46, v11;
	v14 =	vor.u32 v14, v55;
	v2 =	vor.u32 $0x80, v2  }
0x168: {  	s22 =	sor.u32 $0x410, s19;
	v54 =	vld [tilespmem:s18+$0x1E0];
	v15 =	vor.u32 v23, v15;
	v4 =	vor.u32 v6, v4;
	v3 =	vor.u32 $0x80, v3  }
0x169: {  	s24 =	sor.u32 $0x430, s19;
	v59 =	vld [tilespmem:s22+$0x0];
	v23 =	vand.u32 $0xFFFFFF00, v60;
	v30 =	vand.u32 $0xFFFFFF00, v62;
	v4 =	vor.u32 $0x80, v4  }
0x16a: {  	s25 =	sor.u32 $0x438, s19;
	v63 =	vld [tilespmem:s24+$0x0];
	v33 =	vand.u32 $0xFFFFFF00, v32;
	v34 =	vshll.u32 v47, $0x1;
	v5 =	vor.u32 $0x80, v5  }
0x16b: {  	v31 =	vld [tilespmem:s25+$0x0];
	v37 =	vand.u32 $0x7F, v49;
	v40 =	vand.u32 $0xFFFFFF00, v38;
	v7 =	vor.u32 $0x80, v7  }
0x16c: {  	v42 =	vor.u32 v17, v41;
	v9 =	vor.u32 $0x80, v9;
	v8 =	vor.u32 v13, v8;
	[tilespmem:v2+s8+$0x0] =	vst.idx.add.f32.msk $0xffff, v1  }
0x16d: {  	v46 =	vand.u32 $0x7F, v54;
	v13 =	vand.u32 $0xFFFFFF00, v48;
	v8 =	vor.u32 $0x80, v8;
	[tilespmem:v3+s8+$0x0] =	vst.idx.add.f32.msk $0xffff, v1  }
0x16e: {  	v6 =	vand.u32 $0x7F, v36;
	v11 =	vor.u32 $0x80, v11;
	v10 =	vor.u32 v13, v10;
	[tilespmem:v4+s8+$0x0] =	vst.idx.add.f32.msk $0xffff, v1  }
0x16f: {  	v55 =	vshll.u32 v59, $0x1;
	v6 =	vor.u32 v52, v6;
	v10 =	vor.u32 $0x80, v10;
	[tilespmem:v5+s8+$0x0] =	vst.idx.add.f32.msk $0xffff, v1  }
0x170: {  	v60 =	vand.u32 $0x7F, v63;
	v14 =	vor.u32 $0x80, v14;
	v6 =	vor.u32 $0x80, v6;
	[tilespmem:v7+s8+$0x0] =	vst.idx.add.f32.msk $0xffff, v1  }
0x171: {  	v15 =	vor.u32 $0x80, v15;
	v12 =	vor.u32 v23, v12;
	v16 =	vor.u32 v30, v16;
	[tilespmem:v9+s8+$0x0] =	vst.idx.add.f32.msk $0xffff, v1  }
0x172: {  	v35 =	vand.u32 $0xFFFFFF00, v34;
	v12 =	vor.u32 $0x80, v12;
	v36 =	vor.u32 $0x80, v16;
	[tilespmem:v8+s8+$0x0] =	vst.idx.add.f32.msk $0xffff, v1  }
0x173: {  	v52 =	vshll.u32 v58, $0x1;
	v61 =	vshll.u32 v31, $0x1;
	v2 =	vand.u32 $0x7F, v45;
	[tilespmem:v11+s8+$0x0] =	vst.idx.add.f32.msk $0xffff, v1  }
0x174: {  	v62 =	vand.u32 $0x7F, v31;
	v2 =	vor.u32 v33, v2;
	v3 =	vand.u32 $0x7F, v47;
	[tilespmem:v10+s8+$0x0] =	vst.idx.add.f32.msk $0xffff, v1  }
0x175: {  	v45 =	vshll.u32 v54, $0x1;
	v2 =	vor.u32 $0x80, v2;
	v3 =	vor.u32 v35, v3;
	[tilespmem:v6+s8+$0x0] =	vst.idx.add.f32.msk $0xffff, v1  }
0x176: {  	v54 =	vand.u32 $0x7F, v59;
	v3 =	vor.u32 $0x80, v3;
	v5 =	vor.u32 v40, v37;
	[tilespmem:v14+s8+$0x0] =	vst.idx.add.f32.msk $0xffff, v1  }
0x177: {  	v59 =	vshll.u32 v63, $0x1;
	v5 =	vor.u32 $0x80, v5;
	v8 =	vand.u32 $0xFFFFFF00, v43;
	[tilespmem:v15+s8+$0x0] =	vst.idx.add.f32.msk $0xffff, v1  }
0x178: {  	v47 =	vand.u32 $0xFFFFFF00, v45;
	v7 =	vor.u32 $0x80, v42;
	v8 =	vor.u32 v8, v44;
	[tilespmem:v12+s8+$0x0] =	vst.idx.add.f32.msk vm0, v1  }
0x179: {  	v49 =	vor.u32 v47, v46;
	v9 =	vand.u32 $0xFFFFFF00, v50;
	v48 =	vor.u32 $0x80, v8;
	[tilespmem:v36+s9+$0x0] =	vst.idx.add.f32.msk $0xffff, v1  }
0x17a: {  	v9 =	vor.u32 v9, v51;
	v11 =	vand.u32 $0xFFFFFF00, v52;
	v8 =	vor.u32 $0x80, v49;
	[tilespmem:v2+s9+$0x0] =	vst.idx.add.f32.msk $0xffff, v1  }
0x17b: {  	v9 =	vor.u32 $0x80, v9;
	v10 =	vor.u32 v11, v53;
	v2 =	vand.u32 $0xFFFFFF00, v55;
	[tilespmem:v3+s9+$0x0] =	vst.idx.add.f32.msk $0xffff, v1  }
0x17c: {  	v12 =	vand.u32 $0xFFFFFF00, v56;
	v3 =	vor.u32 $0x80, v10;
	v2 =	vor.u32 v2, v54;
	[tilespmem:v5+s9+$0x0] =	vst.idx.add.f32.msk $0xffff, v1  }
0x17d: {  	v58 =	vor.u32 v12, v57;
	v2 =	vor.u32 $0x80, v2;
	v5 =	vand.u32 $0xFFFFFF00, v59;
	[tilespmem:v7+s9+$0x0] =	vst.idx.add.f32.msk $0xffff, v1  }
0x17e: {  	v63 =	vand.u32 $0xFFFFFF00, v61;
	v4 =	vor.u32 $0x80, v58;
	v5 =	vor.u32 v5, v60;
	[tilespmem:v48+s9+$0x0] =	vst.idx.add.f32.msk $0xffff, v1  }
0x17f: {  	v6 =	vor.u32 v63, v62;
	v5 =	vor.u32 $0x80, v5;
	[tilespmem:v8+s9+$0x0] =	vst.idx.add.f32.msk $0xffff, v1  }
0x180: {  	v6 =	vor.u32 $0x80, v6;
	[tilespmem:v9+s9+$0x0] =	vst.idx.add.f32.msk $0xffff, v1  }
0x181: {  	[tilespmem:v3+s9+$0x0] =	vst.idx.add.f32.msk $0xffff, v1  }
0x182: {  	[tilespmem:v2+s9+$0x0] =	vst.idx.add.f32.msk $0xffff, v1  }
0x183: {  	s26 =	rddreg [dreg:$0x2];
	s28 =	sand.u32 $0x1C00, s15;
	[tilespmem:v4+s9+$0x0] =	vst.idx.add.f32.msk $0xffff, v1  }
0x184: {  	s17 =	sadd.s32 $0x400, s17;
	s29 =	sand.u32 $0x40, s16;
	s18 =	sadd.s32 s28, s26;
	[tilespmem:v5+s9+$0x0] =	vst.idx.add.f32.msk $0xffff, v1  }
0x185: {  	p1 =	sne.s32 s17, $0x4000;
	s18 =	sadd.s32 s29, s18;
	[tilespmem:v6+s9+$0x0] =	vst.idx.add.f32.msk vm0, v1  }
0x186: {  	[hbm4b:s18+s10] =	stream.strided.scatter [tilespmem:s8], [sflag:$0x1], $0x800, s11, s10, $0x38;
	[tilespmem:$0x5000] =	vst v63  }
.Ltmp0:
0x187: {  	s30 =	rddreg [dreg:$0x3];
	s31 =	sadd.s32 $0x20, s16;
	(pc) =	sbr.rel @p1 .LBB2_2-.Ltmp0, $4  }
0x188: {  	s14 =	sadd.s32 $0x2, s14;
	s19 =	sadd.s32 s15, s30;
	s18 =	sand.u32 $0x60, s31  }
0x189: {  	p0 =	por !p0, !p0;
	s19 =	sand.u32 $0x3FC00, s19;
	s18 =	sadd.s32 s3, s18  }
0x18a: {  	s16 =	sadd.s32 $0x40, s16;
	s15 =	sadd.s32 $0x200, s15;
	s18 =	sadd.s32 s19, s18  }
0x18b: {  	[hbm4b:s18+s10] =	stream.strided.scatter [tilespmem:s9], [sflag:$0x2], $0x800, s11, s10, $0x38;
	[tilespmem:$0x5000] =	vst v63  }
0x18c: {  	s13 =	sadd.s32 $0x1, s13  }
0x18d: {  	_ =	swait.ge [sflag:s7], $0x800;
	p0 =	sne.s32 s13, s5  }
.Ltmp1:
0x18e: {  	[sflag:s7] =	ssyncset.done $0x0;
	(pc) =	sbr.rel @p0 .LBB2_1-.Ltmp1, $4  }
0x18f: {  	[sflag:s7] =	ssyncadd.s32 $0xFFFFF800  }
0x190: {  	_ =	swait.ge [sflag:s12], $0x800  }
0x191: {  	[sflag:s12] =	ssyncset.done $0x0  }
0x192: {  	[sflag:s12] =	ssyncadd.s32 $0xFFFFF800  }
0x193: {  	_ =	sfence.sel $0x180000  }
0x194: {  	[bflag:$0x0] =	sbarrier.arrive $0xFFFF  }
0x195: {  	p0 =	sne.s32 s1, $0x0;
	_ =	strace $0x90000047  }
0x196: {  	s0 =	sadd.s32 @!p0 $0x100000, s0;
	[bflag:$0x2] =	sbarrier.arrive $0xFFFF  }
0x197: {  	[sflag:s0] =	ssyncadd.tile.s32 @!p0 $0x1;
	_ =	shalt  }
.Lfunc_end2:
_tile_overlayer_lowered:
.L_overlay_start_2:
0x198: {  	(tag) =	ssettag $0x2  }
0x199: {  	s0 =	rddreg [dreg:$0x0];
	s2 =	stileid.u32  }
0x19a: {  	s1 =	rddreg [dreg:$0x1];
	p0 =	sne.s32 s2, $0x0  }
0x19b: {  	s3 =	rddreg [dreg:$0x2];
	[bflag:$0x3] =	sbarrier.arrive $0xFFFF;
	s2 =	simm.s32 @!p0 $0x1C03  }
0x19c: {  	[timem:s3], [sflag:s2] =	dma.local @!p0 [hbm:s0], s1  }
0x19d: {  	s0 =	simm.s32 @!p0 $0x3  }
0x19e: {  	_ =	swait.ge @!p0 [sflag:s0], s1  }
0x19f: {  	s1 =	ssub.s32 @!p0 $0x0, s1;
	[sflag:s0] =	ssyncset.done @!p0 $0x0  }
0x1a0: {  	[sflag:s0] =	ssyncadd.s32 @!p0 s1  }
0x1a1: {  	[bflag:$0x3] =	sbarrier.arrive $0xFFFF  }
0x1a2: {  	_ =	shalt  }

// kernel: kernel.9.cloned.1.call-start
scs
__scs_entry_jumppad:
0x0: {  	(pc) =	sbr.rel $0x88, $3  }
0x1: {  	(tag) =	ssettag $0x0;
	lr =	simm.s32 $0x1  }
0x2: {  	[smem:$0x3F9E] =	sst lr;
	_ =	strace $0xD0000000  }
0x3: {  	_ = 	snop  }
0x4: {  	_ = 	snop  }
0x5: {  	_ = 	snop  }
0x6: {  	_ = 	snop  }
0x7: {  	_ = 	snop  }
__scs_overlays_trampoline_lowered:
0x8: {  	[smem:$0x3FAD] =	sst s0  }
0x9: {  	[smem:$0x3FAE] =	sst s1  }
0xa: {  	[smem:$0x3FAF] =	sst s2  }
0xb: {  	[smem:$0x3FB0] =	sst s3  }
0xc: {  	[smem:$0x3FB1] =	sst s4  }
0xd: {  	[smem:$0x3FB2] =	sst s5  }
0xe: {  	[smem:$0x3FB3] =	sst s6  }
0xf: {  	[smem:$0x3FB4] =	sst s7  }
0x10: {  	[smem:$0x3FB5] =	sst s8  }
0x11: {  	[smem:$0x3FB6] =	sst s9;
	s0 =	simm.s32 @!p0 $0x0  }
0x12: {  	s1 =	sld [smem:$0x3F9C];
	s0 =	simm.s32 @p0 $0x1  }
0x13: {  	[smem:$0x3FB7] =	sst s0;
	s0 =	simm.s32 @!p1 $0x0  }
0x14: {  	s2 =	sld [smem:$0x3F9B];
	s0 =	simm.s32 @p1 $0x1  }
0x15: {  	[smem:$0x3FB8] =	sst s0;
	s0 =	simm.s32 @!p2 $0x0  }
0x16: {  	s3 =	sld [smem:$0x3FDB];
	s0 =	simm.s32 @p2 $0x1  }
0x17: {  	s4 =	simm.s32 $0x1BF5;
	[smem:$0x3FBA] =	sst s0  }
0x18: {  	s0 =	sld [smem:$0x3F9D];
	_ =	swait.ge [sflag:s4], $0x0  }
0x19: {  	s7 =	sld [smem:$0x3F9E]  }
0x1a: {  	s8 =	sadd.s32 $0xFFFFE003, lr  }
0x1b: {  	s9 =	sadd.s32 $0xFFFFFEF7, lr;
	s5 =	simm.s32 $0xFFFFFFFF;
	p2 =	slt.u32 s8, $0xFFFFF086  }
0x1c: {  	p1 =	slt.u32 s9, $0xF7A;
	s5 =	simm.s32 @!p2 $0x0  }
0x1d: {  	s5 =	simm.s32 @p1 $0x1;
	p0 =	seq.s32 s7, s2  }
0x1e: {  	s7 =	smul.u32 @!p0 $0xF7A, s2;
	p2 =	seq.s32 @!p0 s5, $0x0  }
0x1f: {  	s9 =	smul.u32 $0xF7A, s1;
	s8 =	simm.s32 @!p0 $0x1BF5;
	p2 =	por !p2, p0  }
0x20: {  	[sflag:s8] =	ssyncset.s32 @!p0 $0xFFFFF086;
	s6 =	sadd.s32 @!p0 s3, s7;
	s7 =	simm.s32 @!p0 $0x108  }
0x21: {  	s3 =	sadd.s32 s3, s9;
	s6 =	sadd.s32 @!p0 $0x88, s6;
	s7 =	simm.s32 @p2 $0x1082  }
0x22: {  	[simem:s7], [sflag:s8] =	dma.local @!p0 [hbm:s6], $0xF7A  }
0x23: {  	s9 =	sor.u32 $0xD0000000, s2;
	s6 =	simm.s32 $0x108;
	_ =	swait.ge @!p0 [sflag:s8], $0x0  }
0x24: {  	s3 =	sadd.s32 $0x88, s3;
	s6 =	simm.s32 @!p1 $0x1082;
	[sflag:s4] =	ssyncset.s32 $0xFFFFF086  }
0x25: {  	[simem:s6], [sflag:s4] =	dma.local [hbm:s3], $0xF7A  }
0x26: {  	[smem:$0x3F9E] =	sst s1;
	(tag) =	ssettag s2;
	_ =	strace s9  }
0x27: {  	s1 =	sld [smem:$0x3FAE]  }
0x28: {  	s2 =	sld [smem:$0x3FAF]  }
0x29: {  	s4 =	sld [smem:$0x3FB1]  }
0x2a: {  	p0 =	seq.s32 s5, $0x0;
	s5 =	sld [smem:$0x3FB2]  }
0x2b: {  	s6 =	sld [smem:$0x3FB3]  }
0x2c: {  	s7 =	sld [smem:$0x3FB4]  }
0x2d: {  	s3 =	simm.s32 $0x108;
	s8 =	sld [smem:$0x3FB5]  }
0x2e: {  	s3 =	simm.s32 @!p0 $0x1082;
	s9 =	sld [smem:$0x3FB6]  }
0x2f: {  	lr =	sadd.s32 s0, s3;
	s0 =	sld [smem:$0x3FAD]  }
0x30: {  	s3 =	sld [smem:$0x3FB0]  }
0x31: {  	[smem:$0x3FB9] =	sst s10  }
0x32: {  	s10 =	sld [smem:$0x3FB7];
	_ =	sdelay $0x3  }
0x33: {  	p0 =	seq.s32 s10, $0x1;
	s10 =	sld [smem:$0x3FB9];
	_ =	sdelay $0x3  }
0x34: {  	[smem:$0x3FB9] =	sst s10  }
0x35: {  	s10 =	sld [smem:$0x3FB8];
	_ =	sdelay $0x3  }
0x36: {  	p1 =	seq.s32 s10, $0x1;
	s10 =	sld [smem:$0x3FB9];
	_ =	sdelay $0x3  }
0x37: {  	[smem:$0x3FB9] =	sst s10  }
0x38: {  	s10 =	sld [smem:$0x3FBA]  }
0x39: {  	_ = 	snop;
	(pc) =	sbr.ind lr, $3  }
0x3a: {  	_ = 	snop  }
0x3b: {  	_ = 	snop  }
0x3c: {  	p2 =	seq.s32 s10, $0x1;
	s10 =	sld [smem:$0x3FB9]  }
0x3d: {  	_ =	shalt  }
0x3e: {  	_ =	shalt  }
0x3f: {  	_ =	shalt  }
0x40: {  	_ =	shalt  }
0x41: {  	_ =	shalt  }
0x42: {  	_ =	shalt  }
0x43: {  	_ =	shalt  }
0x44: {  	_ =	shalt  }
0x45: {  	_ =	shalt  }
0x46: {  	_ =	shalt  }
0x47: {  	_ =	shalt  }
0x48: {  	_ =	shalt  }
0x49: {  	_ =	shalt  }
0x4a: {  	_ =	shalt  }
0x4b: {  	_ =	shalt  }
0x4c: {  	_ =	shalt  }
0x4d: {  	_ =	shalt  }
0x4e: {  	_ =	shalt  }
0x4f: {  	_ =	shalt  }
0x50: {  	_ =	shalt  }
0x51: {  	_ =	shalt  }
0x52: {  	_ =	shalt  }
0x53: {  	_ =	shalt  }
0x54: {  	_ =	shalt  }
0x55: {  	_ =	shalt  }
0x56: {  	_ =	shalt  }
0x57: {  	_ =	shalt  }
0x58: {  	_ =	shalt  }
0x59: {  	_ =	shalt  }
0x5a: {  	_ =	shalt  }
0x5b: {  	_ =	shalt  }
0x5c: {  	_ =	shalt  }
0x5d: {  	_ =	shalt  }
0x5e: {  	_ =	shalt  }
0x5f: {  	_ =	shalt  }
0x60: {  	_ =	shalt  }
0x61: {  	_ =	shalt  }
0x62: {  	_ =	shalt  }
0x63: {  	_ =	shalt  }
0x64: {  	_ =	shalt  }
0x65: {  	_ =	shalt  }
0x66: {  	_ =	shalt  }
0x67: {  	_ =	shalt  }
0x68: {  	_ =	shalt  }
0x69: {  	_ =	shalt  }
0x6a: {  	_ =	shalt  }
0x6b: {  	_ =	shalt  }
0x6c: {  	_ =	shalt  }
0x6d: {  	_ =	shalt  }
0x6e: {  	_ =	shalt  }
0x6f: {  	_ =	shalt  }
0x70: {  	_ =	shalt  }
0x71: {  	_ =	shalt  }
0x72: {  	_ =	shalt  }
0x73: {  	_ =	shalt  }
0x74: {  	_ =	shalt  }
0x75: {  	_ =	shalt  }
0x76: {  	_ =	shalt  }
0x77: {  	_ =	shalt  }
0x78: {  	_ =	shalt  }
0x79: {  	_ =	shalt  }
0x7a: {  	_ =	shalt  }
0x7b: {  	_ =	shalt  }
0x7c: {  	_ =	shalt  }
0x7d: {  	_ =	shalt  }
0x7e: {  	_ =	shalt  }
0x7f: {  	_ =	shalt  }
0x80: {  	_ =	shalt  }
0x81: {  	_ =	shalt  }
0x82: {  	_ =	shalt  }
0x83: {  	_ =	shalt  }
0x84: {  	_ =	shalt  }
0x85: {  	_ =	shalt  }
0x86: {  	_ =	shalt  }
0x87: {  	_ =	shalt  }
.Lfunc_end0:
.L_simem_size_0:
called_computation.1_lowered:
.L_overlay_start_0:
0x88: {  	s2 =	sld [smem:$0x3FD9]  }
0x89: {  	s3 =	sld [smem:$0x3FFE];
	_ =	sdelay $0x1  }
0x8a: {  	s1 =	srdreg.scid  }
0x8b: {  	s0 =	sand.u32 $0x1, s1  }
0x8c: {  	s17 =	sshll.u32 s0, $0xA;
	s2 =	sadd.s32 s3, s2  }
0x8d: {  	s2 =	sadd.s32 s2, s17  }
0x8e: {  	[smem:$0x3FC5] =	sst s2  }
0x8f: {  	_ = 	snop  }
0x90: {  	(tm) =	ssettm $0x1  }
0x91: {  	s18 =	sld [smem:$0x3FFB];
	_ =	sdelay $0x3  }
0x92: {  	_ =	strace s18  }
0x93: {  	s2 =	sld [smem:$0x3FFC];
	_ =	sdelay $0x3  }
0x94: {  	_ =	strace s2  }
0x95: {  	s2 =	sld [smem:$0x3FFD];
	_ =	sdelay $0x3  }
0x96: {  	_ =	strace s2  }
0x97: {  	_ =	strace $0x8FFFFFFF  }
0x98: {  	s19 =	sld [smem:$0x3FDB];
	_ =	sdelay $0x1  }
0x99: {  	s20 =	simm.s32 $_scs_section_size  }
0x9a: {  	s4 =	simm.s32 $_size__tile_overlayer_lowered;
	s5 =	simm.s32 $_tile_overlayer_lowered  }
0x9b: {  	s6 =	simm.s32 $0x1BFF;
	s21 =	sshll.u32 s5, $0x1;
	s3 =	sadd.s32 s20, s19  }
0x9c: {  	s22 =	simm.s32 $0x0;
	s4 =	sshll.u32 s4, $0x1;
	s5 =	sadd.s32 s21, s3  }
0x9d: {  	[timem:s22], [sflag:s6] =	dma.local [hbm:s5], s4  }
0x9e: {  	_ =	swait.ge [sflag:s6], s4  }
0x9f: {  	s4 =	ssub.s32 $0x0, s4;
	[sflag:s6] =	ssyncset.done $0x0  }
0xa0: {  	[sflag:s6] =	ssyncadd.s32 s4;
	_ =	sdelay $0x1  }
0xa1: {  	s23 =	simm.s32 $0x1B8B  }
0xa2: {  	_ =	swait.ge [sflag:s23], $0x1  }
0xa3: {  	[sflag:s23] =	ssyncset.done $0x0  }
0xa4: {  	[sflag:s23] =	ssyncadd.s32 $0xFFFFFFFF  }
0xa5: {  	s4 =	sld [smem:$0x0]  }
0xa6: {  	s5 =	sand.u32 $0xFFFFFFFE, s1  }
0xa7: {  	p0 =	sne.s32 s1, s5  }
0xa8: {  	s5 =	sshll.u32 @p0 s5, $0xE  }
0xa9: {  	s5 =	sadd.s32 @p0 $0x11B8D, s5;
	s6 =	sshll.u32 @p0 s4, $0x11  }
0xaa: {  	s5 =	sor.u32 @p0 s6, s5  }
0xab: {  	[sflag:s5] =	ssyncadd.remote.s32 @p0 $0x1;
	_ =	sdelay $0x1  }
0xac: {  	s5 =	simm.s32 @p0 $0x1B8D  }
0xad: {  	_ =	swait.eq @p0 [sflag:s5], $0x1  }
0xae: {  	[sflag:s5] =	ssyncadd.s32 @p0 $0xFFFFFFFF  }
0xaf: {  	s6 =	sshll.u32 @!p0 s1, $0xE  }
0xb0: {  	s6 =	sor.u32 @!p0 $0x4000, s6;
	s5 =	simm.s32 @!p0 $0x1B8D  }
0xb1: {  	s4 =	sshll.u32 @!p0 s4, $0x11;
	s6 =	sadd.s32 @!p0 $0x11B8D, s6;
	_ =	swait.eq @!p0 [sflag:s5], $0x1  }
0xb2: {  	s4 =	sor.u32 @!p0 s4, s6;
	[sflag:s5] =	ssyncadd.s32 @!p0 $0xFFFFFFFF  }
0xb3: {  	s25 =	simm.s32 $0x1B8E;
	s24 =	sld [smem:$0x3FFE];
	[sflag:s4] =	ssyncadd.remote.s32 @!p0 $0x1  }
0xb4: {  	s26 =	simm.s32 $execute0_lowered;
	[smem:$0x3FD2] =	sst s25  }
0xb5: {  	s5 =	sshll.u32 s26, $0x1;
	_ =	strace $0x80000049;
	[dreg:$0x1] =	wrdreg $0xFFFFFFFF  }
0xb6: {  	s28 =	simm.s32 $_size_execute0_lowered;
	s3 =	sadd.s32 s3, s5;
	[dreg:$0x0] =	wrdreg $0x0  }
0xb7: {  	s5 =	sshll.u32 s28, $0x1;
	[dreg:$0x2] =	wrdreg s3  }
0xb8: {  	[dreg:$0x3] =	wrdreg s5  }
0xb9: {  	[dreg:$0x4] =	wrdreg $0xC0  }
0xba: {  	_ =	task [dreg:s22], $0x5FFFF  }
0xbb: {  	[dreg:$0x1] =	wrdreg $0xFFFFFFFF  }
0xbc: {  	[dreg:$0x0] =	wrdreg $0x60  }
0xbd: {  	[dreg:$0x2] =	wrdreg s24  }
0xbe: {  	[dreg:$0x3] =	wrdreg $0xA  }
0xbf: {  	_ =	task.clear_ibuf [dreg:s22], $0x4FFFF;
	_ =	strace $0x90000049  }
0xc0: {  	s29 =	simm.s32 $0xA;
	_ =	strace $0x8000004B  }
0xc1: {  	_ =	swait.ge [sflag:s29], $0x1  }
0xc2: {  	[sflag:s29] =	ssyncadd.s32 $0xFFFFFFFF  }
0xc3: {  	_ =	strace $0x9000004B  }
0xc4: {  	_ =	sfence  }
0xc5: {  	s30 =	sld [smem:$0x0];
	_ =	sdelay $0x2  }
0xc6: {  	s31 =	sshll.u32 s1, $0xD;
	s1 =	sshrl.u32 s1, $0x2  }
0xc7: {  	s4 =	sand.u32 $0x4000, s31;
	s1 =	sadd.s32 s1, s30  }
0xc8: {  	s0 =	sor.u32 s4, s0;
	s1 =	sshll.u32 s1, $0x11  }
0xc9: {  	s0 =	sor.u32 s1, s0  }
0xca: {  	s0 =	sadd.s32 $0x8F2B, s0  }
0xcb: {  	[sflag:s0] =	ssyncadd.remote.s32 $0x1  }
0xcc: {  	_ =	sfence.sel $0xFFFF  }
0xcd: {  	[dreg:$0x0] =	wrdreg $0xFFFFFFFF;
	(pc) =	sbr.abs _section_cstart, $3  }
0xce: {  	[dreg:$0x1] =	wrdreg $0xFFFFFFFF  }
0xcf: {  	_ =	task.clear_ibuf [dreg:s22], $0x2FFFF;
	_ =	strace $0x9FFFFFFF  }
0xd0: {  	(tm) =	ssettm $0x7FFFFFFF  }
0xd1: {  	_ =	shalt  }
tec
execute0_lowered:
.L_overlay_start_1:
0x0: {  	(tag) =	ssettag $0x1  }
0x1: {  	s3 =	rddreg [dreg:$0x0];
	s2 =	srdreg.scid  }
0x2: {  	s0 =	rddreg [dreg:$0x1];
	s1 =	stileid.u32  }
0x3: {  	s10 =	simm.s32 $0x100;
	s11 =	simm.s32 $0x400;
	s12 =	simm.s32 $0x2  }
0x4: {  	s13 =	simm.s32 $0x0;
	s5 =	sand.u32 $0x1, s2;
	s2 =	simm.s32 $0x0  }
0x5: {  	s4 =	sshll.u32 s1, $0x7;
	s30 =	sshll.u32 s1, $0xE;
	s6 =	sshll.u32 s5, $0x6  }
0x6: {  	[smem:$0x7FF] =	sst s2;
	s7 =	ssub.s32 $0x2, s5;
	s9 =	sshll.u32 s5, $0xD  }
0x7: {  	s6 =	sor.u32 s6, s4;
	_ =	strace $0x8000004A;
	s8 =	sshrl.u32 s7, $0x1  }
0x8: {  	s31 =	sor.u32 s9, s30;
	s9 =	simm.s32 $0x4800;
	s4 =	sshll.u32 s6, $0x5  }
0x9: {  	s7 =	ssub.s32 s7, s8;
	s6 =	sshll.u32 s6, $0x7;
	[dreg:$0x3] =	wrdreg s31  }
0xa: {  	s8 =	simm.s32 $0x4000;
	s4 =	sadd.s32 s4, s3;
	s3 =	sadd.s32 $0x61200, s3  }
0xb: {  	s5 =	smax.u32 s7, $0x1;
	s7 =	simm.s32 $0x1;
	s6 =	sadd.s32 s3, s6  }
0xc: {  	v0 =	vimm.f32 $0.0e+00;
	v1 =	vimm.f32 $1.000000000e+00;
	vm0 =	vcmask $0x3F20;
	s4 =	sadd.s32 $0x51200, s4;
	[dreg:$0x2] =	wrdreg s6;
	s6 =	simm.s32 $0x3  }
.LBB2_1:
0xd: {  	[tilespmem:s2], [sflag:$0x3] =	stream.linear.gather [hbm4b:s4+s2], $0x4000, $0x38;
	[tilespmem:$0x5000] =	vst v63  }
0xe: {  	p0 =	por $0x0, $0x0;
	_ =	swait.ge [sflag:s6], $0x4000  }
0xf: {  	s14 =	simm.s32 $0x0;
	s15 =	simm.s32 $0x0;
	[sflag:s6] =	ssyncset.done $0x0  }
0x10: {  	s16 =	simm.s32 $0x0;
	s17 =	simm.s32 $0x0;
	[sflag:s6] =	ssyncadd.s32 $0xFFFFC000  }
.LBB2_2:
0x11: {  	p1 =	seq.s32 s17, $0x0  }
0x12: {  	s18 =	simm.s32 @!p1 $0x1  }
0x13: {  	_ =	swait.ge @!p1 [sflag:s18], $0x800  }
0x14: {  	[sflag:s18] =	ssyncset.done @!p1 $0x0  }
0x15: {  	[sflag:s18] =	ssyncadd.s32 @!p1 $0xFFFFF800;
	s18 =	simm.s32 @!p1 $0x2  }
0x16: {  	_ =	swait.ge @!p1 [sflag:s18], $0x800  }
0x17: {  	[sflag:s18] =	ssyncset.done @!p1 $0x0  }
0x18: {  	[sflag:s18] =	ssyncadd.s32 @!p1 $0xFFFFF800  }
0x19: {  	[tilespmem:$0x4000] =	vst v0  }
0x1a: {  	[tilespmem:$0x4800] =	vst v0  }
0x1b: {  	[tilespmem:$0x4010] =	vst v0  }
0x1c: {  	[tilespmem:$0x4810] =	vst v0  }
0x1d: {  	[tilespmem:$0x4020] =	vst v0  }
0x1e: {  	[tilespmem:$0x4820] =	vst v0  }
0x1f: {  	[tilespmem:$0x4030] =	vst v0  }
0x20: {  	[tilespmem:$0x4830] =	vst v0  }
0x21: {  	[tilespmem:$0x4040] =	vst v0  }
0x22: {  	[tilespmem:$0x4840] =	vst v0  }
0x23: {  	[tilespmem:$0x4050] =	vst v0  }
0x24: {  	[tilespmem:$0x4850] =	vst v0  }
0x25: {  	[tilespmem:$0x4060] =	vst v0  }
0x26: {  	[tilespmem:$0x4860] =	vst v0  }
0x27: {  	[tilespmem:$0x4070] =	vst v0  }
0x28: {  	[tilespmem:$0x4870] =	vst v0  }
0x29: {  	[tilespmem:$0x4100] =	vst v0  }
0x2a: {  	[tilespmem:$0x4900] =	vst v0  }
0x2b: {  	[tilespmem:$0x4110] =	vst v0  }
0x2c: {  	[tilespmem:$0x4910] =	vst v0  }
0x2d: {  	[tilespmem:$0x4120] =	vst v0  }
0x2e: {  	[tilespmem:$0x4920] =	vst v0  }
0x2f: {  	[tilespmem:$0x4130] =	vst v0  }
0x30: {  	[tilespmem:$0x4930] =	vst v0  }
0x31: {  	[tilespmem:$0x4140] =	vst v0  }
0x32: {  	[tilespmem:$0x4940] =	vst v0  }
0x33: {  	[tilespmem:$0x4150] =	vst v0  }
0x34: {  	[tilespmem:$0x4950] =	vst v0  }
0x35: {  	[tilespmem:$0x4160] =	vst v0  }
0x36: {  	[tilespmem:$0x4960] =	vst v0  }
0x37: {  	[tilespmem:$0x4170] =	vst v0  }
0x38: {  	[tilespmem:$0x4970] =	vst v0  }
0x39: {  	[tilespmem:$0x4200] =	vst v0  }
0x3a: {  	[tilespmem:$0x4A00] =	vst v0  }
0x3b: {  	[tilespmem:$0x4210] =	vst v0  }
0x3c: {  	[tilespmem:$0x4A10] =	vst v0  }
0x3d: {  	[tilespmem:$0x4220] =	vst v0  }
0x3e: {  	[tilespmem:$0x4A20] =	vst v0  }
0x3f: {  	[tilespmem:$0x4230] =	vst v0  }
0x40: {  	[tilespmem:$0x4A30] =	vst v0  }
0x41: {  	[tilespmem:$0x4240] =	vst v0  }
0x42: {  	[tilespmem:$0x4A40] =	vst v0  }
0x43: {  	[tilespmem:$0x4250] =	vst v0  }
0x44: {  	[tilespmem:$0x4A50] =	vst v0  }
0x45: {  	[tilespmem:$0x4260] =	vst v0  }
0x46: {  	[tilespmem:$0x4A60] =	vst v0  }
0x47: {  	[tilespmem:$0x4270] =	vst v0  }
0x48: {  	[tilespmem:$0x4A70] =	vst v0  }
0x49: {  	[tilespmem:$0x4300] =	vst v0  }
0x4a: {  	[tilespmem:$0x4B00] =	vst v0  }
0x4b: {  	[tilespmem:$0x4310] =	vst v0  }
0x4c: {  	[tilespmem:$0x4B10] =	vst v0  }
0x4d: {  	[tilespmem:$0x4320] =	vst v0  }
0x4e: {  	[tilespmem:$0x4B20] =	vst v0  }
0x4f: {  	[tilespmem:$0x4330] =	vst v0  }
0x50: {  	[tilespmem:$0x4B30] =	vst v0  }
0x51: {  	[tilespmem:$0x4340] =	vst v0  }
0x52: {  	[tilespmem:$0x4B40] =	vst v0  }
0x53: {  	[tilespmem:$0x4350] =	vst v0  }
0x54: {  	[tilespmem:$0x4B50] =	vst v0  }
0x55: {  	[tilespmem:$0x4360] =	vst v0  }
0x56: {  	[tilespmem:$0x4B60] =	vst v0  }
0x57: {  	[tilespmem:$0x4370] =	vst v0  }
0x58: {  	[tilespmem:$0x4B70] =	vst v0  }
0x59: {  	[tilespmem:$0x4400] =	vst v0  }
0x5a: {  	[tilespmem:$0x4C00] =	vst v0  }
0x5b: {  	[tilespmem:$0x4410] =	vst v0  }
0x5c: {  	[tilespmem:$0x4C10] =	vst v0  }
0x5d: {  	[tilespmem:$0x4420] =	vst v0  }
0x5e: {  	[tilespmem:$0x4C20] =	vst v0  }
0x5f: {  	[tilespmem:$0x4430] =	vst v0  }
0x60: {  	[tilespmem:$0x4C30] =	vst v0  }
0x61: {  	[tilespmem:$0x4440] =	vst v0  }
0x62: {  	[tilespmem:$0x4C40] =	vst v0  }
0x63: {  	[tilespmem:$0x4450] =	vst v0  }
0x64: {  	[tilespmem:$0x4C50] =	vst v0  }
0x65: {  	[tilespmem:$0x4460] =	vst v0  }
0x66: {  	[tilespmem:$0x4C60] =	vst v0  }
0x67: {  	[tilespmem:$0x4470] =	vst v0  }
0x68: {  	[tilespmem:$0x4C70] =	vst v0  }
0x69: {  	[tilespmem:$0x4500] =	vst v0  }
0x6a: {  	[tilespmem:$0x4D00] =	vst v0  }
0x6b: {  	[tilespmem:$0x4510] =	vst v0  }
0x6c: {  	[tilespmem:$0x4D10] =	vst v0  }
0x6d: {  	[tilespmem:$0x4520] =	vst v0  }
0x6e: {  	[tilespmem:$0x4D20] =	vst v0  }
0x6f: {  	[tilespmem:$0x4530] =	vst v0  }
0x70: {  	[tilespmem:$0x4D30] =	vst v0  }
0x71: {  	[tilespmem:$0x4540] =	vst v0  }
0x72: {  	[tilespmem:$0x4D40] =	vst v0  }
0x73: {  	[tilespmem:$0x4550] =	vst v0  }
0x74: {  	[tilespmem:$0x4D50] =	vst v0  }
0x75: {  	[tilespmem:$0x4560] =	vst v0  }
0x76: {  	[tilespmem:$0x4D60] =	vst v0  }
0x77: {  	[tilespmem:$0x4570] =	vst v0  }
0x78: {  	[tilespmem:$0x4D70] =	vst v0  }
0x79: {  	[tilespmem:$0x4600] =	vst v0  }
0x7a: {  	[tilespmem:$0x4E00] =	vst v0  }
0x7b: {  	[tilespmem:$0x4610] =	vst v0  }
0x7c: {  	[tilespmem:$0x4E10] =	vst v0  }
0x7d: {  	[tilespmem:$0x4620] =	vst v0  }
0x7e: {  	[tilespmem:$0x4E20] =	vst v0  }
0x7f: {  	[tilespmem:$0x4630] =	vst v0  }
0x80: {  	[tilespmem:$0x4E30] =	vst v0  }
0x81: {  	[tilespmem:$0x4640] =	vst v0  }
0x82: {  	[tilespmem:$0x4E40] =	vst v0  }
0x83: {  	[tilespmem:$0x4650] =	vst v0  }
0x84: {  	[tilespmem:$0x4E50] =	vst v0  }
0x85: {  	[tilespmem:$0x4660] =	vst v0  }
0x86: {  	[tilespmem:$0x4E60] =	vst v0  }
0x87: {  	[tilespmem:$0x4670] =	vst v0  }
0x88: {  	[tilespmem:$0x4E70] =	vst v0  }
0x89: {  	[tilespmem:$0x4700] =	vst v0  }
0x8a: {  	[tilespmem:$0x4F00] =	vst v0  }
0x8b: {  	[tilespmem:$0x4710] =	vst v0  }
0x8c: {  	[tilespmem:$0x4F10] =	vst v0  }
0x8d: {  	[tilespmem:$0x4720] =	vst v0  }
0x8e: {  	[tilespmem:$0x4F20] =	vst v0  }
0x8f: {  	[tilespmem:$0x4730] =	vst v0  }
0x90: {  	[tilespmem:$0x4F30] =	vst v0  }
0x91: {  	[tilespmem:$0x4740] =	vst v0  }
0x92: {  	[tilespmem:$0x4F40] =	vst v0  }
0x93: {  	[tilespmem:$0x4750] =	vst v0  }
0x94: {  	[tilespmem:$0x4F50] =	vst v0  }
0x95: {  	[tilespmem:$0x4080] =	vst v0  }
0x96: {  	[tilespmem:$0x4880] =	vst v0  }
0x97: {  	[tilespmem:$0x4090] =	vst v0  }
0x98: {  	[tilespmem:$0x4890] =	vst v0  }
0x99: {  	[tilespmem:$0x40A0] =	vst v0  }
0x9a: {  	[tilespmem:$0x48A0] =	vst v0  }
0x9b: {  	[tilespmem:$0x40B0] =	vst v0  }
0x9c: {  	[tilespmem:$0x48B0] =	vst v0  }
0x9d: {  	[tilespmem:$0x40C0] =	vst v0  }
0x9e: {  	[tilespmem:$0x48C0] =	vst v0  }
0x9f: {  	[tilespmem:$0x40D0] =	vst v0  }
0xa0: {  	[tilespmem:$0x48D0] =	vst v0  }
0xa1: {  	[tilespmem:$0x40E0] =	vst v0  }
0xa2: {  	[tilespmem:$0x48E0] =	vst v0  }
0xa3: {  	[tilespmem:$0x40F0] =	vst v0  }
0xa4: {  	[tilespmem:$0x48F0] =	vst v0  }
0xa5: {  	[tilespmem:$0x4180] =	vst v0  }
0xa6: {  	[tilespmem:$0x4980] =	vst v0  }
0xa7: {  	[tilespmem:$0x4190] =	vst v0  }
0xa8: {  	[tilespmem:$0x4990] =	vst v0  }
0xa9: {  	[tilespmem:$0x41A0] =	vst v0  }
0xaa: {  	[tilespmem:$0x49A0] =	vst v0  }
0xab: {  	[tilespmem:$0x41B0] =	vst v0  }
0xac: {  	[tilespmem:$0x49B0] =	vst v0  }
0xad: {  	[tilespmem:$0x41C0] =	vst v0  }
0xae: {  	[tilespmem:$0x49C0] =	vst v0  }
0xaf: {  	[tilespmem:$0x41D0] =	vst v0  }
0xb0: {  	[tilespmem:$0x49D0] =	vst v0  }
0xb1: {  	[tilespmem:$0x41E0] =	vst v0  }
0xb2: {  	[tilespmem:$0x49E0] =	vst v0  }
0xb3: {  	[tilespmem:$0x41F0] =	vst v0  }
0xb4: {  	[tilespmem:$0x49F0] =	vst v0  }
0xb5: {  	[tilespmem:$0x4280] =	vst v0  }
0xb6: {  	[tilespmem:$0x4A80] =	vst v0  }
0xb7: {  	[tilespmem:$0x4290] =	vst v0  }
0xb8: {  	[tilespmem:$0x4A90] =	vst v0  }
0xb9: {  	[tilespmem:$0x42A0] =	vst v0  }
0xba: {  	[tilespmem:$0x4AA0] =	vst v0  }
0xbb: {  	[tilespmem:$0x42B0] =	vst v0  }
0xbc: {  	[tilespmem:$0x4AB0] =	vst v0  }
0xbd: {  	[tilespmem:$0x42C0] =	vst v0  }
0xbe: {  	[tilespmem:$0x4AC0] =	vst v0  }
0xbf: {  	[tilespmem:$0x42D0] =	vst v0  }
0xc0: {  	[tilespmem:$0x4AD0] =	vst v0  }
0xc1: {  	[tilespmem:$0x42E0] =	vst v0  }
0xc2: {  	[tilespmem:$0x4AE0] =	vst v0  }
0xc3: {  	[tilespmem:$0x42F0] =	vst v0  }
0xc4: {  	[tilespmem:$0x4AF0] =	vst v0  }
0xc5: {  	[tilespmem:$0x4380] =	vst v0  }
0xc6: {  	[tilespmem:$0x4B80] =	vst v0  }
0xc7: {  	[tilespmem:$0x4390] =	vst v0  }
0xc8: {  	[tilespmem:$0x4B90] =	vst v0  }
0xc9: {  	[tilespmem:$0x43A0] =	vst v0  }
0xca: {  	[tilespmem:$0x4BA0] =	vst v0  }
0xcb: {  	[tilespmem:$0x43B0] =	vst v0  }
0xcc: {  	[tilespmem:$0x4BB0] =	vst v0  }
0xcd: {  	[tilespmem:$0x43C0] =	vst v0  }
0xce: {  	[tilespmem:$0x4BC0] =	vst v0  }
0xcf: {  	[tilespmem:$0x43D0] =	vst v0  }
0xd0: {  	[tilespmem:$0x4BD0] =	vst v0  }
0xd1: {  	[tilespmem:$0x43E0] =	vst v0  }
0xd2: {  	[tilespmem:$0x4BE0] =	vst v0  }
0xd3: {  	[tilespmem:$0x43F0] =	vst v0  }
0xd4: {  	[tilespmem:$0x4BF0] =	vst v0  }
0xd5: {  	[tilespmem:$0x4480] =	vst v0  }
0xd6: {  	[tilespmem:$0x4C80] =	vst v0  }
0xd7: {  	[tilespmem:$0x4490] =	vst v0  }
0xd8: {  	[tilespmem:$0x4C90] =	vst v0  }
0xd9: {  	[tilespmem:$0x44A0] =	vst v0  }
0xda: {  	[tilespmem:$0x4CA0] =	vst v0  }
0xdb: {  	[tilespmem:$0x44B0] =	vst v0  }
0xdc: {  	[tilespmem:$0x4CB0] =	vst v0  }
0xdd: {  	[tilespmem:$0x44C0] =	vst v0  }
0xde: {  	[tilespmem:$0x4CC0] =	vst v0  }
0xdf: {  	[tilespmem:$0x44D0] =	vst v0  }
0xe0: {  	[tilespmem:$0x4CD0] =	vst v0  }
0xe1: {  	[tilespmem:$0x44E0] =	vst v0  }
0xe2: {  	[tilespmem:$0x4CE0] =	vst v0  }
0xe3: {  	[tilespmem:$0x44F0] =	vst v0  }
0xe4: {  	[tilespmem:$0x4CF0] =	vst v0  }
0xe5: {  	[tilespmem:$0x4580] =	vst v0  }
0xe6: {  	[tilespmem:$0x4D80] =	vst v0  }
0xe7: {  	[tilespmem:$0x4590] =	vst v0  }
0xe8: {  	[tilespmem:$0x4D90] =	vst v0  }
0xe9: {  	[tilespmem:$0x45A0] =	vst v0  }
0xea: {  	[tilespmem:$0x4DA0] =	vst v0  }
0xeb: {  	[tilespmem:$0x45B0] =	vst v0  }
0xec: {  	[tilespmem:$0x4DB0] =	vst v0  }
0xed: {  	[tilespmem:$0x45C0] =	vst v0  }
0xee: {  	[tilespmem:$0x4DC0] =	vst v0  }
0xef: {  	[tilespmem:$0x45D0] =	vst v0  }
0xf0: {  	[tilespmem:$0x4DD0] =	vst v0  }
0xf1: {  	[tilespmem:$0x45E0] =	vst v0  }
0xf2: {  	[tilespmem:$0x4DE0] =	vst v0  }
0xf3: {  	[tilespmem:$0x45F0] =	vst v0  }
0xf4: {  	[tilespmem:$0x4DF0] =	vst v0  }
0xf5: {  	[tilespmem:$0x4680] =	vst v0  }
0xf6: {  	[tilespmem:$0x4E80] =	vst v0  }
0xf7: {  	[tilespmem:$0x4690] =	vst v0  }
0xf8: {  	[tilespmem:$0x4E90] =	vst v0  }
0xf9: {  	[tilespmem:$0x46A0] =	vst v0  }
0xfa: {  	[tilespmem:$0x4EA0] =	vst v0  }
0xfb: {  	[tilespmem:$0x46B0] =	vst v0  }
0xfc: {  	[tilespmem:$0x4EB0] =	vst v0  }
0xfd: {  	[tilespmem:$0x46C0] =	vst v0  }
0xfe: {  	[tilespmem:$0x4EC0] =	vst v0  }
0xff: {  	[tilespmem:$0x46D0] =	vst v0  }
0x100: {  	[tilespmem:$0x4ED0] =	vst v0  }
0x101: {  	[tilespmem:$0x46E0] =	vst v0  }
0x102: {  	[tilespmem:$0x4EE0] =	vst v0  }
0x103: {  	[tilespmem:$0x46F0] =	vst v0  }
0x104: {  	[tilespmem:$0x4EF0] =	vst v0  }
0x105: {  	[tilespmem:$0x4780] =	vst v0  }
0x106: {  	[tilespmem:$0x4F80] =	vst v0  }
0x107: {  	[tilespmem:$0x4790] =	vst v0  }
0x108: {  	[tilespmem:$0x4F90] =	vst v0  }
0x109: {  	[tilespmem:$0x47A0] =	vst v0  }
0x10a: {  	[tilespmem:$0x4FA0] =	vst v0  }
0x10b: {  	[tilespmem:$0x47B0] =	vst v0  }
0x10c: {  	[tilespmem:$0x4FB0] =	vst v0  }
0x10d: {  	[tilespmem:$0x47C0] =	vst v0  }
0x10e: {  	[tilespmem:$0x4FC0] =	vst v0  }
0x10f: {  	[tilespmem:$0x47D0] =	vst v0  }
0x110: {  	[tilespmem:$0x4FD0] =	vst v0  }
0x111: {  	[tilespmem:$0x4758] =	vst v0  }
0x112: {  	[tilespmem:$0x4F58] =	vst v0  }
0x113: {  	s21 =	sand.u32 $0x3800, s17;
	s24 =	sand.u32 $0x200, s15;
	[tilespmem:$0x47D8] =	vst v0  }
0x114: {  	s18 =	sor.u32 s24, s21;
	[tilespmem:$0x4FD8] =	vst v0  }
0x115: {  	v2 =	vld [tilespmem:s18+$0x0]  }
0x116: {  	v3 =	vld [tilespmem:s18+$0x10]  }
0x117: {  	v4 =	vld [tilespmem:s18+$0x20]  }
0x118: {  	s19 =	simm.s32 $0x1;
	v5 =	vld [tilespmem:s18+$0x30]  }
0x119: {  	s19 =	simm.s32 @!p0 $0x0;
	v6 =	vld [tilespmem:s18+$0x40]  }
0x11a: {  	s19 =	sshll.u32 s19, $0x9;
	v7 =	vld [tilespmem:s18+$0x50]  }
0x11b: {  	s20 =	sadd.s32 s19, s17;
	v8 =	vld [tilespmem:s18+$0x60]  }
0x11c: {  	s22 =	sor.u32 $0x400, s20;
	v9 =	vld [tilespmem:s18+$0x70]  }
0x11d: {  	s25 =	sor.u32 $0x410, s20;
	v10 =	vld [tilespmem:s22+$0x0]  }
0x11e: {  	s26 =	sor.u32 $0x420, s20;
	v11 =	vld [tilespmem:s25+$0x0]  }
0x11f: {  	s23 =	sadd.s32 $0x100, s15;
	s28 =	sor.u32 $0x430, s20;
	v12 =	vld [tilespmem:s26+$0x0]  }
0x120: {  	s23 =	sand.u32 $0x300, s23;
	s29 =	sor.u32 $0x438, s20;
	v13 =	vld [tilespmem:s28+$0x0];
	v17 =	vshll.u32 v2, $0x1  }
0x121: {  	s21 =	sor.u32 s23, s21;
	v14 =	vld [tilespmem:s29+$0x0];
	v2 =	vand.u32 $0x7F, v2;
	v19 =	vshll.u32 v3, $0x1;
	v3 =	vand.u32 $0x7F, v3  }
0x122: {  	v15 =	vld [tilespmem:s21+$0x0];
	v21 =	vand.u32 $0x7F, v4;
	v4 =	vshll.u32 v4, $0x1;
	v22 =	vshll.u32 v5, $0x1  }
0x123: {  	v16 =	vld [tilespmem:s21+$0x10];
	v5 =	vand.u32 $0x7F, v5;
	v30 =	vand.u32 $0x7F, v6;
	v6 =	vshll.u32 v6, $0x1  }
0x124: {  	s30 =	sand.u32 $0x3, s14;
	v18 =	vld [tilespmem:s21+$0x20];
	v31 =	vshll.u32 v7, $0x1;
	v7 =	vand.u32 $0x7F, v7;
	v32 =	vshll.u32 v8, $0x1  }
0x125: {  	v20 =	vld [tilespmem:s21+$0x30];
	s22 =	sshll.u32 s30, $0x8;
	v8 =	vand.u32 $0x7F, v8;
	v27 =	vshll.u32 v9, $0x1;
	v9 =	vand.u32 $0x7F, v9  }
0x126: {  	v63 =	vld [tilespmem:s21+$0x40];
	s22 =	sadd.s32 $0x100, s22;
	v29 =	vand.u32 $0x7F, v10;
	v10 =	vshll.u32 v10, $0x1;
	v36 =	vand.u32 $0x7F, v11  }
0x127: {  	v23 =	vld [tilespmem:s21+$0x50];
	s22 =	sadd.s32 s22, s17;
	v38 =	vshll.u32 v12, $0x1;
	v39 =	vshll.u32 v13, $0x1;
	v41 =	vand.u32 $0x7F, v13  }
0x128: {  	v24 =	vld [tilespmem:s21+$0x60];
	s31 =	sor.u32 $0x400, s22;
	v43 =	vshll.u32 v14, $0x1;
	v44 =	vand.u32 $0x7F, v14;
	v45 =	vshll.u32 v15, $0x1  }
0x129: {  	s23 =	sor.u32 $0x410, s22;
	v25 =	vld [tilespmem:s31+$0x0];
	v46 =	vand.u32 $0x7F, v15;
	v48 =	vand.u32 $0x7F, v16;
	v17 =	vand.u32 $0xFFFFFF00, v17  }
0x12a: {  	s24 =	sor.u32 $0x420, s22;
	v26 =	vld [tilespmem:s23+$0x0];
	v49 =	vshll.u32 v16, $0x1;
	v62 =	vand.u32 $0xFFFFFF00, v19;
	v2 =	vor.u32 v2, v17  }
0x12b: {  	s25 =	sor.u32 $0x430, s22;
	v33 =	vld [tilespmem:s24+$0x0];
	v50 =	vshll.u32 v18, $0x1;
	v4 =	vand.u32 $0xFFFFFF00, v4;
	v3 =	vor.u32 v3, v62  }
0x12c: {  	s26 =	sor.u32 $0x438, s22;
	v28 =	vld [tilespmem:s25+$0x0];
	v52 =	vand.u32 $0x7F, v18;
	v22 =	vand.u32 $0xFFFFFF00, v22;
	v4 =	vor.u32 v21, v4  }
0x12d: {  	v35 =	vld [tilespmem:s26+$0x0];
	v55 =	vshll.u32 v20, $0x1;
	v6 =	vand.u32 $0xFFFFFF00, v6;
	v5 =	vor.u32 v5, v22  }
0x12e: {  	v56 =	vshll.u32 v63, $0x1;
	v17 =	vld [tilespmem:s21+$0x70];
	v22 =	vand.u32 $0xFFFFFF00, v31;
	v6 =	vor.u32 v30, v6  }
0x12f: {  	v57 =	vand.u32 $0x7F, v63;
	v21 =	vand.u32 $0xFFFFFF00, v32;
	v7 =	vor.u32 v7, v22;
	[tilespmem:v2+s8+$0x0] =	vst.idx.add.f32.msk $0xffff, v1  }
0x130: {  	v58 =	vshll.u32 v23, $0x1;
	v34 =	vand.u32 $0xFFFFFF00, v27;
	v8 =	vor.u32 v8, v21;
	[tilespmem:v3+s8+$0x0] =	vst.idx.add.f32.msk $0xffff, v1  }
0x131: {  	v30 =	vshll.u32 v11, $0x1;
	v9 =	vor.u32 v9, v34;
	v2 =	vand.u32 $0xFFFFFF00, v10;
	[tilespmem:v4+s8+$0x0] =	vst.idx.add.f32.msk $0xffff, v1  }
0x132: {  	v59 =	vand.u32 $0x7F, v23;
	v37 =	vand.u32 $0xFFFFFF00, v30;
	v2 =	vor.u32 v29, v2;
	[tilespmem:v5+s8+$0x0] =	vst.idx.add.f32.msk $0xffff, v1  }
0x133: {  	v40 =	vand.u32 $0xFFFFFF00, v38;
	v10 =	vor.u32 v36, v37;
	v3 =	vand.u32 $0x7F, v12;
	[tilespmem:v6+s8+$0x0] =	vst.idx.add.f32.msk $0xffff, v1  }
0x134: {  	v60 =	vshll.u32 v24, $0x1;
	v12 =	vand.u32 $0xFFFFFF00, v39;
	v3 =	vor.u32 v3, v40;
	[tilespmem:v7+s8+$0x0] =	vst.idx.add.f32.msk $0xffff, v1  }
0x135: {  	v61 =	vand.u32 $0x7F, v24;
	v42 =	vor.u32 v41, v12;
	v5 =	vand.u32 $0xFFFFFF00, v43;
	[tilespmem:v8+s8+$0x0] =	vst.idx.add.f32.msk $0xffff, v1  }
0x136: {  	v47 =	vand.u32 $0xFFFFFF00, v45;
	v51 =	vand.u32 $0xFFFFFF00, v49;
	v5 =	vor.u32 v44, v5;
	[tilespmem:v9+s8+$0x0] =	vst.idx.add.f32.msk $0xffff, v1  }
0x137: {  	v53 =	vor.u32 v48, v51;
	v11 =	vand.u32 $0xFFFFFF00, v56;
	v6 =	vor.u32 v46, v47;
	[tilespmem:v2+s8+$0x0] =	vst.idx.add.f32.msk $0xffff, v1  }
0x138: {  	v62 =	vand.u32 $0xFFFFFF00, v60;
	v13 =	vshll.u32 v25, $0x1;
	v12 =	vand.u32 $0xFFFFFF00, v50;
	[tilespmem:v10+s8+$0x0] =	vst.idx.add.f32.msk $0xffff, v1  }
0x139: {  	v54 =	vor.u32 v52, v12;
	v9 =	vand.u32 $0xFFFFFF00, v55;
	v2 =	vand.u32 $0x7F, v20;
	[tilespmem:v3+s8+$0x0] =	vst.idx.add.f32.msk $0xffff, v1  }
0x13a: {  	v15 =	vand.u32 $0x7F, v25;
	v18 =	vshll.u32 v26, $0x1;
	v2 =	vor.u32 v2, v9;
	[tilespmem:v42+s8+$0x0] =	vst.idx.add.f32.msk $0xffff, v1  }
0x13b: {  	v19 =	vshll.u32 v33, $0x1;
	v9 =	vand.u32 $0xFFFFFF00, v58;
	v3 =	vor.u32 v57, v11;
	[tilespmem:v5+s8+$0x0] =	vst.idx.add.f32.msk vm0, v1  }
0x13c: {  	v21 =	vshll.u32 v28, $0x1;
	v12 =	vshll.u32 v17, $0x1;
	v4 =	vor.u32 v59, v9;
	[tilespmem:v6+s9+$0x0] =	vst.idx.add.f32.msk $0xffff, v1  }
0x13d: {  	v63 =	vand.u32 $0x7F, v17;
	v14 =	vand.u32 $0xFFFFFF00, v12;
	v5 =	vor.u32 v61, v62;
	[tilespmem:v53+s9+$0x0] =	vst.idx.add.f32.msk $0xffff, v1  }
0x13e: {  	v22 =	vand.u32 $0x7F, v28;
	v11 =	vand.u32 $0xFFFFFF00, v13;
	v6 =	vor.u32 v63, v14;
	[tilespmem:v54+s9+$0x0] =	vst.idx.add.f32.msk $0xffff, v1  }
0x13f: {  	v17 =	vand.u32 $0x7F, v26;
	v16 =	vor.u32 v15, v11;
	[tilespmem:v2+s9+$0x0] =	vst.idx.add.f32.msk $0xffff, v1;
	v2 =	vand.u32 $0xFFFFFF00, v18  }
0x140: {  	v20 =	vand.u32 $0x7F, v33;
	v10 =	vand.u32 $0xFFFFFF00, v19;
	[tilespmem:v3+s9+$0x0] =	vst.idx.add.f32.msk $0xffff, v1;
	v2 =	vor.u32 v17, v2  }
0x141: {  	v23 =	vshll.u32 v35, $0x1;
	v8 =	vand.u32 $0xFFFFFF00, v21;
	v3 =	vor.u32 v20, v10;
	[tilespmem:v4+s9+$0x0] =	vst.idx.add.f32.msk $0xffff, v1  }
0x142: {  	v24 =	vand.u32 $0x7F, v35;
	v25 =	vand.u32 $0xFFFFFF00, v23;
	v4 =	vor.u32 v22, v8;
	[tilespmem:v5+s9+$0x0] =	vst.idx.add.f32.msk $0xffff, v1  }
0x143: {  	v5 =	vor.u32 v24, v25;
	[tilespmem:v6+s9+$0x0] =	vst.idx.add.f32.msk $0xffff, v1  }
0x144: {  	[tilespmem:v16+s9+$0x0] =	vst.idx.add.f32.msk $0xffff, v1  }
0x145: {  	[tilespmem:v2+s9+$0x0] =	vst.idx.add.f32.msk $0xffff, v1  }
0x146: {  	[tilespmem:v3+s9+$0x0] =	vst.idx.add.f32.msk $0xffff, v1  }
0x147: {  	[tilespmem:v4+s9+$0x0] =	vst.idx.add.f32.msk $0xffff, v1  }
0x148: {  	[tilespmem:v5+s9+$0x0] =	vst.idx.add.f32.msk vm0, v1  }
0x149: {  	v2 =	vld [tilespmem:s18+$0x80]  }
0x14a: {  	v3 =	vld [tilespmem:s18+$0x90]  }
0x14b: {  	v4 =	vld [tilespmem:s18+$0xA0]  }
0x14c: {  	v5 =	vld [tilespmem:s18+$0xB0]  }
0x14d: {  	v7 =	vld [tilespmem:s18+$0xC0]  }
0x14e: {  	v28 =	vld [tilespmem:s18+$0xD0]  }
0x14f: {  	s20 =	sadd.s32 $0x80, s20;
	v31 =	vld [tilespmem:s18+$0xE0]  }
0x150: {  	s28 =	sor.u32 $0x400, s20;
	v33 =	vld [tilespmem:s18+$0xF0]  }
0x151: {  	s29 =	sor.u32 $0x410, s20;
	v35 =	vld [tilespmem:s28+$0x0]  }
0x152: {  	s30 =	sor.u32 $0x420, s20;
	v36 =	vld [tilespmem:s29+$0x0]  }
0x153: {  	s31 =	sor.u32 $0x430, s20;
	v39 =	vld [tilespmem:s30+$0x0]  }
0x154: {  	s20 =	sor.u32 $0x438, s20;
	v40 =	vld [tilespmem:s31+$0x0];
	v26 =	vshll.u32 v2, $0x1  }
0x155: {  	v41 =	vld [tilespmem:s20+$0x0];
	v2 =	vand.u32 $0x7F, v2;
	v27 =	vshll.u32 v3, $0x1;
	v3 =	vand.u32 $0x7F, v3  }
0x156: {  	v43 =	vld [tilespmem:s18+$0x180];
	v30 =	vshll.u32 v4, $0x1;
	v4 =	vand.u32 $0x7F, v4;
	v32 =	vshll.u32 v5, $0x1  }
0x157: {  	v51 =	vld [tilespmem:s18+$0x1C0];
	v5 =	vand.u32 $0x7F, v5;
	v37 =	vand.u32 $0x7F, v7;
	v7 =	vshll.u32 v7, $0x1  }
0x158: {  	v53 =	vld [tilespmem:s18+$0x1D0];
	v38 =	vshll.u32 v28, $0x1;
	v9 =	vand.u32 $0x7F, v28;
	v42 =	vshll.u32 v31, $0x1  }
0x159: {  	v57 =	vld [tilespmem:s18+$0x1F0];
	v8 =	vand.u32 $0x7F, v31;
	v44 =	vshll.u32 v33, $0x1;
	v11 =	vand.u32 $0x7F, v33  }
0x15a: {  	v48 =	vshll.u32 v35, $0x1;
	v10 =	vand.u32 $0x7F, v35;
	v50 =	vshll.u32 v36, $0x1  }
0x15b: {  	s19 =	sor.u32 $0x180, s19;
	v55 =	vand.u32 $0x7F, v39;
	v14 =	vshll.u32 v39, $0x1;
	v56 =	vshll.u32 v40, $0x1  }
0x15c: {  	s19 =	sadd.s32 s19, s17;
	v45 =	vld [tilespmem:s18+$0x190];
	v15 =	vand.u32 $0x7F, v40;
	v60 =	vshll.u32 v41, $0x1;
	v12 =	vand.u32 $0x7F, v41  }
0x15d: {  	s21 =	sor.u32 $0x400, s19;
	v49 =	vld [tilespmem:s18+$0x1B0];
	v62 =	vshll.u32 v43, $0x1;
	v16 =	vand.u32 $0x7F, v43;
	v39 =	vshll.u32 v51, $0x1  }
0x15e: {  	s23 =	sor.u32 $0x420, s19;
	v58 =	vld [tilespmem:s21+$0x0];
	v41 =	vand.u32 $0x7F, v51;
	v43 =	vshll.u32 v53, $0x1;
	v51 =	vand.u32 $0x7F, v57  }
0x15f: {  	v61 =	vld [tilespmem:s23+$0x0];
	v6 =	vand.u32 $0xFFFFFF00, v26;
	v29 =	vand.u32 $0xFFFFFF00, v27;
	v34 =	vand.u32 $0xFFFFFF00, v32  }
0x160: {  	v7 =	vand.u32 $0xFFFFFF00, v7;
	v13 =	vand.u32 $0xFFFFFF00, v38;
	v46 =	vand.u32 $0xFFFFFF00, v44  }
0x161: {  	v52 =	vand.u32 $0xFFFFFF00, v50;
	v14 =	vand.u32 $0xFFFFFF00, v14;
	v23 =	vand.u32 $0xFFFFFF00, v56  }
0x162: {  	v32 =	vshll.u32 v45, $0x1;
	v38 =	vshll.u32 v49, $0x1;
	v17 =	vand.u32 $0xFFFFFF00, v39  }
0x163: {  	v44 =	vand.u32 $0x7F, v53;
	v50 =	vshll.u32 v57, $0x1;
	v53 =	vand.u32 $0x7F, v58  }
0x164: {  	v56 =	vshll.u32 v61, $0x1;
	v57 =	vand.u32 $0x7F, v61;
	v2 =	vor.u32 v6, v2  }
0x165: {  	v47 =	vld [tilespmem:s18+$0x1A0];
	v3 =	vor.u32 v29, v3;
	v6 =	vand.u32 $0xFFFFFF00, v30;
	v5 =	vor.u32 v34, v5  }
0x166: {  	v7 =	vor.u32 v7, v37;
	v9 =	vor.u32 v13, v9;
	v13 =	vand.u32 $0xFFFFFF00, v42  }
0x167: {  	v11 =	vor.u32 v46, v11;
	v14 =	vor.u32 v14, v55;
	v2 =	vor.u32 $0x80, v2  }
0x168: {  	s22 =	sor.u32 $0x410, s19;
	v54 =	vld [tilespmem:s18+$0x1E0];
	v15 =	vor.u32 v23, v15;
	v4 =	vor.u32 v6, v4;
	v3 =	vor.u32 $0x80, v3  }
0x169: {  	s24 =	sor.u32 $0x430, s19;
	v59 =	vld [tilespmem:s22+$0x0];
	v23 =	vand.u32 $0xFFFFFF00, v60;
	v30 =	vand.u32 $0xFFFFFF00, v62;
	v4 =	vor.u32 $0x80, v4  }
0x16a: {  	s25 =	sor.u32 $0x438, s19;
	v63 =	vld [tilespmem:s24+$0x0];
	v33 =	vand.u32 $0xFFFFFF00, v32;
	v34 =	vshll.u32 v47, $0x1;
	v5 =	vor.u32 $0x80, v5  }
0x16b: {  	v31 =	vld [tilespmem:s25+$0x0];
	v37 =	vand.u32 $0x7F, v49;
	v40 =	vand.u32 $0xFFFFFF00, v38;
	v7 =	vor.u32 $0x80, v7  }
0x16c: {  	v42 =	vor.u32 v17, v41;
	v9 =	vor.u32 $0x80, v9;
	v8 =	vor.u32 v13, v8;
	[tilespmem:v2+s8+$0x0] =	vst.idx.add.f32.msk $0xffff, v1  }
0x16d: {  	v46 =	vand.u32 $0x7F, v54;
	v13 =	vand.u32 $0xFFFFFF00, v48;
	v8 =	vor.u32 $0x80, v8;
	[tilespmem:v3+s8+$0x0] =	vst.idx.add.f32.msk $0xffff, v1  }
0x16e: {  	v6 =	vand.u32 $0x7F, v36;
	v11 =	vor.u32 $0x80, v11;
	v10 =	vor.u32 v13, v10;
	[tilespmem:v4+s8+$0x0] =	vst.idx.add.f32.msk $0xffff, v1  }
0x16f: {  	v55 =	vshll.u32 v59, $0x1;
	v6 =	vor.u32 v52, v6;
	v10 =	vor.u32 $0x80, v10;
	[tilespmem:v5+s8+$0x0] =	vst.idx.add.f32.msk $0xffff, v1  }
0x170: {  	v60 =	vand.u32 $0x7F, v63;
	v14 =	vor.u32 $0x80, v14;
	v6 =	vor.u32 $0x80, v6;
	[tilespmem:v7+s8+$0x0] =	vst.idx.add.f32.msk $0xffff, v1  }
0x171: {  	v15 =	vor.u32 $0x80, v15;
	v12 =	vor.u32 v23, v12;
	v16 =	vor.u32 v30, v16;
	[tilespmem:v9+s8+$0x0] =	vst.idx.add.f32.msk $0xffff, v1  }
0x172: {  	v35 =	vand.u32 $0xFFFFFF00, v34;
	v12 =	vor.u32 $0x80, v12;
	v36 =	vor.u32 $0x80, v16;
	[tilespmem:v8+s8+$0x0] =	vst.idx.add.f32.msk $0xffff, v1  }
0x173: {  	v52 =	vshll.u32 v58, $0x1;
	v61 =	vshll.u32 v31, $0x1;
	v2 =	vand.u32 $0x7F, v45;
	[tilespmem:v11+s8+$0x0] =	vst.idx.add.f32.msk $0xffff, v1  }
0x174: {  	v62 =	vand.u32 $0x7F, v31;
	v2 =	vor.u32 v33, v2;
	v3 =	vand.u32 $0x7F, v47;
	[tilespmem:v10+s8+$0x0] =	vst.idx.add.f32.msk $0xffff, v1  }
0x175: {  	v45 =	vshll.u32 v54, $0x1;
	v2 =	vor.u32 $0x80, v2;
	v3 =	vor.u32 v35, v3;
	[tilespmem:v6+s8+$0x0] =	vst.idx.add.f32.msk $0xffff, v1  }
0x176: {  	v54 =	vand.u32 $0x7F, v59;
	v3 =	vor.u32 $0x80, v3;
	v5 =	vor.u32 v40, v37;
	[tilespmem:v14+s8+$0x0] =	vst.idx.add.f32.msk $0xffff, v1  }
0x177: {  	v59 =	vshll.u32 v63, $0x1;
	v5 =	vor.u32 $0x80, v5;
	v8 =	vand.u32 $0xFFFFFF00, v43;
	[tilespmem:v15+s8+$0x0] =	vst.idx.add.f32.msk $0xffff, v1  }
0x178: {  	v47 =	vand.u32 $0xFFFFFF00, v45;
	v7 =	vor.u32 $0x80, v42;
	v8 =	vor.u32 v8, v44;
	[tilespmem:v12+s8+$0x0] =	vst.idx.add.f32.msk vm0, v1  }
0x179: {  	v49 =	vor.u32 v47, v46;
	v9 =	vand.u32 $0xFFFFFF00, v50;
	v48 =	vor.u32 $0x80, v8;
	[tilespmem:v36+s9+$0x0] =	vst.idx.add.f32.msk $0xffff, v1  }
0x17a: {  	v9 =	vor.u32 v9, v51;
	v11 =	vand.u32 $0xFFFFFF00, v52;
	v8 =	vor.u32 $0x80, v49;
	[tilespmem:v2+s9+$0x0] =	vst.idx.add.f32.msk $0xffff, v1  }
0x17b: {  	v9 =	vor.u32 $0x80, v9;
	v10 =	vor.u32 v11, v53;
	v2 =	vand.u32 $0xFFFFFF00, v55;
	[tilespmem:v3+s9+$0x0] =	vst.idx.add.f32.msk $0xffff, v1  }
0x17c: {  	v12 =	vand.u32 $0xFFFFFF00, v56;
	v3 =	vor.u32 $0x80, v10;
	v2 =	vor.u32 v2, v54;
	[tilespmem:v5+s9+$0x0] =	vst.idx.add.f32.msk $0xffff, v1  }
0x17d: {  	v58 =	vor.u32 v12, v57;
	v2 =	vor.u32 $0x80, v2;
	v5 =	vand.u32 $0xFFFFFF00, v59;
	[tilespmem:v7+s9+$0x0] =	vst.idx.add.f32.msk $0xffff, v1  }
0x17e: {  	v63 =	vand.u32 $0xFFFFFF00, v61;
	v4 =	vor.u32 $0x80, v58;
	v5 =	vor.u32 v5, v60;
	[tilespmem:v48+s9+$0x0] =	vst.idx.add.f32.msk $0xffff, v1  }
0x17f: {  	v6 =	vor.u32 v63, v62;
	v5 =	vor.u32 $0x80, v5;
	[tilespmem:v8+s9+$0x0] =	vst.idx.add.f32.msk $0xffff, v1  }
0x180: {  	v6 =	vor.u32 $0x80, v6;
	[tilespmem:v9+s9+$0x0] =	vst.idx.add.f32.msk $0xffff, v1  }
0x181: {  	[tilespmem:v3+s9+$0x0] =	vst.idx.add.f32.msk $0xffff, v1  }
0x182: {  	[tilespmem:v2+s9+$0x0] =	vst.idx.add.f32.msk $0xffff, v1  }
0x183: {  	s26 =	rddreg [dreg:$0x2];
	s28 =	sand.u32 $0x1C00, s15;
	[tilespmem:v4+s9+$0x0] =	vst.idx.add.f32.msk $0xffff, v1  }
0x184: {  	s17 =	sadd.s32 $0x400, s17;
	s29 =	sand.u32 $0x40, s16;
	s18 =	sadd.s32 s28, s26;
	[tilespmem:v5+s9+$0x0] =	vst.idx.add.f32.msk $0xffff, v1  }
0x185: {  	p1 =	sne.s32 s17, $0x4000;
	s18 =	sadd.s32 s29, s18;
	[tilespmem:v6+s9+$0x0] =	vst.idx.add.f32.msk vm0, v1  }
0x186: {  	[hbm4b:s18+s10] =	stream.strided.scatter [tilespmem:s8], [sflag:$0x1], $0x800, s11, s10, $0x38;
	[tilespmem:$0x5000] =	vst v63  }
.Ltmp0:
0x187: {  	s30 =	rddreg [dreg:$0x3];
	s31 =	sadd.s32 $0x20, s16;
	(pc) =	sbr.rel @p1 .LBB2_2-.Ltmp0, $4  }
0x188: {  	s14 =	sadd.s32 $0x2, s14;
	s19 =	sadd.s32 s15, s30;
	s18 =	sand.u32 $0x60, s31  }
0x189: {  	p0 =	por !p0, !p0;
	s19 =	sand.u32 $0x3FC00, s19;
	s18 =	sadd.s32 s3, s18  }
0x18a: {  	s16 =	sadd.s32 $0x40, s16;
	s15 =	sadd.s32 $0x200, s15;
	s18 =	sadd.s32 s19, s18  }
0x18b: {  	[hbm4b:s18+s10] =	stream.strided.scatter [tilespmem:s9], [sflag:$0x2], $0x800, s11, s10, $0x38;
	[tilespmem:$0x5000] =	vst v63  }
0x18c: {  	s13 =	sadd.s32 $0x1, s13  }
0x18d: {  	_ =	swait.ge [sflag:s7], $0x800;
	p0 =	sne.s32 s13, s5  }
.Ltmp1:
0x18e: {  	[sflag:s7] =	ssyncset.done $0x0;
	(pc) =	sbr.rel @p0 .LBB2_1-.Ltmp1, $4  }
0x18f: {  	[sflag:s7] =	ssyncadd.s32 $0xFFFFF800  }
0x190: {  	_ =	swait.ge [sflag:s12], $0x800  }
0x191: {  	[sflag:s12] =	ssyncset.done $0x0  }
0x192: {  	[sflag:s12] =	ssyncadd.s32 $0xFFFFF800  }
0x193: {  	_ =	sfence.sel $0x180000  }
0x194: {  	[bflag:$0x0] =	sbarrier.arrive $0xFFFF  }
0x195: {  	p0 =	sne.s32 s1, $0x0;
	_ =	strace $0x9000004A  }
0x196: {  	s0 =	sadd.s32 @!p0 $0x100000, s0;
	[bflag:$0x2] =	sbarrier.arrive $0xFFFF  }
0x197: {  	[sflag:s0] =	ssyncadd.tile.s32 @!p0 $0x1;
	_ =	shalt  }
.Lfunc_end2:
_tile_overlayer_lowered:
.L_overlay_start_2:
0x198: {  	(tag) =	ssettag $0x2  }
0x199: {  	s0 =	rddreg [dreg:$0x0];
	s2 =	stileid.u32  }
0x19a: {  	s1 =	rddreg [dreg:$0x1];
	p0 =	sne.s32 s2, $0x0  }
0x19b: {  	s3 =	rddreg [dreg:$0x2];
	[bflag:$0x3] =	sbarrier.arrive $0xFFFF;
	s2 =	simm.s32 @!p0 $0x1C03  }
0x19c: {  	[timem:s3], [sflag:s2] =	dma.local @!p0 [hbm:s0], s1  }
0x19d: {  	s0 =	simm.s32 @!p0 $0x3  }
0x19e: {  	_ =	swait.ge @!p0 [sflag:s0], s1  }
0x19f: {  	s1 =	ssub.s32 @!p0 $0x0, s1;
	[sflag:s0] =	ssyncset.done @!p0 $0x0  }
0x1a0: {  	[sflag:s0] =	ssyncadd.s32 @!p0 s1  }
0x1a1: {  	[bflag:$0x3] =	sbarrier.arrive $0xFFFF  }
0x1a2: {  	_ =	shalt  }

</sc_bundles>
